<compile_context>
chip_gen: v7x
topology: tpu7x:2x2x1
jax: 0.10.2.dev20260603
libtpu: 0.0.44.dev20260713+nightly
codegen_flags: <defaults>
</compile_context>

<pallas_src>
import functools

import jax
import jax.numpy as jnp
from jax import lax
from jax.experimental import pallas as pl
from jax.experimental.pallas import tpu as pltpu
from jax.experimental.pallas import tpu_sc as plsc

B = 16384
V = 1000000
D = 16
L = 16
NC, NS = 2, 16
NW = NC * NS
BPW = B // NW
CH = 128
NCH = BPW // CH
G = BPW // L

W = 2048
GRID = (V + W - 1) // W


def _detile_body(in_ref, *out_refs):
    x = in_ref[...]
    for c in range(D):
        out_refs[c][...] = x[c]


_detile = pl.pallas_call(
    _detile_body,
    grid=(GRID,),
    in_specs=[pl.BlockSpec((D, W), lambda i: (0, i))],
    out_specs=[pl.BlockSpec((W,), lambda i: (i,)) for _ in range(D)],
    out_shape=[jax.ShapeDtypeStruct((V,), jnp.float32) for _ in range(D)],
    compiler_params=pltpu.CompilerParams(
        dimension_semantics=("arbitrary",),
    ),
)


_mesh = plsc.VectorSubcoreMesh(core_axis_name="c", subcore_axis_name="s")


@functools.partial(
    pl.kernel,
    mesh=_mesh,
    out_type=jax.ShapeDtypeStruct((B,), jnp.float32),
    scratch_types=[
        pltpu.VMEM((BPW,), jnp.int32),
        pltpu.VMEM((BPW,), jnp.int32),
        pltpu.VMEM((D * BPW,), jnp.float32),
        pltpu.VMEM((D * BPW,), jnp.float32),
        pltpu.VMEM((BPW,), jnp.float32),
        pltpu.SemaphoreType.DMA,
    ],
    compiler_params=pltpu.CompilerParams(
        needs_layout_passes=False, use_tc_tiling_on_sc=False
    ),
)
def _sc_dot_kernel(uidx_hbm, iidx_hbm, *refs):
    ucol_hbm = refs[:D]
    icol_hbm = refs[D:2 * D]
    out_hbm = refs[2 * D]
    uidx_v, iidx_v, ubuf_v, ibuf_v, scores_v, sem = refs[2 * D + 1:]

    wid = lax.axis_index("s") * NC + lax.axis_index("c")
    base = wid * BPW

    pltpu.sync_copy(uidx_hbm.at[pl.ds(base, BPW)], uidx_v)
    pltpu.sync_copy(iidx_hbm.at[pl.ds(base, BPW)], iidx_v)

    copies = []
    for c in range(D):
        for ch in range(NCH):
            sl = pl.ds(c * BPW + ch * CH, CH)
            isl = pl.ds(ch * CH, CH)
            copies.append(
                pltpu.async_copy(ucol_hbm[c].at[uidx_v.at[isl]], ubuf_v.at[sl], sem)
            )
            copies.append(
                pltpu.async_copy(icol_hbm[c].at[iidx_v.at[isl]], ibuf_v.at[sl], sem)
            )
    for cp in copies:
        cp.wait()

    def group(g, carry):
        off = g * L
        acc = jnp.zeros((L,), jnp.float32)
        for c in range(D):
            u = ubuf_v[pl.ds(c * BPW + off, L)]
            w = ibuf_v[pl.ds(c * BPW + off, L)]
            acc = acc + u * w
        scores_v[pl.ds(off, L)] = acc
        return carry

    lax.fori_loop(0, G, group, 0)

    pltpu.sync_copy(scores_v, out_hbm.at[pl.ds(base, BPW)])


def kernel(user_idx, item_idx, user_table, item_table):
    ucols = _detile(user_table.T)
    icols = _detile(item_table.T)
    return _sc_dot_kernel(user_idx, item_idx, *ucols, *icols)

# --- scband reference (transcript-rebuilt; emitter-appended) ---
"""Pipeline reference for scband-n-gram-19774029431514 (READ-ONLY COPY).

The authoritative reference and input builder live on the scoring server;
editing this copy changes nothing except your own understanding.
"""

import jax, jax.numpy as jnp
import numpy as np

B = 16384
V = 1000000
D = 16


def setup_inputs(seed: int = 0) -> dict:
    key = jax.random.key(seed)
    k1, k2, k3, k4 = jax.random.split(key, 4)
    user_idx = jax.random.randint(k1, (B,), 0, V, dtype=jnp.int64 if jax.config.jax_enable_x64 else jnp.int32).astype(jnp.int32)
    item_idx = jax.random.randint(k2, (B,), 0, V, dtype=jnp.int64 if jax.config.jax_enable_x64 else jnp.int32).astype(jnp.int32)
    user_table = (jax.random.normal(k3, (V, D), dtype=jnp.float32) * 0.02)
    item_table = (jax.random.normal(k4, (V, D), dtype=jnp.float32) * 0.02)
    return {
        "user_idx": user_idx,
        "item_idx": item_idx,
        "user_table": user_table,
        "item_table": item_table,
    }


def reference(user_idx, item_idx, user_table, item_table):
    # EmbeddingLayer lookup for the two forward features (user, item)
    eu = jnp.take(user_table, user_idx, axis=0)  # [B, D]
    ei = jnp.take(item_table, item_idx, axis=0)  # [B, D]
    # score = torch.mul(eu, ei).sum(dim=1)
    score = jnp.sum(eu * ei, axis=1)  # [B]
    return score

if __name__ == "__main__":
    import jax
    _d = setup_inputs()
    print(jax.jit(kernel)(*tuple(_d.values())))

</pallas_src>

<mosaic_0001>
#map = affine_map<(d0, d1) -> (0)>
module attributes {stable_mosaic.version = 14 : i64} {
  func.func @_sc_dot_kernel(%arg0: i32, %arg1: i32, %arg2: memref<16384xi32, #tpu.memory_space<hbm>>, %arg3: memref<16384xi32, #tpu.memory_space<hbm>>, %arg4: memref<1000000xf32, #tpu.memory_space<hbm>>, %arg5: memref<1000000xf32, #tpu.memory_space<hbm>>, %arg6: memref<1000000xf32, #tpu.memory_space<hbm>>, %arg7: memref<1000000xf32, #tpu.memory_space<hbm>>, %arg8: memref<1000000xf32, #tpu.memory_space<hbm>>, %arg9: memref<1000000xf32, #tpu.memory_space<hbm>>, %arg10: memref<1000000xf32, #tpu.memory_space<hbm>>, %arg11: memref<1000000xf32, #tpu.memory_space<hbm>>, %arg12: memref<1000000xf32, #tpu.memory_space<hbm>>, %arg13: memref<1000000xf32, #tpu.memory_space<hbm>>, %arg14: memref<1000000xf32, #tpu.memory_space<hbm>>, %arg15: memref<1000000xf32, #tpu.memory_space<hbm>>, %arg16: memref<1000000xf32, #tpu.memory_space<hbm>>, %arg17: memref<1000000xf32, #tpu.memory_space<hbm>>, %arg18: memref<1000000xf32, #tpu.memory_space<hbm>>, %arg19: memref<1000000xf32, #tpu.memory_space<hbm>>, %arg20: memref<1000000xf32, #tpu.memory_space<hbm>>, %arg21: memref<1000000xf32, #tpu.memory_space<hbm>>, %arg22: memref<1000000xf32, #tpu.memory_space<hbm>>, %arg23: memref<1000000xf32, #tpu.memory_space<hbm>>, %arg24: memref<1000000xf32, #tpu.memory_space<hbm>>, %arg25: memref<1000000xf32, #tpu.memory_space<hbm>>, %arg26: memref<1000000xf32, #tpu.memory_space<hbm>>, %arg27: memref<1000000xf32, #tpu.memory_space<hbm>>, %arg28: memref<1000000xf32, #tpu.memory_space<hbm>>, %arg29: memref<1000000xf32, #tpu.memory_space<hbm>>, %arg30: memref<1000000xf32, #tpu.memory_space<hbm>>, %arg31: memref<1000000xf32, #tpu.memory_space<hbm>>, %arg32: memref<1000000xf32, #tpu.memory_space<hbm>>, %arg33: memref<1000000xf32, #tpu.memory_space<hbm>>, %arg34: memref<1000000xf32, #tpu.memory_space<hbm>>, %arg35: memref<1000000xf32, #tpu.memory_space<hbm>>, %arg36: memref<16384xf32, #tpu.memory_space<hbm>>, %arg37: memref<512xi32, #tpu.memory_space<vmem>>, %arg38: memref<512xi32, #tpu.memory_space<vmem>>, %arg39: memref<8192xf32, #tpu.memory_space<vmem>>, %arg40: memref<8192xf32, #tpu.memory_space<vmem>>, %arg41: memref<512xf32, #tpu.memory_space<vmem>>, %arg42: memref<!tpu.dma_semaphore, #tpu.memory_space<semaphore_mem>>) attributes {dimension_semantics = [#tpu.dimension_semantics<core_parallel>, #tpu.dimension_semantics<subcore_parallel>], iteration_bounds = array<i64: 2, 16>, scalar_prefetch = 0 : i64, scratch_operands = 6 : i64, tpu.core_type = #tpu.core_type<sc_vector_subcore>, window_params = [{transform_indices = #map}, {transform_indices = #map}, {transform_indices = #map}, {transform_indices = #map}, {transform_indices = #map}, {transform_indices = #map}, {transform_indices = #map}, {transform_indices = #map}, {transform_indices = #map}, {transform_indices = #map}, {transform_indices = #map}, {transform_indices = #map}, {transform_indices = #map}, {transform_indices = #map}, {transform_indices = #map}, {transform_indices = #map}, {transform_indices = #map}, {transform_indices = #map}, {transform_indices = #map}, {transform_indices = #map}, {transform_indices = #map}, {transform_indices = #map}, {transform_indices = #map}, {transform_indices = #map}, {transform_indices = #map}, {transform_indices = #map}, {transform_indices = #map}, {transform_indices = #map}, {transform_indices = #map}, {transform_indices = #map}, {transform_indices = #map}, {transform_indices = #map}, {transform_indices = #map}, {transform_indices = #map}, {transform_indices = #map}]} {
    %mul3A = arith.constant 2 : i32
    %mul3A_0 = arith.muli %arg1, %mul3A : i32
    %add3A = arith.addi %mul3A_0, %arg0 : i32
    %mul3A_1 = arith.constant 512 : i32
    %mul3A_2 = arith.muli %add3A, %mul3A_1 : i32
    "tpu.region"() ({
      %run_scoped3A = tpu.sem_alloc : memref<!tpu.dma_semaphore, #tpu.memory_space<semaphore_mem>>
      %dma_start3A_1542 = tpu.memref_slice %arg2[%mul3A_2] : memref<16384xi32, #tpu.memory_space<hbm>> -> memref<512xi32, #tpu.memory_space<hbm>>
      %dma_start3A_1543 = tpu.memref_slice %arg2[%mul3A_2] : memref<16384xi32, #tpu.memory_space<hbm>> -> memref<512xi32, #tpu.memory_space<hbm>>
      tpu.enqueue_dma source(%dma_start3A_1543 : memref<512xi32, #tpu.memory_space<hbm>>) target(%arg37 : memref<512xi32, #tpu.memory_space<vmem>>) target_semaphore(%run_scoped3A : memref<!tpu.dma_semaphore, #tpu.memory_space<semaphore_mem>>)
      %dma_wait3A_1544 = tpu.memref_slice %arg2[%mul3A_2] : memref<16384xi32, #tpu.memory_space<hbm>> -> memref<512xi32, #tpu.memory_space<hbm>>
      %dma_wait3A_1545 = tpu.memref_slice %arg2[%mul3A_2] : memref<16384xi32, #tpu.memory_space<hbm>> -> memref<512xi32, #tpu.memory_space<hbm>>
      tpu.wait_dma2 semaphore(%run_scoped3A : memref<!tpu.dma_semaphore, #tpu.memory_space<semaphore_mem>>) src(%dma_wait3A_1545 : memref<512xi32, #tpu.memory_space<hbm>>) dst(%arg37 : memref<512xi32, #tpu.memory_space<vmem>>)
      tpu.yield
    }) : () -> ()
    "tpu.region"() ({
      %run_scoped3A = tpu.sem_alloc : memref<!tpu.dma_semaphore, #tpu.memory_space<semaphore_mem>>
      %dma_start3A_1542 = tpu.memref_slice %arg3[%mul3A_2] : memref<16384xi32, #tpu.memory_space<hbm>> -> memref<512xi32, #tpu.memory_space<hbm>>
      %dma_start3A_1543 = tpu.memref_slice %arg3[%mul3A_2] : memref<16384xi32, #tpu.memory_space<hbm>> -> memref<512xi32, #tpu.memory_space<hbm>>
      tpu.enqueue_dma source(%dma_start3A_1543 : memref<512xi32, #tpu.memory_space<hbm>>) target(%arg38 : memref<512xi32, #tpu.memory_space<vmem>>) target_semaphore(%run_scoped3A : memref<!tpu.dma_semaphore, #tpu.memory_space<semaphore_mem>>)
      %dma_wait3A_1544 = tpu.memref_slice %arg3[%mul3A_2] : memref<16384xi32, #tpu.memory_space<hbm>> -> memref<512xi32, #tpu.memory_space<hbm>>
      %dma_wait3A_1545 = tpu.memref_slice %arg3[%mul3A_2] : memref<16384xi32, #tpu.memory_space<hbm>> -> memref<512xi32, #tpu.memory_space<hbm>>
      tpu.wait_dma2 semaphore(%run_scoped3A : memref<!tpu.dma_semaphore, #tpu.memory_space<semaphore_mem>>) src(%dma_wait3A_1545 : memref<512xi32, #tpu.memory_space<hbm>>) dst(%arg38 : memref<512xi32, #tpu.memory_space<vmem>>)
      tpu.yield
    }) : () -> ()
    %dma_start3A = arith.constant 0 : i32
    %dma_start3A_3 = tpu.memref_slice %arg39[%dma_start3A] : memref<8192xf32, #tpu.memory_space<vmem>> -> memref<128xf32, #tpu.memory_space<vmem>>
    %dma_start3A_4 = arith.constant 0 : i32
    %dma_start3A_5 = tpu.memref_slice %arg37[%dma_start3A_4] : memref<512xi32, #tpu.memory_space<vmem>> -> memref<128xi32, #tpu.memory_space<vmem>>
    %dma_start3A_6 = arith.constant 0 : i32
    %dma_start3A_7 = tpu.memref_slice %arg4[%dma_start3A_6] : memref<1000000xf32, #tpu.memory_space<hbm>> -> memref<1000000xf32, #tpu.memory_space<hbm>>
    tpu.enqueue_indirect_dma source(%dma_start3A_7 : memref<1000000xf32, #tpu.memory_space<hbm>>) target(%dma_start3A_3 : memref<128xf32, #tpu.memory_space<vmem>>) offsets(%dma_start3A_5 : memref<128xi32, #tpu.memory_space<vmem>>) semaphore(%arg42 : memref<!tpu.dma_semaphore, #tpu.memory_space<semaphore_mem>>)
    %dma_start3A_8 = arith.constant 0 : i32
    %dma_start3A_9 = tpu.memref_slice %arg40[%dma_start3A_8] : memref<8192xf32, #tpu.memory_space<vmem>> -> memref<128xf32, #tpu.memory_space<vmem>>
    %dma_start3A_10 = arith.constant 0 : i32
    %dma_start3A_11 = tpu.memref_slice %arg38[%dma_start3A_10] : memref<512xi32, #tpu.memory_space<vmem>> -> memref<128xi32, #tpu.memory_space<vmem>>
    %dma_start3A_12 = arith.constant 0 : i32
    %dma_start3A_13 = tpu.memref_slice %arg20[%dma_start3A_12] : memref<1000000xf32, #tpu.memory_space<hbm>> -> memref<1000000xf32, #tpu.memory_space<hbm>>
    tpu.enqueue_indirect_dma source(%dma_start3A_13 : memref<1000000xf32, #tpu.memory_space<hbm>>) target(%dma_start3A_9 : memref<128xf32, #tpu.memory_space<vmem>>) offsets(%dma_start3A_11 : memref<128xi32, #tpu.memory_space<vmem>>) semaphore(%arg42 : memref<!tpu.dma_semaphore, #tpu.memory_space<semaphore_mem>>)
    %dma_start3A_14 = arith.constant 128 : i32
    %dma_start3A_15 = tpu.memref_slice %arg39[%dma_start3A_14] : memref<8192xf32, #tpu.memory_space<vmem>> -> memref<128xf32, #tpu.memory_space<vmem>>
    %dma_start3A_16 = arith.constant 128 : i32
    %dma_start3A_17 = tpu.memref_slice %arg37[%dma_start3A_16] : memref<512xi32, #tpu.memory_space<vmem>> -> memref<128xi32, #tpu.memory_space<vmem>>
    %dma_start3A_18 = arith.constant 0 : i32
    %dma_start3A_19 = tpu.memref_slice %arg4[%dma_start3A_18] : memref<1000000xf32, #tpu.memory_space<hbm>> -> memref<1000000xf32, #tpu.memory_space<hbm>>
    tpu.enqueue_indirect_dma source(%dma_start3A_19 : memref<1000000xf32, #tpu.memory_space<hbm>>) target(%dma_start3A_15 : memref<128xf32, #tpu.memory_space<vmem>>) offsets(%dma_start3A_17 : memref<128xi32, #tpu.memory_space<vmem>>) semaphore(%arg42 : memref<!tpu.dma_semaphore, #tpu.memory_space<semaphore_mem>>)
    %dma_start3A_20 = arith.constant 128 : i32
    %dma_start3A_21 = tpu.memref_slice %arg40[%dma_start3A_20] : memref<8192xf32, #tpu.memory_space<vmem>> -> memref<128xf32, #tpu.memory_space<vmem>>
    %dma_start3A_22 = arith.constant 128 : i32
    %dma_start3A_23 = tpu.memref_slice %arg38[%dma_start3A_22] : memref<512xi32, #tpu.memory_space<vmem>> -> memref<128xi32, #tpu.memory_space<vmem>>
    %dma_start3A_24 = arith.constant 0 : i32
    %dma_start3A_25 = tpu.memref_slice %arg20[%dma_start3A_24] : memref<1000000xf32, #tpu.memory_space<hbm>> -> memref<1000000xf32, #tpu.memory_space<hbm>>
    tpu.enqueue_indirect_dma source(%dma_start3A_25 : memref<1000000xf32, #tpu.memory_space<hbm>>) target(%dma_start3A_21 : memref<128xf32, #tpu.memory_space<vmem>>) offsets(%dma_start3A_23 : memref<128xi32, #tpu.memory_space<vmem>>) semaphore(%arg42 : memref<!tpu.dma_semaphore, #tpu.memory_space<semaphore_mem>>)
    %dma_start3A_26 = arith.constant 256 : i32
    %dma_start3A_27 = tpu.memref_slice %arg39[%dma_start3A_26] : memref<8192xf32, #tpu.memory_space<vmem>> -> memref<128xf32, #tpu.memory_space<vmem>>
    %dma_start3A_28 = arith.constant 256 : i32
    %dma_start3A_29 = tpu.memref_slice %arg37[%dma_start3A_28] : memref<512xi32, #tpu.memory_space<vmem>> -> memref<128xi32, #tpu.memory_space<vmem>>
    %dma_start3A_30 = arith.constant 0 : i32
    %dma_start3A_31 = tpu.memref_slice %arg4[%dma_start3A_30] : memref<1000000xf32, #tpu.memory_space<hbm>> -> memref<1000000xf32, #tpu.memory_space<hbm>>
    tpu.enqueue_indirect_dma source(%dma_start3A_31 : memref<1000000xf32, #tpu.memory_space<hbm>>) target(%dma_start3A_27 : memref<128xf32, #tpu.memory_space<vmem>>) offsets(%dma_start3A_29 : memref<128xi32, #tpu.memory_space<vmem>>) semaphore(%arg42 : memref<!tpu.dma_semaphore, #tpu.memory_space<semaphore_mem>>)
    %dma_start3A_32 = arith.constant 256 : i32
    %dma_start3A_33 = tpu.memref_slice %arg40[%dma_start3A_32] : memref<8192xf32, #tpu.memory_space<vmem>> -> memref<128xf32, #tpu.memory_space<vmem>>
    %dma_start3A_34 = arith.constant 256 : i32
    %dma_start3A_35 = tpu.memref_slice %arg38[%dma_start3A_34] : memref<512xi32, #tpu.memory_space<vmem>> -> memref<128xi32, #tpu.memory_space<vmem>>
    %dma_start3A_36 = arith.constant 0 : i32
    %dma_start3A_37 = tpu.memref_slice %arg20[%dma_start3A_36] : memref<1000000xf32, #tpu.memory_space<hbm>> -> memref<1000000xf32, #tpu.memory_space<hbm>>
    tpu.enqueue_indirect_dma source(%dma_start3A_37 : memref<1000000xf32, #tpu.memory_space<hbm>>) target(%dma_start3A_33 : memref<128xf32, #tpu.memory_space<vmem>>) offsets(%dma_start3A_35 : memref<128xi32, #tpu.memory_space<vmem>>) semaphore(%arg42 : memref<!tpu.dma_semaphore, #tpu.memory_space<semaphore_mem>>)
    %dma_start3A_38 = arith.constant 384 : i32
    %dma_start3A_39 = tpu.memref_slice %arg39[%dma_start3A_38] : memref<8192xf32, #tpu.memory_space<vmem>> -> memref<128xf32, #tpu.memory_space<vmem>>
    %dma_start3A_40 = arith.constant 384 : i32
    %dma_start3A_41 = tpu.memref_slice %arg37[%dma_start3A_40] : memref<512xi32, #tpu.memory_space<vmem>> -> memref<128xi32, #tpu.memory_space<vmem>>
    %dma_start3A_42 = arith.constant 0 : i32
    %dma_start3A_43 = tpu.memref_slice %arg4[%dma_start3A_42] : memref<1000000xf32, #tpu.memory_space<hbm>> -> memref<1000000xf32, #tpu.memory_space<hbm>>
    tpu.enqueue_indirect_dma source(%dma_start3A_43 : memref<1000000xf32, #tpu.memory_space<hbm>>) target(%dma_start3A_39 : memref<128xf32, #tpu.memory_space<vmem>>) offsets(%dma_start3A_41 : memref<128xi32, #tpu.memory_space<vmem>>) semaphore(%arg42 : memref<!tpu.dma_semaphore, #tpu.memory_space<semaphore_mem>>)
    %dma_start3A_44 = arith.constant 384 : i32
    %dma_start3A_45 = tpu.memref_slice %arg40[%dma_start3A_44] : memref<8192xf32, #tpu.memory_space<vmem>> -> memref<128xf32, #tpu.memory_space<vmem>>
    %dma_start3A_46 = arith.constant 384 : i32
    %dma_start3A_47 = tpu.memref_slice %arg38[%dma_start3A_46] : memref<512xi32, #tpu.memory_space<vmem>> -> memref<128xi32, #tpu.memory_space<vmem>>
    %dma_start3A_48 = arith.constant 0 : i32
    %dma_start3A_49 = tpu.memref_slice %arg20[%dma_start3A_48] : memref<1000000xf32, #tpu.memory_space<hbm>> -> memref<1000000xf32, #tpu.memory_space<hbm>>
    tpu.enqueue_indirect_dma source(%dma_start3A_49 : memref<1000000xf32, #tpu.memory_space<hbm>>) target(%dma_start3A_45 : memref<128xf32, #tpu.memory_space<vmem>>) offsets(%dma_start3A_47 : memref<128xi32, #tpu.memory_space<vmem>>) semaphore(%arg42 : memref<!tpu.dma_semaphore, #tpu.memory_space<semaphore_mem>>)
    %dma_start3A_50 = arith.constant 512 : i32
    %dma_start3A_51 = tpu.memref_slice %arg39[%dma_start3A_50] : memref<8192xf32, #tpu.memory_space<vmem>> -> memref<128xf32, #tpu.memory_space<vmem>>
    %dma_start3A_52 = arith.constant 0 : i32
    %dma_start3A_53 = tpu.memref_slice %arg37[%dma_start3A_52] : memref<512xi32, #tpu.memory_space<vmem>> -> memref<128xi32, #tpu.memory_space<vmem>>
    %dma_start3A_54 = arith.constant 0 : i32
    %dma_start3A_55 = tpu.memref_slice %arg5[%dma_start3A_54] : memref<1000000xf32, #tpu.memory_space<hbm>> -> memref<1000000xf32, #tpu.memory_space<hbm>>
    tpu.enqueue_indirect_dma source(%dma_start3A_55 : memref<1000000xf32, #tpu.memory_space<hbm>>) target(%dma_start3A_51 : memref<128xf32, #tpu.memory_space<vmem>>) offsets(%dma_start3A_53 : memref<128xi32, #tpu.memory_space<vmem>>) semaphore(%arg42 : memref<!tpu.dma_semaphore, #tpu.memory_space<semaphore_mem>>)
    %dma_start3A_56 = arith.constant 512 : i32
    %dma_start3A_57 = tpu.memref_slice %arg40[%dma_start3A_56] : memref<8192xf32, #tpu.memory_space<vmem>> -> memref<128xf32, #tpu.memory_space<vmem>>
    %dma_start3A_58 = arith.constant 0 : i32
    %dma_start3A_59 = tpu.memref_slice %arg38[%dma_start3A_58] : memref<512xi32, #tpu.memory_space<vmem>> -> memref<128xi32, #tpu.memory_space<vmem>>
    %dma_start3A_60 = arith.constant 0 : i32
    %dma_start3A_61 = tpu.memref_slice %arg21[%dma_start3A_60] : memref<1000000xf32, #tpu.memory_space<hbm>> -> memref<1000000xf32, #tpu.memory_space<hbm>>
    tpu.enqueue_indirect_dma source(%dma_start3A_61 : memref<1000000xf32, #tpu.memory_space<hbm>>) target(%dma_start3A_57 : memref<128xf32, #tpu.memory_space<vmem>>) offsets(%dma_start3A_59 : memref<128xi32, #tpu.memory_space<vmem>>) semaphore(%arg42 : memref<!tpu.dma_semaphore, #tpu.memory_space<semaphore_mem>>)
    %dma_start3A_62 = arith.constant 640 : i32
    %dma_start3A_63 = tpu.memref_slice %arg39[%dma_start3A_62] : memref<8192xf32, #tpu.memory_space<vmem>> -> memref<128xf32, #tpu.memory_space<vmem>>
    %dma_start3A_64 = arith.constant 128 : i32
    %dma_start3A_65 = tpu.memref_slice %arg37[%dma_start3A_64] : memref<512xi32, #tpu.memory_space<vmem>> -> memref<128xi32, #tpu.memory_space<vmem>>
    %dma_start3A_66 = arith.constant 0 : i32
    %dma_start3A_67 = tpu.memref_slice %arg5[%dma_start3A_66] : memref<1000000xf32, #tpu.memory_space<hbm>> -> memref<1000000xf32, #tpu.memory_space<hbm>>
    tpu.enqueue_indirect_dma source(%dma_start3A_67 : memref<1000000xf32, #tpu.memory_space<hbm>>) target(%dma_start3A_63 : memref<128xf32, #tpu.memory_space<vmem>>) offsets(%dma_start3A_65 : memref<128xi32, #tpu.memory_space<vmem>>) semaphore(%arg42 : memref<!tpu.dma_semaphore, #tpu.memory_space<semaphore_mem>>)
    %dma_start3A_68 = arith.constant 640 : i32
    %dma_start3A_69 = tpu.memref_slice %arg40[%dma_start3A_68] : memref<8192xf32, #tpu.memory_space<vmem>> -> memref<128xf32, #tpu.memory_space<vmem>>
    %dma_start3A_70 = arith.constant 128 : i32
    %dma_start3A_71 = tpu.memref_slice %arg38[%dma_start3A_70] : memref<512xi32, #tpu.memory_space<vmem>> -> memref<128xi32, #tpu.memory_space<vmem>>
    %dma_start3A_72 = arith.constant 0 : i32
    %dma_start3A_73 = tpu.memref_slice %arg21[%dma_start3A_72] : memref<1000000xf32, #tpu.memory_space<hbm>> -> memref<1000000xf32, #tpu.memory_space<hbm>>
    tpu.enqueue_indirect_dma source(%dma_start3A_73 : memref<1000000xf32, #tpu.memory_space<hbm>>) target(%dma_start3A_69 : memref<128xf32, #tpu.memory_space<vmem>>) offsets(%dma_start3A_71 : memref<128xi32, #tpu.memory_space<vmem>>) semaphore(%arg42 : memref<!tpu.dma_semaphore, #tpu.memory_space<semaphore_mem>>)
    %dma_start3A_74 = arith.constant 768 : i32
    %dma_start3A_75 = tpu.memref_slice %arg39[%dma_start3A_74] : memref<8192xf32, #tpu.memory_space<vmem>> -> memref<128xf32, #tpu.memory_space<vmem>>
    %dma_start3A_76 = arith.constant 256 : i32
    %dma_start3A_77 = tpu.memref_slice %arg37[%dma_start3A_76] : memref<512xi32, #tpu.memory_space<vmem>> -> memref<128xi32, #tpu.memory_space<vmem>>
    %dma_start3A_78 = arith.constant 0 : i32
    %dma_start3A_79 = tpu.memref_slice %arg5[%dma_start3A_78] : memref<1000000xf32, #tpu.memory_space<hbm>> -> memref<1000000xf32, #tpu.memory_space<hbm>>
    tpu.enqueue_indirect_dma source(%dma_start3A_79 : memref<1000000xf32, #tpu.memory_space<hbm>>) target(%dma_start3A_75 : memref<128xf32, #tpu.memory_space<vmem>>) offsets(%dma_start3A_77 : memref<128xi32, #tpu.memory_space<vmem>>) semaphore(%arg42 : memref<!tpu.dma_semaphore, #tpu.memory_space<semaphore_mem>>)
    %dma_start3A_80 = arith.constant 768 : i32
    %dma_start3A_81 = tpu.memref_slice %arg40[%dma_start3A_80] : memref<8192xf32, #tpu.memory_space<vmem>> -> memref<128xf32, #tpu.memory_space<vmem>>
    %dma_start3A_82 = arith.constant 256 : i32
    %dma_start3A_83 = tpu.memref_slice %arg38[%dma_start3A_82] : memref<512xi32, #tpu.memory_space<vmem>> -> memref<128xi32, #tpu.memory_space<vmem>>
    %dma_start3A_84 = arith.constant 0 : i32
    %dma_start3A_85 = tpu.memref_slice %arg21[%dma_start3A_84] : memref<1000000xf32, #tpu.memory_space<hbm>> -> memref<1000000xf32, #tpu.memory_space<hbm>>
    tpu.enqueue_indirect_dma source(%dma_start3A_85 : memref<1000000xf32, #tpu.memory_space<hbm>>) target(%dma_start3A_81 : memref<128xf32, #tpu.memory_space<vmem>>) offsets(%dma_start3A_83 : memref<128xi32, #tpu.memory_space<vmem>>) semaphore(%arg42 : memref<!tpu.dma_semaphore, #tpu.memory_space<semaphore_mem>>)
    %dma_start3A_86 = arith.constant 896 : i32
    %dma_start3A_87 = tpu.memref_slice %arg39[%dma_start3A_86] : memref<8192xf32, #tpu.memory_space<vmem>> -> memref<128xf32, #tpu.memory_space<vmem>>
    %dma_start3A_88 = arith.constant 384 : i32
    %dma_start3A_89 = tpu.memref_slice %arg37[%dma_start3A_88] : memref<512xi32, #tpu.memory_space<vmem>> -> memref<128xi32, #tpu.memory_space<vmem>>
    %dma_start3A_90 = arith.constant 0 : i32
    %dma_start3A_91 = tpu.memref_slice %arg5[%dma_start3A_90] : memref<1000000xf32, #tpu.memory_space<hbm>> -> memref<1000000xf32, #tpu.memory_space<hbm>>
    tpu.enqueue_indirect_dma source(%dma_start3A_91 : memref<1000000xf32, #tpu.memory_space<hbm>>) target(%dma_start3A_87 : memref<128xf32, #tpu.memory_space<vmem>>) offsets(%dma_start3A_89 : memref<128xi32, #tpu.memory_space<vmem>>) semaphore(%arg42 : memref<!tpu.dma_semaphore, #tpu.memory_space<semaphore_mem>>)
    %dma_start3A_92 = arith.constant 896 : i32
    %dma_start3A_93 = tpu.memref_slice %arg40[%dma_start3A_92] : memref<8192xf32, #tpu.memory_space<vmem>> -> memref<128xf32, #tpu.memory_space<vmem>>
    %dma_start3A_94 = arith.constant 384 : i32
    %dma_start3A_95 = tpu.memref_slice %arg38[%dma_start3A_94] : memref<512xi32, #tpu.memory_space<vmem>> -> memref<128xi32, #tpu.memory_space<vmem>>
    %dma_start3A_96 = arith.constant 0 : i32
    %dma_start3A_97 = tpu.memref_slice %arg21[%dma_start3A_96] : memref<1000000xf32, #tpu.memory_space<hbm>> -> memref<1000000xf32, #tpu.memory_space<hbm>>
    tpu.enqueue_indirect_dma source(%dma_start3A_97 : memref<1000000xf32, #tpu.memory_space<hbm>>) target(%dma_start3A_93 : memref<128xf32, #tpu.memory_space<vmem>>) offsets(%dma_start3A_95 : memref<128xi32, #tpu.memory_space<vmem>>) semaphore(%arg42 : memref<!tpu.dma_semaphore, #tpu.memory_space<semaphore_mem>>)
    %dma_start3A_98 = arith.constant 1024 : i32
    %dma_start3A_99 = tpu.memref_slice %arg39[%dma_start3A_98] : memref<8192xf32, #tpu.memory_space<vmem>> -> memref<128xf32, #tpu.memory_space<vmem>>
    %dma_start3A_100 = arith.constant 0 : i32
    %dma_start3A_101 = tpu.memref_slice %arg37[%dma_start3A_100] : memref<512xi32, #tpu.memory_space<vmem>> -> memref<128xi32, #tpu.memory_space<vmem>>
    %dma_start3A_102 = arith.constant 0 : i32
    %dma_start3A_103 = tpu.memref_slice %arg6[%dma_start3A_102] : memref<1000000xf32, #tpu.memory_space<hbm>> -> memref<1000000xf32, #tpu.memory_space<hbm>>
    tpu.enqueue_indirect_dma source(%dma_start3A_103 : memref<1000000xf32, #tpu.memory_space<hbm>>) target(%dma_start3A_99 : memref<128xf32, #tpu.memory_space<vmem>>) offsets(%dma_start3A_101 : memref<128xi32, #tpu.memory_space<vmem>>) semaphore(%arg42 : memref<!tpu.dma_semaphore, #tpu.memory_space<semaphore_mem>>)
    %dma_start3A_104 = arith.constant 1024 : i32
    %dma_start3A_105 = tpu.memref_slice %arg40[%dma_start3A_104] : memref<8192xf32, #tpu.memory_space<vmem>> -> memref<128xf32, #tpu.memory_space<vmem>>
    %dma_start3A_106 = arith.constant 0 : i32
    %dma_start3A_107 = tpu.memref_slice %arg38[%dma_start3A_106] : memref<512xi32, #tpu.memory_space<vmem>> -> memref<128xi32, #tpu.memory_space<vmem>>
    %dma_start3A_108 = arith.constant 0 : i32
    %dma_start3A_109 = tpu.memref_slice %arg22[%dma_start3A_108] : memref<1000000xf32, #tpu.memory_space<hbm>> -> memref<1000000xf32, #tpu.memory_space<hbm>>
    tpu.enqueue_indirect_dma source(%dma_start3A_109 : memref<1000000xf32, #tpu.memory_space<hbm>>) target(%dma_start3A_105 : memref<128xf32, #tpu.memory_space<vmem>>) offsets(%dma_start3A_107 : memref<128xi32, #tpu.memory_space<vmem>>) semaphore(%arg42 : memref<!tpu.dma_semaphore, #tpu.memory_space<semaphore_mem>>)
    %dma_start3A_110 = arith.constant 1152 : i32
    %dma_start3A_111 = tpu.memref_slice %arg39[%dma_start3A_110] : memref<8192xf32, #tpu.memory_space<vmem>> -> memref<128xf32, #tpu.memory_space<vmem>>
    %dma_start3A_112 = arith.constant 128 : i32
    %dma_start3A_113 = tpu.memref_slice %arg37[%dma_start3A_112] : memref<512xi32, #tpu.memory_space<vmem>> -> memref<128xi32, #tpu.memory_space<vmem>>
    %dma_start3A_114 = arith.constant 0 : i32
    %dma_start3A_115 = tpu.memref_slice %arg6[%dma_start3A_114] : memref<1000000xf32, #tpu.memory_space<hbm>> -> memref<1000000xf32, #tpu.memory_space<hbm>>
    tpu.enqueue_indirect_dma source(%dma_start3A_115 : memref<1000000xf32, #tpu.memory_space<hbm>>) target(%dma_start3A_111 : memref<128xf32, #tpu.memory_space<vmem>>) offsets(%dma_start3A_113 : memref<128xi32, #tpu.memory_space<vmem>>) semaphore(%arg42 : memref<!tpu.dma_semaphore, #tpu.memory_space<semaphore_mem>>)
    %dma_start3A_116 = arith.constant 1152 : i32
    %dma_start3A_117 = tpu.memref_slice %arg40[%dma_start3A_116] : memref<8192xf32, #tpu.memory_space<vmem>> -> memref<128xf32, #tpu.memory_space<vmem>>
    %dma_start3A_118 = arith.constant 128 : i32
    %dma_start3A_119 = tpu.memref_slice %arg38[%dma_start3A_118] : memref<512xi32, #tpu.memory_space<vmem>> -> memref<128xi32, #tpu.memory_space<vmem>>
    %dma_start3A_120 = arith.constant 0 : i32
    %dma_start3A_121 = tpu.memref_slice %arg22[%dma_start3A_120] : memref<1000000xf32, #tpu.memory_space<hbm>> -> memref<1000000xf32, #tpu.memory_space<hbm>>
    tpu.enqueue_indirect_dma source(%dma_start3A_121 : memref<1000000xf32, #tpu.memory_space<hbm>>) target(%dma_start3A_117 : memref<128xf32, #tpu.memory_space<vmem>>) offsets(%dma_start3A_119 : memref<128xi32, #tpu.memory_space<vmem>>) semaphore(%arg42 : memref<!tpu.dma_semaphore, #tpu.memory_space<semaphore_mem>>)
    %dma_start3A_122 = arith.constant 1280 : i32
    %dma_start3A_123 = tpu.memref_slice %arg39[%dma_start3A_122] : memref<8192xf32, #tpu.memory_space<vmem>> -> memref<128xf32, #tpu.memory_space<vmem>>
    %dma_start3A_124 = arith.constant 256 : i32
    %dma_start3A_125 = tpu.memref_slice %arg37[%dma_start3A_124] : memref<512xi32, #tpu.memory_space<vmem>> -> memref<128xi32, #tpu.memory_space<vmem>>
    %dma_start3A_126 = arith.constant 0 : i32
    %dma_start3A_127 = tpu.memref_slice %arg6[%dma_start3A_126] : memref<1000000xf32, #tpu.memory_space<hbm>> -> memref<1000000xf32, #tpu.memory_space<hbm>>
    tpu.enqueue_indirect_dma source(%dma_start3A_127 : memref<1000000xf32, #tpu.memory_space<hbm>>) target(%dma_start3A_123 : memref<128xf32, #tpu.memory_space<vmem>>) offsets(%dma_start3A_125 : memref<128xi32, #tpu.memory_space<vmem>>) semaphore(%arg42 : memref<!tpu.dma_semaphore, #tpu.memory_space<semaphore_mem>>)
    %dma_start3A_128 = arith.constant 1280 : i32
    %dma_start3A_129 = tpu.memref_slice %arg40[%dma_start3A_128] : memref<8192xf32, #tpu.memory_space<vmem>> -> memref<128xf32, #tpu.memory_space<vmem>>
    %dma_start3A_130 = arith.constant 256 : i32
    %dma_start3A_131 = tpu.memref_slice %arg38[%dma_start3A_130] : memref<512xi32, #tpu.memory_space<vmem>> -> memref<128xi32, #tpu.memory_space<vmem>>
    %dma_start3A_132 = arith.constant 0 : i32
    %dma_start3A_133 = tpu.memref_slice %arg22[%dma_start3A_132] : memref<1000000xf32, #tpu.memory_space<hbm>> -> memref<1000000xf32, #tpu.memory_space<hbm>>
    tpu.enqueue_indirect_dma source(%dma_start3A_133 : memref<1000000xf32, #tpu.memory_space<hbm>>) target(%dma_start3A_129 : memref<128xf32, #tpu.memory_space<vmem>>) offsets(%dma_start3A_131 : memref<128xi32, #tpu.memory_space<vmem>>) semaphore(%arg42 : memref<!tpu.dma_semaphore, #tpu.memory_space<semaphore_mem>>)
    %dma_start3A_134 = arith.constant 1408 : i32
    %dma_start3A_135 = tpu.memref_slice %arg39[%dma_start3A_134] : memref<8192xf32, #tpu.memory_space<vmem>> -> memref<128xf32, #tpu.memory_space<vmem>>
    %dma_start3A_136 = arith.constant 384 : i32
    %dma_start3A_137 = tpu.memref_slice %arg37[%dma_start3A_136] : memref<512xi32, #tpu.memory_space<vmem>> -> memref<128xi32, #tpu.memory_space<vmem>>
    %dma_start3A_138 = arith.constant 0 : i32
    %dma_start3A_139 = tpu.memref_slice %arg6[%dma_start3A_138] : memref<1000000xf32, #tpu.memory_space<hbm>> -> memref<1000000xf32, #tpu.memory_space<hbm>>
    tpu.enqueue_indirect_dma source(%dma_start3A_139 : memref<1000000xf32, #tpu.memory_space<hbm>>) target(%dma_start3A_135 : memref<128xf32, #tpu.memory_space<vmem>>) offsets(%dma_start3A_137 : memref<128xi32, #tpu.memory_space<vmem>>) semaphore(%arg42 : memref<!tpu.dma_semaphore, #tpu.memory_space<semaphore_mem>>)
    %dma_start3A_140 = arith.constant 1408 : i32
    %dma_start3A_141 = tpu.memref_slice %arg40[%dma_start3A_140] : memref<8192xf32, #tpu.memory_space<vmem>> -> memref<128xf32, #tpu.memory_space<vmem>>
    %dma_start3A_142 = arith.constant 384 : i32
    %dma_start3A_143 = tpu.memref_slice %arg38[%dma_start3A_142] : memref<512xi32, #tpu.memory_space<vmem>> -> memref<128xi32, #tpu.memory_space<vmem>>
    %dma_start3A_144 = arith.constant 0 : i32
    %dma_start3A_145 = tpu.memref_slice %arg22[%dma_start3A_144] : memref<1000000xf32, #tpu.memory_space<hbm>> -> memref<1000000xf32, #tpu.memory_space<hbm>>
    tpu.enqueue_indirect_dma source(%dma_start3A_145 : memref<1000000xf32, #tpu.memory_space<hbm>>) target(%dma_start3A_141 : memref<128xf32, #tpu.memory_space<vmem>>) offsets(%dma_start3A_143 : memref<128xi32, #tpu.memory_space<vmem>>) semaphore(%arg42 : memref<!tpu.dma_semaphore, #tpu.memory_space<semaphore_mem>>)
    %dma_start3A_146 = arith.constant 1536 : i32
    %dma_start3A_147 = tpu.memref_slice %arg39[%dma_start3A_146] : memref<8192xf32, #tpu.memory_space<vmem>> -> memref<128xf32, #tpu.memory_space<vmem>>
    %dma_start3A_148 = arith.constant 0 : i32
    %dma_start3A_149 = tpu.memref_slice %arg37[%dma_start3A_148] : memref<512xi32, #tpu.memory_space<vmem>> -> memref<128xi32, #tpu.memory_space<vmem>>
    %dma_start3A_150 = arith.constant 0 : i32
    %dma_start3A_151 = tpu.memref_slice %arg7[%dma_start3A_150] : memref<1000000xf32, #tpu.memory_space<hbm>> -> memref<1000000xf32, #tpu.memory_space<hbm>>
    tpu.enqueue_indirect_dma source(%dma_start3A_151 : memref<1000000xf32, #tpu.memory_space<hbm>>) target(%dma_start3A_147 : memref<128xf32, #tpu.memory_space<vmem>>) offsets(%dma_start3A_149 : memref<128xi32, #tpu.memory_space<vmem>>) semaphore(%arg42 : memref<!tpu.dma_semaphore, #tpu.memory_space<semaphore_mem>>)
    %dma_start3A_152 = arith.constant 1536 : i32
    %dma_start3A_153 = tpu.memref_slice %arg40[%dma_start3A_152] : memref<8192xf32, #tpu.memory_space<vmem>> -> memref<128xf32, #tpu.memory_space<vmem>>
    %dma_start3A_154 = arith.constant 0 : i32
    %dma_start3A_155 = tpu.memref_slice %arg38[%dma_start3A_154] : memref<512xi32, #tpu.memory_space<vmem>> -> memref<128xi32, #tpu.memory_space<vmem>>
    %dma_start3A_156 = arith.constant 0 : i32
    %dma_start3A_157 = tpu.memref_slice %arg23[%dma_start3A_156] : memref<1000000xf32, #tpu.memory_space<hbm>> -> memref<1000000xf32, #tpu.memory_space<hbm>>
    tpu.enqueue_indirect_dma source(%dma_start3A_157 : memref<1000000xf32, #tpu.memory_space<hbm>>) target(%dma_start3A_153 : memref<128xf32, #tpu.memory_space<vmem>>) offsets(%dma_start3A_155 : memref<128xi32, #tpu.memory_space<vmem>>) semaphore(%arg42 : memref<!tpu.dma_semaphore, #tpu.memory_space<semaphore_mem>>)
    %dma_start3A_158 = arith.constant 1664 : i32
    %dma_start3A_159 = tpu.memref_slice %arg39[%dma_start3A_158] : memref<8192xf32, #tpu.memory_space<vmem>> -> memref<128xf32, #tpu.memory_space<vmem>>
    %dma_start3A_160 = arith.constant 128 : i32
    %dma_start3A_161 = tpu.memref_slice %arg37[%dma_start3A_160] : memref<512xi32, #tpu.memory_space<vmem>> -> memref<128xi32, #tpu.memory_space<vmem>>
    %dma_start3A_162 = arith.constant 0 : i32
    %dma_start3A_163 = tpu.memref_slice %arg7[%dma_start3A_162] : memref<1000000xf32, #tpu.memory_space<hbm>> -> memref<1000000xf32, #tpu.memory_space<hbm>>
    tpu.enqueue_indirect_dma source(%dma_start3A_163 : memref<1000000xf32, #tpu.memory_space<hbm>>) target(%dma_start3A_159 : memref<128xf32, #tpu.memory_space<vmem>>) offsets(%dma_start3A_161 : memref<128xi32, #tpu.memory_space<vmem>>) semaphore(%arg42 : memref<!tpu.dma_semaphore, #tpu.memory_space<semaphore_mem>>)
    %dma_start3A_164 = arith.constant 1664 : i32
    %dma_start3A_165 = tpu.memref_slice %arg40[%dma_start3A_164] : memref<8192xf32, #tpu.memory_space<vmem>> -> memref<128xf32, #tpu.memory_space<vmem>>
    %dma_start3A_166 = arith.constant 128 : i32
    %dma_start3A_167 = tpu.memref_slice %arg38[%dma_start3A_166] : memref<512xi32, #tpu.memory_space<vmem>> -> memref<128xi32, #tpu.memory_space<vmem>>
    %dma_start3A_168 = arith.constant 0 : i32
    %dma_start3A_169 = tpu.memref_slice %arg23[%dma_start3A_168] : memref<1000000xf32, #tpu.memory_space<hbm>> -> memref<1000000xf32, #tpu.memory_space<hbm>>
    tpu.enqueue_indirect_dma source(%dma_start3A_169 : memref<1000000xf32, #tpu.memory_space<hbm>>) target(%dma_start3A_165 : memref<128xf32, #tpu.memory_space<vmem>>) offsets(%dma_start3A_167 : memref<128xi32, #tpu.memory_space<vmem>>) semaphore(%arg42 : memref<!tpu.dma_semaphore, #tpu.memory_space<semaphore_mem>>)
    %dma_start3A_170 = arith.constant 1792 : i32
    %dma_start3A_171 = tpu.memref_slice %arg39[%dma_start3A_170] : memref<8192xf32, #tpu.memory_space<vmem>> -> memref<128xf32, #tpu.memory_space<vmem>>
    %dma_start3A_172 = arith.constant 256 : i32
    %dma_start3A_173 = tpu.memref_slice %arg37[%dma_start3A_172] : memref<512xi32, #tpu.memory_space<vmem>> -> memref<128xi32, #tpu.memory_space<vmem>>
    %dma_start3A_174 = arith.constant 0 : i32
    %dma_start3A_175 = tpu.memref_slice %arg7[%dma_start3A_174] : memref<1000000xf32, #tpu.memory_space<hbm>> -> memref<1000000xf32, #tpu.memory_space<hbm>>
    tpu.enqueue_indirect_dma source(%dma_start3A_175 : memref<1000000xf32, #tpu.memory_space<hbm>>) target(%dma_start3A_171 : memref<128xf32, #tpu.memory_space<vmem>>) offsets(%dma_start3A_173 : memref<128xi32, #tpu.memory_space<vmem>>) semaphore(%arg42 : memref<!tpu.dma_semaphore, #tpu.memory_space<semaphore_mem>>)
    %dma_start3A_176 = arith.constant 1792 : i32
    %dma_start3A_177 = tpu.memref_slice %arg40[%dma_start3A_176] : memref<8192xf32, #tpu.memory_space<vmem>> -> memref<128xf32, #tpu.memory_space<vmem>>
    %dma_start3A_178 = arith.constant 256 : i32
    %dma_start3A_179 = tpu.memref_slice %arg38[%dma_start3A_178] : memref<512xi32, #tpu.memory_space<vmem>> -> memref<128xi32, #tpu.memory_space<vmem>>
    %dma_start3A_180 = arith.constant 0 : i32
    %dma_start3A_181 = tpu.memref_slice %arg23[%dma_start3A_180] : memref<1000000xf32, #tpu.memory_space<hbm>> -> memref<1000000xf32, #tpu.memory_space<hbm>>
    tpu.enqueue_indirect_dma source(%dma_start3A_181 : memref<1000000xf32, #tpu.memory_space<hbm>>) target(%dma_start3A_177 : memref<128xf32, #tpu.memory_space<vmem>>) offsets(%dma_start3A_179 : memref<128xi32, #tpu.memory_space<vmem>>) semaphore(%arg42 : memref<!tpu.dma_semaphore, #tpu.memory_space<semaphore_mem>>)
    %dma_start3A_182 = arith.constant 1920 : i32
    %dma_start3A_183 = tpu.memref_slice %arg39[%dma_start3A_182] : memref<8192xf32, #tpu.memory_space<vmem>> -> memref<128xf32, #tpu.memory_space<vmem>>
    %dma_start3A_184 = arith.constant 384 : i32
    %dma_start3A_185 = tpu.memref_slice %arg37[%dma_start3A_184] : memref<512xi32, #tpu.memory_space<vmem>> -> memref<128xi32, #tpu.memory_space<vmem>>
    %dma_start3A_186 = arith.constant 0 : i32
    %dma_start3A_187 = tpu.memref_slice %arg7[%dma_start3A_186] : memref<1000000xf32, #tpu.memory_space<hbm>> -> memref<1000000xf32, #tpu.memory_space<hbm>>
    tpu.enqueue_indirect_dma source(%dma_start3A_187 : memref<1000000xf32, #tpu.memory_space<hbm>>) target(%dma_start3A_183 : memref<128xf32, #tpu.memory_space<vmem>>) offsets(%dma_start3A_185 : memref<128xi32, #tpu.memory_space<vmem>>) semaphore(%arg42 : memref<!tpu.dma_semaphore, #tpu.memory_space<semaphore_mem>>)
    %dma_start3A_188 = arith.constant 1920 : i32
    %dma_start3A_189 = tpu.memref_slice %arg40[%dma_start3A_188] : memref<8192xf32, #tpu.memory_space<vmem>> -> memref<128xf32, #tpu.memory_space<vmem>>
    %dma_start3A_190 = arith.constant 384 : i32
    %dma_start3A_191 = tpu.memref_slice %arg38[%dma_start3A_190] : memref<512xi32, #tpu.memory_space<vmem>> -> memref<128xi32, #tpu.memory_space<vmem>>
    %dma_start3A_192 = arith.constant 0 : i32
    %dma_start3A_193 = tpu.memref_slice %arg23[%dma_start3A_192] : memref<1000000xf32, #tpu.memory_space<hbm>> -> memref<1000000xf32, #tpu.memory_space<hbm>>
    tpu.enqueue_indirect_dma source(%dma_start3A_193 : memref<1000000xf32, #tpu.memory_space<hbm>>) target(%dma_start3A_189 : memref<128xf32, #tpu.memory_space<vmem>>) offsets(%dma_start3A_191 : memref<128xi32, #tpu.memory_space<vmem>>) semaphore(%arg42 : memref<!tpu.dma_semaphore, #tpu.memory_space<semaphore_mem>>)
    %dma_start3A_194 = arith.constant 2048 : i32
    %dma_start3A_195 = tpu.memref_slice %arg39[%dma_start3A_194] : memref<8192xf32, #tpu.memory_space<vmem>> -> memref<128xf32, #tpu.memory_space<vmem>>
    %dma_start3A_196 = arith.constant 0 : i32
    %dma_start3A_197 = tpu.memref_slice %arg37[%dma_start3A_196] : memref<512xi32, #tpu.memory_space<vmem>> -> memref<128xi32, #tpu.memory_space<vmem>>
    %dma_start3A_198 = arith.constant 0 : i32
    %dma_start3A_199 = tpu.memref_slice %arg8[%dma_start3A_198] : memref<1000000xf32, #tpu.memory_space<hbm>> -> memref<1000000xf32, #tpu.memory_space<hbm>>
    tpu.enqueue_indirect_dma source(%dma_start3A_199 : memref<1000000xf32, #tpu.memory_space<hbm>>) target(%dma_start3A_195 : memref<128xf32, #tpu.memory_space<vmem>>) offsets(%dma_start3A_197 : memref<128xi32, #tpu.memory_space<vmem>>) semaphore(%arg42 : memref<!tpu.dma_semaphore, #tpu.memory_space<semaphore_mem>>)
    %dma_start3A_200 = arith.constant 2048 : i32
    %dma_start3A_201 = tpu.memref_slice %arg40[%dma_start3A_200] : memref<8192xf32, #tpu.memory_space<vmem>> -> memref<128xf32, #tpu.memory_space<vmem>>
    %dma_start3A_202 = arith.constant 0 : i32
    %dma_start3A_203 = tpu.memref_slice %arg38[%dma_start3A_202] : memref<512xi32, #tpu.memory_space<vmem>> -> memref<128xi32, #tpu.memory_space<vmem>>
    %dma_start3A_204 = arith.constant 0 : i32
    %dma_start3A_205 = tpu.memref_slice %arg24[%dma_start3A_204] : memref<1000000xf32, #tpu.memory_space<hbm>> -> memref<1000000xf32, #tpu.memory_space<hbm>>
    tpu.enqueue_indirect_dma source(%dma_start3A_205 : memref<1000000xf32, #tpu.memory_space<hbm>>) target(%dma_start3A_201 : memref<128xf32, #tpu.memory_space<vmem>>) offsets(%dma_start3A_203 : memref<128xi32, #tpu.memory_space<vmem>>) semaphore(%arg42 : memref<!tpu.dma_semaphore, #tpu.memory_space<semaphore_mem>>)
    %dma_start3A_206 = arith.constant 2176 : i32
    %dma_start3A_207 = tpu.memref_slice %arg39[%dma_start3A_206] : memref<8192xf32, #tpu.memory_space<vmem>> -> memref<128xf32, #tpu.memory_space<vmem>>
    %dma_start3A_208 = arith.constant 128 : i32
    %dma_start3A_209 = tpu.memref_slice %arg37[%dma_start3A_208] : memref<512xi32, #tpu.memory_space<vmem>> -> memref<128xi32, #tpu.memory_space<vmem>>
    %dma_start3A_210 = arith.constant 0 : i32
    %dma_start3A_211 = tpu.memref_slice %arg8[%dma_start3A_210] : memref<1000000xf32, #tpu.memory_space<hbm>> -> memref<1000000xf32, #tpu.memory_space<hbm>>
    tpu.enqueue_indirect_dma source(%dma_start3A_211 : memref<1000000xf32, #tpu.memory_space<hbm>>) target(%dma_start3A_207 : memref<128xf32, #tpu.memory_space<vmem>>) offsets(%dma_start3A_209 : memref<128xi32, #tpu.memory_space<vmem>>) semaphore(%arg42 : memref<!tpu.dma_semaphore, #tpu.memory_space<semaphore_mem>>)
    %dma_start3A_212 = arith.constant 2176 : i32
    %dma_start3A_213 = tpu.memref_slice %arg40[%dma_start3A_212] : memref<8192xf32, #tpu.memory_space<vmem>> -> memref<128xf32, #tpu.memory_space<vmem>>
    %dma_start3A_214 = arith.constant 128 : i32
    %dma_start3A_215 = tpu.memref_slice %arg38[%dma_start3A_214] : memref<512xi32, #tpu.memory_space<vmem>> -> memref<128xi32, #tpu.memory_space<vmem>>
    %dma_start3A_216 = arith.constant 0 : i32
    %dma_start3A_217 = tpu.memref_slice %arg24[%dma_start3A_216] : memref<1000000xf32, #tpu.memory_space<hbm>> -> memref<1000000xf32, #tpu.memory_space<hbm>>
    tpu.enqueue_indirect_dma source(%dma_start3A_217 : memref<1000000xf32, #tpu.memory_space<hbm>>) target(%dma_start3A_213 : memref<128xf32, #tpu.memory_space<vmem>>) offsets(%dma_start3A_215 : memref<128xi32, #tpu.memory_space<vmem>>) semaphore(%arg42 : memref<!tpu.dma_semaphore, #tpu.memory_space<semaphore_mem>>)
    %dma_start3A_218 = arith.constant 2304 : i32
    %dma_start3A_219 = tpu.memref_slice %arg39[%dma_start3A_218] : memref<8192xf32, #tpu.memory_space<vmem>> -> memref<128xf32, #tpu.memory_space<vmem>>
    %dma_start3A_220 = arith.constant 256 : i32
    %dma_start3A_221 = tpu.memref_slice %arg37[%dma_start3A_220] : memref<512xi32, #tpu.memory_space<vmem>> -> memref<128xi32, #tpu.memory_space<vmem>>
    %dma_start3A_222 = arith.constant 0 : i32
    %dma_start3A_223 = tpu.memref_slice %arg8[%dma_start3A_222] : memref<1000000xf32, #tpu.memory_space<hbm>> -> memref<1000000xf32, #tpu.memory_space<hbm>>
    tpu.enqueue_indirect_dma source(%dma_start3A_223 : memref<1000000xf32, #tpu.memory_space<hbm>>) target(%dma_start3A_219 : memref<128xf32, #tpu.memory_space<vmem>>) offsets(%dma_start3A_221 : memref<128xi32, #tpu.memory_space<vmem>>) semaphore(%arg42 : memref<!tpu.dma_semaphore, #tpu.memory_space<semaphore_mem>>)
    %dma_start3A_224 = arith.constant 2304 : i32
    %dma_start3A_225 = tpu.memref_slice %arg40[%dma_start3A_224] : memref<8192xf32, #tpu.memory_space<vmem>> -> memref<128xf32, #tpu.memory_space<vmem>>
    %dma_start3A_226 = arith.constant 256 : i32
    %dma_start3A_227 = tpu.memref_slice %arg38[%dma_start3A_226] : memref<512xi32, #tpu.memory_space<vmem>> -> memref<128xi32, #tpu.memory_space<vmem>>
    %dma_start3A_228 = arith.constant 0 : i32
    %dma_start3A_229 = tpu.memref_slice %arg24[%dma_start3A_228] : memref<1000000xf32, #tpu.memory_space<hbm>> -> memref<1000000xf32, #tpu.memory_space<hbm>>
    tpu.enqueue_indirect_dma source(%dma_start3A_229 : memref<1000000xf32, #tpu.memory_space<hbm>>) target(%dma_start3A_225 : memref<128xf32, #tpu.memory_space<vmem>>) offsets(%dma_start3A_227 : memref<128xi32, #tpu.memory_space<vmem>>) semaphore(%arg42 : memref<!tpu.dma_semaphore, #tpu.memory_space<semaphore_mem>>)
    %dma_start3A_230 = arith.constant 2432 : i32
    %dma_start3A_231 = tpu.memref_slice %arg39[%dma_start3A_230] : memref<8192xf32, #tpu.memory_space<vmem>> -> memref<128xf32, #tpu.memory_space<vmem>>
    %dma_start3A_232 = arith.constant 384 : i32
    %dma_start3A_233 = tpu.memref_slice %arg37[%dma_start3A_232] : memref<512xi32, #tpu.memory_space<vmem>> -> memref<128xi32, #tpu.memory_space<vmem>>
    %dma_start3A_234 = arith.constant 0 : i32
    %dma_start3A_235 = tpu.memref_slice %arg8[%dma_start3A_234] : memref<1000000xf32, #tpu.memory_space<hbm>> -> memref<1000000xf32, #tpu.memory_space<hbm>>
    tpu.enqueue_indirect_dma source(%dma_start3A_235 : memref<1000000xf32, #tpu.memory_space<hbm>>) target(%dma_start3A_231 : memref<128xf32, #tpu.memory_space<vmem>>) offsets(%dma_start3A_233 : memref<128xi32, #tpu.memory_space<vmem>>) semaphore(%arg42 : memref<!tpu.dma_semaphore, #tpu.memory_space<semaphore_mem>>)
    %dma_start3A_236 = arith.constant 2432 : i32
    %dma_start3A_237 = tpu.memref_slice %arg40[%dma_start3A_236] : memref<8192xf32, #tpu.memory_space<vmem>> -> memref<128xf32, #tpu.memory_space<vmem>>
    %dma_start3A_238 = arith.constant 384 : i32
    %dma_start3A_239 = tpu.memref_slice %arg38[%dma_start3A_238] : memref<512xi32, #tpu.memory_space<vmem>> -> memref<128xi32, #tpu.memory_space<vmem>>
    %dma_start3A_240 = arith.constant 0 : i32
    %dma_start3A_241 = tpu.memref_slice %arg24[%dma_start3A_240] : memref<1000000xf32, #tpu.memory_space<hbm>> -> memref<1000000xf32, #tpu.memory_space<hbm>>
    tpu.enqueue_indirect_dma source(%dma_start3A_241 : memref<1000000xf32, #tpu.memory_space<hbm>>) target(%dma_start3A_237 : memref<128xf32, #tpu.memory_space<vmem>>) offsets(%dma_start3A_239 : memref<128xi32, #tpu.memory_space<vmem>>) semaphore(%arg42 : memref<!tpu.dma_semaphore, #tpu.memory_space<semaphore_mem>>)
    %dma_start3A_242 = arith.constant 2560 : i32
    %dma_start3A_243 = tpu.memref_slice %arg39[%dma_start3A_242] : memref<8192xf32, #tpu.memory_space<vmem>> -> memref<128xf32, #tpu.memory_space<vmem>>
    %dma_start3A_244 = arith.constant 0 : i32
    %dma_start3A_245 = tpu.memref_slice %arg37[%dma_start3A_244] : memref<512xi32, #tpu.memory_space<vmem>> -> memref<128xi32, #tpu.memory_space<vmem>>
    %dma_start3A_246 = arith.constant 0 : i32
    %dma_start3A_247 = tpu.memref_slice %arg9[%dma_start3A_246] : memref<1000000xf32, #tpu.memory_space<hbm>> -> memref<1000000xf32, #tpu.memory_space<hbm>>
    tpu.enqueue_indirect_dma source(%dma_start3A_247 : memref<1000000xf32, #tpu.memory_space<hbm>>) target(%dma_start3A_243 : memref<128xf32, #tpu.memory_space<vmem>>) offsets(%dma_start3A_245 : memref<128xi32, #tpu.memory_space<vmem>>) semaphore(%arg42 : memref<!tpu.dma_semaphore, #tpu.memory_space<semaphore_mem>>)
    %dma_start3A_248 = arith.constant 2560 : i32
    %dma_start3A_249 = tpu.memref_slice %arg40[%dma_start3A_248] : memref<8192xf32, #tpu.memory_space<vmem>> -> memref<128xf32, #tpu.memory_space<vmem>>
    %dma_start3A_250 = arith.constant 0 : i32
    %dma_start3A_251 = tpu.memref_slice %arg38[%dma_start3A_250] : memref<512xi32, #tpu.memory_space<vmem>> -> memref<128xi32, #tpu.memory_space<vmem>>
    %dma_start3A_252 = arith.constant 0 : i32
    %dma_start3A_253 = tpu.memref_slice %arg25[%dma_start3A_252] : memref<1000000xf32, #tpu.memory_space<hbm>> -> memref<1000000xf32, #tpu.memory_space<hbm>>
    tpu.enqueue_indirect_dma source(%dma_start3A_253 : memref<1000000xf32, #tpu.memory_space<hbm>>) target(%dma_start3A_249 : memref<128xf32, #tpu.memory_space<vmem>>) offsets(%dma_start3A_251 : memref<128xi32, #tpu.memory_space<vmem>>) semaphore(%arg42 : memref<!tpu.dma_semaphore, #tpu.memory_space<semaphore_mem>>)
    %dma_start3A_254 = arith.constant 2688 : i32
    %dma_start3A_255 = tpu.memref_slice %arg39[%dma_start3A_254] : memref<8192xf32, #tpu.memory_space<vmem>> -> memref<128xf32, #tpu.memory_space<vmem>>
    %dma_start3A_256 = arith.constant 128 : i32
    %dma_start3A_257 = tpu.memref_slice %arg37[%dma_start3A_256] : memref<512xi32, #tpu.memory_space<vmem>> -> memref<128xi32, #tpu.memory_space<vmem>>
    %dma_start3A_258 = arith.constant 0 : i32
    %dma_start3A_259 = tpu.memref_slice %arg9[%dma_start3A_258] : memref<1000000xf32, #tpu.memory_space<hbm>> -> memref<1000000xf32, #tpu.memory_space<hbm>>
    tpu.enqueue_indirect_dma source(%dma_start3A_259 : memref<1000000xf32, #tpu.memory_space<hbm>>) target(%dma_start3A_255 : memref<128xf32, #tpu.memory_space<vmem>>) offsets(%dma_start3A_257 : memref<128xi32, #tpu.memory_space<vmem>>) semaphore(%arg42 : memref<!tpu.dma_semaphore, #tpu.memory_space<semaphore_mem>>)
    %dma_start3A_260 = arith.constant 2688 : i32
    %dma_start3A_261 = tpu.memref_slice %arg40[%dma_start3A_260] : memref<8192xf32, #tpu.memory_space<vmem>> -> memref<128xf32, #tpu.memory_space<vmem>>
    %dma_start3A_262 = arith.constant 128 : i32
    %dma_start3A_263 = tpu.memref_slice %arg38[%dma_start3A_262] : memref<512xi32, #tpu.memory_space<vmem>> -> memref<128xi32, #tpu.memory_space<vmem>>
    %dma_start3A_264 = arith.constant 0 : i32
    %dma_start3A_265 = tpu.memref_slice %arg25[%dma_start3A_264] : memref<1000000xf32, #tpu.memory_space<hbm>> -> memref<1000000xf32, #tpu.memory_space<hbm>>
    tpu.enqueue_indirect_dma source(%dma_start3A_265 : memref<1000000xf32, #tpu.memory_space<hbm>>) target(%dma_start3A_261 : memref<128xf32, #tpu.memory_space<vmem>>) offsets(%dma_start3A_263 : memref<128xi32, #tpu.memory_space<vmem>>) semaphore(%arg42 : memref<!tpu.dma_semaphore, #tpu.memory_space<semaphore_mem>>)
    %dma_start3A_266 = arith.constant 2816 : i32
    %dma_start3A_267 = tpu.memref_slice %arg39[%dma_start3A_266] : memref<8192xf32, #tpu.memory_space<vmem>> -> memref<128xf32, #tpu.memory_space<vmem>>
    %dma_start3A_268 = arith.constant 256 : i32
    %dma_start3A_269 = tpu.memref_slice %arg37[%dma_start3A_268] : memref<512xi32, #tpu.memory_space<vmem>> -> memref<128xi32, #tpu.memory_space<vmem>>
    %dma_start3A_270 = arith.constant 0 : i32
    %dma_start3A_271 = tpu.memref_slice %arg9[%dma_start3A_270] : memref<1000000xf32, #tpu.memory_space<hbm>> -> memref<1000000xf32, #tpu.memory_space<hbm>>
    tpu.enqueue_indirect_dma source(%dma_start3A_271 : memref<1000000xf32, #tpu.memory_space<hbm>>) target(%dma_start3A_267 : memref<128xf32, #tpu.memory_space<vmem>>) offsets(%dma_start3A_269 : memref<128xi32, #tpu.memory_space<vmem>>) semaphore(%arg42 : memref<!tpu.dma_semaphore, #tpu.memory_space<semaphore_mem>>)
    %dma_start3A_272 = arith.constant 2816 : i32
    %dma_start3A_273 = tpu.memref_slice %arg40[%dma_start3A_272] : memref<8192xf32, #tpu.memory_space<vmem>> -> memref<128xf32, #tpu.memory_space<vmem>>
    %dma_start3A_274 = arith.constant 256 : i32
    %dma_start3A_275 = tpu.memref_slice %arg38[%dma_start3A_274] : memref<512xi32, #tpu.memory_space<vmem>> -> memref<128xi32, #tpu.memory_space<vmem>>
    %dma_start3A_276 = arith.constant 0 : i32
    %dma_start3A_277 = tpu.memref_slice %arg25[%dma_start3A_276] : memref<1000000xf32, #tpu.memory_space<hbm>> -> memref<1000000xf32, #tpu.memory_space<hbm>>
    tpu.enqueue_indirect_dma source(%dma_start3A_277 : memref<1000000xf32, #tpu.memory_space<hbm>>) target(%dma_start3A_273 : memref<128xf32, #tpu.memory_space<vmem>>) offsets(%dma_start3A_275 : memref<128xi32, #tpu.memory_space<vmem>>) semaphore(%arg42 : memref<!tpu.dma_semaphore, #tpu.memory_space<semaphore_mem>>)
    %dma_start3A_278 = arith.constant 2944 : i32
    %dma_start3A_279 = tpu.memref_slice %arg39[%dma_start3A_278] : memref<8192xf32, #tpu.memory_space<vmem>> -> memref<128xf32, #tpu.memory_space<vmem>>
    %dma_start3A_280 = arith.constant 384 : i32
    %dma_start3A_281 = tpu.memref_slice %arg37[%dma_start3A_280] : memref<512xi32, #tpu.memory_space<vmem>> -> memref<128xi32, #tpu.memory_space<vmem>>
    %dma_start3A_282 = arith.constant 0 : i32
    %dma_start3A_283 = tpu.memref_slice %arg9[%dma_start3A_282] : memref<1000000xf32, #tpu.memory_space<hbm>> -> memref<1000000xf32, #tpu.memory_space<hbm>>
    tpu.enqueue_indirect_dma source(%dma_start3A_283 : memref<1000000xf32, #tpu.memory_space<hbm>>) target(%dma_start3A_279 : memref<128xf32, #tpu.memory_space<vmem>>) offsets(%dma_start3A_281 : memref<128xi32, #tpu.memory_space<vmem>>) semaphore(%arg42 : memref<!tpu.dma_semaphore, #tpu.memory_space<semaphore_mem>>)
    %dma_start3A_284 = arith.constant 2944 : i32
    %dma_start3A_285 = tpu.memref_slice %arg40[%dma_start3A_284] : memref<8192xf32, #tpu.memory_space<vmem>> -> memref<128xf32, #tpu.memory_space<vmem>>
    %dma_start3A_286 = arith.constant 384 : i32
    %dma_start3A_287 = tpu.memref_slice %arg38[%dma_start3A_286] : memref<512xi32, #tpu.memory_space<vmem>> -> memref<128xi32, #tpu.memory_space<vmem>>
    %dma_start3A_288 = arith.constant 0 : i32
    %dma_start3A_289 = tpu.memref_slice %arg25[%dma_start3A_288] : memref<1000000xf32, #tpu.memory_space<hbm>> -> memref<1000000xf32, #tpu.memory_space<hbm>>
    tpu.enqueue_indirect_dma source(%dma_start3A_289 : memref<1000000xf32, #tpu.memory_space<hbm>>) target(%dma_start3A_285 : memref<128xf32, #tpu.memory_space<vmem>>) offsets(%dma_start3A_287 : memref<128xi32, #tpu.memory_space<vmem>>) semaphore(%arg42 : memref<!tpu.dma_semaphore, #tpu.memory_space<semaphore_mem>>)
    %dma_start3A_290 = arith.constant 3072 : i32
    %dma_start3A_291 = tpu.memref_slice %arg39[%dma_start3A_290] : memref<8192xf32, #tpu.memory_space<vmem>> -> memref<128xf32, #tpu.memory_space<vmem>>
    %dma_start3A_292 = arith.constant 0 : i32
    %dma_start3A_293 = tpu.memref_slice %arg37[%dma_start3A_292] : memref<512xi32, #tpu.memory_space<vmem>> -> memref<128xi32, #tpu.memory_space<vmem>>
    %dma_start3A_294 = arith.constant 0 : i32
    %dma_start3A_295 = tpu.memref_slice %arg10[%dma_start3A_294] : memref<1000000xf32, #tpu.memory_space<hbm>> -> memref<1000000xf32, #tpu.memory_space<hbm>>
    tpu.enqueue_indirect_dma source(%dma_start3A_295 : memref<1000000xf32, #tpu.memory_space<hbm>>) target(%dma_start3A_291 : memref<128xf32, #tpu.memory_space<vmem>>) offsets(%dma_start3A_293 : memref<128xi32, #tpu.memory_space<vmem>>) semaphore(%arg42 : memref<!tpu.dma_semaphore, #tpu.memory_space<semaphore_mem>>)
    %dma_start3A_296 = arith.constant 3072 : i32
    %dma_start3A_297 = tpu.memref_slice %arg40[%dma_start3A_296] : memref<8192xf32, #tpu.memory_space<vmem>> -> memref<128xf32, #tpu.memory_space<vmem>>
    %dma_start3A_298 = arith.constant 0 : i32
    %dma_start3A_299 = tpu.memref_slice %arg38[%dma_start3A_298] : memref<512xi32, #tpu.memory_space<vmem>> -> memref<128xi32, #tpu.memory_space<vmem>>
    %dma_start3A_300 = arith.constant 0 : i32
    %dma_start3A_301 = tpu.memref_slice %arg26[%dma_start3A_300] : memref<1000000xf32, #tpu.memory_space<hbm>> -> memref<1000000xf32, #tpu.memory_space<hbm>>
    tpu.enqueue_indirect_dma source(%dma_start3A_301 : memref<1000000xf32, #tpu.memory_space<hbm>>) target(%dma_start3A_297 : memref<128xf32, #tpu.memory_space<vmem>>) offsets(%dma_start3A_299 : memref<128xi32, #tpu.memory_space<vmem>>) semaphore(%arg42 : memref<!tpu.dma_semaphore, #tpu.memory_space<semaphore_mem>>)
    %dma_start3A_302 = arith.constant 3200 : i32
    %dma_start3A_303 = tpu.memref_slice %arg39[%dma_start3A_302] : memref<8192xf32, #tpu.memory_space<vmem>> -> memref<128xf32, #tpu.memory_space<vmem>>
    %dma_start3A_304 = arith.constant 128 : i32
    %dma_start3A_305 = tpu.memref_slice %arg37[%dma_start3A_304] : memref<512xi32, #tpu.memory_space<vmem>> -> memref<128xi32, #tpu.memory_space<vmem>>
    %dma_start3A_306 = arith.constant 0 : i32
    %dma_start3A_307 = tpu.memref_slice %arg10[%dma_start3A_306] : memref<1000000xf32, #tpu.memory_space<hbm>> -> memref<1000000xf32, #tpu.memory_space<hbm>>
    tpu.enqueue_indirect_dma source(%dma_start3A_307 : memref<1000000xf32, #tpu.memory_space<hbm>>) target(%dma_start3A_303 : memref<128xf32, #tpu.memory_space<vmem>>) offsets(%dma_start3A_305 : memref<128xi32, #tpu.memory_space<vmem>>) semaphore(%arg42 : memref<!tpu.dma_semaphore, #tpu.memory_space<semaphore_mem>>)
    %dma_start3A_308 = arith.constant 3200 : i32
    %dma_start3A_309 = tpu.memref_slice %arg40[%dma_start3A_308] : memref<8192xf32, #tpu.memory_space<vmem>> -> memref<128xf32, #tpu.memory_space<vmem>>
    %dma_start3A_310 = arith.constant 128 : i32
    %dma_start3A_311 = tpu.memref_slice %arg38[%dma_start3A_310] : memref<512xi32, #tpu.memory_space<vmem>> -> memref<128xi32, #tpu.memory_space<vmem>>
    %dma_start3A_312 = arith.constant 0 : i32
    %dma_start3A_313 = tpu.memref_slice %arg26[%dma_start3A_312] : memref<1000000xf32, #tpu.memory_space<hbm>> -> memref<1000000xf32, #tpu.memory_space<hbm>>
    tpu.enqueue_indirect_dma source(%dma_start3A_313 : memref<1000000xf32, #tpu.memory_space<hbm>>) target(%dma_start3A_309 : memref<128xf32, #tpu.memory_space<vmem>>) offsets(%dma_start3A_311 : memref<128xi32, #tpu.memory_space<vmem>>) semaphore(%arg42 : memref<!tpu.dma_semaphore, #tpu.memory_space<semaphore_mem>>)
    %dma_start3A_314 = arith.constant 3328 : i32
    %dma_start3A_315 = tpu.memref_slice %arg39[%dma_start3A_314] : memref<8192xf32, #tpu.memory_space<vmem>> -> memref<128xf32, #tpu.memory_space<vmem>>
    %dma_start3A_316 = arith.constant 256 : i32
    %dma_start3A_317 = tpu.memref_slice %arg37[%dma_start3A_316] : memref<512xi32, #tpu.memory_space<vmem>> -> memref<128xi32, #tpu.memory_space<vmem>>
    %dma_start3A_318 = arith.constant 0 : i32
    %dma_start3A_319 = tpu.memref_slice %arg10[%dma_start3A_318] : memref<1000000xf32, #tpu.memory_space<hbm>> -> memref<1000000xf32, #tpu.memory_space<hbm>>
    tpu.enqueue_indirect_dma source(%dma_start3A_319 : memref<1000000xf32, #tpu.memory_space<hbm>>) target(%dma_start3A_315 : memref<128xf32, #tpu.memory_space<vmem>>) offsets(%dma_start3A_317 : memref<128xi32, #tpu.memory_space<vmem>>) semaphore(%arg42 : memref<!tpu.dma_semaphore, #tpu.memory_space<semaphore_mem>>)
    %dma_start3A_320 = arith.constant 3328 : i32
    %dma_start3A_321 = tpu.memref_slice %arg40[%dma_start3A_320] : memref<8192xf32, #tpu.memory_space<vmem>> -> memref<128xf32, #tpu.memory_space<vmem>>
    %dma_start3A_322 = arith.constant 256 : i32
    %dma_start3A_323 = tpu.memref_slice %arg38[%dma_start3A_322] : memref<512xi32, #tpu.memory_space<vmem>> -> memref<128xi32, #tpu.memory_space<vmem>>
    %dma_start3A_324 = arith.constant 0 : i32
    %dma_start3A_325 = tpu.memref_slice %arg26[%dma_start3A_324] : memref<1000000xf32, #tpu.memory_space<hbm>> -> memref<1000000xf32, #tpu.memory_space<hbm>>
    tpu.enqueue_indirect_dma source(%dma_start3A_325 : memref<1000000xf32, #tpu.memory_space<hbm>>) target(%dma_start3A_321 : memref<128xf32, #tpu.memory_space<vmem>>) offsets(%dma_start3A_323 : memref<128xi32, #tpu.memory_space<vmem>>) semaphore(%arg42 : memref<!tpu.dma_semaphore, #tpu.memory_space<semaphore_mem>>)
    %dma_start3A_326 = arith.constant 3456 : i32
    %dma_start3A_327 = tpu.memref_slice %arg39[%dma_start3A_326] : memref<8192xf32, #tpu.memory_space<vmem>> -> memref<128xf32, #tpu.memory_space<vmem>>
    %dma_start3A_328 = arith.constant 384 : i32
    %dma_start3A_329 = tpu.memref_slice %arg37[%dma_start3A_328] : memref<512xi32, #tpu.memory_space<vmem>> -> memref<128xi32, #tpu.memory_space<vmem>>
    %dma_start3A_330 = arith.constant 0 : i32
    %dma_start3A_331 = tpu.memref_slice %arg10[%dma_start3A_330] : memref<1000000xf32, #tpu.memory_space<hbm>> -> memref<1000000xf32, #tpu.memory_space<hbm>>
    tpu.enqueue_indirect_dma source(%dma_start3A_331 : memref<1000000xf32, #tpu.memory_space<hbm>>) target(%dma_start3A_327 : memref<128xf32, #tpu.memory_space<vmem>>) offsets(%dma_start3A_329 : memref<128xi32, #tpu.memory_space<vmem>>) semaphore(%arg42 : memref<!tpu.dma_semaphore, #tpu.memory_space<semaphore_mem>>)
    %dma_start3A_332 = arith.constant 3456 : i32
    %dma_start3A_333 = tpu.memref_slice %arg40[%dma_start3A_332] : memref<8192xf32, #tpu.memory_space<vmem>> -> memref<128xf32, #tpu.memory_space<vmem>>
    %dma_start3A_334 = arith.constant 384 : i32
    %dma_start3A_335 = tpu.memref_slice %arg38[%dma_start3A_334] : memref<512xi32, #tpu.memory_space<vmem>> -> memref<128xi32, #tpu.memory_space<vmem>>
    %dma_start3A_336 = arith.constant 0 : i32
    %dma_start3A_337 = tpu.memref_slice %arg26[%dma_start3A_336] : memref<1000000xf32, #tpu.memory_space<hbm>> -> memref<1000000xf32, #tpu.memory_space<hbm>>
    tpu.enqueue_indirect_dma source(%dma_start3A_337 : memref<1000000xf32, #tpu.memory_space<hbm>>) target(%dma_start3A_333 : memref<128xf32, #tpu.memory_space<vmem>>) offsets(%dma_start3A_335 : memref<128xi32, #tpu.memory_space<vmem>>) semaphore(%arg42 : memref<!tpu.dma_semaphore, #tpu.memory_space<semaphore_mem>>)
    %dma_start3A_338 = arith.constant 3584 : i32
    %dma_start3A_339 = tpu.memref_slice %arg39[%dma_start3A_338] : memref<8192xf32, #tpu.memory_space<vmem>> -> memref<128xf32, #tpu.memory_space<vmem>>
    %dma_start3A_340 = arith.constant 0 : i32
    %dma_start3A_341 = tpu.memref_slice %arg37[%dma_start3A_340] : memref<512xi32, #tpu.memory_space<vmem>> -> memref<128xi32, #tpu.memory_space<vmem>>
    %dma_start3A_342 = arith.constant 0 : i32
    %dma_start3A_343 = tpu.memref_slice %arg11[%dma_start3A_342] : memref<1000000xf32, #tpu.memory_space<hbm>> -> memref<1000000xf32, #tpu.memory_space<hbm>>
    tpu.enqueue_indirect_dma source(%dma_start3A_343 : memref<1000000xf32, #tpu.memory_space<hbm>>) target(%dma_start3A_339 : memref<128xf32, #tpu.memory_space<vmem>>) offsets(%dma_start3A_341 : memref<128xi32, #tpu.memory_space<vmem>>) semaphore(%arg42 : memref<!tpu.dma_semaphore, #tpu.memory_space<semaphore_mem>>)
    %dma_start3A_344 = arith.constant 3584 : i32
    %dma_start3A_345 = tpu.memref_slice %arg40[%dma_start3A_344] : memref<8192xf32, #tpu.memory_space<vmem>> -> memref<128xf32, #tpu.memory_space<vmem>>
    %dma_start3A_346 = arith.constant 0 : i32
    %dma_start3A_347 = tpu.memref_slice %arg38[%dma_start3A_346] : memref<512xi32, #tpu.memory_space<vmem>> -> memref<128xi32, #tpu.memory_space<vmem>>
    %dma_start3A_348 = arith.constant 0 : i32
    %dma_start3A_349 = tpu.memref_slice %arg27[%dma_start3A_348] : memref<1000000xf32, #tpu.memory_space<hbm>> -> memref<1000000xf32, #tpu.memory_space<hbm>>
    tpu.enqueue_indirect_dma source(%dma_start3A_349 : memref<1000000xf32, #tpu.memory_space<hbm>>) target(%dma_start3A_345 : memref<128xf32, #tpu.memory_space<vmem>>) offsets(%dma_start3A_347 : memref<128xi32, #tpu.memory_space<vmem>>) semaphore(%arg42 : memref<!tpu.dma_semaphore, #tpu.memory_space<semaphore_mem>>)
    %dma_start3A_350 = arith.constant 3712 : i32
    %dma_start3A_351 = tpu.memref_slice %arg39[%dma_start3A_350] : memref<8192xf32, #tpu.memory_space<vmem>> -> memref<128xf32, #tpu.memory_space<vmem>>
    %dma_start3A_352 = arith.constant 128 : i32
    %dma_start3A_353 = tpu.memref_slice %arg37[%dma_start3A_352] : memref<512xi32, #tpu.memory_space<vmem>> -> memref<128xi32, #tpu.memory_space<vmem>>
    %dma_start3A_354 = arith.constant 0 : i32
    %dma_start3A_355 = tpu.memref_slice %arg11[%dma_start3A_354] : memref<1000000xf32, #tpu.memory_space<hbm>> -> memref<1000000xf32, #tpu.memory_space<hbm>>
    tpu.enqueue_indirect_dma source(%dma_start3A_355 : memref<1000000xf32, #tpu.memory_space<hbm>>) target(%dma_start3A_351 : memref<128xf32, #tpu.memory_space<vmem>>) offsets(%dma_start3A_353 : memref<128xi32, #tpu.memory_space<vmem>>) semaphore(%arg42 : memref<!tpu.dma_semaphore, #tpu.memory_space<semaphore_mem>>)
    %dma_start3A_356 = arith.constant 3712 : i32
    %dma_start3A_357 = tpu.memref_slice %arg40[%dma_start3A_356] : memref<8192xf32, #tpu.memory_space<vmem>> -> memref<128xf32, #tpu.memory_space<vmem>>
    %dma_start3A_358 = arith.constant 128 : i32
    %dma_start3A_359 = tpu.memref_slice %arg38[%dma_start3A_358] : memref<512xi32, #tpu.memory_space<vmem>> -> memref<128xi32, #tpu.memory_space<vmem>>
    %dma_start3A_360 = arith.constant 0 : i32
    %dma_start3A_361 = tpu.memref_slice %arg27[%dma_start3A_360] : memref<1000000xf32, #tpu.memory_space<hbm>> -> memref<1000000xf32, #tpu.memory_space<hbm>>
    tpu.enqueue_indirect_dma source(%dma_start3A_361 : memref<1000000xf32, #tpu.memory_space<hbm>>) target(%dma_start3A_357 : memref<128xf32, #tpu.memory_space<vmem>>) offsets(%dma_start3A_359 : memref<128xi32, #tpu.memory_space<vmem>>) semaphore(%arg42 : memref<!tpu.dma_semaphore, #tpu.memory_space<semaphore_mem>>)
    %dma_start3A_362 = arith.constant 3840 : i32
    %dma_start3A_363 = tpu.memref_slice %arg39[%dma_start3A_362] : memref<8192xf32, #tpu.memory_space<vmem>> -> memref<128xf32, #tpu.memory_space<vmem>>
    %dma_start3A_364 = arith.constant 256 : i32
    %dma_start3A_365 = tpu.memref_slice %arg37[%dma_start3A_364] : memref<512xi32, #tpu.memory_space<vmem>> -> memref<128xi32, #tpu.memory_space<vmem>>
    %dma_start3A_366 = arith.constant 0 : i32
    %dma_start3A_367 = tpu.memref_slice %arg11[%dma_start3A_366] : memref<1000000xf32, #tpu.memory_space<hbm>> -> memref<1000000xf32, #tpu.memory_space<hbm>>
    tpu.enqueue_indirect_dma source(%dma_start3A_367 : memref<1000000xf32, #tpu.memory_space<hbm>>) target(%dma_start3A_363 : memref<128xf32, #tpu.memory_space<vmem>>) offsets(%dma_start3A_365 : memref<128xi32, #tpu.memory_space<vmem>>) semaphore(%arg42 : memref<!tpu.dma_semaphore, #tpu.memory_space<semaphore_mem>>)
    %dma_start3A_368 = arith.constant 3840 : i32
    %dma_start3A_369 = tpu.memref_slice %arg40[%dma_start3A_368] : memref<8192xf32, #tpu.memory_space<vmem>> -> memref<128xf32, #tpu.memory_space<vmem>>
    %dma_start3A_370 = arith.constant 256 : i32
    %dma_start3A_371 = tpu.memref_slice %arg38[%dma_start3A_370] : memref<512xi32, #tpu.memory_space<vmem>> -> memref<128xi32, #tpu.memory_space<vmem>>
    %dma_start3A_372 = arith.constant 0 : i32
    %dma_start3A_373 = tpu.memref_slice %arg27[%dma_start3A_372] : memref<1000000xf32, #tpu.memory_space<hbm>> -> memref<1000000xf32, #tpu.memory_space<hbm>>
    tpu.enqueue_indirect_dma source(%dma_start3A_373 : memref<1000000xf32, #tpu.memory_space<hbm>>) target(%dma_start3A_369 : memref<128xf32, #tpu.memory_space<vmem>>) offsets(%dma_start3A_371 : memref<128xi32, #tpu.memory_space<vmem>>) semaphore(%arg42 : memref<!tpu.dma_semaphore, #tpu.memory_space<semaphore_mem>>)
    %dma_start3A_374 = arith.constant 3968 : i32
    %dma_start3A_375 = tpu.memref_slice %arg39[%dma_start3A_374] : memref<8192xf32, #tpu.memory_space<vmem>> -> memref<128xf32, #tpu.memory_space<vmem>>
    %dma_start3A_376 = arith.constant 384 : i32
    %dma_start3A_377 = tpu.memref_slice %arg37[%dma_start3A_376] : memref<512xi32, #tpu.memory_space<vmem>> -> memref<128xi32, #tpu.memory_space<vmem>>
    %dma_start3A_378 = arith.constant 0 : i32
    %dma_start3A_379 = tpu.memref_slice %arg11[%dma_start3A_378] : memref<1000000xf32, #tpu.memory_space<hbm>> -> memref<1000000xf32, #tpu.memory_space<hbm>>
    tpu.enqueue_indirect_dma source(%dma_start3A_379 : memref<1000000xf32, #tpu.memory_space<hbm>>) target(%dma_start3A_375 : memref<128xf32, #tpu.memory_space<vmem>>) offsets(%dma_start3A_377 : memref<128xi32, #tpu.memory_space<vmem>>) semaphore(%arg42 : memref<!tpu.dma_semaphore, #tpu.memory_space<semaphore_mem>>)
    %dma_start3A_380 = arith.constant 3968 : i32
    %dma_start3A_381 = tpu.memref_slice %arg40[%dma_start3A_380] : memref<8192xf32, #tpu.memory_space<vmem>> -> memref<128xf32, #tpu.memory_space<vmem>>
    %dma_start3A_382 = arith.constant 384 : i32
    %dma_start3A_383 = tpu.memref_slice %arg38[%dma_start3A_382] : memref<512xi32, #tpu.memory_space<vmem>> -> memref<128xi32, #tpu.memory_space<vmem>>
    %dma_start3A_384 = arith.constant 0 : i32
    %dma_start3A_385 = tpu.memref_slice %arg27[%dma_start3A_384] : memref<1000000xf32, #tpu.memory_space<hbm>> -> memref<1000000xf32, #tpu.memory_space<hbm>>
    tpu.enqueue_indirect_dma source(%dma_start3A_385 : memref<1000000xf32, #tpu.memory_space<hbm>>) target(%dma_start3A_381 : memref<128xf32, #tpu.memory_space<vmem>>) offsets(%dma_start3A_383 : memref<128xi32, #tpu.memory_space<vmem>>) semaphore(%arg42 : memref<!tpu.dma_semaphore, #tpu.memory_space<semaphore_mem>>)
    %dma_start3A_386 = arith.constant 4096 : i32
    %dma_start3A_387 = tpu.memref_slice %arg39[%dma_start3A_386] : memref<8192xf32, #tpu.memory_space<vmem>> -> memref<128xf32, #tpu.memory_space<vmem>>
    %dma_start3A_388 = arith.constant 0 : i32
    %dma_start3A_389 = tpu.memref_slice %arg37[%dma_start3A_388] : memref<512xi32, #tpu.memory_space<vmem>> -> memref<128xi32, #tpu.memory_space<vmem>>
    %dma_start3A_390 = arith.constant 0 : i32
    %dma_start3A_391 = tpu.memref_slice %arg12[%dma_start3A_390] : memref<1000000xf32, #tpu.memory_space<hbm>> -> memref<1000000xf32, #tpu.memory_space<hbm>>
    tpu.enqueue_indirect_dma source(%dma_start3A_391 : memref<1000000xf32, #tpu.memory_space<hbm>>) target(%dma_start3A_387 : memref<128xf32, #tpu.memory_space<vmem>>) offsets(%dma_start3A_389 : memref<128xi32, #tpu.memory_space<vmem>>) semaphore(%arg42 : memref<!tpu.dma_semaphore, #tpu.memory_space<semaphore_mem>>)
    %dma_start3A_392 = arith.constant 4096 : i32
    %dma_start3A_393 = tpu.memref_slice %arg40[%dma_start3A_392] : memref<8192xf32, #tpu.memory_space<vmem>> -> memref<128xf32, #tpu.memory_space<vmem>>
    %dma_start3A_394 = arith.constant 0 : i32
    %dma_start3A_395 = tpu.memref_slice %arg38[%dma_start3A_394] : memref<512xi32, #tpu.memory_space<vmem>> -> memref<128xi32, #tpu.memory_space<vmem>>
    %dma_start3A_396 = arith.constant 0 : i32
    %dma_start3A_397 = tpu.memref_slice %arg28[%dma_start3A_396] : memref<1000000xf32, #tpu.memory_space<hbm>> -> memref<1000000xf32, #tpu.memory_space<hbm>>
    tpu.enqueue_indirect_dma source(%dma_start3A_397 : memref<1000000xf32, #tpu.memory_space<hbm>>) target(%dma_start3A_393 : memref<128xf32, #tpu.memory_space<vmem>>) offsets(%dma_start3A_395 : memref<128xi32, #tpu.memory_space<vmem>>) semaphore(%arg42 : memref<!tpu.dma_semaphore, #tpu.memory_space<semaphore_mem>>)
    %dma_start3A_398 = arith.constant 4224 : i32
    %dma_start3A_399 = tpu.memref_slice %arg39[%dma_start3A_398] : memref<8192xf32, #tpu.memory_space<vmem>> -> memref<128xf32, #tpu.memory_space<vmem>>
    %dma_start3A_400 = arith.constant 128 : i32
    %dma_start3A_401 = tpu.memref_slice %arg37[%dma_start3A_400] : memref<512xi32, #tpu.memory_space<vmem>> -> memref<128xi32, #tpu.memory_space<vmem>>
    %dma_start3A_402 = arith.constant 0 : i32
    %dma_start3A_403 = tpu.memref_slice %arg12[%dma_start3A_402] : memref<1000000xf32, #tpu.memory_space<hbm>> -> memref<1000000xf32, #tpu.memory_space<hbm>>
    tpu.enqueue_indirect_dma source(%dma_start3A_403 : memref<1000000xf32, #tpu.memory_space<hbm>>) target(%dma_start3A_399 : memref<128xf32, #tpu.memory_space<vmem>>) offsets(%dma_start3A_401 : memref<128xi32, #tpu.memory_space<vmem>>) semaphore(%arg42 : memref<!tpu.dma_semaphore, #tpu.memory_space<semaphore_mem>>)
    %dma_start3A_404 = arith.constant 4224 : i32
    %dma_start3A_405 = tpu.memref_slice %arg40[%dma_start3A_404] : memref<8192xf32, #tpu.memory_space<vmem>> -> memref<128xf32, #tpu.memory_space<vmem>>
    %dma_start3A_406 = arith.constant 128 : i32
    %dma_start3A_407 = tpu.memref_slice %arg38[%dma_start3A_406] : memref<512xi32, #tpu.memory_space<vmem>> -> memref<128xi32, #tpu.memory_space<vmem>>
    %dma_start3A_408 = arith.constant 0 : i32
    %dma_start3A_409 = tpu.memref_slice %arg28[%dma_start3A_408] : memref<1000000xf32, #tpu.memory_space<hbm>> -> memref<1000000xf32, #tpu.memory_space<hbm>>
    tpu.enqueue_indirect_dma source(%dma_start3A_409 : memref<1000000xf32, #tpu.memory_space<hbm>>) target(%dma_start3A_405 : memref<128xf32, #tpu.memory_space<vmem>>) offsets(%dma_start3A_407 : memref<128xi32, #tpu.memory_space<vmem>>) semaphore(%arg42 : memref<!tpu.dma_semaphore, #tpu.memory_space<semaphore_mem>>)
    %dma_start3A_410 = arith.constant 4352 : i32
    %dma_start3A_411 = tpu.memref_slice %arg39[%dma_start3A_410] : memref<8192xf32, #tpu.memory_space<vmem>> -> memref<128xf32, #tpu.memory_space<vmem>>
    %dma_start3A_412 = arith.constant 256 : i32
    %dma_start3A_413 = tpu.memref_slice %arg37[%dma_start3A_412] : memref<512xi32, #tpu.memory_space<vmem>> -> memref<128xi32, #tpu.memory_space<vmem>>
    %dma_start3A_414 = arith.constant 0 : i32
    %dma_start3A_415 = tpu.memref_slice %arg12[%dma_start3A_414] : memref<1000000xf32, #tpu.memory_space<hbm>> -> memref<1000000xf32, #tpu.memory_space<hbm>>
    tpu.enqueue_indirect_dma source(%dma_start3A_415 : memref<1000000xf32, #tpu.memory_space<hbm>>) target(%dma_start3A_411 : memref<128xf32, #tpu.memory_space<vmem>>) offsets(%dma_start3A_413 : memref<128xi32, #tpu.memory_space<vmem>>) semaphore(%arg42 : memref<!tpu.dma_semaphore, #tpu.memory_space<semaphore_mem>>)
    %dma_start3A_416 = arith.constant 4352 : i32
    %dma_start3A_417 = tpu.memref_slice %arg40[%dma_start3A_416] : memref<8192xf32, #tpu.memory_space<vmem>> -> memref<128xf32, #tpu.memory_space<vmem>>
    %dma_start3A_418 = arith.constant 256 : i32
    %dma_start3A_419 = tpu.memref_slice %arg38[%dma_start3A_418] : memref<512xi32, #tpu.memory_space<vmem>> -> memref<128xi32, #tpu.memory_space<vmem>>
    %dma_start3A_420 = arith.constant 0 : i32
    %dma_start3A_421 = tpu.memref_slice %arg28[%dma_start3A_420] : memref<1000000xf32, #tpu.memory_space<hbm>> -> memref<1000000xf32, #tpu.memory_space<hbm>>
    tpu.enqueue_indirect_dma source(%dma_start3A_421 : memref<1000000xf32, #tpu.memory_space<hbm>>) target(%dma_start3A_417 : memref<128xf32, #tpu.memory_space<vmem>>) offsets(%dma_start3A_419 : memref<128xi32, #tpu.memory_space<vmem>>) semaphore(%arg42 : memref<!tpu.dma_semaphore, #tpu.memory_space<semaphore_mem>>)
    %dma_start3A_422 = arith.constant 4480 : i32
    %dma_start3A_423 = tpu.memref_slice %arg39[%dma_start3A_422] : memref<8192xf32, #tpu.memory_space<vmem>> -> memref<128xf32, #tpu.memory_space<vmem>>
    %dma_start3A_424 = arith.constant 384 : i32
    %dma_start3A_425 = tpu.memref_slice %arg37[%dma_start3A_424] : memref<512xi32, #tpu.memory_space<vmem>> -> memref<128xi32, #tpu.memory_space<vmem>>
    %dma_start3A_426 = arith.constant 0 : i32
    %dma_start3A_427 = tpu.memref_slice %arg12[%dma_start3A_426] : memref<1000000xf32, #tpu.memory_space<hbm>> -> memref<1000000xf32, #tpu.memory_space<hbm>>
    tpu.enqueue_indirect_dma source(%dma_start3A_427 : memref<1000000xf32, #tpu.memory_space<hbm>>) target(%dma_start3A_423 : memref<128xf32, #tpu.memory_space<vmem>>) offsets(%dma_start3A_425 : memref<128xi32, #tpu.memory_space<vmem>>) semaphore(%arg42 : memref<!tpu.dma_semaphore, #tpu.memory_space<semaphore_mem>>)
    %dma_start3A_428 = arith.constant 4480 : i32
    %dma_start3A_429 = tpu.memref_slice %arg40[%dma_start3A_428] : memref<8192xf32, #tpu.memory_space<vmem>> -> memref<128xf32, #tpu.memory_space<vmem>>
    %dma_start3A_430 = arith.constant 384 : i32
    %dma_start3A_431 = tpu.memref_slice %arg38[%dma_start3A_430] : memref<512xi32, #tpu.memory_space<vmem>> -> memref<128xi32, #tpu.memory_space<vmem>>
    %dma_start3A_432 = arith.constant 0 : i32
    %dma_start3A_433 = tpu.memref_slice %arg28[%dma_start3A_432] : memref<1000000xf32, #tpu.memory_space<hbm>> -> memref<1000000xf32, #tpu.memory_space<hbm>>
    tpu.enqueue_indirect_dma source(%dma_start3A_433 : memref<1000000xf32, #tpu.memory_space<hbm>>) target(%dma_start3A_429 : memref<128xf32, #tpu.memory_space<vmem>>) offsets(%dma_start3A_431 : memref<128xi32, #tpu.memory_space<vmem>>) semaphore(%arg42 : memref<!tpu.dma_semaphore, #tpu.memory_space<semaphore_mem>>)
    %dma_start3A_434 = arith.constant 4608 : i32
    %dma_start3A_435 = tpu.memref_slice %arg39[%dma_start3A_434] : memref<8192xf32, #tpu.memory_space<vmem>> -> memref<128xf32, #tpu.memory_space<vmem>>
    %dma_start3A_436 = arith.constant 0 : i32
    %dma_start3A_437 = tpu.memref_slice %arg37[%dma_start3A_436] : memref<512xi32, #tpu.memory_space<vmem>> -> memref<128xi32, #tpu.memory_space<vmem>>
    %dma_start3A_438 = arith.constant 0 : i32
    %dma_start3A_439 = tpu.memref_slice %arg13[%dma_start3A_438] : memref<1000000xf32, #tpu.memory_space<hbm>> -> memref<1000000xf32, #tpu.memory_space<hbm>>
    tpu.enqueue_indirect_dma source(%dma_start3A_439 : memref<1000000xf32, #tpu.memory_space<hbm>>) target(%dma_start3A_435 : memref<128xf32, #tpu.memory_space<vmem>>) offsets(%dma_start3A_437 : memref<128xi32, #tpu.memory_space<vmem>>) semaphore(%arg42 : memref<!tpu.dma_semaphore, #tpu.memory_space<semaphore_mem>>)
    %dma_start3A_440 = arith.constant 4608 : i32
    %dma_start3A_441 = tpu.memref_slice %arg40[%dma_start3A_440] : memref<8192xf32, #tpu.memory_space<vmem>> -> memref<128xf32, #tpu.memory_space<vmem>>
    %dma_start3A_442 = arith.constant 0 : i32
    %dma_start3A_443 = tpu.memref_slice %arg38[%dma_start3A_442] : memref<512xi32, #tpu.memory_space<vmem>> -> memref<128xi32, #tpu.memory_space<vmem>>
    %dma_start3A_444 = arith.constant 0 : i32
    %dma_start3A_445 = tpu.memref_slice %arg29[%dma_start3A_444] : memref<1000000xf32, #tpu.memory_space<hbm>> -> memref<1000000xf32, #tpu.memory_space<hbm>>
    tpu.enqueue_indirect_dma source(%dma_start3A_445 : memref<1000000xf32, #tpu.memory_space<hbm>>) target(%dma_start3A_441 : memref<128xf32, #tpu.memory_space<vmem>>) offsets(%dma_start3A_443 : memref<128xi32, #tpu.memory_space<vmem>>) semaphore(%arg42 : memref<!tpu.dma_semaphore, #tpu.memory_space<semaphore_mem>>)
    %dma_start3A_446 = arith.constant 4736 : i32
    %dma_start3A_447 = tpu.memref_slice %arg39[%dma_start3A_446] : memref<8192xf32, #tpu.memory_space<vmem>> -> memref<128xf32, #tpu.memory_space<vmem>>
    %dma_start3A_448 = arith.constant 128 : i32
    %dma_start3A_449 = tpu.memref_slice %arg37[%dma_start3A_448] : memref<512xi32, #tpu.memory_space<vmem>> -> memref<128xi32, #tpu.memory_space<vmem>>
    %dma_start3A_450 = arith.constant 0 : i32
    %dma_start3A_451 = tpu.memref_slice %arg13[%dma_start3A_450] : memref<1000000xf32, #tpu.memory_space<hbm>> -> memref<1000000xf32, #tpu.memory_space<hbm>>
    tpu.enqueue_indirect_dma source(%dma_start3A_451 : memref<1000000xf32, #tpu.memory_space<hbm>>) target(%dma_start3A_447 : memref<128xf32, #tpu.memory_space<vmem>>) offsets(%dma_start3A_449 : memref<128xi32, #tpu.memory_space<vmem>>) semaphore(%arg42 : memref<!tpu.dma_semaphore, #tpu.memory_space<semaphore_mem>>)
    %dma_start3A_452 = arith.constant 4736 : i32
    %dma_start3A_453 = tpu.memref_slice %arg40[%dma_start3A_452] : memref<8192xf32, #tpu.memory_space<vmem>> -> memref<128xf32, #tpu.memory_space<vmem>>
    %dma_start3A_454 = arith.constant 128 : i32
    %dma_start3A_455 = tpu.memref_slice %arg38[%dma_start3A_454] : memref<512xi32, #tpu.memory_space<vmem>> -> memref<128xi32, #tpu.memory_space<vmem>>
    %dma_start3A_456 = arith.constant 0 : i32
    %dma_start3A_457 = tpu.memref_slice %arg29[%dma_start3A_456] : memref<1000000xf32, #tpu.memory_space<hbm>> -> memref<1000000xf32, #tpu.memory_space<hbm>>
    tpu.enqueue_indirect_dma source(%dma_start3A_457 : memref<1000000xf32, #tpu.memory_space<hbm>>) target(%dma_start3A_453 : memref<128xf32, #tpu.memory_space<vmem>>) offsets(%dma_start3A_455 : memref<128xi32, #tpu.memory_space<vmem>>) semaphore(%arg42 : memref<!tpu.dma_semaphore, #tpu.memory_space<semaphore_mem>>)
    %dma_start3A_458 = arith.constant 4864 : i32
    %dma_start3A_459 = tpu.memref_slice %arg39[%dma_start3A_458] : memref<8192xf32, #tpu.memory_space<vmem>> -> memref<128xf32, #tpu.memory_space<vmem>>
    %dma_start3A_460 = arith.constant 256 : i32
    %dma_start3A_461 = tpu.memref_slice %arg37[%dma_start3A_460] : memref<512xi32, #tpu.memory_space<vmem>> -> memref<128xi32, #tpu.memory_space<vmem>>
    %dma_start3A_462 = arith.constant 0 : i32
    %dma_start3A_463 = tpu.memref_slice %arg13[%dma_start3A_462] : memref<1000000xf32, #tpu.memory_space<hbm>> -> memref<1000000xf32, #tpu.memory_space<hbm>>
    tpu.enqueue_indirect_dma source(%dma_start3A_463 : memref<1000000xf32, #tpu.memory_space<hbm>>) target(%dma_start3A_459 : memref<128xf32, #tpu.memory_space<vmem>>) offsets(%dma_start3A_461 : memref<128xi32, #tpu.memory_space<vmem>>) semaphore(%arg42 : memref<!tpu.dma_semaphore, #tpu.memory_space<semaphore_mem>>)
    %dma_start3A_464 = arith.constant 4864 : i32
    %dma_start3A_465 = tpu.memref_slice %arg40[%dma_start3A_464] : memref<8192xf32, #tpu.memory_space<vmem>> -> memref<128xf32, #tpu.memory_space<vmem>>
    %dma_start3A_466 = arith.constant 256 : i32
    %dma_start3A_467 = tpu.memref_slice %arg38[%dma_start3A_466] : memref<512xi32, #tpu.memory_space<vmem>> -> memref<128xi32, #tpu.memory_space<vmem>>
    %dma_start3A_468 = arith.constant 0 : i32
    %dma_start3A_469 = tpu.memref_slice %arg29[%dma_start3A_468] : memref<1000000xf32, #tpu.memory_space<hbm>> -> memref<1000000xf32, #tpu.memory_space<hbm>>
    tpu.enqueue_indirect_dma source(%dma_start3A_469 : memref<1000000xf32, #tpu.memory_space<hbm>>) target(%dma_start3A_465 : memref<128xf32, #tpu.memory_space<vmem>>) offsets(%dma_start3A_467 : memref<128xi32, #tpu.memory_space<vmem>>) semaphore(%arg42 : memref<!tpu.dma_semaphore, #tpu.memory_space<semaphore_mem>>)
    %dma_start3A_470 = arith.constant 4992 : i32
    %dma_start3A_471 = tpu.memref_slice %arg39[%dma_start3A_470] : memref<8192xf32, #tpu.memory_space<vmem>> -> memref<128xf32, #tpu.memory_space<vmem>>
    %dma_start3A_472 = arith.constant 384 : i32
    %dma_start3A_473 = tpu.memref_slice %arg37[%dma_start3A_472] : memref<512xi32, #tpu.memory_space<vmem>> -> memref<128xi32, #tpu.memory_space<vmem>>
    %dma_start3A_474 = arith.constant 0 : i32
    %dma_start3A_475 = tpu.memref_slice %arg13[%dma_start3A_474] : memref<1000000xf32, #tpu.memory_space<hbm>> -> memref<1000000xf32, #tpu.memory_space<hbm>>
    tpu.enqueue_indirect_dma source(%dma_start3A_475 : memref<1000000xf32, #tpu.memory_space<hbm>>) target(%dma_start3A_471 : memref<128xf32, #tpu.memory_space<vmem>>) offsets(%dma_start3A_473 : memref<128xi32, #tpu.memory_space<vmem>>) semaphore(%arg42 : memref<!tpu.dma_semaphore, #tpu.memory_space<semaphore_mem>>)
    %dma_start3A_476 = arith.constant 4992 : i32
    %dma_start3A_477 = tpu.memref_slice %arg40[%dma_start3A_476] : memref<8192xf32, #tpu.memory_space<vmem>> -> memref<128xf32, #tpu.memory_space<vmem>>
    %dma_start3A_478 = arith.constant 384 : i32
    %dma_start3A_479 = tpu.memref_slice %arg38[%dma_start3A_478] : memref<512xi32, #tpu.memory_space<vmem>> -> memref<128xi32, #tpu.memory_space<vmem>>
    %dma_start3A_480 = arith.constant 0 : i32
    %dma_start3A_481 = tpu.memref_slice %arg29[%dma_start3A_480] : memref<1000000xf32, #tpu.memory_space<hbm>> -> memref<1000000xf32, #tpu.memory_space<hbm>>
    tpu.enqueue_indirect_dma source(%dma_start3A_481 : memref<1000000xf32, #tpu.memory_space<hbm>>) target(%dma_start3A_477 : memref<128xf32, #tpu.memory_space<vmem>>) offsets(%dma_start3A_479 : memref<128xi32, #tpu.memory_space<vmem>>) semaphore(%arg42 : memref<!tpu.dma_semaphore, #tpu.memory_space<semaphore_mem>>)
    %dma_start3A_482 = arith.constant 5120 : i32
    %dma_start3A_483 = tpu.memref_slice %arg39[%dma_start3A_482] : memref<8192xf32, #tpu.memory_space<vmem>> -> memref<128xf32, #tpu.memory_space<vmem>>
    %dma_start3A_484 = arith.constant 0 : i32
    %dma_start3A_485 = tpu.memref_slice %arg37[%dma_start3A_484] : memref<512xi32, #tpu.memory_space<vmem>> -> memref<128xi32, #tpu.memory_space<vmem>>
    %dma_start3A_486 = arith.constant 0 : i32
    %dma_start3A_487 = tpu.memref_slice %arg14[%dma_start3A_486] : memref<1000000xf32, #tpu.memory_space<hbm>> -> memref<1000000xf32, #tpu.memory_space<hbm>>
    tpu.enqueue_indirect_dma source(%dma_start3A_487 : memref<1000000xf32, #tpu.memory_space<hbm>>) target(%dma_start3A_483 : memref<128xf32, #tpu.memory_space<vmem>>) offsets(%dma_start3A_485 : memref<128xi32, #tpu.memory_space<vmem>>) semaphore(%arg42 : memref<!tpu.dma_semaphore, #tpu.memory_space<semaphore_mem>>)
    %dma_start3A_488 = arith.constant 5120 : i32
    %dma_start3A_489 = tpu.memref_slice %arg40[%dma_start3A_488] : memref<8192xf32, #tpu.memory_space<vmem>> -> memref<128xf32, #tpu.memory_space<vmem>>
    %dma_start3A_490 = arith.constant 0 : i32
    %dma_start3A_491 = tpu.memref_slice %arg38[%dma_start3A_490] : memref<512xi32, #tpu.memory_space<vmem>> -> memref<128xi32, #tpu.memory_space<vmem>>
    %dma_start3A_492 = arith.constant 0 : i32
    %dma_start3A_493 = tpu.memref_slice %arg30[%dma_start3A_492] : memref<1000000xf32, #tpu.memory_space<hbm>> -> memref<1000000xf32, #tpu.memory_space<hbm>>
    tpu.enqueue_indirect_dma source(%dma_start3A_493 : memref<1000000xf32, #tpu.memory_space<hbm>>) target(%dma_start3A_489 : memref<128xf32, #tpu.memory_space<vmem>>) offsets(%dma_start3A_491 : memref<128xi32, #tpu.memory_space<vmem>>) semaphore(%arg42 : memref<!tpu.dma_semaphore, #tpu.memory_space<semaphore_mem>>)
    %dma_start3A_494 = arith.constant 5248 : i32
    %dma_start3A_495 = tpu.memref_slice %arg39[%dma_start3A_494] : memref<8192xf32, #tpu.memory_space<vmem>> -> memref<128xf32, #tpu.memory_space<vmem>>
    %dma_start3A_496 = arith.constant 128 : i32
    %dma_start3A_497 = tpu.memref_slice %arg37[%dma_start3A_496] : memref<512xi32, #tpu.memory_space<vmem>> -> memref<128xi32, #tpu.memory_space<vmem>>
    %dma_start3A_498 = arith.constant 0 : i32
    %dma_start3A_499 = tpu.memref_slice %arg14[%dma_start3A_498] : memref<1000000xf32, #tpu.memory_space<hbm>> -> memref<1000000xf32, #tpu.memory_space<hbm>>
    tpu.enqueue_indirect_dma source(%dma_start3A_499 : memref<1000000xf32, #tpu.memory_space<hbm>>) target(%dma_start3A_495 : memref<128xf32, #tpu.memory_space<vmem>>) offsets(%dma_start3A_497 : memref<128xi32, #tpu.memory_space<vmem>>) semaphore(%arg42 : memref<!tpu.dma_semaphore, #tpu.memory_space<semaphore_mem>>)
    %dma_start3A_500 = arith.constant 5248 : i32
    %dma_start3A_501 = tpu.memref_slice %arg40[%dma_start3A_500] : memref<8192xf32, #tpu.memory_space<vmem>> -> memref<128xf32, #tpu.memory_space<vmem>>
    %dma_start3A_502 = arith.constant 128 : i32
    %dma_start3A_503 = tpu.memref_slice %arg38[%dma_start3A_502] : memref<512xi32, #tpu.memory_space<vmem>> -> memref<128xi32, #tpu.memory_space<vmem>>
    %dma_start3A_504 = arith.constant 0 : i32
    %dma_start3A_505 = tpu.memref_slice %arg30[%dma_start3A_504] : memref<1000000xf32, #tpu.memory_space<hbm>> -> memref<1000000xf32, #tpu.memory_space<hbm>>
    tpu.enqueue_indirect_dma source(%dma_start3A_505 : memref<1000000xf32, #tpu.memory_space<hbm>>) target(%dma_start3A_501 : memref<128xf32, #tpu.memory_space<vmem>>) offsets(%dma_start3A_503 : memref<128xi32, #tpu.memory_space<vmem>>) semaphore(%arg42 : memref<!tpu.dma_semaphore, #tpu.memory_space<semaphore_mem>>)
    %dma_start3A_506 = arith.constant 5376 : i32
    %dma_start3A_507 = tpu.memref_slice %arg39[%dma_start3A_506] : memref<8192xf32, #tpu.memory_space<vmem>> -> memref<128xf32, #tpu.memory_space<vmem>>
    %dma_start3A_508 = arith.constant 256 : i32
    %dma_start3A_509 = tpu.memref_slice %arg37[%dma_start3A_508] : memref<512xi32, #tpu.memory_space<vmem>> -> memref<128xi32, #tpu.memory_space<vmem>>
    %dma_start3A_510 = arith.constant 0 : i32
    %dma_start3A_511 = tpu.memref_slice %arg14[%dma_start3A_510] : memref<1000000xf32, #tpu.memory_space<hbm>> -> memref<1000000xf32, #tpu.memory_space<hbm>>
    tpu.enqueue_indirect_dma source(%dma_start3A_511 : memref<1000000xf32, #tpu.memory_space<hbm>>) target(%dma_start3A_507 : memref<128xf32, #tpu.memory_space<vmem>>) offsets(%dma_start3A_509 : memref<128xi32, #tpu.memory_space<vmem>>) semaphore(%arg42 : memref<!tpu.dma_semaphore, #tpu.memory_space<semaphore_mem>>)
    %dma_start3A_512 = arith.constant 5376 : i32
    %dma_start3A_513 = tpu.memref_slice %arg40[%dma_start3A_512] : memref<8192xf32, #tpu.memory_space<vmem>> -> memref<128xf32, #tpu.memory_space<vmem>>
    %dma_start3A_514 = arith.constant 256 : i32
    %dma_start3A_515 = tpu.memref_slice %arg38[%dma_start3A_514] : memref<512xi32, #tpu.memory_space<vmem>> -> memref<128xi32, #tpu.memory_space<vmem>>
    %dma_start3A_516 = arith.constant 0 : i32
    %dma_start3A_517 = tpu.memref_slice %arg30[%dma_start3A_516] : memref<1000000xf32, #tpu.memory_space<hbm>> -> memref<1000000xf32, #tpu.memory_space<hbm>>
    tpu.enqueue_indirect_dma source(%dma_start3A_517 : memref<1000000xf32, #tpu.memory_space<hbm>>) target(%dma_start3A_513 : memref<128xf32, #tpu.memory_space<vmem>>) offsets(%dma_start3A_515 : memref<128xi32, #tpu.memory_space<vmem>>) semaphore(%arg42 : memref<!tpu.dma_semaphore, #tpu.memory_space<semaphore_mem>>)
    %dma_start3A_518 = arith.constant 5504 : i32
    %dma_start3A_519 = tpu.memref_slice %arg39[%dma_start3A_518] : memref<8192xf32, #tpu.memory_space<vmem>> -> memref<128xf32, #tpu.memory_space<vmem>>
    %dma_start3A_520 = arith.constant 384 : i32
    %dma_start3A_521 = tpu.memref_slice %arg37[%dma_start3A_520] : memref<512xi32, #tpu.memory_space<vmem>> -> memref<128xi32, #tpu.memory_space<vmem>>
    %dma_start3A_522 = arith.constant 0 : i32
    %dma_start3A_523 = tpu.memref_slice %arg14[%dma_start3A_522] : memref<1000000xf32, #tpu.memory_space<hbm>> -> memref<1000000xf32, #tpu.memory_space<hbm>>
    tpu.enqueue_indirect_dma source(%dma_start3A_523 : memref<1000000xf32, #tpu.memory_space<hbm>>) target(%dma_start3A_519 : memref<128xf32, #tpu.memory_space<vmem>>) offsets(%dma_start3A_521 : memref<128xi32, #tpu.memory_space<vmem>>) semaphore(%arg42 : memref<!tpu.dma_semaphore, #tpu.memory_space<semaphore_mem>>)
    %dma_start3A_524 = arith.constant 5504 : i32
    %dma_start3A_525 = tpu.memref_slice %arg40[%dma_start3A_524] : memref<8192xf32, #tpu.memory_space<vmem>> -> memref<128xf32, #tpu.memory_space<vmem>>
    %dma_start3A_526 = arith.constant 384 : i32
    %dma_start3A_527 = tpu.memref_slice %arg38[%dma_start3A_526] : memref<512xi32, #tpu.memory_space<vmem>> -> memref<128xi32, #tpu.memory_space<vmem>>
    %dma_start3A_528 = arith.constant 0 : i32
    %dma_start3A_529 = tpu.memref_slice %arg30[%dma_start3A_528] : memref<1000000xf32, #tpu.memory_space<hbm>> -> memref<1000000xf32, #tpu.memory_space<hbm>>
    tpu.enqueue_indirect_dma source(%dma_start3A_529 : memref<1000000xf32, #tpu.memory_space<hbm>>) target(%dma_start3A_525 : memref<128xf32, #tpu.memory_space<vmem>>) offsets(%dma_start3A_527 : memref<128xi32, #tpu.memory_space<vmem>>) semaphore(%arg42 : memref<!tpu.dma_semaphore, #tpu.memory_space<semaphore_mem>>)
    %dma_start3A_530 = arith.constant 5632 : i32
    %dma_start3A_531 = tpu.memref_slice %arg39[%dma_start3A_530] : memref<8192xf32, #tpu.memory_space<vmem>> -> memref<128xf32, #tpu.memory_space<vmem>>
    %dma_start3A_532 = arith.constant 0 : i32
    %dma_start3A_533 = tpu.memref_slice %arg37[%dma_start3A_532] : memref<512xi32, #tpu.memory_space<vmem>> -> memref<128xi32, #tpu.memory_space<vmem>>
    %dma_start3A_534 = arith.constant 0 : i32
    %dma_start3A_535 = tpu.memref_slice %arg15[%dma_start3A_534] : memref<1000000xf32, #tpu.memory_space<hbm>> -> memref<1000000xf32, #tpu.memory_space<hbm>>
    tpu.enqueue_indirect_dma source(%dma_start3A_535 : memref<1000000xf32, #tpu.memory_space<hbm>>) target(%dma_start3A_531 : memref<128xf32, #tpu.memory_space<vmem>>) offsets(%dma_start3A_533 : memref<128xi32, #tpu.memory_space<vmem>>) semaphore(%arg42 : memref<!tpu.dma_semaphore, #tpu.memory_space<semaphore_mem>>)
    %dma_start3A_536 = arith.constant 5632 : i32
    %dma_start3A_537 = tpu.memref_slice %arg40[%dma_start3A_536] : memref<8192xf32, #tpu.memory_space<vmem>> -> memref<128xf32, #tpu.memory_space<vmem>>
    %dma_start3A_538 = arith.constant 0 : i32
    %dma_start3A_539 = tpu.memref_slice %arg38[%dma_start3A_538] : memref<512xi32, #tpu.memory_space<vmem>> -> memref<128xi32, #tpu.memory_space<vmem>>
    %dma_start3A_540 = arith.constant 0 : i32
    %dma_start3A_541 = tpu.memref_slice %arg31[%dma_start3A_540] : memref<1000000xf32, #tpu.memory_space<hbm>> -> memref<1000000xf32, #tpu.memory_space<hbm>>
    tpu.enqueue_indirect_dma source(%dma_start3A_541 : memref<1000000xf32, #tpu.memory_space<hbm>>) target(%dma_start3A_537 : memref<128xf32, #tpu.memory_space<vmem>>) offsets(%dma_start3A_539 : memref<128xi32, #tpu.memory_space<vmem>>) semaphore(%arg42 : memref<!tpu.dma_semaphore, #tpu.memory_space<semaphore_mem>>)
    %dma_start3A_542 = arith.constant 5760 : i32
    %dma_start3A_543 = tpu.memref_slice %arg39[%dma_start3A_542] : memref<8192xf32, #tpu.memory_space<vmem>> -> memref<128xf32, #tpu.memory_space<vmem>>
    %dma_start3A_544 = arith.constant 128 : i32
    %dma_start3A_545 = tpu.memref_slice %arg37[%dma_start3A_544] : memref<512xi32, #tpu.memory_space<vmem>> -> memref<128xi32, #tpu.memory_space<vmem>>
    %dma_start3A_546 = arith.constant 0 : i32
    %dma_start3A_547 = tpu.memref_slice %arg15[%dma_start3A_546] : memref<1000000xf32, #tpu.memory_space<hbm>> -> memref<1000000xf32, #tpu.memory_space<hbm>>
    tpu.enqueue_indirect_dma source(%dma_start3A_547 : memref<1000000xf32, #tpu.memory_space<hbm>>) target(%dma_start3A_543 : memref<128xf32, #tpu.memory_space<vmem>>) offsets(%dma_start3A_545 : memref<128xi32, #tpu.memory_space<vmem>>) semaphore(%arg42 : memref<!tpu.dma_semaphore, #tpu.memory_space<semaphore_mem>>)
    %dma_start3A_548 = arith.constant 5760 : i32
    %dma_start3A_549 = tpu.memref_slice %arg40[%dma_start3A_548] : memref<8192xf32, #tpu.memory_space<vmem>> -> memref<128xf32, #tpu.memory_space<vmem>>
    %dma_start3A_550 = arith.constant 128 : i32
    %dma_start3A_551 = tpu.memref_slice %arg38[%dma_start3A_550] : memref<512xi32, #tpu.memory_space<vmem>> -> memref<128xi32, #tpu.memory_space<vmem>>
    %dma_start3A_552 = arith.constant 0 : i32
    %dma_start3A_553 = tpu.memref_slice %arg31[%dma_start3A_552] : memref<1000000xf32, #tpu.memory_space<hbm>> -> memref<1000000xf32, #tpu.memory_space<hbm>>
    tpu.enqueue_indirect_dma source(%dma_start3A_553 : memref<1000000xf32, #tpu.memory_space<hbm>>) target(%dma_start3A_549 : memref<128xf32, #tpu.memory_space<vmem>>) offsets(%dma_start3A_551 : memref<128xi32, #tpu.memory_space<vmem>>) semaphore(%arg42 : memref<!tpu.dma_semaphore, #tpu.memory_space<semaphore_mem>>)
    %dma_start3A_554 = arith.constant 5888 : i32
    %dma_start3A_555 = tpu.memref_slice %arg39[%dma_start3A_554] : memref<8192xf32, #tpu.memory_space<vmem>> -> memref<128xf32, #tpu.memory_space<vmem>>
    %dma_start3A_556 = arith.constant 256 : i32
    %dma_start3A_557 = tpu.memref_slice %arg37[%dma_start3A_556] : memref<512xi32, #tpu.memory_space<vmem>> -> memref<128xi32, #tpu.memory_space<vmem>>
    %dma_start3A_558 = arith.constant 0 : i32
    %dma_start3A_559 = tpu.memref_slice %arg15[%dma_start3A_558] : memref<1000000xf32, #tpu.memory_space<hbm>> -> memref<1000000xf32, #tpu.memory_space<hbm>>
    tpu.enqueue_indirect_dma source(%dma_start3A_559 : memref<1000000xf32, #tpu.memory_space<hbm>>) target(%dma_start3A_555 : memref<128xf32, #tpu.memory_space<vmem>>) offsets(%dma_start3A_557 : memref<128xi32, #tpu.memory_space<vmem>>) semaphore(%arg42 : memref<!tpu.dma_semaphore, #tpu.memory_space<semaphore_mem>>)
    %dma_start3A_560 = arith.constant 5888 : i32
    %dma_start3A_561 = tpu.memref_slice %arg40[%dma_start3A_560] : memref<8192xf32, #tpu.memory_space<vmem>> -> memref<128xf32, #tpu.memory_space<vmem>>
    %dma_start3A_562 = arith.constant 256 : i32
    %dma_start3A_563 = tpu.memref_slice %arg38[%dma_start3A_562] : memref<512xi32, #tpu.memory_space<vmem>> -> memref<128xi32, #tpu.memory_space<vmem>>
    %dma_start3A_564 = arith.constant 0 : i32
    %dma_start3A_565 = tpu.memref_slice %arg31[%dma_start3A_564] : memref<1000000xf32, #tpu.memory_space<hbm>> -> memref<1000000xf32, #tpu.memory_space<hbm>>
    tpu.enqueue_indirect_dma source(%dma_start3A_565 : memref<1000000xf32, #tpu.memory_space<hbm>>) target(%dma_start3A_561 : memref<128xf32, #tpu.memory_space<vmem>>) offsets(%dma_start3A_563 : memref<128xi32, #tpu.memory_space<vmem>>) semaphore(%arg42 : memref<!tpu.dma_semaphore, #tpu.memory_space<semaphore_mem>>)
    %dma_start3A_566 = arith.constant 6016 : i32
    %dma_start3A_567 = tpu.memref_slice %arg39[%dma_start3A_566] : memref<8192xf32, #tpu.memory_space<vmem>> -> memref<128xf32, #tpu.memory_space<vmem>>
    %dma_start3A_568 = arith.constant 384 : i32
    %dma_start3A_569 = tpu.memref_slice %arg37[%dma_start3A_568] : memref<512xi32, #tpu.memory_space<vmem>> -> memref<128xi32, #tpu.memory_space<vmem>>
    %dma_start3A_570 = arith.constant 0 : i32
    %dma_start3A_571 = tpu.memref_slice %arg15[%dma_start3A_570] : memref<1000000xf32, #tpu.memory_space<hbm>> -> memref<1000000xf32, #tpu.memory_space<hbm>>
    tpu.enqueue_indirect_dma source(%dma_start3A_571 : memref<1000000xf32, #tpu.memory_space<hbm>>) target(%dma_start3A_567 : memref<128xf32, #tpu.memory_space<vmem>>) offsets(%dma_start3A_569 : memref<128xi32, #tpu.memory_space<vmem>>) semaphore(%arg42 : memref<!tpu.dma_semaphore, #tpu.memory_space<semaphore_mem>>)
    %dma_start3A_572 = arith.constant 6016 : i32
    %dma_start3A_573 = tpu.memref_slice %arg40[%dma_start3A_572] : memref<8192xf32, #tpu.memory_space<vmem>> -> memref<128xf32, #tpu.memory_space<vmem>>
    %dma_start3A_574 = arith.constant 384 : i32
    %dma_start3A_575 = tpu.memref_slice %arg38[%dma_start3A_574] : memref<512xi32, #tpu.memory_space<vmem>> -> memref<128xi32, #tpu.memory_space<vmem>>
    %dma_start3A_576 = arith.constant 0 : i32
    %dma_start3A_577 = tpu.memref_slice %arg31[%dma_start3A_576] : memref<1000000xf32, #tpu.memory_space<hbm>> -> memref<1000000xf32, #tpu.memory_space<hbm>>
    tpu.enqueue_indirect_dma source(%dma_start3A_577 : memref<1000000xf32, #tpu.memory_space<hbm>>) target(%dma_start3A_573 : memref<128xf32, #tpu.memory_space<vmem>>) offsets(%dma_start3A_575 : memref<128xi32, #tpu.memory_space<vmem>>) semaphore(%arg42 : memref<!tpu.dma_semaphore, #tpu.memory_space<semaphore_mem>>)
    %dma_start3A_578 = arith.constant 6144 : i32
    %dma_start3A_579 = tpu.memref_slice %arg39[%dma_start3A_578] : memref<8192xf32, #tpu.memory_space<vmem>> -> memref<128xf32, #tpu.memory_space<vmem>>
    %dma_start3A_580 = arith.constant 0 : i32
    %dma_start3A_581 = tpu.memref_slice %arg37[%dma_start3A_580] : memref<512xi32, #tpu.memory_space<vmem>> -> memref<128xi32, #tpu.memory_space<vmem>>
    %dma_start3A_582 = arith.constant 0 : i32
    %dma_start3A_583 = tpu.memref_slice %arg16[%dma_start3A_582] : memref<1000000xf32, #tpu.memory_space<hbm>> -> memref<1000000xf32, #tpu.memory_space<hbm>>
    tpu.enqueue_indirect_dma source(%dma_start3A_583 : memref<1000000xf32, #tpu.memory_space<hbm>>) target(%dma_start3A_579 : memref<128xf32, #tpu.memory_space<vmem>>) offsets(%dma_start3A_581 : memref<128xi32, #tpu.memory_space<vmem>>) semaphore(%arg42 : memref<!tpu.dma_semaphore, #tpu.memory_space<semaphore_mem>>)
    %dma_start3A_584 = arith.constant 6144 : i32
    %dma_start3A_585 = tpu.memref_slice %arg40[%dma_start3A_584] : memref<8192xf32, #tpu.memory_space<vmem>> -> memref<128xf32, #tpu.memory_space<vmem>>
    %dma_start3A_586 = arith.constant 0 : i32
    %dma_start3A_587 = tpu.memref_slice %arg38[%dma_start3A_586] : memref<512xi32, #tpu.memory_space<vmem>> -> memref<128xi32, #tpu.memory_space<vmem>>
    %dma_start3A_588 = arith.constant 0 : i32
    %dma_start3A_589 = tpu.memref_slice %arg32[%dma_start3A_588] : memref<1000000xf32, #tpu.memory_space<hbm>> -> memref<1000000xf32, #tpu.memory_space<hbm>>
    tpu.enqueue_indirect_dma source(%dma_start3A_589 : memref<1000000xf32, #tpu.memory_space<hbm>>) target(%dma_start3A_585 : memref<128xf32, #tpu.memory_space<vmem>>) offsets(%dma_start3A_587 : memref<128xi32, #tpu.memory_space<vmem>>) semaphore(%arg42 : memref<!tpu.dma_semaphore, #tpu.memory_space<semaphore_mem>>)
    %dma_start3A_590 = arith.constant 6272 : i32
    %dma_start3A_591 = tpu.memref_slice %arg39[%dma_start3A_590] : memref<8192xf32, #tpu.memory_space<vmem>> -> memref<128xf32, #tpu.memory_space<vmem>>
    %dma_start3A_592 = arith.constant 128 : i32
    %dma_start3A_593 = tpu.memref_slice %arg37[%dma_start3A_592] : memref<512xi32, #tpu.memory_space<vmem>> -> memref<128xi32, #tpu.memory_space<vmem>>
    %dma_start3A_594 = arith.constant 0 : i32
    %dma_start3A_595 = tpu.memref_slice %arg16[%dma_start3A_594] : memref<1000000xf32, #tpu.memory_space<hbm>> -> memref<1000000xf32, #tpu.memory_space<hbm>>
    tpu.enqueue_indirect_dma source(%dma_start3A_595 : memref<1000000xf32, #tpu.memory_space<hbm>>) target(%dma_start3A_591 : memref<128xf32, #tpu.memory_space<vmem>>) offsets(%dma_start3A_593 : memref<128xi32, #tpu.memory_space<vmem>>) semaphore(%arg42 : memref<!tpu.dma_semaphore, #tpu.memory_space<semaphore_mem>>)
    %dma_start3A_596 = arith.constant 6272 : i32
    %dma_start3A_597 = tpu.memref_slice %arg40[%dma_start3A_596] : memref<8192xf32, #tpu.memory_space<vmem>> -> memref<128xf32, #tpu.memory_space<vmem>>
    %dma_start3A_598 = arith.constant 128 : i32
    %dma_start3A_599 = tpu.memref_slice %arg38[%dma_start3A_598] : memref<512xi32, #tpu.memory_space<vmem>> -> memref<128xi32, #tpu.memory_space<vmem>>
    %dma_start3A_600 = arith.constant 0 : i32
    %dma_start3A_601 = tpu.memref_slice %arg32[%dma_start3A_600] : memref<1000000xf32, #tpu.memory_space<hbm>> -> memref<1000000xf32, #tpu.memory_space<hbm>>
    tpu.enqueue_indirect_dma source(%dma_start3A_601 : memref<1000000xf32, #tpu.memory_space<hbm>>) target(%dma_start3A_597 : memref<128xf32, #tpu.memory_space<vmem>>) offsets(%dma_start3A_599 : memref<128xi32, #tpu.memory_space<vmem>>) semaphore(%arg42 : memref<!tpu.dma_semaphore, #tpu.memory_space<semaphore_mem>>)
    %dma_start3A_602 = arith.constant 6400 : i32
    %dma_start3A_603 = tpu.memref_slice %arg39[%dma_start3A_602] : memref<8192xf32, #tpu.memory_space<vmem>> -> memref<128xf32, #tpu.memory_space<vmem>>
    %dma_start3A_604 = arith.constant 256 : i32
    %dma_start3A_605 = tpu.memref_slice %arg37[%dma_start3A_604] : memref<512xi32, #tpu.memory_space<vmem>> -> memref<128xi32, #tpu.memory_space<vmem>>
    %dma_start3A_606 = arith.constant 0 : i32
    %dma_start3A_607 = tpu.memref_slice %arg16[%dma_start3A_606] : memref<1000000xf32, #tpu.memory_space<hbm>> -> memref<1000000xf32, #tpu.memory_space<hbm>>
    tpu.enqueue_indirect_dma source(%dma_start3A_607 : memref<1000000xf32, #tpu.memory_space<hbm>>) target(%dma_start3A_603 : memref<128xf32, #tpu.memory_space<vmem>>) offsets(%dma_start3A_605 : memref<128xi32, #tpu.memory_space<vmem>>) semaphore(%arg42 : memref<!tpu.dma_semaphore, #tpu.memory_space<semaphore_mem>>)
    %dma_start3A_608 = arith.constant 6400 : i32
    %dma_start3A_609 = tpu.memref_slice %arg40[%dma_start3A_608] : memref<8192xf32, #tpu.memory_space<vmem>> -> memref<128xf32, #tpu.memory_space<vmem>>
    %dma_start3A_610 = arith.constant 256 : i32
    %dma_start3A_611 = tpu.memref_slice %arg38[%dma_start3A_610] : memref<512xi32, #tpu.memory_space<vmem>> -> memref<128xi32, #tpu.memory_space<vmem>>
    %dma_start3A_612 = arith.constant 0 : i32
    %dma_start3A_613 = tpu.memref_slice %arg32[%dma_start3A_612] : memref<1000000xf32, #tpu.memory_space<hbm>> -> memref<1000000xf32, #tpu.memory_space<hbm>>
    tpu.enqueue_indirect_dma source(%dma_start3A_613 : memref<1000000xf32, #tpu.memory_space<hbm>>) target(%dma_start3A_609 : memref<128xf32, #tpu.memory_space<vmem>>) offsets(%dma_start3A_611 : memref<128xi32, #tpu.memory_space<vmem>>) semaphore(%arg42 : memref<!tpu.dma_semaphore, #tpu.memory_space<semaphore_mem>>)
    %dma_start3A_614 = arith.constant 6528 : i32
    %dma_start3A_615 = tpu.memref_slice %arg39[%dma_start3A_614] : memref<8192xf32, #tpu.memory_space<vmem>> -> memref<128xf32, #tpu.memory_space<vmem>>
    %dma_start3A_616 = arith.constant 384 : i32
    %dma_start3A_617 = tpu.memref_slice %arg37[%dma_start3A_616] : memref<512xi32, #tpu.memory_space<vmem>> -> memref<128xi32, #tpu.memory_space<vmem>>
    %dma_start3A_618 = arith.constant 0 : i32
    %dma_start3A_619 = tpu.memref_slice %arg16[%dma_start3A_618] : memref<1000000xf32, #tpu.memory_space<hbm>> -> memref<1000000xf32, #tpu.memory_space<hbm>>
    tpu.enqueue_indirect_dma source(%dma_start3A_619 : memref<1000000xf32, #tpu.memory_space<hbm>>) target(%dma_start3A_615 : memref<128xf32, #tpu.memory_space<vmem>>) offsets(%dma_start3A_617 : memref<128xi32, #tpu.memory_space<vmem>>) semaphore(%arg42 : memref<!tpu.dma_semaphore, #tpu.memory_space<semaphore_mem>>)
    %dma_start3A_620 = arith.constant 6528 : i32
    %dma_start3A_621 = tpu.memref_slice %arg40[%dma_start3A_620] : memref<8192xf32, #tpu.memory_space<vmem>> -> memref<128xf32, #tpu.memory_space<vmem>>
    %dma_start3A_622 = arith.constant 384 : i32
    %dma_start3A_623 = tpu.memref_slice %arg38[%dma_start3A_622] : memref<512xi32, #tpu.memory_space<vmem>> -> memref<128xi32, #tpu.memory_space<vmem>>
    %dma_start3A_624 = arith.constant 0 : i32
    %dma_start3A_625 = tpu.memref_slice %arg32[%dma_start3A_624] : memref<1000000xf32, #tpu.memory_space<hbm>> -> memref<1000000xf32, #tpu.memory_space<hbm>>
    tpu.enqueue_indirect_dma source(%dma_start3A_625 : memref<1000000xf32, #tpu.memory_space<hbm>>) target(%dma_start3A_621 : memref<128xf32, #tpu.memory_space<vmem>>) offsets(%dma_start3A_623 : memref<128xi32, #tpu.memory_space<vmem>>) semaphore(%arg42 : memref<!tpu.dma_semaphore, #tpu.memory_space<semaphore_mem>>)
    %dma_start3A_626 = arith.constant 6656 : i32
    %dma_start3A_627 = tpu.memref_slice %arg39[%dma_start3A_626] : memref<8192xf32, #tpu.memory_space<vmem>> -> memref<128xf32, #tpu.memory_space<vmem>>
    %dma_start3A_628 = arith.constant 0 : i32
    %dma_start3A_629 = tpu.memref_slice %arg37[%dma_start3A_628] : memref<512xi32, #tpu.memory_space<vmem>> -> memref<128xi32, #tpu.memory_space<vmem>>
    %dma_start3A_630 = arith.constant 0 : i32
    %dma_start3A_631 = tpu.memref_slice %arg17[%dma_start3A_630] : memref<1000000xf32, #tpu.memory_space<hbm>> -> memref<1000000xf32, #tpu.memory_space<hbm>>
    tpu.enqueue_indirect_dma source(%dma_start3A_631 : memref<1000000xf32, #tpu.memory_space<hbm>>) target(%dma_start3A_627 : memref<128xf32, #tpu.memory_space<vmem>>) offsets(%dma_start3A_629 : memref<128xi32, #tpu.memory_space<vmem>>) semaphore(%arg42 : memref<!tpu.dma_semaphore, #tpu.memory_space<semaphore_mem>>)
    %dma_start3A_632 = arith.constant 6656 : i32
    %dma_start3A_633 = tpu.memref_slice %arg40[%dma_start3A_632] : memref<8192xf32, #tpu.memory_space<vmem>> -> memref<128xf32, #tpu.memory_space<vmem>>
    %dma_start3A_634 = arith.constant 0 : i32
    %dma_start3A_635 = tpu.memref_slice %arg38[%dma_start3A_634] : memref<512xi32, #tpu.memory_space<vmem>> -> memref<128xi32, #tpu.memory_space<vmem>>
    %dma_start3A_636 = arith.constant 0 : i32
    %dma_start3A_637 = tpu.memref_slice %arg33[%dma_start3A_636] : memref<1000000xf32, #tpu.memory_space<hbm>> -> memref<1000000xf32, #tpu.memory_space<hbm>>
    tpu.enqueue_indirect_dma source(%dma_start3A_637 : memref<1000000xf32, #tpu.memory_space<hbm>>) target(%dma_start3A_633 : memref<128xf32, #tpu.memory_space<vmem>>) offsets(%dma_start3A_635 : memref<128xi32, #tpu.memory_space<vmem>>) semaphore(%arg42 : memref<!tpu.dma_semaphore, #tpu.memory_space<semaphore_mem>>)
    %dma_start3A_638 = arith.constant 6784 : i32
    %dma_start3A_639 = tpu.memref_slice %arg39[%dma_start3A_638] : memref<8192xf32, #tpu.memory_space<vmem>> -> memref<128xf32, #tpu.memory_space<vmem>>
    %dma_start3A_640 = arith.constant 128 : i32
    %dma_start3A_641 = tpu.memref_slice %arg37[%dma_start3A_640] : memref<512xi32, #tpu.memory_space<vmem>> -> memref<128xi32, #tpu.memory_space<vmem>>
    %dma_start3A_642 = arith.constant 0 : i32
    %dma_start3A_643 = tpu.memref_slice %arg17[%dma_start3A_642] : memref<1000000xf32, #tpu.memory_space<hbm>> -> memref<1000000xf32, #tpu.memory_space<hbm>>
    tpu.enqueue_indirect_dma source(%dma_start3A_643 : memref<1000000xf32, #tpu.memory_space<hbm>>) target(%dma_start3A_639 : memref<128xf32, #tpu.memory_space<vmem>>) offsets(%dma_start3A_641 : memref<128xi32, #tpu.memory_space<vmem>>) semaphore(%arg42 : memref<!tpu.dma_semaphore, #tpu.memory_space<semaphore_mem>>)
    %dma_start3A_644 = arith.constant 6784 : i32
    %dma_start3A_645 = tpu.memref_slice %arg40[%dma_start3A_644] : memref<8192xf32, #tpu.memory_space<vmem>> -> memref<128xf32, #tpu.memory_space<vmem>>
    %dma_start3A_646 = arith.constant 128 : i32
    %dma_start3A_647 = tpu.memref_slice %arg38[%dma_start3A_646] : memref<512xi32, #tpu.memory_space<vmem>> -> memref<128xi32, #tpu.memory_space<vmem>>
    %dma_start3A_648 = arith.constant 0 : i32
    %dma_start3A_649 = tpu.memref_slice %arg33[%dma_start3A_648] : memref<1000000xf32, #tpu.memory_space<hbm>> -> memref<1000000xf32, #tpu.memory_space<hbm>>
    tpu.enqueue_indirect_dma source(%dma_start3A_649 : memref<1000000xf32, #tpu.memory_space<hbm>>) target(%dma_start3A_645 : memref<128xf32, #tpu.memory_space<vmem>>) offsets(%dma_start3A_647 : memref<128xi32, #tpu.memory_space<vmem>>) semaphore(%arg42 : memref<!tpu.dma_semaphore, #tpu.memory_space<semaphore_mem>>)
    %dma_start3A_650 = arith.constant 6912 : i32
    %dma_start3A_651 = tpu.memref_slice %arg39[%dma_start3A_650] : memref<8192xf32, #tpu.memory_space<vmem>> -> memref<128xf32, #tpu.memory_space<vmem>>
    %dma_start3A_652 = arith.constant 256 : i32
    %dma_start3A_653 = tpu.memref_slice %arg37[%dma_start3A_652] : memref<512xi32, #tpu.memory_space<vmem>> -> memref<128xi32, #tpu.memory_space<vmem>>
    %dma_start3A_654 = arith.constant 0 : i32
    %dma_start3A_655 = tpu.memref_slice %arg17[%dma_start3A_654] : memref<1000000xf32, #tpu.memory_space<hbm>> -> memref<1000000xf32, #tpu.memory_space<hbm>>
    tpu.enqueue_indirect_dma source(%dma_start3A_655 : memref<1000000xf32, #tpu.memory_space<hbm>>) target(%dma_start3A_651 : memref<128xf32, #tpu.memory_space<vmem>>) offsets(%dma_start3A_653 : memref<128xi32, #tpu.memory_space<vmem>>) semaphore(%arg42 : memref<!tpu.dma_semaphore, #tpu.memory_space<semaphore_mem>>)
    %dma_start3A_656 = arith.constant 6912 : i32
    %dma_start3A_657 = tpu.memref_slice %arg40[%dma_start3A_656] : memref<8192xf32, #tpu.memory_space<vmem>> -> memref<128xf32, #tpu.memory_space<vmem>>
    %dma_start3A_658 = arith.constant 256 : i32
    %dma_start3A_659 = tpu.memref_slice %arg38[%dma_start3A_658] : memref<512xi32, #tpu.memory_space<vmem>> -> memref<128xi32, #tpu.memory_space<vmem>>
    %dma_start3A_660 = arith.constant 0 : i32
    %dma_start3A_661 = tpu.memref_slice %arg33[%dma_start3A_660] : memref<1000000xf32, #tpu.memory_space<hbm>> -> memref<1000000xf32, #tpu.memory_space<hbm>>
    tpu.enqueue_indirect_dma source(%dma_start3A_661 : memref<1000000xf32, #tpu.memory_space<hbm>>) target(%dma_start3A_657 : memref<128xf32, #tpu.memory_space<vmem>>) offsets(%dma_start3A_659 : memref<128xi32, #tpu.memory_space<vmem>>) semaphore(%arg42 : memref<!tpu.dma_semaphore, #tpu.memory_space<semaphore_mem>>)
    %dma_start3A_662 = arith.constant 7040 : i32
    %dma_start3A_663 = tpu.memref_slice %arg39[%dma_start3A_662] : memref<8192xf32, #tpu.memory_space<vmem>> -> memref<128xf32, #tpu.memory_space<vmem>>
    %dma_start3A_664 = arith.constant 384 : i32
    %dma_start3A_665 = tpu.memref_slice %arg37[%dma_start3A_664] : memref<512xi32, #tpu.memory_space<vmem>> -> memref<128xi32, #tpu.memory_space<vmem>>
    %dma_start3A_666 = arith.constant 0 : i32
    %dma_start3A_667 = tpu.memref_slice %arg17[%dma_start3A_666] : memref<1000000xf32, #tpu.memory_space<hbm>> -> memref<1000000xf32, #tpu.memory_space<hbm>>
    tpu.enqueue_indirect_dma source(%dma_start3A_667 : memref<1000000xf32, #tpu.memory_space<hbm>>) target(%dma_start3A_663 : memref<128xf32, #tpu.memory_space<vmem>>) offsets(%dma_start3A_665 : memref<128xi32, #tpu.memory_space<vmem>>) semaphore(%arg42 : memref<!tpu.dma_semaphore, #tpu.memory_space<semaphore_mem>>)
    %dma_start3A_668 = arith.constant 7040 : i32
    %dma_start3A_669 = tpu.memref_slice %arg40[%dma_start3A_668] : memref<8192xf32, #tpu.memory_space<vmem>> -> memref<128xf32, #tpu.memory_space<vmem>>
    %dma_start3A_670 = arith.constant 384 : i32
    %dma_start3A_671 = tpu.memref_slice %arg38[%dma_start3A_670] : memref<512xi32, #tpu.memory_space<vmem>> -> memref<128xi32, #tpu.memory_space<vmem>>
    %dma_start3A_672 = arith.constant 0 : i32
    %dma_start3A_673 = tpu.memref_slice %arg33[%dma_start3A_672] : memref<1000000xf32, #tpu.memory_space<hbm>> -> memref<1000000xf32, #tpu.memory_space<hbm>>
    tpu.enqueue_indirect_dma source(%dma_start3A_673 : memref<1000000xf32, #tpu.memory_space<hbm>>) target(%dma_start3A_669 : memref<128xf32, #tpu.memory_space<vmem>>) offsets(%dma_start3A_671 : memref<128xi32, #tpu.memory_space<vmem>>) semaphore(%arg42 : memref<!tpu.dma_semaphore, #tpu.memory_space<semaphore_mem>>)
    %dma_start3A_674 = arith.constant 7168 : i32
    %dma_start3A_675 = tpu.memref_slice %arg39[%dma_start3A_674] : memref<8192xf32, #tpu.memory_space<vmem>> -> memref<128xf32, #tpu.memory_space<vmem>>
    %dma_start3A_676 = arith.constant 0 : i32
    %dma_start3A_677 = tpu.memref_slice %arg37[%dma_start3A_676] : memref<512xi32, #tpu.memory_space<vmem>> -> memref<128xi32, #tpu.memory_space<vmem>>
    %dma_start3A_678 = arith.constant 0 : i32
    %dma_start3A_679 = tpu.memref_slice %arg18[%dma_start3A_678] : memref<1000000xf32, #tpu.memory_space<hbm>> -> memref<1000000xf32, #tpu.memory_space<hbm>>
    tpu.enqueue_indirect_dma source(%dma_start3A_679 : memref<1000000xf32, #tpu.memory_space<hbm>>) target(%dma_start3A_675 : memref<128xf32, #tpu.memory_space<vmem>>) offsets(%dma_start3A_677 : memref<128xi32, #tpu.memory_space<vmem>>) semaphore(%arg42 : memref<!tpu.dma_semaphore, #tpu.memory_space<semaphore_mem>>)
    %dma_start3A_680 = arith.constant 7168 : i32
    %dma_start3A_681 = tpu.memref_slice %arg40[%dma_start3A_680] : memref<8192xf32, #tpu.memory_space<vmem>> -> memref<128xf32, #tpu.memory_space<vmem>>
    %dma_start3A_682 = arith.constant 0 : i32
    %dma_start3A_683 = tpu.memref_slice %arg38[%dma_start3A_682] : memref<512xi32, #tpu.memory_space<vmem>> -> memref<128xi32, #tpu.memory_space<vmem>>
    %dma_start3A_684 = arith.constant 0 : i32
    %dma_start3A_685 = tpu.memref_slice %arg34[%dma_start3A_684] : memref<1000000xf32, #tpu.memory_space<hbm>> -> memref<1000000xf32, #tpu.memory_space<hbm>>
    tpu.enqueue_indirect_dma source(%dma_start3A_685 : memref<1000000xf32, #tpu.memory_space<hbm>>) target(%dma_start3A_681 : memref<128xf32, #tpu.memory_space<vmem>>) offsets(%dma_start3A_683 : memref<128xi32, #tpu.memory_space<vmem>>) semaphore(%arg42 : memref<!tpu.dma_semaphore, #tpu.memory_space<semaphore_mem>>)
    %dma_start3A_686 = arith.constant 7296 : i32
    %dma_start3A_687 = tpu.memref_slice %arg39[%dma_start3A_686] : memref<8192xf32, #tpu.memory_space<vmem>> -> memref<128xf32, #tpu.memory_space<vmem>>
    %dma_start3A_688 = arith.constant 128 : i32
    %dma_start3A_689 = tpu.memref_slice %arg37[%dma_start3A_688] : memref<512xi32, #tpu.memory_space<vmem>> -> memref<128xi32, #tpu.memory_space<vmem>>
    %dma_start3A_690 = arith.constant 0 : i32
    %dma_start3A_691 = tpu.memref_slice %arg18[%dma_start3A_690] : memref<1000000xf32, #tpu.memory_space<hbm>> -> memref<1000000xf32, #tpu.memory_space<hbm>>
    tpu.enqueue_indirect_dma source(%dma_start3A_691 : memref<1000000xf32, #tpu.memory_space<hbm>>) target(%dma_start3A_687 : memref<128xf32, #tpu.memory_space<vmem>>) offsets(%dma_start3A_689 : memref<128xi32, #tpu.memory_space<vmem>>) semaphore(%arg42 : memref<!tpu.dma_semaphore, #tpu.memory_space<semaphore_mem>>)
    %dma_start3A_692 = arith.constant 7296 : i32
    %dma_start3A_693 = tpu.memref_slice %arg40[%dma_start3A_692] : memref<8192xf32, #tpu.memory_space<vmem>> -> memref<128xf32, #tpu.memory_space<vmem>>
    %dma_start3A_694 = arith.constant 128 : i32
    %dma_start3A_695 = tpu.memref_slice %arg38[%dma_start3A_694] : memref<512xi32, #tpu.memory_space<vmem>> -> memref<128xi32, #tpu.memory_space<vmem>>
    %dma_start3A_696 = arith.constant 0 : i32
    %dma_start3A_697 = tpu.memref_slice %arg34[%dma_start3A_696] : memref<1000000xf32, #tpu.memory_space<hbm>> -> memref<1000000xf32, #tpu.memory_space<hbm>>
    tpu.enqueue_indirect_dma source(%dma_start3A_697 : memref<1000000xf32, #tpu.memory_space<hbm>>) target(%dma_start3A_693 : memref<128xf32, #tpu.memory_space<vmem>>) offsets(%dma_start3A_695 : memref<128xi32, #tpu.memory_space<vmem>>) semaphore(%arg42 : memref<!tpu.dma_semaphore, #tpu.memory_space<semaphore_mem>>)
    %dma_start3A_698 = arith.constant 7424 : i32
    %dma_start3A_699 = tpu.memref_slice %arg39[%dma_start3A_698] : memref<8192xf32, #tpu.memory_space<vmem>> -> memref<128xf32, #tpu.memory_space<vmem>>
    %dma_start3A_700 = arith.constant 256 : i32
    %dma_start3A_701 = tpu.memref_slice %arg37[%dma_start3A_700] : memref<512xi32, #tpu.memory_space<vmem>> -> memref<128xi32, #tpu.memory_space<vmem>>
    %dma_start3A_702 = arith.constant 0 : i32
    %dma_start3A_703 = tpu.memref_slice %arg18[%dma_start3A_702] : memref<1000000xf32, #tpu.memory_space<hbm>> -> memref<1000000xf32, #tpu.memory_space<hbm>>
    tpu.enqueue_indirect_dma source(%dma_start3A_703 : memref<1000000xf32, #tpu.memory_space<hbm>>) target(%dma_start3A_699 : memref<128xf32, #tpu.memory_space<vmem>>) offsets(%dma_start3A_701 : memref<128xi32, #tpu.memory_space<vmem>>) semaphore(%arg42 : memref<!tpu.dma_semaphore, #tpu.memory_space<semaphore_mem>>)
    %dma_start3A_704 = arith.constant 7424 : i32
    %dma_start3A_705 = tpu.memref_slice %arg40[%dma_start3A_704] : memref<8192xf32, #tpu.memory_space<vmem>> -> memref<128xf32, #tpu.memory_space<vmem>>
    %dma_start3A_706 = arith.constant 256 : i32
    %dma_start3A_707 = tpu.memref_slice %arg38[%dma_start3A_706] : memref<512xi32, #tpu.memory_space<vmem>> -> memref<128xi32, #tpu.memory_space<vmem>>
    %dma_start3A_708 = arith.constant 0 : i32
    %dma_start3A_709 = tpu.memref_slice %arg34[%dma_start3A_708] : memref<1000000xf32, #tpu.memory_space<hbm>> -> memref<1000000xf32, #tpu.memory_space<hbm>>
    tpu.enqueue_indirect_dma source(%dma_start3A_709 : memref<1000000xf32, #tpu.memory_space<hbm>>) target(%dma_start3A_705 : memref<128xf32, #tpu.memory_space<vmem>>) offsets(%dma_start3A_707 : memref<128xi32, #tpu.memory_space<vmem>>) semaphore(%arg42 : memref<!tpu.dma_semaphore, #tpu.memory_space<semaphore_mem>>)
    %dma_start3A_710 = arith.constant 7552 : i32
    %dma_start3A_711 = tpu.memref_slice %arg39[%dma_start3A_710] : memref<8192xf32, #tpu.memory_space<vmem>> -> memref<128xf32, #tpu.memory_space<vmem>>
    %dma_start3A_712 = arith.constant 384 : i32
    %dma_start3A_713 = tpu.memref_slice %arg37[%dma_start3A_712] : memref<512xi32, #tpu.memory_space<vmem>> -> memref<128xi32, #tpu.memory_space<vmem>>
    %dma_start3A_714 = arith.constant 0 : i32
    %dma_start3A_715 = tpu.memref_slice %arg18[%dma_start3A_714] : memref<1000000xf32, #tpu.memory_space<hbm>> -> memref<1000000xf32, #tpu.memory_space<hbm>>
    tpu.enqueue_indirect_dma source(%dma_start3A_715 : memref<1000000xf32, #tpu.memory_space<hbm>>) target(%dma_start3A_711 : memref<128xf32, #tpu.memory_space<vmem>>) offsets(%dma_start3A_713 : memref<128xi32, #tpu.memory_space<vmem>>) semaphore(%arg42 : memref<!tpu.dma_semaphore, #tpu.memory_space<semaphore_mem>>)
    %dma_start3A_716 = arith.constant 7552 : i32
    %dma_start3A_717 = tpu.memref_slice %arg40[%dma_start3A_716] : memref<8192xf32, #tpu.memory_space<vmem>> -> memref<128xf32, #tpu.memory_space<vmem>>
    %dma_start3A_718 = arith.constant 384 : i32
    %dma_start3A_719 = tpu.memref_slice %arg38[%dma_start3A_718] : memref<512xi32, #tpu.memory_space<vmem>> -> memref<128xi32, #tpu.memory_space<vmem>>
    %dma_start3A_720 = arith.constant 0 : i32
    %dma_start3A_721 = tpu.memref_slice %arg34[%dma_start3A_720] : memref<1000000xf32, #tpu.memory_space<hbm>> -> memref<1000000xf32, #tpu.memory_space<hbm>>
    tpu.enqueue_indirect_dma source(%dma_start3A_721 : memref<1000000xf32, #tpu.memory_space<hbm>>) target(%dma_start3A_717 : memref<128xf32, #tpu.memory_space<vmem>>) offsets(%dma_start3A_719 : memref<128xi32, #tpu.memory_space<vmem>>) semaphore(%arg42 : memref<!tpu.dma_semaphore, #tpu.memory_space<semaphore_mem>>)
    %dma_start3A_722 = arith.constant 7680 : i32
    %dma_start3A_723 = tpu.memref_slice %arg39[%dma_start3A_722] : memref<8192xf32, #tpu.memory_space<vmem>> -> memref<128xf32, #tpu.memory_space<vmem>>
    %dma_start3A_724 = arith.constant 0 : i32
    %dma_start3A_725 = tpu.memref_slice %arg37[%dma_start3A_724] : memref<512xi32, #tpu.memory_space<vmem>> -> memref<128xi32, #tpu.memory_space<vmem>>
    %dma_start3A_726 = arith.constant 0 : i32
    %dma_start3A_727 = tpu.memref_slice %arg19[%dma_start3A_726] : memref<1000000xf32, #tpu.memory_space<hbm>> -> memref<1000000xf32, #tpu.memory_space<hbm>>
    tpu.enqueue_indirect_dma source(%dma_start3A_727 : memref<1000000xf32, #tpu.memory_space<hbm>>) target(%dma_start3A_723 : memref<128xf32, #tpu.memory_space<vmem>>) offsets(%dma_start3A_725 : memref<128xi32, #tpu.memory_space<vmem>>) semaphore(%arg42 : memref<!tpu.dma_semaphore, #tpu.memory_space<semaphore_mem>>)
    %dma_start3A_728 = arith.constant 7680 : i32
    %dma_start3A_729 = tpu.memref_slice %arg40[%dma_start3A_728] : memref<8192xf32, #tpu.memory_space<vmem>> -> memref<128xf32, #tpu.memory_space<vmem>>
    %dma_start3A_730 = arith.constant 0 : i32
    %dma_start3A_731 = tpu.memref_slice %arg38[%dma_start3A_730] : memref<512xi32, #tpu.memory_space<vmem>> -> memref<128xi32, #tpu.memory_space<vmem>>
    %dma_start3A_732 = arith.constant 0 : i32
    %dma_start3A_733 = tpu.memref_slice %arg35[%dma_start3A_732] : memref<1000000xf32, #tpu.memory_space<hbm>> -> memref<1000000xf32, #tpu.memory_space<hbm>>
    tpu.enqueue_indirect_dma source(%dma_start3A_733 : memref<1000000xf32, #tpu.memory_space<hbm>>) target(%dma_start3A_729 : memref<128xf32, #tpu.memory_space<vmem>>) offsets(%dma_start3A_731 : memref<128xi32, #tpu.memory_space<vmem>>) semaphore(%arg42 : memref<!tpu.dma_semaphore, #tpu.memory_space<semaphore_mem>>)
    %dma_start3A_734 = arith.constant 7808 : i32
    %dma_start3A_735 = tpu.memref_slice %arg39[%dma_start3A_734] : memref<8192xf32, #tpu.memory_space<vmem>> -> memref<128xf32, #tpu.memory_space<vmem>>
    %dma_start3A_736 = arith.constant 128 : i32
    %dma_start3A_737 = tpu.memref_slice %arg37[%dma_start3A_736] : memref<512xi32, #tpu.memory_space<vmem>> -> memref<128xi32, #tpu.memory_space<vmem>>
    %dma_start3A_738 = arith.constant 0 : i32
    %dma_start3A_739 = tpu.memref_slice %arg19[%dma_start3A_738] : memref<1000000xf32, #tpu.memory_space<hbm>> -> memref<1000000xf32, #tpu.memory_space<hbm>>
    tpu.enqueue_indirect_dma source(%dma_start3A_739 : memref<1000000xf32, #tpu.memory_space<hbm>>) target(%dma_start3A_735 : memref<128xf32, #tpu.memory_space<vmem>>) offsets(%dma_start3A_737 : memref<128xi32, #tpu.memory_space<vmem>>) semaphore(%arg42 : memref<!tpu.dma_semaphore, #tpu.memory_space<semaphore_mem>>)
    %dma_start3A_740 = arith.constant 7808 : i32
    %dma_start3A_741 = tpu.memref_slice %arg40[%dma_start3A_740] : memref<8192xf32, #tpu.memory_space<vmem>> -> memref<128xf32, #tpu.memory_space<vmem>>
    %dma_start3A_742 = arith.constant 128 : i32
    %dma_start3A_743 = tpu.memref_slice %arg38[%dma_start3A_742] : memref<512xi32, #tpu.memory_space<vmem>> -> memref<128xi32, #tpu.memory_space<vmem>>
    %dma_start3A_744 = arith.constant 0 : i32
    %dma_start3A_745 = tpu.memref_slice %arg35[%dma_start3A_744] : memref<1000000xf32, #tpu.memory_space<hbm>> -> memref<1000000xf32, #tpu.memory_space<hbm>>
    tpu.enqueue_indirect_dma source(%dma_start3A_745 : memref<1000000xf32, #tpu.memory_space<hbm>>) target(%dma_start3A_741 : memref<128xf32, #tpu.memory_space<vmem>>) offsets(%dma_start3A_743 : memref<128xi32, #tpu.memory_space<vmem>>) semaphore(%arg42 : memref<!tpu.dma_semaphore, #tpu.memory_space<semaphore_mem>>)
    %dma_start3A_746 = arith.constant 7936 : i32
    %dma_start3A_747 = tpu.memref_slice %arg39[%dma_start3A_746] : memref<8192xf32, #tpu.memory_space<vmem>> -> memref<128xf32, #tpu.memory_space<vmem>>
    %dma_start3A_748 = arith.constant 256 : i32
    %dma_start3A_749 = tpu.memref_slice %arg37[%dma_start3A_748] : memref<512xi32, #tpu.memory_space<vmem>> -> memref<128xi32, #tpu.memory_space<vmem>>
    %dma_start3A_750 = arith.constant 0 : i32
    %dma_start3A_751 = tpu.memref_slice %arg19[%dma_start3A_750] : memref<1000000xf32, #tpu.memory_space<hbm>> -> memref<1000000xf32, #tpu.memory_space<hbm>>
    tpu.enqueue_indirect_dma source(%dma_start3A_751 : memref<1000000xf32, #tpu.memory_space<hbm>>) target(%dma_start3A_747 : memref<128xf32, #tpu.memory_space<vmem>>) offsets(%dma_start3A_749 : memref<128xi32, #tpu.memory_space<vmem>>) semaphore(%arg42 : memref<!tpu.dma_semaphore, #tpu.memory_space<semaphore_mem>>)
    %dma_start3A_752 = arith.constant 7936 : i32
    %dma_start3A_753 = tpu.memref_slice %arg40[%dma_start3A_752] : memref<8192xf32, #tpu.memory_space<vmem>> -> memref<128xf32, #tpu.memory_space<vmem>>
    %dma_start3A_754 = arith.constant 256 : i32
    %dma_start3A_755 = tpu.memref_slice %arg38[%dma_start3A_754] : memref<512xi32, #tpu.memory_space<vmem>> -> memref<128xi32, #tpu.memory_space<vmem>>
    %dma_start3A_756 = arith.constant 0 : i32
    %dma_start3A_757 = tpu.memref_slice %arg35[%dma_start3A_756] : memref<1000000xf32, #tpu.memory_space<hbm>> -> memref<1000000xf32, #tpu.memory_space<hbm>>
    tpu.enqueue_indirect_dma source(%dma_start3A_757 : memref<1000000xf32, #tpu.memory_space<hbm>>) target(%dma_start3A_753 : memref<128xf32, #tpu.memory_space<vmem>>) offsets(%dma_start3A_755 : memref<128xi32, #tpu.memory_space<vmem>>) semaphore(%arg42 : memref<!tpu.dma_semaphore, #tpu.memory_space<semaphore_mem>>)
    %dma_start3A_758 = arith.constant 8064 : i32
    %dma_start3A_759 = tpu.memref_slice %arg39[%dma_start3A_758] : memref<8192xf32, #tpu.memory_space<vmem>> -> memref<128xf32, #tpu.memory_space<vmem>>
    %dma_start3A_760 = arith.constant 384 : i32
    %dma_start3A_761 = tpu.memref_slice %arg37[%dma_start3A_760] : memref<512xi32, #tpu.memory_space<vmem>> -> memref<128xi32, #tpu.memory_space<vmem>>
    %dma_start3A_762 = arith.constant 0 : i32
    %dma_start3A_763 = tpu.memref_slice %arg19[%dma_start3A_762] : memref<1000000xf32, #tpu.memory_space<hbm>> -> memref<1000000xf32, #tpu.memory_space<hbm>>
    tpu.enqueue_indirect_dma source(%dma_start3A_763 : memref<1000000xf32, #tpu.memory_space<hbm>>) target(%dma_start3A_759 : memref<128xf32, #tpu.memory_space<vmem>>) offsets(%dma_start3A_761 : memref<128xi32, #tpu.memory_space<vmem>>) semaphore(%arg42 : memref<!tpu.dma_semaphore, #tpu.memory_space<semaphore_mem>>)
    %dma_start3A_764 = arith.constant 8064 : i32
    %dma_start3A_765 = tpu.memref_slice %arg40[%dma_start3A_764] : memref<8192xf32, #tpu.memory_space<vmem>> -> memref<128xf32, #tpu.memory_space<vmem>>
    %dma_start3A_766 = arith.constant 384 : i32
    %dma_start3A_767 = tpu.memref_slice %arg38[%dma_start3A_766] : memref<512xi32, #tpu.memory_space<vmem>> -> memref<128xi32, #tpu.memory_space<vmem>>
    %dma_start3A_768 = arith.constant 0 : i32
    %dma_start3A_769 = tpu.memref_slice %arg35[%dma_start3A_768] : memref<1000000xf32, #tpu.memory_space<hbm>> -> memref<1000000xf32, #tpu.memory_space<hbm>>
    tpu.enqueue_indirect_dma source(%dma_start3A_769 : memref<1000000xf32, #tpu.memory_space<hbm>>) target(%dma_start3A_765 : memref<128xf32, #tpu.memory_space<vmem>>) offsets(%dma_start3A_767 : memref<128xi32, #tpu.memory_space<vmem>>) semaphore(%arg42 : memref<!tpu.dma_semaphore, #tpu.memory_space<semaphore_mem>>)
    %dma_wait3A = arith.constant 0 : i32
    %dma_wait3A_770 = tpu.memref_slice %arg39[%dma_wait3A] : memref<8192xf32, #tpu.memory_space<vmem>> -> memref<128xf32, #tpu.memory_space<vmem>>
    %dma_wait3A_771 = arith.constant 0 : i32
    %dma_wait3A_772 = tpu.memref_slice %arg37[%dma_wait3A_771] : memref<512xi32, #tpu.memory_space<vmem>> -> memref<128xi32, #tpu.memory_space<vmem>>
    %dma_wait3A_773 = arith.constant 0 : i32
    %dma_wait3A_774 = tpu.memref_slice %arg4[%dma_wait3A_773] : memref<1000000xf32, #tpu.memory_space<hbm>> -> memref<1000000xf32, #tpu.memory_space<hbm>>
    tpu.wait_indirect_dma semaphore(%arg42 : memref<!tpu.dma_semaphore, #tpu.memory_space<semaphore_mem>>) src(%dma_wait3A_774 : memref<1000000xf32, #tpu.memory_space<hbm>>) dst(%dma_wait3A_770 : memref<128xf32, #tpu.memory_space<vmem>>)
    %dma_wait3A_775 = arith.constant 0 : i32
    %dma_wait3A_776 = tpu.memref_slice %arg40[%dma_wait3A_775] : memref<8192xf32, #tpu.memory_space<vmem>> -> memref<128xf32, #tpu.memory_space<vmem>>
    %dma_wait3A_777 = arith.constant 0 : i32
    %dma_wait3A_778 = tpu.memref_slice %arg38[%dma_wait3A_777] : memref<512xi32, #tpu.memory_space<vmem>> -> memref<128xi32, #tpu.memory_space<vmem>>
    %dma_wait3A_779 = arith.constant 0 : i32
    %dma_wait3A_780 = tpu.memref_slice %arg20[%dma_wait3A_779] : memref<1000000xf32, #tpu.memory_space<hbm>> -> memref<1000000xf32, #tpu.memory_space<hbm>>
    tpu.wait_indirect_dma semaphore(%arg42 : memref<!tpu.dma_semaphore, #tpu.memory_space<semaphore_mem>>) src(%dma_wait3A_780 : memref<1000000xf32, #tpu.memory_space<hbm>>) dst(%dma_wait3A_776 : memref<128xf32, #tpu.memory_space<vmem>>)
    %dma_wait3A_781 = arith.constant 128 : i32
    %dma_wait3A_782 = tpu.memref_slice %arg39[%dma_wait3A_781] : memref<8192xf32, #tpu.memory_space<vmem>> -> memref<128xf32, #tpu.memory_space<vmem>>
    %dma_wait3A_783 = arith.constant 128 : i32
    %dma_wait3A_784 = tpu.memref_slice %arg37[%dma_wait3A_783] : memref<512xi32, #tpu.memory_space<vmem>> -> memref<128xi32, #tpu.memory_space<vmem>>
    %dma_wait3A_785 = arith.constant 0 : i32
    %dma_wait3A_786 = tpu.memref_slice %arg4[%dma_wait3A_785] : memref<1000000xf32, #tpu.memory_space<hbm>> -> memref<1000000xf32, #tpu.memory_space<hbm>>
    tpu.wait_indirect_dma semaphore(%arg42 : memref<!tpu.dma_semaphore, #tpu.memory_space<semaphore_mem>>) src(%dma_wait3A_786 : memref<1000000xf32, #tpu.memory_space<hbm>>) dst(%dma_wait3A_782 : memref<128xf32, #tpu.memory_space<vmem>>)
    %dma_wait3A_787 = arith.constant 128 : i32
    %dma_wait3A_788 = tpu.memref_slice %arg40[%dma_wait3A_787] : memref<8192xf32, #tpu.memory_space<vmem>> -> memref<128xf32, #tpu.memory_space<vmem>>
    %dma_wait3A_789 = arith.constant 128 : i32
    %dma_wait3A_790 = tpu.memref_slice %arg38[%dma_wait3A_789] : memref<512xi32, #tpu.memory_space<vmem>> -> memref<128xi32, #tpu.memory_space<vmem>>
    %dma_wait3A_791 = arith.constant 0 : i32
    %dma_wait3A_792 = tpu.memref_slice %arg20[%dma_wait3A_791] : memref<1000000xf32, #tpu.memory_space<hbm>> -> memref<1000000xf32, #tpu.memory_space<hbm>>
    tpu.wait_indirect_dma semaphore(%arg42 : memref<!tpu.dma_semaphore, #tpu.memory_space<semaphore_mem>>) src(%dma_wait3A_792 : memref<1000000xf32, #tpu.memory_space<hbm>>) dst(%dma_wait3A_788 : memref<128xf32, #tpu.memory_space<vmem>>)
    %dma_wait3A_793 = arith.constant 256 : i32
    %dma_wait3A_794 = tpu.memref_slice %arg39[%dma_wait3A_793] : memref<8192xf32, #tpu.memory_space<vmem>> -> memref<128xf32, #tpu.memory_space<vmem>>
    %dma_wait3A_795 = arith.constant 256 : i32
    %dma_wait3A_796 = tpu.memref_slice %arg37[%dma_wait3A_795] : memref<512xi32, #tpu.memory_space<vmem>> -> memref<128xi32, #tpu.memory_space<vmem>>
    %dma_wait3A_797 = arith.constant 0 : i32
    %dma_wait3A_798 = tpu.memref_slice %arg4[%dma_wait3A_797] : memref<1000000xf32, #tpu.memory_space<hbm>> -> memref<1000000xf32, #tpu.memory_space<hbm>>
    tpu.wait_indirect_dma semaphore(%arg42 : memref<!tpu.dma_semaphore, #tpu.memory_space<semaphore_mem>>) src(%dma_wait3A_798 : memref<1000000xf32, #tpu.memory_space<hbm>>) dst(%dma_wait3A_794 : memref<128xf32, #tpu.memory_space<vmem>>)
    %dma_wait3A_799 = arith.constant 256 : i32
    %dma_wait3A_800 = tpu.memref_slice %arg40[%dma_wait3A_799] : memref<8192xf32, #tpu.memory_space<vmem>> -> memref<128xf32, #tpu.memory_space<vmem>>
    %dma_wait3A_801 = arith.constant 256 : i32
    %dma_wait3A_802 = tpu.memref_slice %arg38[%dma_wait3A_801] : memref<512xi32, #tpu.memory_space<vmem>> -> memref<128xi32, #tpu.memory_space<vmem>>
    %dma_wait3A_803 = arith.constant 0 : i32
    %dma_wait3A_804 = tpu.memref_slice %arg20[%dma_wait3A_803] : memref<1000000xf32, #tpu.memory_space<hbm>> -> memref<1000000xf32, #tpu.memory_space<hbm>>
    tpu.wait_indirect_dma semaphore(%arg42 : memref<!tpu.dma_semaphore, #tpu.memory_space<semaphore_mem>>) src(%dma_wait3A_804 : memref<1000000xf32, #tpu.memory_space<hbm>>) dst(%dma_wait3A_800 : memref<128xf32, #tpu.memory_space<vmem>>)
    %dma_wait3A_805 = arith.constant 384 : i32
    %dma_wait3A_806 = tpu.memref_slice %arg39[%dma_wait3A_805] : memref<8192xf32, #tpu.memory_space<vmem>> -> memref<128xf32, #tpu.memory_space<vmem>>
    %dma_wait3A_807 = arith.constant 384 : i32
    %dma_wait3A_808 = tpu.memref_slice %arg37[%dma_wait3A_807] : memref<512xi32, #tpu.memory_space<vmem>> -> memref<128xi32, #tpu.memory_space<vmem>>
    %dma_wait3A_809 = arith.constant 0 : i32
    %dma_wait3A_810 = tpu.memref_slice %arg4[%dma_wait3A_809] : memref<1000000xf32, #tpu.memory_space<hbm>> -> memref<1000000xf32, #tpu.memory_space<hbm>>
    tpu.wait_indirect_dma semaphore(%arg42 : memref<!tpu.dma_semaphore, #tpu.memory_space<semaphore_mem>>) src(%dma_wait3A_810 : memref<1000000xf32, #tpu.memory_space<hbm>>) dst(%dma_wait3A_806 : memref<128xf32, #tpu.memory_space<vmem>>)
    %dma_wait3A_811 = arith.constant 384 : i32
    %dma_wait3A_812 = tpu.memref_slice %arg40[%dma_wait3A_811] : memref<8192xf32, #tpu.memory_space<vmem>> -> memref<128xf32, #tpu.memory_space<vmem>>
    %dma_wait3A_813 = arith.constant 384 : i32
    %dma_wait3A_814 = tpu.memref_slice %arg38[%dma_wait3A_813] : memref<512xi32, #tpu.memory_space<vmem>> -> memref<128xi32, #tpu.memory_space<vmem>>
    %dma_wait3A_815 = arith.constant 0 : i32
    %dma_wait3A_816 = tpu.memref_slice %arg20[%dma_wait3A_815] : memref<1000000xf32, #tpu.memory_space<hbm>> -> memref<1000000xf32, #tpu.memory_space<hbm>>
    tpu.wait_indirect_dma semaphore(%arg42 : memref<!tpu.dma_semaphore, #tpu.memory_space<semaphore_mem>>) src(%dma_wait3A_816 : memref<1000000xf32, #tpu.memory_space<hbm>>) dst(%dma_wait3A_812 : memref<128xf32, #tpu.memory_space<vmem>>)
    %dma_wait3A_817 = arith.constant 512 : i32
    %dma_wait3A_818 = tpu.memref_slice %arg39[%dma_wait3A_817] : memref<8192xf32, #tpu.memory_space<vmem>> -> memref<128xf32, #tpu.memory_space<vmem>>
    %dma_wait3A_819 = arith.constant 0 : i32
    %dma_wait3A_820 = tpu.memref_slice %arg37[%dma_wait3A_819] : memref<512xi32, #tpu.memory_space<vmem>> -> memref<128xi32, #tpu.memory_space<vmem>>
    %dma_wait3A_821 = arith.constant 0 : i32
    %dma_wait3A_822 = tpu.memref_slice %arg5[%dma_wait3A_821] : memref<1000000xf32, #tpu.memory_space<hbm>> -> memref<1000000xf32, #tpu.memory_space<hbm>>
    tpu.wait_indirect_dma semaphore(%arg42 : memref<!tpu.dma_semaphore, #tpu.memory_space<semaphore_mem>>) src(%dma_wait3A_822 : memref<1000000xf32, #tpu.memory_space<hbm>>) dst(%dma_wait3A_818 : memref<128xf32, #tpu.memory_space<vmem>>)
    %dma_wait3A_823 = arith.constant 512 : i32
    %dma_wait3A_824 = tpu.memref_slice %arg40[%dma_wait3A_823] : memref<8192xf32, #tpu.memory_space<vmem>> -> memref<128xf32, #tpu.memory_space<vmem>>
    %dma_wait3A_825 = arith.constant 0 : i32
    %dma_wait3A_826 = tpu.memref_slice %arg38[%dma_wait3A_825] : memref<512xi32, #tpu.memory_space<vmem>> -> memref<128xi32, #tpu.memory_space<vmem>>
    %dma_wait3A_827 = arith.constant 0 : i32
    %dma_wait3A_828 = tpu.memref_slice %arg21[%dma_wait3A_827] : memref<1000000xf32, #tpu.memory_space<hbm>> -> memref<1000000xf32, #tpu.memory_space<hbm>>
    tpu.wait_indirect_dma semaphore(%arg42 : memref<!tpu.dma_semaphore, #tpu.memory_space<semaphore_mem>>) src(%dma_wait3A_828 : memref<1000000xf32, #tpu.memory_space<hbm>>) dst(%dma_wait3A_824 : memref<128xf32, #tpu.memory_space<vmem>>)
    %dma_wait3A_829 = arith.constant 640 : i32
    %dma_wait3A_830 = tpu.memref_slice %arg39[%dma_wait3A_829] : memref<8192xf32, #tpu.memory_space<vmem>> -> memref<128xf32, #tpu.memory_space<vmem>>
    %dma_wait3A_831 = arith.constant 128 : i32
    %dma_wait3A_832 = tpu.memref_slice %arg37[%dma_wait3A_831] : memref<512xi32, #tpu.memory_space<vmem>> -> memref<128xi32, #tpu.memory_space<vmem>>
    %dma_wait3A_833 = arith.constant 0 : i32
    %dma_wait3A_834 = tpu.memref_slice %arg5[%dma_wait3A_833] : memref<1000000xf32, #tpu.memory_space<hbm>> -> memref<1000000xf32, #tpu.memory_space<hbm>>
    tpu.wait_indirect_dma semaphore(%arg42 : memref<!tpu.dma_semaphore, #tpu.memory_space<semaphore_mem>>) src(%dma_wait3A_834 : memref<1000000xf32, #tpu.memory_space<hbm>>) dst(%dma_wait3A_830 : memref<128xf32, #tpu.memory_space<vmem>>)
    %dma_wait3A_835 = arith.constant 640 : i32
    %dma_wait3A_836 = tpu.memref_slice %arg40[%dma_wait3A_835] : memref<8192xf32, #tpu.memory_space<vmem>> -> memref<128xf32, #tpu.memory_space<vmem>>
    %dma_wait3A_837 = arith.constant 128 : i32
    %dma_wait3A_838 = tpu.memref_slice %arg38[%dma_wait3A_837] : memref<512xi32, #tpu.memory_space<vmem>> -> memref<128xi32, #tpu.memory_space<vmem>>
    %dma_wait3A_839 = arith.constant 0 : i32
    %dma_wait3A_840 = tpu.memref_slice %arg21[%dma_wait3A_839] : memref<1000000xf32, #tpu.memory_space<hbm>> -> memref<1000000xf32, #tpu.memory_space<hbm>>
    tpu.wait_indirect_dma semaphore(%arg42 : memref<!tpu.dma_semaphore, #tpu.memory_space<semaphore_mem>>) src(%dma_wait3A_840 : memref<1000000xf32, #tpu.memory_space<hbm>>) dst(%dma_wait3A_836 : memref<128xf32, #tpu.memory_space<vmem>>)
    %dma_wait3A_841 = arith.constant 768 : i32
    %dma_wait3A_842 = tpu.memref_slice %arg39[%dma_wait3A_841] : memref<8192xf32, #tpu.memory_space<vmem>> -> memref<128xf32, #tpu.memory_space<vmem>>
    %dma_wait3A_843 = arith.constant 256 : i32
    %dma_wait3A_844 = tpu.memref_slice %arg37[%dma_wait3A_843] : memref<512xi32, #tpu.memory_space<vmem>> -> memref<128xi32, #tpu.memory_space<vmem>>
    %dma_wait3A_845 = arith.constant 0 : i32
    %dma_wait3A_846 = tpu.memref_slice %arg5[%dma_wait3A_845] : memref<1000000xf32, #tpu.memory_space<hbm>> -> memref<1000000xf32, #tpu.memory_space<hbm>>
    tpu.wait_indirect_dma semaphore(%arg42 : memref<!tpu.dma_semaphore, #tpu.memory_space<semaphore_mem>>) src(%dma_wait3A_846 : memref<1000000xf32, #tpu.memory_space<hbm>>) dst(%dma_wait3A_842 : memref<128xf32, #tpu.memory_space<vmem>>)
    %dma_wait3A_847 = arith.constant 768 : i32
    %dma_wait3A_848 = tpu.memref_slice %arg40[%dma_wait3A_847] : memref<8192xf32, #tpu.memory_space<vmem>> -> memref<128xf32, #tpu.memory_space<vmem>>
    %dma_wait3A_849 = arith.constant 256 : i32
    %dma_wait3A_850 = tpu.memref_slice %arg38[%dma_wait3A_849] : memref<512xi32, #tpu.memory_space<vmem>> -> memref<128xi32, #tpu.memory_space<vmem>>
    %dma_wait3A_851 = arith.constant 0 : i32
    %dma_wait3A_852 = tpu.memref_slice %arg21[%dma_wait3A_851] : memref<1000000xf32, #tpu.memory_space<hbm>> -> memref<1000000xf32, #tpu.memory_space<hbm>>
    tpu.wait_indirect_dma semaphore(%arg42 : memref<!tpu.dma_semaphore, #tpu.memory_space<semaphore_mem>>) src(%dma_wait3A_852 : memref<1000000xf32, #tpu.memory_space<hbm>>) dst(%dma_wait3A_848 : memref<128xf32, #tpu.memory_space<vmem>>)
    %dma_wait3A_853 = arith.constant 896 : i32
    %dma_wait3A_854 = tpu.memref_slice %arg39[%dma_wait3A_853] : memref<8192xf32, #tpu.memory_space<vmem>> -> memref<128xf32, #tpu.memory_space<vmem>>
    %dma_wait3A_855 = arith.constant 384 : i32
    %dma_wait3A_856 = tpu.memref_slice %arg37[%dma_wait3A_855] : memref<512xi32, #tpu.memory_space<vmem>> -> memref<128xi32, #tpu.memory_space<vmem>>
    %dma_wait3A_857 = arith.constant 0 : i32
    %dma_wait3A_858 = tpu.memref_slice %arg5[%dma_wait3A_857] : memref<1000000xf32, #tpu.memory_space<hbm>> -> memref<1000000xf32, #tpu.memory_space<hbm>>
    tpu.wait_indirect_dma semaphore(%arg42 : memref<!tpu.dma_semaphore, #tpu.memory_space<semaphore_mem>>) src(%dma_wait3A_858 : memref<1000000xf32, #tpu.memory_space<hbm>>) dst(%dma_wait3A_854 : memref<128xf32, #tpu.memory_space<vmem>>)
    %dma_wait3A_859 = arith.constant 896 : i32
    %dma_wait3A_860 = tpu.memref_slice %arg40[%dma_wait3A_859] : memref<8192xf32, #tpu.memory_space<vmem>> -> memref<128xf32, #tpu.memory_space<vmem>>
    %dma_wait3A_861 = arith.constant 384 : i32
    %dma_wait3A_862 = tpu.memref_slice %arg38[%dma_wait3A_861] : memref<512xi32, #tpu.memory_space<vmem>> -> memref<128xi32, #tpu.memory_space<vmem>>
    %dma_wait3A_863 = arith.constant 0 : i32
    %dma_wait3A_864 = tpu.memref_slice %arg21[%dma_wait3A_863] : memref<1000000xf32, #tpu.memory_space<hbm>> -> memref<1000000xf32, #tpu.memory_space<hbm>>
    tpu.wait_indirect_dma semaphore(%arg42 : memref<!tpu.dma_semaphore, #tpu.memory_space<semaphore_mem>>) src(%dma_wait3A_864 : memref<1000000xf32, #tpu.memory_space<hbm>>) dst(%dma_wait3A_860 : memref<128xf32, #tpu.memory_space<vmem>>)
    %dma_wait3A_865 = arith.constant 1024 : i32
    %dma_wait3A_866 = tpu.memref_slice %arg39[%dma_wait3A_865] : memref<8192xf32, #tpu.memory_space<vmem>> -> memref<128xf32, #tpu.memory_space<vmem>>
    %dma_wait3A_867 = arith.constant 0 : i32
    %dma_wait3A_868 = tpu.memref_slice %arg37[%dma_wait3A_867] : memref<512xi32, #tpu.memory_space<vmem>> -> memref<128xi32, #tpu.memory_space<vmem>>
    %dma_wait3A_869 = arith.constant 0 : i32
    %dma_wait3A_870 = tpu.memref_slice %arg6[%dma_wait3A_869] : memref<1000000xf32, #tpu.memory_space<hbm>> -> memref<1000000xf32, #tpu.memory_space<hbm>>
    tpu.wait_indirect_dma semaphore(%arg42 : memref<!tpu.dma_semaphore, #tpu.memory_space<semaphore_mem>>) src(%dma_wait3A_870 : memref<1000000xf32, #tpu.memory_space<hbm>>) dst(%dma_wait3A_866 : memref<128xf32, #tpu.memory_space<vmem>>)
    %dma_wait3A_871 = arith.constant 1024 : i32
    %dma_wait3A_872 = tpu.memref_slice %arg40[%dma_wait3A_871] : memref<8192xf32, #tpu.memory_space<vmem>> -> memref<128xf32, #tpu.memory_space<vmem>>
    %dma_wait3A_873 = arith.constant 0 : i32
    %dma_wait3A_874 = tpu.memref_slice %arg38[%dma_wait3A_873] : memref<512xi32, #tpu.memory_space<vmem>> -> memref<128xi32, #tpu.memory_space<vmem>>
    %dma_wait3A_875 = arith.constant 0 : i32
    %dma_wait3A_876 = tpu.memref_slice %arg22[%dma_wait3A_875] : memref<1000000xf32, #tpu.memory_space<hbm>> -> memref<1000000xf32, #tpu.memory_space<hbm>>
    tpu.wait_indirect_dma semaphore(%arg42 : memref<!tpu.dma_semaphore, #tpu.memory_space<semaphore_mem>>) src(%dma_wait3A_876 : memref<1000000xf32, #tpu.memory_space<hbm>>) dst(%dma_wait3A_872 : memref<128xf32, #tpu.memory_space<vmem>>)
    %dma_wait3A_877 = arith.constant 1152 : i32
    %dma_wait3A_878 = tpu.memref_slice %arg39[%dma_wait3A_877] : memref<8192xf32, #tpu.memory_space<vmem>> -> memref<128xf32, #tpu.memory_space<vmem>>
    %dma_wait3A_879 = arith.constant 128 : i32
    %dma_wait3A_880 = tpu.memref_slice %arg37[%dma_wait3A_879] : memref<512xi32, #tpu.memory_space<vmem>> -> memref<128xi32, #tpu.memory_space<vmem>>
    %dma_wait3A_881 = arith.constant 0 : i32
    %dma_wait3A_882 = tpu.memref_slice %arg6[%dma_wait3A_881] : memref<1000000xf32, #tpu.memory_space<hbm>> -> memref<1000000xf32, #tpu.memory_space<hbm>>
    tpu.wait_indirect_dma semaphore(%arg42 : memref<!tpu.dma_semaphore, #tpu.memory_space<semaphore_mem>>) src(%dma_wait3A_882 : memref<1000000xf32, #tpu.memory_space<hbm>>) dst(%dma_wait3A_878 : memref<128xf32, #tpu.memory_space<vmem>>)
    %dma_wait3A_883 = arith.constant 1152 : i32
    %dma_wait3A_884 = tpu.memref_slice %arg40[%dma_wait3A_883] : memref<8192xf32, #tpu.memory_space<vmem>> -> memref<128xf32, #tpu.memory_space<vmem>>
    %dma_wait3A_885 = arith.constant 128 : i32
    %dma_wait3A_886 = tpu.memref_slice %arg38[%dma_wait3A_885] : memref<512xi32, #tpu.memory_space<vmem>> -> memref<128xi32, #tpu.memory_space<vmem>>
    %dma_wait3A_887 = arith.constant 0 : i32
    %dma_wait3A_888 = tpu.memref_slice %arg22[%dma_wait3A_887] : memref<1000000xf32, #tpu.memory_space<hbm>> -> memref<1000000xf32, #tpu.memory_space<hbm>>
    tpu.wait_indirect_dma semaphore(%arg42 : memref<!tpu.dma_semaphore, #tpu.memory_space<semaphore_mem>>) src(%dma_wait3A_888 : memref<1000000xf32, #tpu.memory_space<hbm>>) dst(%dma_wait3A_884 : memref<128xf32, #tpu.memory_space<vmem>>)
    %dma_wait3A_889 = arith.constant 1280 : i32
    %dma_wait3A_890 = tpu.memref_slice %arg39[%dma_wait3A_889] : memref<8192xf32, #tpu.memory_space<vmem>> -> memref<128xf32, #tpu.memory_space<vmem>>
    %dma_wait3A_891 = arith.constant 256 : i32
    %dma_wait3A_892 = tpu.memref_slice %arg37[%dma_wait3A_891] : memref<512xi32, #tpu.memory_space<vmem>> -> memref<128xi32, #tpu.memory_space<vmem>>
    %dma_wait3A_893 = arith.constant 0 : i32
    %dma_wait3A_894 = tpu.memref_slice %arg6[%dma_wait3A_893] : memref<1000000xf32, #tpu.memory_space<hbm>> -> memref<1000000xf32, #tpu.memory_space<hbm>>
    tpu.wait_indirect_dma semaphore(%arg42 : memref<!tpu.dma_semaphore, #tpu.memory_space<semaphore_mem>>) src(%dma_wait3A_894 : memref<1000000xf32, #tpu.memory_space<hbm>>) dst(%dma_wait3A_890 : memref<128xf32, #tpu.memory_space<vmem>>)
    %dma_wait3A_895 = arith.constant 1280 : i32
    %dma_wait3A_896 = tpu.memref_slice %arg40[%dma_wait3A_895] : memref<8192xf32, #tpu.memory_space<vmem>> -> memref<128xf32, #tpu.memory_space<vmem>>
    %dma_wait3A_897 = arith.constant 256 : i32
    %dma_wait3A_898 = tpu.memref_slice %arg38[%dma_wait3A_897] : memref<512xi32, #tpu.memory_space<vmem>> -> memref<128xi32, #tpu.memory_space<vmem>>
    %dma_wait3A_899 = arith.constant 0 : i32
    %dma_wait3A_900 = tpu.memref_slice %arg22[%dma_wait3A_899] : memref<1000000xf32, #tpu.memory_space<hbm>> -> memref<1000000xf32, #tpu.memory_space<hbm>>
    tpu.wait_indirect_dma semaphore(%arg42 : memref<!tpu.dma_semaphore, #tpu.memory_space<semaphore_mem>>) src(%dma_wait3A_900 : memref<1000000xf32, #tpu.memory_space<hbm>>) dst(%dma_wait3A_896 : memref<128xf32, #tpu.memory_space<vmem>>)
    %dma_wait3A_901 = arith.constant 1408 : i32
    %dma_wait3A_902 = tpu.memref_slice %arg39[%dma_wait3A_901] : memref<8192xf32, #tpu.memory_space<vmem>> -> memref<128xf32, #tpu.memory_space<vmem>>
    %dma_wait3A_903 = arith.constant 384 : i32
    %dma_wait3A_904 = tpu.memref_slice %arg37[%dma_wait3A_903] : memref<512xi32, #tpu.memory_space<vmem>> -> memref<128xi32, #tpu.memory_space<vmem>>
    %dma_wait3A_905 = arith.constant 0 : i32
    %dma_wait3A_906 = tpu.memref_slice %arg6[%dma_wait3A_905] : memref<1000000xf32, #tpu.memory_space<hbm>> -> memref<1000000xf32, #tpu.memory_space<hbm>>
    tpu.wait_indirect_dma semaphore(%arg42 : memref<!tpu.dma_semaphore, #tpu.memory_space<semaphore_mem>>) src(%dma_wait3A_906 : memref<1000000xf32, #tpu.memory_space<hbm>>) dst(%dma_wait3A_902 : memref<128xf32, #tpu.memory_space<vmem>>)
    %dma_wait3A_907 = arith.constant 1408 : i32
    %dma_wait3A_908 = tpu.memref_slice %arg40[%dma_wait3A_907] : memref<8192xf32, #tpu.memory_space<vmem>> -> memref<128xf32, #tpu.memory_space<vmem>>
    %dma_wait3A_909 = arith.constant 384 : i32
    %dma_wait3A_910 = tpu.memref_slice %arg38[%dma_wait3A_909] : memref<512xi32, #tpu.memory_space<vmem>> -> memref<128xi32, #tpu.memory_space<vmem>>
    %dma_wait3A_911 = arith.constant 0 : i32
    %dma_wait3A_912 = tpu.memref_slice %arg22[%dma_wait3A_911] : memref<1000000xf32, #tpu.memory_space<hbm>> -> memref<1000000xf32, #tpu.memory_space<hbm>>
    tpu.wait_indirect_dma semaphore(%arg42 : memref<!tpu.dma_semaphore, #tpu.memory_space<semaphore_mem>>) src(%dma_wait3A_912 : memref<1000000xf32, #tpu.memory_space<hbm>>) dst(%dma_wait3A_908 : memref<128xf32, #tpu.memory_space<vmem>>)
    %dma_wait3A_913 = arith.constant 1536 : i32
    %dma_wait3A_914 = tpu.memref_slice %arg39[%dma_wait3A_913] : memref<8192xf32, #tpu.memory_space<vmem>> -> memref<128xf32, #tpu.memory_space<vmem>>
    %dma_wait3A_915 = arith.constant 0 : i32
    %dma_wait3A_916 = tpu.memref_slice %arg37[%dma_wait3A_915] : memref<512xi32, #tpu.memory_space<vmem>> -> memref<128xi32, #tpu.memory_space<vmem>>
    %dma_wait3A_917 = arith.constant 0 : i32
    %dma_wait3A_918 = tpu.memref_slice %arg7[%dma_wait3A_917] : memref<1000000xf32, #tpu.memory_space<hbm>> -> memref<1000000xf32, #tpu.memory_space<hbm>>
    tpu.wait_indirect_dma semaphore(%arg42 : memref<!tpu.dma_semaphore, #tpu.memory_space<semaphore_mem>>) src(%dma_wait3A_918 : memref<1000000xf32, #tpu.memory_space<hbm>>) dst(%dma_wait3A_914 : memref<128xf32, #tpu.memory_space<vmem>>)
    %dma_wait3A_919 = arith.constant 1536 : i32
    %dma_wait3A_920 = tpu.memref_slice %arg40[%dma_wait3A_919] : memref<8192xf32, #tpu.memory_space<vmem>> -> memref<128xf32, #tpu.memory_space<vmem>>
    %dma_wait3A_921 = arith.constant 0 : i32
    %dma_wait3A_922 = tpu.memref_slice %arg38[%dma_wait3A_921] : memref<512xi32, #tpu.memory_space<vmem>> -> memref<128xi32, #tpu.memory_space<vmem>>
    %dma_wait3A_923 = arith.constant 0 : i32
    %dma_wait3A_924 = tpu.memref_slice %arg23[%dma_wait3A_923] : memref<1000000xf32, #tpu.memory_space<hbm>> -> memref<1000000xf32, #tpu.memory_space<hbm>>
    tpu.wait_indirect_dma semaphore(%arg42 : memref<!tpu.dma_semaphore, #tpu.memory_space<semaphore_mem>>) src(%dma_wait3A_924 : memref<1000000xf32, #tpu.memory_space<hbm>>) dst(%dma_wait3A_920 : memref<128xf32, #tpu.memory_space<vmem>>)
    %dma_wait3A_925 = arith.constant 1664 : i32
    %dma_wait3A_926 = tpu.memref_slice %arg39[%dma_wait3A_925] : memref<8192xf32, #tpu.memory_space<vmem>> -> memref<128xf32, #tpu.memory_space<vmem>>
    %dma_wait3A_927 = arith.constant 128 : i32
    %dma_wait3A_928 = tpu.memref_slice %arg37[%dma_wait3A_927] : memref<512xi32, #tpu.memory_space<vmem>> -> memref<128xi32, #tpu.memory_space<vmem>>
    %dma_wait3A_929 = arith.constant 0 : i32
    %dma_wait3A_930 = tpu.memref_slice %arg7[%dma_wait3A_929] : memref<1000000xf32, #tpu.memory_space<hbm>> -> memref<1000000xf32, #tpu.memory_space<hbm>>
    tpu.wait_indirect_dma semaphore(%arg42 : memref<!tpu.dma_semaphore, #tpu.memory_space<semaphore_mem>>) src(%dma_wait3A_930 : memref<1000000xf32, #tpu.memory_space<hbm>>) dst(%dma_wait3A_926 : memref<128xf32, #tpu.memory_space<vmem>>)
    %dma_wait3A_931 = arith.constant 1664 : i32
    %dma_wait3A_932 = tpu.memref_slice %arg40[%dma_wait3A_931] : memref<8192xf32, #tpu.memory_space<vmem>> -> memref<128xf32, #tpu.memory_space<vmem>>
    %dma_wait3A_933 = arith.constant 128 : i32
    %dma_wait3A_934 = tpu.memref_slice %arg38[%dma_wait3A_933] : memref<512xi32, #tpu.memory_space<vmem>> -> memref<128xi32, #tpu.memory_space<vmem>>
    %dma_wait3A_935 = arith.constant 0 : i32
    %dma_wait3A_936 = tpu.memref_slice %arg23[%dma_wait3A_935] : memref<1000000xf32, #tpu.memory_space<hbm>> -> memref<1000000xf32, #tpu.memory_space<hbm>>
    tpu.wait_indirect_dma semaphore(%arg42 : memref<!tpu.dma_semaphore, #tpu.memory_space<semaphore_mem>>) src(%dma_wait3A_936 : memref<1000000xf32, #tpu.memory_space<hbm>>) dst(%dma_wait3A_932 : memref<128xf32, #tpu.memory_space<vmem>>)
    %dma_wait3A_937 = arith.constant 1792 : i32
    %dma_wait3A_938 = tpu.memref_slice %arg39[%dma_wait3A_937] : memref<8192xf32, #tpu.memory_space<vmem>> -> memref<128xf32, #tpu.memory_space<vmem>>
    %dma_wait3A_939 = arith.constant 256 : i32
    %dma_wait3A_940 = tpu.memref_slice %arg37[%dma_wait3A_939] : memref<512xi32, #tpu.memory_space<vmem>> -> memref<128xi32, #tpu.memory_space<vmem>>
    %dma_wait3A_941 = arith.constant 0 : i32
    %dma_wait3A_942 = tpu.memref_slice %arg7[%dma_wait3A_941] : memref<1000000xf32, #tpu.memory_space<hbm>> -> memref<1000000xf32, #tpu.memory_space<hbm>>
    tpu.wait_indirect_dma semaphore(%arg42 : memref<!tpu.dma_semaphore, #tpu.memory_space<semaphore_mem>>) src(%dma_wait3A_942 : memref<1000000xf32, #tpu.memory_space<hbm>>) dst(%dma_wait3A_938 : memref<128xf32, #tpu.memory_space<vmem>>)
    %dma_wait3A_943 = arith.constant 1792 : i32
    %dma_wait3A_944 = tpu.memref_slice %arg40[%dma_wait3A_943] : memref<8192xf32, #tpu.memory_space<vmem>> -> memref<128xf32, #tpu.memory_space<vmem>>
    %dma_wait3A_945 = arith.constant 256 : i32
    %dma_wait3A_946 = tpu.memref_slice %arg38[%dma_wait3A_945] : memref<512xi32, #tpu.memory_space<vmem>> -> memref<128xi32, #tpu.memory_space<vmem>>
    %dma_wait3A_947 = arith.constant 0 : i32
    %dma_wait3A_948 = tpu.memref_slice %arg23[%dma_wait3A_947] : memref<1000000xf32, #tpu.memory_space<hbm>> -> memref<1000000xf32, #tpu.memory_space<hbm>>
    tpu.wait_indirect_dma semaphore(%arg42 : memref<!tpu.dma_semaphore, #tpu.memory_space<semaphore_mem>>) src(%dma_wait3A_948 : memref<1000000xf32, #tpu.memory_space<hbm>>) dst(%dma_wait3A_944 : memref<128xf32, #tpu.memory_space<vmem>>)
    %dma_wait3A_949 = arith.constant 1920 : i32
    %dma_wait3A_950 = tpu.memref_slice %arg39[%dma_wait3A_949] : memref<8192xf32, #tpu.memory_space<vmem>> -> memref<128xf32, #tpu.memory_space<vmem>>
    %dma_wait3A_951 = arith.constant 384 : i32
    %dma_wait3A_952 = tpu.memref_slice %arg37[%dma_wait3A_951] : memref<512xi32, #tpu.memory_space<vmem>> -> memref<128xi32, #tpu.memory_space<vmem>>
    %dma_wait3A_953 = arith.constant 0 : i32
    %dma_wait3A_954 = tpu.memref_slice %arg7[%dma_wait3A_953] : memref<1000000xf32, #tpu.memory_space<hbm>> -> memref<1000000xf32, #tpu.memory_space<hbm>>
    tpu.wait_indirect_dma semaphore(%arg42 : memref<!tpu.dma_semaphore, #tpu.memory_space<semaphore_mem>>) src(%dma_wait3A_954 : memref<1000000xf32, #tpu.memory_space<hbm>>) dst(%dma_wait3A_950 : memref<128xf32, #tpu.memory_space<vmem>>)
    %dma_wait3A_955 = arith.constant 1920 : i32
    %dma_wait3A_956 = tpu.memref_slice %arg40[%dma_wait3A_955] : memref<8192xf32, #tpu.memory_space<vmem>> -> memref<128xf32, #tpu.memory_space<vmem>>
    %dma_wait3A_957 = arith.constant 384 : i32
    %dma_wait3A_958 = tpu.memref_slice %arg38[%dma_wait3A_957] : memref<512xi32, #tpu.memory_space<vmem>> -> memref<128xi32, #tpu.memory_space<vmem>>
    %dma_wait3A_959 = arith.constant 0 : i32
    %dma_wait3A_960 = tpu.memref_slice %arg23[%dma_wait3A_959] : memref<1000000xf32, #tpu.memory_space<hbm>> -> memref<1000000xf32, #tpu.memory_space<hbm>>
    tpu.wait_indirect_dma semaphore(%arg42 : memref<!tpu.dma_semaphore, #tpu.memory_space<semaphore_mem>>) src(%dma_wait3A_960 : memref<1000000xf32, #tpu.memory_space<hbm>>) dst(%dma_wait3A_956 : memref<128xf32, #tpu.memory_space<vmem>>)
    %dma_wait3A_961 = arith.constant 2048 : i32
    %dma_wait3A_962 = tpu.memref_slice %arg39[%dma_wait3A_961] : memref<8192xf32, #tpu.memory_space<vmem>> -> memref<128xf32, #tpu.memory_space<vmem>>
    %dma_wait3A_963 = arith.constant 0 : i32
    %dma_wait3A_964 = tpu.memref_slice %arg37[%dma_wait3A_963] : memref<512xi32, #tpu.memory_space<vmem>> -> memref<128xi32, #tpu.memory_space<vmem>>
    %dma_wait3A_965 = arith.constant 0 : i32
    %dma_wait3A_966 = tpu.memref_slice %arg8[%dma_wait3A_965] : memref<1000000xf32, #tpu.memory_space<hbm>> -> memref<1000000xf32, #tpu.memory_space<hbm>>
    tpu.wait_indirect_dma semaphore(%arg42 : memref<!tpu.dma_semaphore, #tpu.memory_space<semaphore_mem>>) src(%dma_wait3A_966 : memref<1000000xf32, #tpu.memory_space<hbm>>) dst(%dma_wait3A_962 : memref<128xf32, #tpu.memory_space<vmem>>)
    %dma_wait3A_967 = arith.constant 2048 : i32
    %dma_wait3A_968 = tpu.memref_slice %arg40[%dma_wait3A_967] : memref<8192xf32, #tpu.memory_space<vmem>> -> memref<128xf32, #tpu.memory_space<vmem>>
    %dma_wait3A_969 = arith.constant 0 : i32
    %dma_wait3A_970 = tpu.memref_slice %arg38[%dma_wait3A_969] : memref<512xi32, #tpu.memory_space<vmem>> -> memref<128xi32, #tpu.memory_space<vmem>>
    %dma_wait3A_971 = arith.constant 0 : i32
    %dma_wait3A_972 = tpu.memref_slice %arg24[%dma_wait3A_971] : memref<1000000xf32, #tpu.memory_space<hbm>> -> memref<1000000xf32, #tpu.memory_space<hbm>>
    tpu.wait_indirect_dma semaphore(%arg42 : memref<!tpu.dma_semaphore, #tpu.memory_space<semaphore_mem>>) src(%dma_wait3A_972 : memref<1000000xf32, #tpu.memory_space<hbm>>) dst(%dma_wait3A_968 : memref<128xf32, #tpu.memory_space<vmem>>)
    %dma_wait3A_973 = arith.constant 2176 : i32
    %dma_wait3A_974 = tpu.memref_slice %arg39[%dma_wait3A_973] : memref<8192xf32, #tpu.memory_space<vmem>> -> memref<128xf32, #tpu.memory_space<vmem>>
    %dma_wait3A_975 = arith.constant 128 : i32
    %dma_wait3A_976 = tpu.memref_slice %arg37[%dma_wait3A_975] : memref<512xi32, #tpu.memory_space<vmem>> -> memref<128xi32, #tpu.memory_space<vmem>>
    %dma_wait3A_977 = arith.constant 0 : i32
    %dma_wait3A_978 = tpu.memref_slice %arg8[%dma_wait3A_977] : memref<1000000xf32, #tpu.memory_space<hbm>> -> memref<1000000xf32, #tpu.memory_space<hbm>>
    tpu.wait_indirect_dma semaphore(%arg42 : memref<!tpu.dma_semaphore, #tpu.memory_space<semaphore_mem>>) src(%dma_wait3A_978 : memref<1000000xf32, #tpu.memory_space<hbm>>) dst(%dma_wait3A_974 : memref<128xf32, #tpu.memory_space<vmem>>)
    %dma_wait3A_979 = arith.constant 2176 : i32
    %dma_wait3A_980 = tpu.memref_slice %arg40[%dma_wait3A_979] : memref<8192xf32, #tpu.memory_space<vmem>> -> memref<128xf32, #tpu.memory_space<vmem>>
    %dma_wait3A_981 = arith.constant 128 : i32
    %dma_wait3A_982 = tpu.memref_slice %arg38[%dma_wait3A_981] : memref<512xi32, #tpu.memory_space<vmem>> -> memref<128xi32, #tpu.memory_space<vmem>>
    %dma_wait3A_983 = arith.constant 0 : i32
    %dma_wait3A_984 = tpu.memref_slice %arg24[%dma_wait3A_983] : memref<1000000xf32, #tpu.memory_space<hbm>> -> memref<1000000xf32, #tpu.memory_space<hbm>>
    tpu.wait_indirect_dma semaphore(%arg42 : memref<!tpu.dma_semaphore, #tpu.memory_space<semaphore_mem>>) src(%dma_wait3A_984 : memref<1000000xf32, #tpu.memory_space<hbm>>) dst(%dma_wait3A_980 : memref<128xf32, #tpu.memory_space<vmem>>)
    %dma_wait3A_985 = arith.constant 2304 : i32
    %dma_wait3A_986 = tpu.memref_slice %arg39[%dma_wait3A_985] : memref<8192xf32, #tpu.memory_space<vmem>> -> memref<128xf32, #tpu.memory_space<vmem>>
    %dma_wait3A_987 = arith.constant 256 : i32
    %dma_wait3A_988 = tpu.memref_slice %arg37[%dma_wait3A_987] : memref<512xi32, #tpu.memory_space<vmem>> -> memref<128xi32, #tpu.memory_space<vmem>>
    %dma_wait3A_989 = arith.constant 0 : i32
    %dma_wait3A_990 = tpu.memref_slice %arg8[%dma_wait3A_989] : memref<1000000xf32, #tpu.memory_space<hbm>> -> memref<1000000xf32, #tpu.memory_space<hbm>>
    tpu.wait_indirect_dma semaphore(%arg42 : memref<!tpu.dma_semaphore, #tpu.memory_space<semaphore_mem>>) src(%dma_wait3A_990 : memref<1000000xf32, #tpu.memory_space<hbm>>) dst(%dma_wait3A_986 : memref<128xf32, #tpu.memory_space<vmem>>)
    %dma_wait3A_991 = arith.constant 2304 : i32
    %dma_wait3A_992 = tpu.memref_slice %arg40[%dma_wait3A_991] : memref<8192xf32, #tpu.memory_space<vmem>> -> memref<128xf32, #tpu.memory_space<vmem>>
    %dma_wait3A_993 = arith.constant 256 : i32
    %dma_wait3A_994 = tpu.memref_slice %arg38[%dma_wait3A_993] : memref<512xi32, #tpu.memory_space<vmem>> -> memref<128xi32, #tpu.memory_space<vmem>>
    %dma_wait3A_995 = arith.constant 0 : i32
    %dma_wait3A_996 = tpu.memref_slice %arg24[%dma_wait3A_995] : memref<1000000xf32, #tpu.memory_space<hbm>> -> memref<1000000xf32, #tpu.memory_space<hbm>>
    tpu.wait_indirect_dma semaphore(%arg42 : memref<!tpu.dma_semaphore, #tpu.memory_space<semaphore_mem>>) src(%dma_wait3A_996 : memref<1000000xf32, #tpu.memory_space<hbm>>) dst(%dma_wait3A_992 : memref<128xf32, #tpu.memory_space<vmem>>)
    %dma_wait3A_997 = arith.constant 2432 : i32
    %dma_wait3A_998 = tpu.memref_slice %arg39[%dma_wait3A_997] : memref<8192xf32, #tpu.memory_space<vmem>> -> memref<128xf32, #tpu.memory_space<vmem>>
    %dma_wait3A_999 = arith.constant 384 : i32
    %dma_wait3A_1000 = tpu.memref_slice %arg37[%dma_wait3A_999] : memref<512xi32, #tpu.memory_space<vmem>> -> memref<128xi32, #tpu.memory_space<vmem>>
    %dma_wait3A_1001 = arith.constant 0 : i32
    %dma_wait3A_1002 = tpu.memref_slice %arg8[%dma_wait3A_1001] : memref<1000000xf32, #tpu.memory_space<hbm>> -> memref<1000000xf32, #tpu.memory_space<hbm>>
    tpu.wait_indirect_dma semaphore(%arg42 : memref<!tpu.dma_semaphore, #tpu.memory_space<semaphore_mem>>) src(%dma_wait3A_1002 : memref<1000000xf32, #tpu.memory_space<hbm>>) dst(%dma_wait3A_998 : memref<128xf32, #tpu.memory_space<vmem>>)
    %dma_wait3A_1003 = arith.constant 2432 : i32
    %dma_wait3A_1004 = tpu.memref_slice %arg40[%dma_wait3A_1003] : memref<8192xf32, #tpu.memory_space<vmem>> -> memref<128xf32, #tpu.memory_space<vmem>>
    %dma_wait3A_1005 = arith.constant 384 : i32
    %dma_wait3A_1006 = tpu.memref_slice %arg38[%dma_wait3A_1005] : memref<512xi32, #tpu.memory_space<vmem>> -> memref<128xi32, #tpu.memory_space<vmem>>
    %dma_wait3A_1007 = arith.constant 0 : i32
    %dma_wait3A_1008 = tpu.memref_slice %arg24[%dma_wait3A_1007] : memref<1000000xf32, #tpu.memory_space<hbm>> -> memref<1000000xf32, #tpu.memory_space<hbm>>
    tpu.wait_indirect_dma semaphore(%arg42 : memref<!tpu.dma_semaphore, #tpu.memory_space<semaphore_mem>>) src(%dma_wait3A_1008 : memref<1000000xf32, #tpu.memory_space<hbm>>) dst(%dma_wait3A_1004 : memref<128xf32, #tpu.memory_space<vmem>>)
    %dma_wait3A_1009 = arith.constant 2560 : i32
    %dma_wait3A_1010 = tpu.memref_slice %arg39[%dma_wait3A_1009] : memref<8192xf32, #tpu.memory_space<vmem>> -> memref<128xf32, #tpu.memory_space<vmem>>
    %dma_wait3A_1011 = arith.constant 0 : i32
    %dma_wait3A_1012 = tpu.memref_slice %arg37[%dma_wait3A_1011] : memref<512xi32, #tpu.memory_space<vmem>> -> memref<128xi32, #tpu.memory_space<vmem>>
    %dma_wait3A_1013 = arith.constant 0 : i32
    %dma_wait3A_1014 = tpu.memref_slice %arg9[%dma_wait3A_1013] : memref<1000000xf32, #tpu.memory_space<hbm>> -> memref<1000000xf32, #tpu.memory_space<hbm>>
    tpu.wait_indirect_dma semaphore(%arg42 : memref<!tpu.dma_semaphore, #tpu.memory_space<semaphore_mem>>) src(%dma_wait3A_1014 : memref<1000000xf32, #tpu.memory_space<hbm>>) dst(%dma_wait3A_1010 : memref<128xf32, #tpu.memory_space<vmem>>)
    %dma_wait3A_1015 = arith.constant 2560 : i32
    %dma_wait3A_1016 = tpu.memref_slice %arg40[%dma_wait3A_1015] : memref<8192xf32, #tpu.memory_space<vmem>> -> memref<128xf32, #tpu.memory_space<vmem>>
    %dma_wait3A_1017 = arith.constant 0 : i32
    %dma_wait3A_1018 = tpu.memref_slice %arg38[%dma_wait3A_1017] : memref<512xi32, #tpu.memory_space<vmem>> -> memref<128xi32, #tpu.memory_space<vmem>>
    %dma_wait3A_1019 = arith.constant 0 : i32
    %dma_wait3A_1020 = tpu.memref_slice %arg25[%dma_wait3A_1019] : memref<1000000xf32, #tpu.memory_space<hbm>> -> memref<1000000xf32, #tpu.memory_space<hbm>>
    tpu.wait_indirect_dma semaphore(%arg42 : memref<!tpu.dma_semaphore, #tpu.memory_space<semaphore_mem>>) src(%dma_wait3A_1020 : memref<1000000xf32, #tpu.memory_space<hbm>>) dst(%dma_wait3A_1016 : memref<128xf32, #tpu.memory_space<vmem>>)
    %dma_wait3A_1021 = arith.constant 2688 : i32
    %dma_wait3A_1022 = tpu.memref_slice %arg39[%dma_wait3A_1021] : memref<8192xf32, #tpu.memory_space<vmem>> -> memref<128xf32, #tpu.memory_space<vmem>>
    %dma_wait3A_1023 = arith.constant 128 : i32
    %dma_wait3A_1024 = tpu.memref_slice %arg37[%dma_wait3A_1023] : memref<512xi32, #tpu.memory_space<vmem>> -> memref<128xi32, #tpu.memory_space<vmem>>
    %dma_wait3A_1025 = arith.constant 0 : i32
    %dma_wait3A_1026 = tpu.memref_slice %arg9[%dma_wait3A_1025] : memref<1000000xf32, #tpu.memory_space<hbm>> -> memref<1000000xf32, #tpu.memory_space<hbm>>
    tpu.wait_indirect_dma semaphore(%arg42 : memref<!tpu.dma_semaphore, #tpu.memory_space<semaphore_mem>>) src(%dma_wait3A_1026 : memref<1000000xf32, #tpu.memory_space<hbm>>) dst(%dma_wait3A_1022 : memref<128xf32, #tpu.memory_space<vmem>>)
    %dma_wait3A_1027 = arith.constant 2688 : i32
    %dma_wait3A_1028 = tpu.memref_slice %arg40[%dma_wait3A_1027] : memref<8192xf32, #tpu.memory_space<vmem>> -> memref<128xf32, #tpu.memory_space<vmem>>
    %dma_wait3A_1029 = arith.constant 128 : i32
    %dma_wait3A_1030 = tpu.memref_slice %arg38[%dma_wait3A_1029] : memref<512xi32, #tpu.memory_space<vmem>> -> memref<128xi32, #tpu.memory_space<vmem>>
    %dma_wait3A_1031 = arith.constant 0 : i32
    %dma_wait3A_1032 = tpu.memref_slice %arg25[%dma_wait3A_1031] : memref<1000000xf32, #tpu.memory_space<hbm>> -> memref<1000000xf32, #tpu.memory_space<hbm>>
    tpu.wait_indirect_dma semaphore(%arg42 : memref<!tpu.dma_semaphore, #tpu.memory_space<semaphore_mem>>) src(%dma_wait3A_1032 : memref<1000000xf32, #tpu.memory_space<hbm>>) dst(%dma_wait3A_1028 : memref<128xf32, #tpu.memory_space<vmem>>)
    %dma_wait3A_1033 = arith.constant 2816 : i32
    %dma_wait3A_1034 = tpu.memref_slice %arg39[%dma_wait3A_1033] : memref<8192xf32, #tpu.memory_space<vmem>> -> memref<128xf32, #tpu.memory_space<vmem>>
    %dma_wait3A_1035 = arith.constant 256 : i32
    %dma_wait3A_1036 = tpu.memref_slice %arg37[%dma_wait3A_1035] : memref<512xi32, #tpu.memory_space<vmem>> -> memref<128xi32, #tpu.memory_space<vmem>>
    %dma_wait3A_1037 = arith.constant 0 : i32
    %dma_wait3A_1038 = tpu.memref_slice %arg9[%dma_wait3A_1037] : memref<1000000xf32, #tpu.memory_space<hbm>> -> memref<1000000xf32, #tpu.memory_space<hbm>>
    tpu.wait_indirect_dma semaphore(%arg42 : memref<!tpu.dma_semaphore, #tpu.memory_space<semaphore_mem>>) src(%dma_wait3A_1038 : memref<1000000xf32, #tpu.memory_space<hbm>>) dst(%dma_wait3A_1034 : memref<128xf32, #tpu.memory_space<vmem>>)
    %dma_wait3A_1039 = arith.constant 2816 : i32
    %dma_wait3A_1040 = tpu.memref_slice %arg40[%dma_wait3A_1039] : memref<8192xf32, #tpu.memory_space<vmem>> -> memref<128xf32, #tpu.memory_space<vmem>>
    %dma_wait3A_1041 = arith.constant 256 : i32
    %dma_wait3A_1042 = tpu.memref_slice %arg38[%dma_wait3A_1041] : memref<512xi32, #tpu.memory_space<vmem>> -> memref<128xi32, #tpu.memory_space<vmem>>
    %dma_wait3A_1043 = arith.constant 0 : i32
    %dma_wait3A_1044 = tpu.memref_slice %arg25[%dma_wait3A_1043] : memref<1000000xf32, #tpu.memory_space<hbm>> -> memref<1000000xf32, #tpu.memory_space<hbm>>
    tpu.wait_indirect_dma semaphore(%arg42 : memref<!tpu.dma_semaphore, #tpu.memory_space<semaphore_mem>>) src(%dma_wait3A_1044 : memref<1000000xf32, #tpu.memory_space<hbm>>) dst(%dma_wait3A_1040 : memref<128xf32, #tpu.memory_space<vmem>>)
    %dma_wait3A_1045 = arith.constant 2944 : i32
    %dma_wait3A_1046 = tpu.memref_slice %arg39[%dma_wait3A_1045] : memref<8192xf32, #tpu.memory_space<vmem>> -> memref<128xf32, #tpu.memory_space<vmem>>
    %dma_wait3A_1047 = arith.constant 384 : i32
    %dma_wait3A_1048 = tpu.memref_slice %arg37[%dma_wait3A_1047] : memref<512xi32, #tpu.memory_space<vmem>> -> memref<128xi32, #tpu.memory_space<vmem>>
    %dma_wait3A_1049 = arith.constant 0 : i32
    %dma_wait3A_1050 = tpu.memref_slice %arg9[%dma_wait3A_1049] : memref<1000000xf32, #tpu.memory_space<hbm>> -> memref<1000000xf32, #tpu.memory_space<hbm>>
    tpu.wait_indirect_dma semaphore(%arg42 : memref<!tpu.dma_semaphore, #tpu.memory_space<semaphore_mem>>) src(%dma_wait3A_1050 : memref<1000000xf32, #tpu.memory_space<hbm>>) dst(%dma_wait3A_1046 : memref<128xf32, #tpu.memory_space<vmem>>)
    %dma_wait3A_1051 = arith.constant 2944 : i32
    %dma_wait3A_1052 = tpu.memref_slice %arg40[%dma_wait3A_1051] : memref<8192xf32, #tpu.memory_space<vmem>> -> memref<128xf32, #tpu.memory_space<vmem>>
    %dma_wait3A_1053 = arith.constant 384 : i32
    %dma_wait3A_1054 = tpu.memref_slice %arg38[%dma_wait3A_1053] : memref<512xi32, #tpu.memory_space<vmem>> -> memref<128xi32, #tpu.memory_space<vmem>>
    %dma_wait3A_1055 = arith.constant 0 : i32
    %dma_wait3A_1056 = tpu.memref_slice %arg25[%dma_wait3A_1055] : memref<1000000xf32, #tpu.memory_space<hbm>> -> memref<1000000xf32, #tpu.memory_space<hbm>>
    tpu.wait_indirect_dma semaphore(%arg42 : memref<!tpu.dma_semaphore, #tpu.memory_space<semaphore_mem>>) src(%dma_wait3A_1056 : memref<1000000xf32, #tpu.memory_space<hbm>>) dst(%dma_wait3A_1052 : memref<128xf32, #tpu.memory_space<vmem>>)
    %dma_wait3A_1057 = arith.constant 3072 : i32
    %dma_wait3A_1058 = tpu.memref_slice %arg39[%dma_wait3A_1057] : memref<8192xf32, #tpu.memory_space<vmem>> -> memref<128xf32, #tpu.memory_space<vmem>>
    %dma_wait3A_1059 = arith.constant 0 : i32
    %dma_wait3A_1060 = tpu.memref_slice %arg37[%dma_wait3A_1059] : memref<512xi32, #tpu.memory_space<vmem>> -> memref<128xi32, #tpu.memory_space<vmem>>
    %dma_wait3A_1061 = arith.constant 0 : i32
    %dma_wait3A_1062 = tpu.memref_slice %arg10[%dma_wait3A_1061] : memref<1000000xf32, #tpu.memory_space<hbm>> -> memref<1000000xf32, #tpu.memory_space<hbm>>
    tpu.wait_indirect_dma semaphore(%arg42 : memref<!tpu.dma_semaphore, #tpu.memory_space<semaphore_mem>>) src(%dma_wait3A_1062 : memref<1000000xf32, #tpu.memory_space<hbm>>) dst(%dma_wait3A_1058 : memref<128xf32, #tpu.memory_space<vmem>>)
    %dma_wait3A_1063 = arith.constant 3072 : i32
    %dma_wait3A_1064 = tpu.memref_slice %arg40[%dma_wait3A_1063] : memref<8192xf32, #tpu.memory_space<vmem>> -> memref<128xf32, #tpu.memory_space<vmem>>
    %dma_wait3A_1065 = arith.constant 0 : i32
    %dma_wait3A_1066 = tpu.memref_slice %arg38[%dma_wait3A_1065] : memref<512xi32, #tpu.memory_space<vmem>> -> memref<128xi32, #tpu.memory_space<vmem>>
    %dma_wait3A_1067 = arith.constant 0 : i32
    %dma_wait3A_1068 = tpu.memref_slice %arg26[%dma_wait3A_1067] : memref<1000000xf32, #tpu.memory_space<hbm>> -> memref<1000000xf32, #tpu.memory_space<hbm>>
    tpu.wait_indirect_dma semaphore(%arg42 : memref<!tpu.dma_semaphore, #tpu.memory_space<semaphore_mem>>) src(%dma_wait3A_1068 : memref<1000000xf32, #tpu.memory_space<hbm>>) dst(%dma_wait3A_1064 : memref<128xf32, #tpu.memory_space<vmem>>)
    %dma_wait3A_1069 = arith.constant 3200 : i32
    %dma_wait3A_1070 = tpu.memref_slice %arg39[%dma_wait3A_1069] : memref<8192xf32, #tpu.memory_space<vmem>> -> memref<128xf32, #tpu.memory_space<vmem>>
    %dma_wait3A_1071 = arith.constant 128 : i32
    %dma_wait3A_1072 = tpu.memref_slice %arg37[%dma_wait3A_1071] : memref<512xi32, #tpu.memory_space<vmem>> -> memref<128xi32, #tpu.memory_space<vmem>>
    %dma_wait3A_1073 = arith.constant 0 : i32
    %dma_wait3A_1074 = tpu.memref_slice %arg10[%dma_wait3A_1073] : memref<1000000xf32, #tpu.memory_space<hbm>> -> memref<1000000xf32, #tpu.memory_space<hbm>>
    tpu.wait_indirect_dma semaphore(%arg42 : memref<!tpu.dma_semaphore, #tpu.memory_space<semaphore_mem>>) src(%dma_wait3A_1074 : memref<1000000xf32, #tpu.memory_space<hbm>>) dst(%dma_wait3A_1070 : memref<128xf32, #tpu.memory_space<vmem>>)
    %dma_wait3A_1075 = arith.constant 3200 : i32
    %dma_wait3A_1076 = tpu.memref_slice %arg40[%dma_wait3A_1075] : memref<8192xf32, #tpu.memory_space<vmem>> -> memref<128xf32, #tpu.memory_space<vmem>>
    %dma_wait3A_1077 = arith.constant 128 : i32
    %dma_wait3A_1078 = tpu.memref_slice %arg38[%dma_wait3A_1077] : memref<512xi32, #tpu.memory_space<vmem>> -> memref<128xi32, #tpu.memory_space<vmem>>
    %dma_wait3A_1079 = arith.constant 0 : i32
    %dma_wait3A_1080 = tpu.memref_slice %arg26[%dma_wait3A_1079] : memref<1000000xf32, #tpu.memory_space<hbm>> -> memref<1000000xf32, #tpu.memory_space<hbm>>
    tpu.wait_indirect_dma semaphore(%arg42 : memref<!tpu.dma_semaphore, #tpu.memory_space<semaphore_mem>>) src(%dma_wait3A_1080 : memref<1000000xf32, #tpu.memory_space<hbm>>) dst(%dma_wait3A_1076 : memref<128xf32, #tpu.memory_space<vmem>>)
    %dma_wait3A_1081 = arith.constant 3328 : i32
    %dma_wait3A_1082 = tpu.memref_slice %arg39[%dma_wait3A_1081] : memref<8192xf32, #tpu.memory_space<vmem>> -> memref<128xf32, #tpu.memory_space<vmem>>
    %dma_wait3A_1083 = arith.constant 256 : i32
    %dma_wait3A_1084 = tpu.memref_slice %arg37[%dma_wait3A_1083] : memref<512xi32, #tpu.memory_space<vmem>> -> memref<128xi32, #tpu.memory_space<vmem>>
    %dma_wait3A_1085 = arith.constant 0 : i32
    %dma_wait3A_1086 = tpu.memref_slice %arg10[%dma_wait3A_1085] : memref<1000000xf32, #tpu.memory_space<hbm>> -> memref<1000000xf32, #tpu.memory_space<hbm>>
    tpu.wait_indirect_dma semaphore(%arg42 : memref<!tpu.dma_semaphore, #tpu.memory_space<semaphore_mem>>) src(%dma_wait3A_1086 : memref<1000000xf32, #tpu.memory_space<hbm>>) dst(%dma_wait3A_1082 : memref<128xf32, #tpu.memory_space<vmem>>)
    %dma_wait3A_1087 = arith.constant 3328 : i32
    %dma_wait3A_1088 = tpu.memref_slice %arg40[%dma_wait3A_1087] : memref<8192xf32, #tpu.memory_space<vmem>> -> memref<128xf32, #tpu.memory_space<vmem>>
    %dma_wait3A_1089 = arith.constant 256 : i32
    %dma_wait3A_1090 = tpu.memref_slice %arg38[%dma_wait3A_1089] : memref<512xi32, #tpu.memory_space<vmem>> -> memref<128xi32, #tpu.memory_space<vmem>>
    %dma_wait3A_1091 = arith.constant 0 : i32
    %dma_wait3A_1092 = tpu.memref_slice %arg26[%dma_wait3A_1091] : memref<1000000xf32, #tpu.memory_space<hbm>> -> memref<1000000xf32, #tpu.memory_space<hbm>>
    tpu.wait_indirect_dma semaphore(%arg42 : memref<!tpu.dma_semaphore, #tpu.memory_space<semaphore_mem>>) src(%dma_wait3A_1092 : memref<1000000xf32, #tpu.memory_space<hbm>>) dst(%dma_wait3A_1088 : memref<128xf32, #tpu.memory_space<vmem>>)
    %dma_wait3A_1093 = arith.constant 3456 : i32
    %dma_wait3A_1094 = tpu.memref_slice %arg39[%dma_wait3A_1093] : memref<8192xf32, #tpu.memory_space<vmem>> -> memref<128xf32, #tpu.memory_space<vmem>>
    %dma_wait3A_1095 = arith.constant 384 : i32
    %dma_wait3A_1096 = tpu.memref_slice %arg37[%dma_wait3A_1095] : memref<512xi32, #tpu.memory_space<vmem>> -> memref<128xi32, #tpu.memory_space<vmem>>
    %dma_wait3A_1097 = arith.constant 0 : i32
    %dma_wait3A_1098 = tpu.memref_slice %arg10[%dma_wait3A_1097] : memref<1000000xf32, #tpu.memory_space<hbm>> -> memref<1000000xf32, #tpu.memory_space<hbm>>
    tpu.wait_indirect_dma semaphore(%arg42 : memref<!tpu.dma_semaphore, #tpu.memory_space<semaphore_mem>>) src(%dma_wait3A_1098 : memref<1000000xf32, #tpu.memory_space<hbm>>) dst(%dma_wait3A_1094 : memref<128xf32, #tpu.memory_space<vmem>>)
    %dma_wait3A_1099 = arith.constant 3456 : i32
    %dma_wait3A_1100 = tpu.memref_slice %arg40[%dma_wait3A_1099] : memref<8192xf32, #tpu.memory_space<vmem>> -> memref<128xf32, #tpu.memory_space<vmem>>
    %dma_wait3A_1101 = arith.constant 384 : i32
    %dma_wait3A_1102 = tpu.memref_slice %arg38[%dma_wait3A_1101] : memref<512xi32, #tpu.memory_space<vmem>> -> memref<128xi32, #tpu.memory_space<vmem>>
    %dma_wait3A_1103 = arith.constant 0 : i32
    %dma_wait3A_1104 = tpu.memref_slice %arg26[%dma_wait3A_1103] : memref<1000000xf32, #tpu.memory_space<hbm>> -> memref<1000000xf32, #tpu.memory_space<hbm>>
    tpu.wait_indirect_dma semaphore(%arg42 : memref<!tpu.dma_semaphore, #tpu.memory_space<semaphore_mem>>) src(%dma_wait3A_1104 : memref<1000000xf32, #tpu.memory_space<hbm>>) dst(%dma_wait3A_1100 : memref<128xf32, #tpu.memory_space<vmem>>)
    %dma_wait3A_1105 = arith.constant 3584 : i32
    %dma_wait3A_1106 = tpu.memref_slice %arg39[%dma_wait3A_1105] : memref<8192xf32, #tpu.memory_space<vmem>> -> memref<128xf32, #tpu.memory_space<vmem>>
    %dma_wait3A_1107 = arith.constant 0 : i32
    %dma_wait3A_1108 = tpu.memref_slice %arg37[%dma_wait3A_1107] : memref<512xi32, #tpu.memory_space<vmem>> -> memref<128xi32, #tpu.memory_space<vmem>>
    %dma_wait3A_1109 = arith.constant 0 : i32
    %dma_wait3A_1110 = tpu.memref_slice %arg11[%dma_wait3A_1109] : memref<1000000xf32, #tpu.memory_space<hbm>> -> memref<1000000xf32, #tpu.memory_space<hbm>>
    tpu.wait_indirect_dma semaphore(%arg42 : memref<!tpu.dma_semaphore, #tpu.memory_space<semaphore_mem>>) src(%dma_wait3A_1110 : memref<1000000xf32, #tpu.memory_space<hbm>>) dst(%dma_wait3A_1106 : memref<128xf32, #tpu.memory_space<vmem>>)
    %dma_wait3A_1111 = arith.constant 3584 : i32
    %dma_wait3A_1112 = tpu.memref_slice %arg40[%dma_wait3A_1111] : memref<8192xf32, #tpu.memory_space<vmem>> -> memref<128xf32, #tpu.memory_space<vmem>>
    %dma_wait3A_1113 = arith.constant 0 : i32
    %dma_wait3A_1114 = tpu.memref_slice %arg38[%dma_wait3A_1113] : memref<512xi32, #tpu.memory_space<vmem>> -> memref<128xi32, #tpu.memory_space<vmem>>
    %dma_wait3A_1115 = arith.constant 0 : i32
    %dma_wait3A_1116 = tpu.memref_slice %arg27[%dma_wait3A_1115] : memref<1000000xf32, #tpu.memory_space<hbm>> -> memref<1000000xf32, #tpu.memory_space<hbm>>
    tpu.wait_indirect_dma semaphore(%arg42 : memref<!tpu.dma_semaphore, #tpu.memory_space<semaphore_mem>>) src(%dma_wait3A_1116 : memref<1000000xf32, #tpu.memory_space<hbm>>) dst(%dma_wait3A_1112 : memref<128xf32, #tpu.memory_space<vmem>>)
    %dma_wait3A_1117 = arith.constant 3712 : i32
    %dma_wait3A_1118 = tpu.memref_slice %arg39[%dma_wait3A_1117] : memref<8192xf32, #tpu.memory_space<vmem>> -> memref<128xf32, #tpu.memory_space<vmem>>
    %dma_wait3A_1119 = arith.constant 128 : i32
    %dma_wait3A_1120 = tpu.memref_slice %arg37[%dma_wait3A_1119] : memref<512xi32, #tpu.memory_space<vmem>> -> memref<128xi32, #tpu.memory_space<vmem>>
    %dma_wait3A_1121 = arith.constant 0 : i32
    %dma_wait3A_1122 = tpu.memref_slice %arg11[%dma_wait3A_1121] : memref<1000000xf32, #tpu.memory_space<hbm>> -> memref<1000000xf32, #tpu.memory_space<hbm>>
    tpu.wait_indirect_dma semaphore(%arg42 : memref<!tpu.dma_semaphore, #tpu.memory_space<semaphore_mem>>) src(%dma_wait3A_1122 : memref<1000000xf32, #tpu.memory_space<hbm>>) dst(%dma_wait3A_1118 : memref<128xf32, #tpu.memory_space<vmem>>)
    %dma_wait3A_1123 = arith.constant 3712 : i32
    %dma_wait3A_1124 = tpu.memref_slice %arg40[%dma_wait3A_1123] : memref<8192xf32, #tpu.memory_space<vmem>> -> memref<128xf32, #tpu.memory_space<vmem>>
    %dma_wait3A_1125 = arith.constant 128 : i32
    %dma_wait3A_1126 = tpu.memref_slice %arg38[%dma_wait3A_1125] : memref<512xi32, #tpu.memory_space<vmem>> -> memref<128xi32, #tpu.memory_space<vmem>>
    %dma_wait3A_1127 = arith.constant 0 : i32
    %dma_wait3A_1128 = tpu.memref_slice %arg27[%dma_wait3A_1127] : memref<1000000xf32, #tpu.memory_space<hbm>> -> memref<1000000xf32, #tpu.memory_space<hbm>>
    tpu.wait_indirect_dma semaphore(%arg42 : memref<!tpu.dma_semaphore, #tpu.memory_space<semaphore_mem>>) src(%dma_wait3A_1128 : memref<1000000xf32, #tpu.memory_space<hbm>>) dst(%dma_wait3A_1124 : memref<128xf32, #tpu.memory_space<vmem>>)
    %dma_wait3A_1129 = arith.constant 3840 : i32
    %dma_wait3A_1130 = tpu.memref_slice %arg39[%dma_wait3A_1129] : memref<8192xf32, #tpu.memory_space<vmem>> -> memref<128xf32, #tpu.memory_space<vmem>>
    %dma_wait3A_1131 = arith.constant 256 : i32
    %dma_wait3A_1132 = tpu.memref_slice %arg37[%dma_wait3A_1131] : memref<512xi32, #tpu.memory_space<vmem>> -> memref<128xi32, #tpu.memory_space<vmem>>
    %dma_wait3A_1133 = arith.constant 0 : i32
    %dma_wait3A_1134 = tpu.memref_slice %arg11[%dma_wait3A_1133] : memref<1000000xf32, #tpu.memory_space<hbm>> -> memref<1000000xf32, #tpu.memory_space<hbm>>
    tpu.wait_indirect_dma semaphore(%arg42 : memref<!tpu.dma_semaphore, #tpu.memory_space<semaphore_mem>>) src(%dma_wait3A_1134 : memref<1000000xf32, #tpu.memory_space<hbm>>) dst(%dma_wait3A_1130 : memref<128xf32, #tpu.memory_space<vmem>>)
    %dma_wait3A_1135 = arith.constant 3840 : i32
    %dma_wait3A_1136 = tpu.memref_slice %arg40[%dma_wait3A_1135] : memref<8192xf32, #tpu.memory_space<vmem>> -> memref<128xf32, #tpu.memory_space<vmem>>
    %dma_wait3A_1137 = arith.constant 256 : i32
    %dma_wait3A_1138 = tpu.memref_slice %arg38[%dma_wait3A_1137] : memref<512xi32, #tpu.memory_space<vmem>> -> memref<128xi32, #tpu.memory_space<vmem>>
    %dma_wait3A_1139 = arith.constant 0 : i32
    %dma_wait3A_1140 = tpu.memref_slice %arg27[%dma_wait3A_1139] : memref<1000000xf32, #tpu.memory_space<hbm>> -> memref<1000000xf32, #tpu.memory_space<hbm>>
    tpu.wait_indirect_dma semaphore(%arg42 : memref<!tpu.dma_semaphore, #tpu.memory_space<semaphore_mem>>) src(%dma_wait3A_1140 : memref<1000000xf32, #tpu.memory_space<hbm>>) dst(%dma_wait3A_1136 : memref<128xf32, #tpu.memory_space<vmem>>)
    %dma_wait3A_1141 = arith.constant 3968 : i32
    %dma_wait3A_1142 = tpu.memref_slice %arg39[%dma_wait3A_1141] : memref<8192xf32, #tpu.memory_space<vmem>> -> memref<128xf32, #tpu.memory_space<vmem>>
    %dma_wait3A_1143 = arith.constant 384 : i32
    %dma_wait3A_1144 = tpu.memref_slice %arg37[%dma_wait3A_1143] : memref<512xi32, #tpu.memory_space<vmem>> -> memref<128xi32, #tpu.memory_space<vmem>>
    %dma_wait3A_1145 = arith.constant 0 : i32
    %dma_wait3A_1146 = tpu.memref_slice %arg11[%dma_wait3A_1145] : memref<1000000xf32, #tpu.memory_space<hbm>> -> memref<1000000xf32, #tpu.memory_space<hbm>>
    tpu.wait_indirect_dma semaphore(%arg42 : memref<!tpu.dma_semaphore, #tpu.memory_space<semaphore_mem>>) src(%dma_wait3A_1146 : memref<1000000xf32, #tpu.memory_space<hbm>>) dst(%dma_wait3A_1142 : memref<128xf32, #tpu.memory_space<vmem>>)
    %dma_wait3A_1147 = arith.constant 3968 : i32
    %dma_wait3A_1148 = tpu.memref_slice %arg40[%dma_wait3A_1147] : memref<8192xf32, #tpu.memory_space<vmem>> -> memref<128xf32, #tpu.memory_space<vmem>>
    %dma_wait3A_1149 = arith.constant 384 : i32
    %dma_wait3A_1150 = tpu.memref_slice %arg38[%dma_wait3A_1149] : memref<512xi32, #tpu.memory_space<vmem>> -> memref<128xi32, #tpu.memory_space<vmem>>
    %dma_wait3A_1151 = arith.constant 0 : i32
    %dma_wait3A_1152 = tpu.memref_slice %arg27[%dma_wait3A_1151] : memref<1000000xf32, #tpu.memory_space<hbm>> -> memref<1000000xf32, #tpu.memory_space<hbm>>
    tpu.wait_indirect_dma semaphore(%arg42 : memref<!tpu.dma_semaphore, #tpu.memory_space<semaphore_mem>>) src(%dma_wait3A_1152 : memref<1000000xf32, #tpu.memory_space<hbm>>) dst(%dma_wait3A_1148 : memref<128xf32, #tpu.memory_space<vmem>>)
    %dma_wait3A_1153 = arith.constant 4096 : i32
    %dma_wait3A_1154 = tpu.memref_slice %arg39[%dma_wait3A_1153] : memref<8192xf32, #tpu.memory_space<vmem>> -> memref<128xf32, #tpu.memory_space<vmem>>
    %dma_wait3A_1155 = arith.constant 0 : i32
    %dma_wait3A_1156 = tpu.memref_slice %arg37[%dma_wait3A_1155] : memref<512xi32, #tpu.memory_space<vmem>> -> memref<128xi32, #tpu.memory_space<vmem>>
    %dma_wait3A_1157 = arith.constant 0 : i32
    %dma_wait3A_1158 = tpu.memref_slice %arg12[%dma_wait3A_1157] : memref<1000000xf32, #tpu.memory_space<hbm>> -> memref<1000000xf32, #tpu.memory_space<hbm>>
    tpu.wait_indirect_dma semaphore(%arg42 : memref<!tpu.dma_semaphore, #tpu.memory_space<semaphore_mem>>) src(%dma_wait3A_1158 : memref<1000000xf32, #tpu.memory_space<hbm>>) dst(%dma_wait3A_1154 : memref<128xf32, #tpu.memory_space<vmem>>)
    %dma_wait3A_1159 = arith.constant 4096 : i32
    %dma_wait3A_1160 = tpu.memref_slice %arg40[%dma_wait3A_1159] : memref<8192xf32, #tpu.memory_space<vmem>> -> memref<128xf32, #tpu.memory_space<vmem>>
    %dma_wait3A_1161 = arith.constant 0 : i32
    %dma_wait3A_1162 = tpu.memref_slice %arg38[%dma_wait3A_1161] : memref<512xi32, #tpu.memory_space<vmem>> -> memref<128xi32, #tpu.memory_space<vmem>>
    %dma_wait3A_1163 = arith.constant 0 : i32
    %dma_wait3A_1164 = tpu.memref_slice %arg28[%dma_wait3A_1163] : memref<1000000xf32, #tpu.memory_space<hbm>> -> memref<1000000xf32, #tpu.memory_space<hbm>>
    tpu.wait_indirect_dma semaphore(%arg42 : memref<!tpu.dma_semaphore, #tpu.memory_space<semaphore_mem>>) src(%dma_wait3A_1164 : memref<1000000xf32, #tpu.memory_space<hbm>>) dst(%dma_wait3A_1160 : memref<128xf32, #tpu.memory_space<vmem>>)
    %dma_wait3A_1165 = arith.constant 4224 : i32
    %dma_wait3A_1166 = tpu.memref_slice %arg39[%dma_wait3A_1165] : memref<8192xf32, #tpu.memory_space<vmem>> -> memref<128xf32, #tpu.memory_space<vmem>>
    %dma_wait3A_1167 = arith.constant 128 : i32
    %dma_wait3A_1168 = tpu.memref_slice %arg37[%dma_wait3A_1167] : memref<512xi32, #tpu.memory_space<vmem>> -> memref<128xi32, #tpu.memory_space<vmem>>
    %dma_wait3A_1169 = arith.constant 0 : i32
    %dma_wait3A_1170 = tpu.memref_slice %arg12[%dma_wait3A_1169] : memref<1000000xf32, #tpu.memory_space<hbm>> -> memref<1000000xf32, #tpu.memory_space<hbm>>
    tpu.wait_indirect_dma semaphore(%arg42 : memref<!tpu.dma_semaphore, #tpu.memory_space<semaphore_mem>>) src(%dma_wait3A_1170 : memref<1000000xf32, #tpu.memory_space<hbm>>) dst(%dma_wait3A_1166 : memref<128xf32, #tpu.memory_space<vmem>>)
    %dma_wait3A_1171 = arith.constant 4224 : i32
    %dma_wait3A_1172 = tpu.memref_slice %arg40[%dma_wait3A_1171] : memref<8192xf32, #tpu.memory_space<vmem>> -> memref<128xf32, #tpu.memory_space<vmem>>
    %dma_wait3A_1173 = arith.constant 128 : i32
    %dma_wait3A_1174 = tpu.memref_slice %arg38[%dma_wait3A_1173] : memref<512xi32, #tpu.memory_space<vmem>> -> memref<128xi32, #tpu.memory_space<vmem>>
    %dma_wait3A_1175 = arith.constant 0 : i32
    %dma_wait3A_1176 = tpu.memref_slice %arg28[%dma_wait3A_1175] : memref<1000000xf32, #tpu.memory_space<hbm>> -> memref<1000000xf32, #tpu.memory_space<hbm>>
    tpu.wait_indirect_dma semaphore(%arg42 : memref<!tpu.dma_semaphore, #tpu.memory_space<semaphore_mem>>) src(%dma_wait3A_1176 : memref<1000000xf32, #tpu.memory_space<hbm>>) dst(%dma_wait3A_1172 : memref<128xf32, #tpu.memory_space<vmem>>)
    %dma_wait3A_1177 = arith.constant 4352 : i32
    %dma_wait3A_1178 = tpu.memref_slice %arg39[%dma_wait3A_1177] : memref<8192xf32, #tpu.memory_space<vmem>> -> memref<128xf32, #tpu.memory_space<vmem>>
    %dma_wait3A_1179 = arith.constant 256 : i32
    %dma_wait3A_1180 = tpu.memref_slice %arg37[%dma_wait3A_1179] : memref<512xi32, #tpu.memory_space<vmem>> -> memref<128xi32, #tpu.memory_space<vmem>>
    %dma_wait3A_1181 = arith.constant 0 : i32
    %dma_wait3A_1182 = tpu.memref_slice %arg12[%dma_wait3A_1181] : memref<1000000xf32, #tpu.memory_space<hbm>> -> memref<1000000xf32, #tpu.memory_space<hbm>>
    tpu.wait_indirect_dma semaphore(%arg42 : memref<!tpu.dma_semaphore, #tpu.memory_space<semaphore_mem>>) src(%dma_wait3A_1182 : memref<1000000xf32, #tpu.memory_space<hbm>>) dst(%dma_wait3A_1178 : memref<128xf32, #tpu.memory_space<vmem>>)
    %dma_wait3A_1183 = arith.constant 4352 : i32
    %dma_wait3A_1184 = tpu.memref_slice %arg40[%dma_wait3A_1183] : memref<8192xf32, #tpu.memory_space<vmem>> -> memref<128xf32, #tpu.memory_space<vmem>>
    %dma_wait3A_1185 = arith.constant 256 : i32
    %dma_wait3A_1186 = tpu.memref_slice %arg38[%dma_wait3A_1185] : memref<512xi32, #tpu.memory_space<vmem>> -> memref<128xi32, #tpu.memory_space<vmem>>
    %dma_wait3A_1187 = arith.constant 0 : i32
    %dma_wait3A_1188 = tpu.memref_slice %arg28[%dma_wait3A_1187] : memref<1000000xf32, #tpu.memory_space<hbm>> -> memref<1000000xf32, #tpu.memory_space<hbm>>
    tpu.wait_indirect_dma semaphore(%arg42 : memref<!tpu.dma_semaphore, #tpu.memory_space<semaphore_mem>>) src(%dma_wait3A_1188 : memref<1000000xf32, #tpu.memory_space<hbm>>) dst(%dma_wait3A_1184 : memref<128xf32, #tpu.memory_space<vmem>>)
    %dma_wait3A_1189 = arith.constant 4480 : i32
    %dma_wait3A_1190 = tpu.memref_slice %arg39[%dma_wait3A_1189] : memref<8192xf32, #tpu.memory_space<vmem>> -> memref<128xf32, #tpu.memory_space<vmem>>
    %dma_wait3A_1191 = arith.constant 384 : i32
    %dma_wait3A_1192 = tpu.memref_slice %arg37[%dma_wait3A_1191] : memref<512xi32, #tpu.memory_space<vmem>> -> memref<128xi32, #tpu.memory_space<vmem>>
    %dma_wait3A_1193 = arith.constant 0 : i32
    %dma_wait3A_1194 = tpu.memref_slice %arg12[%dma_wait3A_1193] : memref<1000000xf32, #tpu.memory_space<hbm>> -> memref<1000000xf32, #tpu.memory_space<hbm>>
    tpu.wait_indirect_dma semaphore(%arg42 : memref<!tpu.dma_semaphore, #tpu.memory_space<semaphore_mem>>) src(%dma_wait3A_1194 : memref<1000000xf32, #tpu.memory_space<hbm>>) dst(%dma_wait3A_1190 : memref<128xf32, #tpu.memory_space<vmem>>)
    %dma_wait3A_1195 = arith.constant 4480 : i32
    %dma_wait3A_1196 = tpu.memref_slice %arg40[%dma_wait3A_1195] : memref<8192xf32, #tpu.memory_space<vmem>> -> memref<128xf32, #tpu.memory_space<vmem>>
    %dma_wait3A_1197 = arith.constant 384 : i32
    %dma_wait3A_1198 = tpu.memref_slice %arg38[%dma_wait3A_1197] : memref<512xi32, #tpu.memory_space<vmem>> -> memref<128xi32, #tpu.memory_space<vmem>>
    %dma_wait3A_1199 = arith.constant 0 : i32
    %dma_wait3A_1200 = tpu.memref_slice %arg28[%dma_wait3A_1199] : memref<1000000xf32, #tpu.memory_space<hbm>> -> memref<1000000xf32, #tpu.memory_space<hbm>>
    tpu.wait_indirect_dma semaphore(%arg42 : memref<!tpu.dma_semaphore, #tpu.memory_space<semaphore_mem>>) src(%dma_wait3A_1200 : memref<1000000xf32, #tpu.memory_space<hbm>>) dst(%dma_wait3A_1196 : memref<128xf32, #tpu.memory_space<vmem>>)
    %dma_wait3A_1201 = arith.constant 4608 : i32
    %dma_wait3A_1202 = tpu.memref_slice %arg39[%dma_wait3A_1201] : memref<8192xf32, #tpu.memory_space<vmem>> -> memref<128xf32, #tpu.memory_space<vmem>>
    %dma_wait3A_1203 = arith.constant 0 : i32
    %dma_wait3A_1204 = tpu.memref_slice %arg37[%dma_wait3A_1203] : memref<512xi32, #tpu.memory_space<vmem>> -> memref<128xi32, #tpu.memory_space<vmem>>
    %dma_wait3A_1205 = arith.constant 0 : i32
    %dma_wait3A_1206 = tpu.memref_slice %arg13[%dma_wait3A_1205] : memref<1000000xf32, #tpu.memory_space<hbm>> -> memref<1000000xf32, #tpu.memory_space<hbm>>
    tpu.wait_indirect_dma semaphore(%arg42 : memref<!tpu.dma_semaphore, #tpu.memory_space<semaphore_mem>>) src(%dma_wait3A_1206 : memref<1000000xf32, #tpu.memory_space<hbm>>) dst(%dma_wait3A_1202 : memref<128xf32, #tpu.memory_space<vmem>>)
    %dma_wait3A_1207 = arith.constant 4608 : i32
    %dma_wait3A_1208 = tpu.memref_slice %arg40[%dma_wait3A_1207] : memref<8192xf32, #tpu.memory_space<vmem>> -> memref<128xf32, #tpu.memory_space<vmem>>
    %dma_wait3A_1209 = arith.constant 0 : i32
    %dma_wait3A_1210 = tpu.memref_slice %arg38[%dma_wait3A_1209] : memref<512xi32, #tpu.memory_space<vmem>> -> memref<128xi32, #tpu.memory_space<vmem>>
    %dma_wait3A_1211 = arith.constant 0 : i32
    %dma_wait3A_1212 = tpu.memref_slice %arg29[%dma_wait3A_1211] : memref<1000000xf32, #tpu.memory_space<hbm>> -> memref<1000000xf32, #tpu.memory_space<hbm>>
    tpu.wait_indirect_dma semaphore(%arg42 : memref<!tpu.dma_semaphore, #tpu.memory_space<semaphore_mem>>) src(%dma_wait3A_1212 : memref<1000000xf32, #tpu.memory_space<hbm>>) dst(%dma_wait3A_1208 : memref<128xf32, #tpu.memory_space<vmem>>)
    %dma_wait3A_1213 = arith.constant 4736 : i32
    %dma_wait3A_1214 = tpu.memref_slice %arg39[%dma_wait3A_1213] : memref<8192xf32, #tpu.memory_space<vmem>> -> memref<128xf32, #tpu.memory_space<vmem>>
    %dma_wait3A_1215 = arith.constant 128 : i32
    %dma_wait3A_1216 = tpu.memref_slice %arg37[%dma_wait3A_1215] : memref<512xi32, #tpu.memory_space<vmem>> -> memref<128xi32, #tpu.memory_space<vmem>>
    %dma_wait3A_1217 = arith.constant 0 : i32
    %dma_wait3A_1218 = tpu.memref_slice %arg13[%dma_wait3A_1217] : memref<1000000xf32, #tpu.memory_space<hbm>> -> memref<1000000xf32, #tpu.memory_space<hbm>>
    tpu.wait_indirect_dma semaphore(%arg42 : memref<!tpu.dma_semaphore, #tpu.memory_space<semaphore_mem>>) src(%dma_wait3A_1218 : memref<1000000xf32, #tpu.memory_space<hbm>>) dst(%dma_wait3A_1214 : memref<128xf32, #tpu.memory_space<vmem>>)
    %dma_wait3A_1219 = arith.constant 4736 : i32
    %dma_wait3A_1220 = tpu.memref_slice %arg40[%dma_wait3A_1219] : memref<8192xf32, #tpu.memory_space<vmem>> -> memref<128xf32, #tpu.memory_space<vmem>>
    %dma_wait3A_1221 = arith.constant 128 : i32
    %dma_wait3A_1222 = tpu.memref_slice %arg38[%dma_wait3A_1221] : memref<512xi32, #tpu.memory_space<vmem>> -> memref<128xi32, #tpu.memory_space<vmem>>
    %dma_wait3A_1223 = arith.constant 0 : i32
    %dma_wait3A_1224 = tpu.memref_slice %arg29[%dma_wait3A_1223] : memref<1000000xf32, #tpu.memory_space<hbm>> -> memref<1000000xf32, #tpu.memory_space<hbm>>
    tpu.wait_indirect_dma semaphore(%arg42 : memref<!tpu.dma_semaphore, #tpu.memory_space<semaphore_mem>>) src(%dma_wait3A_1224 : memref<1000000xf32, #tpu.memory_space<hbm>>) dst(%dma_wait3A_1220 : memref<128xf32, #tpu.memory_space<vmem>>)
    %dma_wait3A_1225 = arith.constant 4864 : i32
    %dma_wait3A_1226 = tpu.memref_slice %arg39[%dma_wait3A_1225] : memref<8192xf32, #tpu.memory_space<vmem>> -> memref<128xf32, #tpu.memory_space<vmem>>
    %dma_wait3A_1227 = arith.constant 256 : i32
    %dma_wait3A_1228 = tpu.memref_slice %arg37[%dma_wait3A_1227] : memref<512xi32, #tpu.memory_space<vmem>> -> memref<128xi32, #tpu.memory_space<vmem>>
    %dma_wait3A_1229 = arith.constant 0 : i32
    %dma_wait3A_1230 = tpu.memref_slice %arg13[%dma_wait3A_1229] : memref<1000000xf32, #tpu.memory_space<hbm>> -> memref<1000000xf32, #tpu.memory_space<hbm>>
    tpu.wait_indirect_dma semaphore(%arg42 : memref<!tpu.dma_semaphore, #tpu.memory_space<semaphore_mem>>) src(%dma_wait3A_1230 : memref<1000000xf32, #tpu.memory_space<hbm>>) dst(%dma_wait3A_1226 : memref<128xf32, #tpu.memory_space<vmem>>)
    %dma_wait3A_1231 = arith.constant 4864 : i32
    %dma_wait3A_1232 = tpu.memref_slice %arg40[%dma_wait3A_1231] : memref<8192xf32, #tpu.memory_space<vmem>> -> memref<128xf32, #tpu.memory_space<vmem>>
    %dma_wait3A_1233 = arith.constant 256 : i32
    %dma_wait3A_1234 = tpu.memref_slice %arg38[%dma_wait3A_1233] : memref<512xi32, #tpu.memory_space<vmem>> -> memref<128xi32, #tpu.memory_space<vmem>>
    %dma_wait3A_1235 = arith.constant 0 : i32
    %dma_wait3A_1236 = tpu.memref_slice %arg29[%dma_wait3A_1235] : memref<1000000xf32, #tpu.memory_space<hbm>> -> memref<1000000xf32, #tpu.memory_space<hbm>>
    tpu.wait_indirect_dma semaphore(%arg42 : memref<!tpu.dma_semaphore, #tpu.memory_space<semaphore_mem>>) src(%dma_wait3A_1236 : memref<1000000xf32, #tpu.memory_space<hbm>>) dst(%dma_wait3A_1232 : memref<128xf32, #tpu.memory_space<vmem>>)
    %dma_wait3A_1237 = arith.constant 4992 : i32
    %dma_wait3A_1238 = tpu.memref_slice %arg39[%dma_wait3A_1237] : memref<8192xf32, #tpu.memory_space<vmem>> -> memref<128xf32, #tpu.memory_space<vmem>>
    %dma_wait3A_1239 = arith.constant 384 : i32
    %dma_wait3A_1240 = tpu.memref_slice %arg37[%dma_wait3A_1239] : memref<512xi32, #tpu.memory_space<vmem>> -> memref<128xi32, #tpu.memory_space<vmem>>
    %dma_wait3A_1241 = arith.constant 0 : i32
    %dma_wait3A_1242 = tpu.memref_slice %arg13[%dma_wait3A_1241] : memref<1000000xf32, #tpu.memory_space<hbm>> -> memref<1000000xf32, #tpu.memory_space<hbm>>
    tpu.wait_indirect_dma semaphore(%arg42 : memref<!tpu.dma_semaphore, #tpu.memory_space<semaphore_mem>>) src(%dma_wait3A_1242 : memref<1000000xf32, #tpu.memory_space<hbm>>) dst(%dma_wait3A_1238 : memref<128xf32, #tpu.memory_space<vmem>>)
    %dma_wait3A_1243 = arith.constant 4992 : i32
    %dma_wait3A_1244 = tpu.memref_slice %arg40[%dma_wait3A_1243] : memref<8192xf32, #tpu.memory_space<vmem>> -> memref<128xf32, #tpu.memory_space<vmem>>
    %dma_wait3A_1245 = arith.constant 384 : i32
    %dma_wait3A_1246 = tpu.memref_slice %arg38[%dma_wait3A_1245] : memref<512xi32, #tpu.memory_space<vmem>> -> memref<128xi32, #tpu.memory_space<vmem>>
    %dma_wait3A_1247 = arith.constant 0 : i32
    %dma_wait3A_1248 = tpu.memref_slice %arg29[%dma_wait3A_1247] : memref<1000000xf32, #tpu.memory_space<hbm>> -> memref<1000000xf32, #tpu.memory_space<hbm>>
    tpu.wait_indirect_dma semaphore(%arg42 : memref<!tpu.dma_semaphore, #tpu.memory_space<semaphore_mem>>) src(%dma_wait3A_1248 : memref<1000000xf32, #tpu.memory_space<hbm>>) dst(%dma_wait3A_1244 : memref<128xf32, #tpu.memory_space<vmem>>)
    %dma_wait3A_1249 = arith.constant 5120 : i32
    %dma_wait3A_1250 = tpu.memref_slice %arg39[%dma_wait3A_1249] : memref<8192xf32, #tpu.memory_space<vmem>> -> memref<128xf32, #tpu.memory_space<vmem>>
    %dma_wait3A_1251 = arith.constant 0 : i32
    %dma_wait3A_1252 = tpu.memref_slice %arg37[%dma_wait3A_1251] : memref<512xi32, #tpu.memory_space<vmem>> -> memref<128xi32, #tpu.memory_space<vmem>>
    %dma_wait3A_1253 = arith.constant 0 : i32
    %dma_wait3A_1254 = tpu.memref_slice %arg14[%dma_wait3A_1253] : memref<1000000xf32, #tpu.memory_space<hbm>> -> memref<1000000xf32, #tpu.memory_space<hbm>>
    tpu.wait_indirect_dma semaphore(%arg42 : memref<!tpu.dma_semaphore, #tpu.memory_space<semaphore_mem>>) src(%dma_wait3A_1254 : memref<1000000xf32, #tpu.memory_space<hbm>>) dst(%dma_wait3A_1250 : memref<128xf32, #tpu.memory_space<vmem>>)
    %dma_wait3A_1255 = arith.constant 5120 : i32
    %dma_wait3A_1256 = tpu.memref_slice %arg40[%dma_wait3A_1255] : memref<8192xf32, #tpu.memory_space<vmem>> -> memref<128xf32, #tpu.memory_space<vmem>>
    %dma_wait3A_1257 = arith.constant 0 : i32
    %dma_wait3A_1258 = tpu.memref_slice %arg38[%dma_wait3A_1257] : memref<512xi32, #tpu.memory_space<vmem>> -> memref<128xi32, #tpu.memory_space<vmem>>
    %dma_wait3A_1259 = arith.constant 0 : i32
    %dma_wait3A_1260 = tpu.memref_slice %arg30[%dma_wait3A_1259] : memref<1000000xf32, #tpu.memory_space<hbm>> -> memref<1000000xf32, #tpu.memory_space<hbm>>
    tpu.wait_indirect_dma semaphore(%arg42 : memref<!tpu.dma_semaphore, #tpu.memory_space<semaphore_mem>>) src(%dma_wait3A_1260 : memref<1000000xf32, #tpu.memory_space<hbm>>) dst(%dma_wait3A_1256 : memref<128xf32, #tpu.memory_space<vmem>>)
    %dma_wait3A_1261 = arith.constant 5248 : i32
    %dma_wait3A_1262 = tpu.memref_slice %arg39[%dma_wait3A_1261] : memref<8192xf32, #tpu.memory_space<vmem>> -> memref<128xf32, #tpu.memory_space<vmem>>
    %dma_wait3A_1263 = arith.constant 128 : i32
    %dma_wait3A_1264 = tpu.memref_slice %arg37[%dma_wait3A_1263] : memref<512xi32, #tpu.memory_space<vmem>> -> memref<128xi32, #tpu.memory_space<vmem>>
    %dma_wait3A_1265 = arith.constant 0 : i32
    %dma_wait3A_1266 = tpu.memref_slice %arg14[%dma_wait3A_1265] : memref<1000000xf32, #tpu.memory_space<hbm>> -> memref<1000000xf32, #tpu.memory_space<hbm>>
    tpu.wait_indirect_dma semaphore(%arg42 : memref<!tpu.dma_semaphore, #tpu.memory_space<semaphore_mem>>) src(%dma_wait3A_1266 : memref<1000000xf32, #tpu.memory_space<hbm>>) dst(%dma_wait3A_1262 : memref<128xf32, #tpu.memory_space<vmem>>)
    %dma_wait3A_1267 = arith.constant 5248 : i32
    %dma_wait3A_1268 = tpu.memref_slice %arg40[%dma_wait3A_1267] : memref<8192xf32, #tpu.memory_space<vmem>> -> memref<128xf32, #tpu.memory_space<vmem>>
    %dma_wait3A_1269 = arith.constant 128 : i32
    %dma_wait3A_1270 = tpu.memref_slice %arg38[%dma_wait3A_1269] : memref<512xi32, #tpu.memory_space<vmem>> -> memref<128xi32, #tpu.memory_space<vmem>>
    %dma_wait3A_1271 = arith.constant 0 : i32
    %dma_wait3A_1272 = tpu.memref_slice %arg30[%dma_wait3A_1271] : memref<1000000xf32, #tpu.memory_space<hbm>> -> memref<1000000xf32, #tpu.memory_space<hbm>>
    tpu.wait_indirect_dma semaphore(%arg42 : memref<!tpu.dma_semaphore, #tpu.memory_space<semaphore_mem>>) src(%dma_wait3A_1272 : memref<1000000xf32, #tpu.memory_space<hbm>>) dst(%dma_wait3A_1268 : memref<128xf32, #tpu.memory_space<vmem>>)
    %dma_wait3A_1273 = arith.constant 5376 : i32
    %dma_wait3A_1274 = tpu.memref_slice %arg39[%dma_wait3A_1273] : memref<8192xf32, #tpu.memory_space<vmem>> -> memref<128xf32, #tpu.memory_space<vmem>>
    %dma_wait3A_1275 = arith.constant 256 : i32
    %dma_wait3A_1276 = tpu.memref_slice %arg37[%dma_wait3A_1275] : memref<512xi32, #tpu.memory_space<vmem>> -> memref<128xi32, #tpu.memory_space<vmem>>
    %dma_wait3A_1277 = arith.constant 0 : i32
    %dma_wait3A_1278 = tpu.memref_slice %arg14[%dma_wait3A_1277] : memref<1000000xf32, #tpu.memory_space<hbm>> -> memref<1000000xf32, #tpu.memory_space<hbm>>
    tpu.wait_indirect_dma semaphore(%arg42 : memref<!tpu.dma_semaphore, #tpu.memory_space<semaphore_mem>>) src(%dma_wait3A_1278 : memref<1000000xf32, #tpu.memory_space<hbm>>) dst(%dma_wait3A_1274 : memref<128xf32, #tpu.memory_space<vmem>>)
    %dma_wait3A_1279 = arith.constant 5376 : i32
    %dma_wait3A_1280 = tpu.memref_slice %arg40[%dma_wait3A_1279] : memref<8192xf32, #tpu.memory_space<vmem>> -> memref<128xf32, #tpu.memory_space<vmem>>
    %dma_wait3A_1281 = arith.constant 256 : i32
    %dma_wait3A_1282 = tpu.memref_slice %arg38[%dma_wait3A_1281] : memref<512xi32, #tpu.memory_space<vmem>> -> memref<128xi32, #tpu.memory_space<vmem>>
    %dma_wait3A_1283 = arith.constant 0 : i32
    %dma_wait3A_1284 = tpu.memref_slice %arg30[%dma_wait3A_1283] : memref<1000000xf32, #tpu.memory_space<hbm>> -> memref<1000000xf32, #tpu.memory_space<hbm>>
    tpu.wait_indirect_dma semaphore(%arg42 : memref<!tpu.dma_semaphore, #tpu.memory_space<semaphore_mem>>) src(%dma_wait3A_1284 : memref<1000000xf32, #tpu.memory_space<hbm>>) dst(%dma_wait3A_1280 : memref<128xf32, #tpu.memory_space<vmem>>)
    %dma_wait3A_1285 = arith.constant 5504 : i32
    %dma_wait3A_1286 = tpu.memref_slice %arg39[%dma_wait3A_1285] : memref<8192xf32, #tpu.memory_space<vmem>> -> memref<128xf32, #tpu.memory_space<vmem>>
    %dma_wait3A_1287 = arith.constant 384 : i32
    %dma_wait3A_1288 = tpu.memref_slice %arg37[%dma_wait3A_1287] : memref<512xi32, #tpu.memory_space<vmem>> -> memref<128xi32, #tpu.memory_space<vmem>>
    %dma_wait3A_1289 = arith.constant 0 : i32
    %dma_wait3A_1290 = tpu.memref_slice %arg14[%dma_wait3A_1289] : memref<1000000xf32, #tpu.memory_space<hbm>> -> memref<1000000xf32, #tpu.memory_space<hbm>>
    tpu.wait_indirect_dma semaphore(%arg42 : memref<!tpu.dma_semaphore, #tpu.memory_space<semaphore_mem>>) src(%dma_wait3A_1290 : memref<1000000xf32, #tpu.memory_space<hbm>>) dst(%dma_wait3A_1286 : memref<128xf32, #tpu.memory_space<vmem>>)
    %dma_wait3A_1291 = arith.constant 5504 : i32
    %dma_wait3A_1292 = tpu.memref_slice %arg40[%dma_wait3A_1291] : memref<8192xf32, #tpu.memory_space<vmem>> -> memref<128xf32, #tpu.memory_space<vmem>>
    %dma_wait3A_1293 = arith.constant 384 : i32
    %dma_wait3A_1294 = tpu.memref_slice %arg38[%dma_wait3A_1293] : memref<512xi32, #tpu.memory_space<vmem>> -> memref<128xi32, #tpu.memory_space<vmem>>
    %dma_wait3A_1295 = arith.constant 0 : i32
    %dma_wait3A_1296 = tpu.memref_slice %arg30[%dma_wait3A_1295] : memref<1000000xf32, #tpu.memory_space<hbm>> -> memref<1000000xf32, #tpu.memory_space<hbm>>
    tpu.wait_indirect_dma semaphore(%arg42 : memref<!tpu.dma_semaphore, #tpu.memory_space<semaphore_mem>>) src(%dma_wait3A_1296 : memref<1000000xf32, #tpu.memory_space<hbm>>) dst(%dma_wait3A_1292 : memref<128xf32, #tpu.memory_space<vmem>>)
    %dma_wait3A_1297 = arith.constant 5632 : i32
    %dma_wait3A_1298 = tpu.memref_slice %arg39[%dma_wait3A_1297] : memref<8192xf32, #tpu.memory_space<vmem>> -> memref<128xf32, #tpu.memory_space<vmem>>
    %dma_wait3A_1299 = arith.constant 0 : i32
    %dma_wait3A_1300 = tpu.memref_slice %arg37[%dma_wait3A_1299] : memref<512xi32, #tpu.memory_space<vmem>> -> memref<128xi32, #tpu.memory_space<vmem>>
    %dma_wait3A_1301 = arith.constant 0 : i32
    %dma_wait3A_1302 = tpu.memref_slice %arg15[%dma_wait3A_1301] : memref<1000000xf32, #tpu.memory_space<hbm>> -> memref<1000000xf32, #tpu.memory_space<hbm>>
    tpu.wait_indirect_dma semaphore(%arg42 : memref<!tpu.dma_semaphore, #tpu.memory_space<semaphore_mem>>) src(%dma_wait3A_1302 : memref<1000000xf32, #tpu.memory_space<hbm>>) dst(%dma_wait3A_1298 : memref<128xf32, #tpu.memory_space<vmem>>)
    %dma_wait3A_1303 = arith.constant 5632 : i32
    %dma_wait3A_1304 = tpu.memref_slice %arg40[%dma_wait3A_1303] : memref<8192xf32, #tpu.memory_space<vmem>> -> memref<128xf32, #tpu.memory_space<vmem>>
    %dma_wait3A_1305 = arith.constant 0 : i32
    %dma_wait3A_1306 = tpu.memref_slice %arg38[%dma_wait3A_1305] : memref<512xi32, #tpu.memory_space<vmem>> -> memref<128xi32, #tpu.memory_space<vmem>>
    %dma_wait3A_1307 = arith.constant 0 : i32
    %dma_wait3A_1308 = tpu.memref_slice %arg31[%dma_wait3A_1307] : memref<1000000xf32, #tpu.memory_space<hbm>> -> memref<1000000xf32, #tpu.memory_space<hbm>>
    tpu.wait_indirect_dma semaphore(%arg42 : memref<!tpu.dma_semaphore, #tpu.memory_space<semaphore_mem>>) src(%dma_wait3A_1308 : memref<1000000xf32, #tpu.memory_space<hbm>>) dst(%dma_wait3A_1304 : memref<128xf32, #tpu.memory_space<vmem>>)
    %dma_wait3A_1309 = arith.constant 5760 : i32
    %dma_wait3A_1310 = tpu.memref_slice %arg39[%dma_wait3A_1309] : memref<8192xf32, #tpu.memory_space<vmem>> -> memref<128xf32, #tpu.memory_space<vmem>>
    %dma_wait3A_1311 = arith.constant 128 : i32
    %dma_wait3A_1312 = tpu.memref_slice %arg37[%dma_wait3A_1311] : memref<512xi32, #tpu.memory_space<vmem>> -> memref<128xi32, #tpu.memory_space<vmem>>
    %dma_wait3A_1313 = arith.constant 0 : i32
    %dma_wait3A_1314 = tpu.memref_slice %arg15[%dma_wait3A_1313] : memref<1000000xf32, #tpu.memory_space<hbm>> -> memref<1000000xf32, #tpu.memory_space<hbm>>
    tpu.wait_indirect_dma semaphore(%arg42 : memref<!tpu.dma_semaphore, #tpu.memory_space<semaphore_mem>>) src(%dma_wait3A_1314 : memref<1000000xf32, #tpu.memory_space<hbm>>) dst(%dma_wait3A_1310 : memref<128xf32, #tpu.memory_space<vmem>>)
    %dma_wait3A_1315 = arith.constant 5760 : i32
    %dma_wait3A_1316 = tpu.memref_slice %arg40[%dma_wait3A_1315] : memref<8192xf32, #tpu.memory_space<vmem>> -> memref<128xf32, #tpu.memory_space<vmem>>
    %dma_wait3A_1317 = arith.constant 128 : i32
    %dma_wait3A_1318 = tpu.memref_slice %arg38[%dma_wait3A_1317] : memref<512xi32, #tpu.memory_space<vmem>> -> memref<128xi32, #tpu.memory_space<vmem>>
    %dma_wait3A_1319 = arith.constant 0 : i32
    %dma_wait3A_1320 = tpu.memref_slice %arg31[%dma_wait3A_1319] : memref<1000000xf32, #tpu.memory_space<hbm>> -> memref<1000000xf32, #tpu.memory_space<hbm>>
    tpu.wait_indirect_dma semaphore(%arg42 : memref<!tpu.dma_semaphore, #tpu.memory_space<semaphore_mem>>) src(%dma_wait3A_1320 : memref<1000000xf32, #tpu.memory_space<hbm>>) dst(%dma_wait3A_1316 : memref<128xf32, #tpu.memory_space<vmem>>)
    %dma_wait3A_1321 = arith.constant 5888 : i32
    %dma_wait3A_1322 = tpu.memref_slice %arg39[%dma_wait3A_1321] : memref<8192xf32, #tpu.memory_space<vmem>> -> memref<128xf32, #tpu.memory_space<vmem>>
    %dma_wait3A_1323 = arith.constant 256 : i32
    %dma_wait3A_1324 = tpu.memref_slice %arg37[%dma_wait3A_1323] : memref<512xi32, #tpu.memory_space<vmem>> -> memref<128xi32, #tpu.memory_space<vmem>>
    %dma_wait3A_1325 = arith.constant 0 : i32
    %dma_wait3A_1326 = tpu.memref_slice %arg15[%dma_wait3A_1325] : memref<1000000xf32, #tpu.memory_space<hbm>> -> memref<1000000xf32, #tpu.memory_space<hbm>>
    tpu.wait_indirect_dma semaphore(%arg42 : memref<!tpu.dma_semaphore, #tpu.memory_space<semaphore_mem>>) src(%dma_wait3A_1326 : memref<1000000xf32, #tpu.memory_space<hbm>>) dst(%dma_wait3A_1322 : memref<128xf32, #tpu.memory_space<vmem>>)
    %dma_wait3A_1327 = arith.constant 5888 : i32
    %dma_wait3A_1328 = tpu.memref_slice %arg40[%dma_wait3A_1327] : memref<8192xf32, #tpu.memory_space<vmem>> -> memref<128xf32, #tpu.memory_space<vmem>>
    %dma_wait3A_1329 = arith.constant 256 : i32
    %dma_wait3A_1330 = tpu.memref_slice %arg38[%dma_wait3A_1329] : memref<512xi32, #tpu.memory_space<vmem>> -> memref<128xi32, #tpu.memory_space<vmem>>
    %dma_wait3A_1331 = arith.constant 0 : i32
    %dma_wait3A_1332 = tpu.memref_slice %arg31[%dma_wait3A_1331] : memref<1000000xf32, #tpu.memory_space<hbm>> -> memref<1000000xf32, #tpu.memory_space<hbm>>
    tpu.wait_indirect_dma semaphore(%arg42 : memref<!tpu.dma_semaphore, #tpu.memory_space<semaphore_mem>>) src(%dma_wait3A_1332 : memref<1000000xf32, #tpu.memory_space<hbm>>) dst(%dma_wait3A_1328 : memref<128xf32, #tpu.memory_space<vmem>>)
    %dma_wait3A_1333 = arith.constant 6016 : i32
    %dma_wait3A_1334 = tpu.memref_slice %arg39[%dma_wait3A_1333] : memref<8192xf32, #tpu.memory_space<vmem>> -> memref<128xf32, #tpu.memory_space<vmem>>
    %dma_wait3A_1335 = arith.constant 384 : i32
    %dma_wait3A_1336 = tpu.memref_slice %arg37[%dma_wait3A_1335] : memref<512xi32, #tpu.memory_space<vmem>> -> memref<128xi32, #tpu.memory_space<vmem>>
    %dma_wait3A_1337 = arith.constant 0 : i32
    %dma_wait3A_1338 = tpu.memref_slice %arg15[%dma_wait3A_1337] : memref<1000000xf32, #tpu.memory_space<hbm>> -> memref<1000000xf32, #tpu.memory_space<hbm>>
    tpu.wait_indirect_dma semaphore(%arg42 : memref<!tpu.dma_semaphore, #tpu.memory_space<semaphore_mem>>) src(%dma_wait3A_1338 : memref<1000000xf32, #tpu.memory_space<hbm>>) dst(%dma_wait3A_1334 : memref<128xf32, #tpu.memory_space<vmem>>)
    %dma_wait3A_1339 = arith.constant 6016 : i32
    %dma_wait3A_1340 = tpu.memref_slice %arg40[%dma_wait3A_1339] : memref<8192xf32, #tpu.memory_space<vmem>> -> memref<128xf32, #tpu.memory_space<vmem>>
    %dma_wait3A_1341 = arith.constant 384 : i32
    %dma_wait3A_1342 = tpu.memref_slice %arg38[%dma_wait3A_1341] : memref<512xi32, #tpu.memory_space<vmem>> -> memref<128xi32, #tpu.memory_space<vmem>>
    %dma_wait3A_1343 = arith.constant 0 : i32
    %dma_wait3A_1344 = tpu.memref_slice %arg31[%dma_wait3A_1343] : memref<1000000xf32, #tpu.memory_space<hbm>> -> memref<1000000xf32, #tpu.memory_space<hbm>>
    tpu.wait_indirect_dma semaphore(%arg42 : memref<!tpu.dma_semaphore, #tpu.memory_space<semaphore_mem>>) src(%dma_wait3A_1344 : memref<1000000xf32, #tpu.memory_space<hbm>>) dst(%dma_wait3A_1340 : memref<128xf32, #tpu.memory_space<vmem>>)
    %dma_wait3A_1345 = arith.constant 6144 : i32
    %dma_wait3A_1346 = tpu.memref_slice %arg39[%dma_wait3A_1345] : memref<8192xf32, #tpu.memory_space<vmem>> -> memref<128xf32, #tpu.memory_space<vmem>>
    %dma_wait3A_1347 = arith.constant 0 : i32
    %dma_wait3A_1348 = tpu.memref_slice %arg37[%dma_wait3A_1347] : memref<512xi32, #tpu.memory_space<vmem>> -> memref<128xi32, #tpu.memory_space<vmem>>
    %dma_wait3A_1349 = arith.constant 0 : i32
    %dma_wait3A_1350 = tpu.memref_slice %arg16[%dma_wait3A_1349] : memref<1000000xf32, #tpu.memory_space<hbm>> -> memref<1000000xf32, #tpu.memory_space<hbm>>
    tpu.wait_indirect_dma semaphore(%arg42 : memref<!tpu.dma_semaphore, #tpu.memory_space<semaphore_mem>>) src(%dma_wait3A_1350 : memref<1000000xf32, #tpu.memory_space<hbm>>) dst(%dma_wait3A_1346 : memref<128xf32, #tpu.memory_space<vmem>>)
    %dma_wait3A_1351 = arith.constant 6144 : i32
    %dma_wait3A_1352 = tpu.memref_slice %arg40[%dma_wait3A_1351] : memref<8192xf32, #tpu.memory_space<vmem>> -> memref<128xf32, #tpu.memory_space<vmem>>
    %dma_wait3A_1353 = arith.constant 0 : i32
    %dma_wait3A_1354 = tpu.memref_slice %arg38[%dma_wait3A_1353] : memref<512xi32, #tpu.memory_space<vmem>> -> memref<128xi32, #tpu.memory_space<vmem>>
    %dma_wait3A_1355 = arith.constant 0 : i32
    %dma_wait3A_1356 = tpu.memref_slice %arg32[%dma_wait3A_1355] : memref<1000000xf32, #tpu.memory_space<hbm>> -> memref<1000000xf32, #tpu.memory_space<hbm>>
    tpu.wait_indirect_dma semaphore(%arg42 : memref<!tpu.dma_semaphore, #tpu.memory_space<semaphore_mem>>) src(%dma_wait3A_1356 : memref<1000000xf32, #tpu.memory_space<hbm>>) dst(%dma_wait3A_1352 : memref<128xf32, #tpu.memory_space<vmem>>)
    %dma_wait3A_1357 = arith.constant 6272 : i32
    %dma_wait3A_1358 = tpu.memref_slice %arg39[%dma_wait3A_1357] : memref<8192xf32, #tpu.memory_space<vmem>> -> memref<128xf32, #tpu.memory_space<vmem>>
    %dma_wait3A_1359 = arith.constant 128 : i32
    %dma_wait3A_1360 = tpu.memref_slice %arg37[%dma_wait3A_1359] : memref<512xi32, #tpu.memory_space<vmem>> -> memref<128xi32, #tpu.memory_space<vmem>>
    %dma_wait3A_1361 = arith.constant 0 : i32
    %dma_wait3A_1362 = tpu.memref_slice %arg16[%dma_wait3A_1361] : memref<1000000xf32, #tpu.memory_space<hbm>> -> memref<1000000xf32, #tpu.memory_space<hbm>>
    tpu.wait_indirect_dma semaphore(%arg42 : memref<!tpu.dma_semaphore, #tpu.memory_space<semaphore_mem>>) src(%dma_wait3A_1362 : memref<1000000xf32, #tpu.memory_space<hbm>>) dst(%dma_wait3A_1358 : memref<128xf32, #tpu.memory_space<vmem>>)
    %dma_wait3A_1363 = arith.constant 6272 : i32
    %dma_wait3A_1364 = tpu.memref_slice %arg40[%dma_wait3A_1363] : memref<8192xf32, #tpu.memory_space<vmem>> -> memref<128xf32, #tpu.memory_space<vmem>>
    %dma_wait3A_1365 = arith.constant 128 : i32
    %dma_wait3A_1366 = tpu.memref_slice %arg38[%dma_wait3A_1365] : memref<512xi32, #tpu.memory_space<vmem>> -> memref<128xi32, #tpu.memory_space<vmem>>
    %dma_wait3A_1367 = arith.constant 0 : i32
    %dma_wait3A_1368 = tpu.memref_slice %arg32[%dma_wait3A_1367] : memref<1000000xf32, #tpu.memory_space<hbm>> -> memref<1000000xf32, #tpu.memory_space<hbm>>
    tpu.wait_indirect_dma semaphore(%arg42 : memref<!tpu.dma_semaphore, #tpu.memory_space<semaphore_mem>>) src(%dma_wait3A_1368 : memref<1000000xf32, #tpu.memory_space<hbm>>) dst(%dma_wait3A_1364 : memref<128xf32, #tpu.memory_space<vmem>>)
    %dma_wait3A_1369 = arith.constant 6400 : i32
    %dma_wait3A_1370 = tpu.memref_slice %arg39[%dma_wait3A_1369] : memref<8192xf32, #tpu.memory_space<vmem>> -> memref<128xf32, #tpu.memory_space<vmem>>
    %dma_wait3A_1371 = arith.constant 256 : i32
    %dma_wait3A_1372 = tpu.memref_slice %arg37[%dma_wait3A_1371] : memref<512xi32, #tpu.memory_space<vmem>> -> memref<128xi32, #tpu.memory_space<vmem>>
    %dma_wait3A_1373 = arith.constant 0 : i32
    %dma_wait3A_1374 = tpu.memref_slice %arg16[%dma_wait3A_1373] : memref<1000000xf32, #tpu.memory_space<hbm>> -> memref<1000000xf32, #tpu.memory_space<hbm>>
    tpu.wait_indirect_dma semaphore(%arg42 : memref<!tpu.dma_semaphore, #tpu.memory_space<semaphore_mem>>) src(%dma_wait3A_1374 : memref<1000000xf32, #tpu.memory_space<hbm>>) dst(%dma_wait3A_1370 : memref<128xf32, #tpu.memory_space<vmem>>)
    %dma_wait3A_1375 = arith.constant 6400 : i32
    %dma_wait3A_1376 = tpu.memref_slice %arg40[%dma_wait3A_1375] : memref<8192xf32, #tpu.memory_space<vmem>> -> memref<128xf32, #tpu.memory_space<vmem>>
    %dma_wait3A_1377 = arith.constant 256 : i32
    %dma_wait3A_1378 = tpu.memref_slice %arg38[%dma_wait3A_1377] : memref<512xi32, #tpu.memory_space<vmem>> -> memref<128xi32, #tpu.memory_space<vmem>>
    %dma_wait3A_1379 = arith.constant 0 : i32
    %dma_wait3A_1380 = tpu.memref_slice %arg32[%dma_wait3A_1379] : memref<1000000xf32, #tpu.memory_space<hbm>> -> memref<1000000xf32, #tpu.memory_space<hbm>>
    tpu.wait_indirect_dma semaphore(%arg42 : memref<!tpu.dma_semaphore, #tpu.memory_space<semaphore_mem>>) src(%dma_wait3A_1380 : memref<1000000xf32, #tpu.memory_space<hbm>>) dst(%dma_wait3A_1376 : memref<128xf32, #tpu.memory_space<vmem>>)
    %dma_wait3A_1381 = arith.constant 6528 : i32
    %dma_wait3A_1382 = tpu.memref_slice %arg39[%dma_wait3A_1381] : memref<8192xf32, #tpu.memory_space<vmem>> -> memref<128xf32, #tpu.memory_space<vmem>>
    %dma_wait3A_1383 = arith.constant 384 : i32
    %dma_wait3A_1384 = tpu.memref_slice %arg37[%dma_wait3A_1383] : memref<512xi32, #tpu.memory_space<vmem>> -> memref<128xi32, #tpu.memory_space<vmem>>
    %dma_wait3A_1385 = arith.constant 0 : i32
    %dma_wait3A_1386 = tpu.memref_slice %arg16[%dma_wait3A_1385] : memref<1000000xf32, #tpu.memory_space<hbm>> -> memref<1000000xf32, #tpu.memory_space<hbm>>
    tpu.wait_indirect_dma semaphore(%arg42 : memref<!tpu.dma_semaphore, #tpu.memory_space<semaphore_mem>>) src(%dma_wait3A_1386 : memref<1000000xf32, #tpu.memory_space<hbm>>) dst(%dma_wait3A_1382 : memref<128xf32, #tpu.memory_space<vmem>>)
    %dma_wait3A_1387 = arith.constant 6528 : i32
    %dma_wait3A_1388 = tpu.memref_slice %arg40[%dma_wait3A_1387] : memref<8192xf32, #tpu.memory_space<vmem>> -> memref<128xf32, #tpu.memory_space<vmem>>
    %dma_wait3A_1389 = arith.constant 384 : i32
    %dma_wait3A_1390 = tpu.memref_slice %arg38[%dma_wait3A_1389] : memref<512xi32, #tpu.memory_space<vmem>> -> memref<128xi32, #tpu.memory_space<vmem>>
    %dma_wait3A_1391 = arith.constant 0 : i32
    %dma_wait3A_1392 = tpu.memref_slice %arg32[%dma_wait3A_1391] : memref<1000000xf32, #tpu.memory_space<hbm>> -> memref<1000000xf32, #tpu.memory_space<hbm>>
    tpu.wait_indirect_dma semaphore(%arg42 : memref<!tpu.dma_semaphore, #tpu.memory_space<semaphore_mem>>) src(%dma_wait3A_1392 : memref<1000000xf32, #tpu.memory_space<hbm>>) dst(%dma_wait3A_1388 : memref<128xf32, #tpu.memory_space<vmem>>)
    %dma_wait3A_1393 = arith.constant 6656 : i32
    %dma_wait3A_1394 = tpu.memref_slice %arg39[%dma_wait3A_1393] : memref<8192xf32, #tpu.memory_space<vmem>> -> memref<128xf32, #tpu.memory_space<vmem>>
    %dma_wait3A_1395 = arith.constant 0 : i32
    %dma_wait3A_1396 = tpu.memref_slice %arg37[%dma_wait3A_1395] : memref<512xi32, #tpu.memory_space<vmem>> -> memref<128xi32, #tpu.memory_space<vmem>>
    %dma_wait3A_1397 = arith.constant 0 : i32
    %dma_wait3A_1398 = tpu.memref_slice %arg17[%dma_wait3A_1397] : memref<1000000xf32, #tpu.memory_space<hbm>> -> memref<1000000xf32, #tpu.memory_space<hbm>>
    tpu.wait_indirect_dma semaphore(%arg42 : memref<!tpu.dma_semaphore, #tpu.memory_space<semaphore_mem>>) src(%dma_wait3A_1398 : memref<1000000xf32, #tpu.memory_space<hbm>>) dst(%dma_wait3A_1394 : memref<128xf32, #tpu.memory_space<vmem>>)
    %dma_wait3A_1399 = arith.constant 6656 : i32
    %dma_wait3A_1400 = tpu.memref_slice %arg40[%dma_wait3A_1399] : memref<8192xf32, #tpu.memory_space<vmem>> -> memref<128xf32, #tpu.memory_space<vmem>>
    %dma_wait3A_1401 = arith.constant 0 : i32
    %dma_wait3A_1402 = tpu.memref_slice %arg38[%dma_wait3A_1401] : memref<512xi32, #tpu.memory_space<vmem>> -> memref<128xi32, #tpu.memory_space<vmem>>
    %dma_wait3A_1403 = arith.constant 0 : i32
    %dma_wait3A_1404 = tpu.memref_slice %arg33[%dma_wait3A_1403] : memref<1000000xf32, #tpu.memory_space<hbm>> -> memref<1000000xf32, #tpu.memory_space<hbm>>
    tpu.wait_indirect_dma semaphore(%arg42 : memref<!tpu.dma_semaphore, #tpu.memory_space<semaphore_mem>>) src(%dma_wait3A_1404 : memref<1000000xf32, #tpu.memory_space<hbm>>) dst(%dma_wait3A_1400 : memref<128xf32, #tpu.memory_space<vmem>>)
    %dma_wait3A_1405 = arith.constant 6784 : i32
    %dma_wait3A_1406 = tpu.memref_slice %arg39[%dma_wait3A_1405] : memref<8192xf32, #tpu.memory_space<vmem>> -> memref<128xf32, #tpu.memory_space<vmem>>
    %dma_wait3A_1407 = arith.constant 128 : i32
    %dma_wait3A_1408 = tpu.memref_slice %arg37[%dma_wait3A_1407] : memref<512xi32, #tpu.memory_space<vmem>> -> memref<128xi32, #tpu.memory_space<vmem>>
    %dma_wait3A_1409 = arith.constant 0 : i32
    %dma_wait3A_1410 = tpu.memref_slice %arg17[%dma_wait3A_1409] : memref<1000000xf32, #tpu.memory_space<hbm>> -> memref<1000000xf32, #tpu.memory_space<hbm>>
    tpu.wait_indirect_dma semaphore(%arg42 : memref<!tpu.dma_semaphore, #tpu.memory_space<semaphore_mem>>) src(%dma_wait3A_1410 : memref<1000000xf32, #tpu.memory_space<hbm>>) dst(%dma_wait3A_1406 : memref<128xf32, #tpu.memory_space<vmem>>)
    %dma_wait3A_1411 = arith.constant 6784 : i32
    %dma_wait3A_1412 = tpu.memref_slice %arg40[%dma_wait3A_1411] : memref<8192xf32, #tpu.memory_space<vmem>> -> memref<128xf32, #tpu.memory_space<vmem>>
    %dma_wait3A_1413 = arith.constant 128 : i32
    %dma_wait3A_1414 = tpu.memref_slice %arg38[%dma_wait3A_1413] : memref<512xi32, #tpu.memory_space<vmem>> -> memref<128xi32, #tpu.memory_space<vmem>>
    %dma_wait3A_1415 = arith.constant 0 : i32
    %dma_wait3A_1416 = tpu.memref_slice %arg33[%dma_wait3A_1415] : memref<1000000xf32, #tpu.memory_space<hbm>> -> memref<1000000xf32, #tpu.memory_space<hbm>>
    tpu.wait_indirect_dma semaphore(%arg42 : memref<!tpu.dma_semaphore, #tpu.memory_space<semaphore_mem>>) src(%dma_wait3A_1416 : memref<1000000xf32, #tpu.memory_space<hbm>>) dst(%dma_wait3A_1412 : memref<128xf32, #tpu.memory_space<vmem>>)
    %dma_wait3A_1417 = arith.constant 6912 : i32
    %dma_wait3A_1418 = tpu.memref_slice %arg39[%dma_wait3A_1417] : memref<8192xf32, #tpu.memory_space<vmem>> -> memref<128xf32, #tpu.memory_space<vmem>>
    %dma_wait3A_1419 = arith.constant 256 : i32
    %dma_wait3A_1420 = tpu.memref_slice %arg37[%dma_wait3A_1419] : memref<512xi32, #tpu.memory_space<vmem>> -> memref<128xi32, #tpu.memory_space<vmem>>
    %dma_wait3A_1421 = arith.constant 0 : i32
    %dma_wait3A_1422 = tpu.memref_slice %arg17[%dma_wait3A_1421] : memref<1000000xf32, #tpu.memory_space<hbm>> -> memref<1000000xf32, #tpu.memory_space<hbm>>
    tpu.wait_indirect_dma semaphore(%arg42 : memref<!tpu.dma_semaphore, #tpu.memory_space<semaphore_mem>>) src(%dma_wait3A_1422 : memref<1000000xf32, #tpu.memory_space<hbm>>) dst(%dma_wait3A_1418 : memref<128xf32, #tpu.memory_space<vmem>>)
    %dma_wait3A_1423 = arith.constant 6912 : i32
    %dma_wait3A_1424 = tpu.memref_slice %arg40[%dma_wait3A_1423] : memref<8192xf32, #tpu.memory_space<vmem>> -> memref<128xf32, #tpu.memory_space<vmem>>
    %dma_wait3A_1425 = arith.constant 256 : i32
    %dma_wait3A_1426 = tpu.memref_slice %arg38[%dma_wait3A_1425] : memref<512xi32, #tpu.memory_space<vmem>> -> memref<128xi32, #tpu.memory_space<vmem>>
    %dma_wait3A_1427 = arith.constant 0 : i32
    %dma_wait3A_1428 = tpu.memref_slice %arg33[%dma_wait3A_1427] : memref<1000000xf32, #tpu.memory_space<hbm>> -> memref<1000000xf32, #tpu.memory_space<hbm>>
    tpu.wait_indirect_dma semaphore(%arg42 : memref<!tpu.dma_semaphore, #tpu.memory_space<semaphore_mem>>) src(%dma_wait3A_1428 : memref<1000000xf32, #tpu.memory_space<hbm>>) dst(%dma_wait3A_1424 : memref<128xf32, #tpu.memory_space<vmem>>)
    %dma_wait3A_1429 = arith.constant 7040 : i32
    %dma_wait3A_1430 = tpu.memref_slice %arg39[%dma_wait3A_1429] : memref<8192xf32, #tpu.memory_space<vmem>> -> memref<128xf32, #tpu.memory_space<vmem>>
    %dma_wait3A_1431 = arith.constant 384 : i32
    %dma_wait3A_1432 = tpu.memref_slice %arg37[%dma_wait3A_1431] : memref<512xi32, #tpu.memory_space<vmem>> -> memref<128xi32, #tpu.memory_space<vmem>>
    %dma_wait3A_1433 = arith.constant 0 : i32
    %dma_wait3A_1434 = tpu.memref_slice %arg17[%dma_wait3A_1433] : memref<1000000xf32, #tpu.memory_space<hbm>> -> memref<1000000xf32, #tpu.memory_space<hbm>>
    tpu.wait_indirect_dma semaphore(%arg42 : memref<!tpu.dma_semaphore, #tpu.memory_space<semaphore_mem>>) src(%dma_wait3A_1434 : memref<1000000xf32, #tpu.memory_space<hbm>>) dst(%dma_wait3A_1430 : memref<128xf32, #tpu.memory_space<vmem>>)
    %dma_wait3A_1435 = arith.constant 7040 : i32
    %dma_wait3A_1436 = tpu.memref_slice %arg40[%dma_wait3A_1435] : memref<8192xf32, #tpu.memory_space<vmem>> -> memref<128xf32, #tpu.memory_space<vmem>>
    %dma_wait3A_1437 = arith.constant 384 : i32
    %dma_wait3A_1438 = tpu.memref_slice %arg38[%dma_wait3A_1437] : memref<512xi32, #tpu.memory_space<vmem>> -> memref<128xi32, #tpu.memory_space<vmem>>
    %dma_wait3A_1439 = arith.constant 0 : i32
    %dma_wait3A_1440 = tpu.memref_slice %arg33[%dma_wait3A_1439] : memref<1000000xf32, #tpu.memory_space<hbm>> -> memref<1000000xf32, #tpu.memory_space<hbm>>
    tpu.wait_indirect_dma semaphore(%arg42 : memref<!tpu.dma_semaphore, #tpu.memory_space<semaphore_mem>>) src(%dma_wait3A_1440 : memref<1000000xf32, #tpu.memory_space<hbm>>) dst(%dma_wait3A_1436 : memref<128xf32, #tpu.memory_space<vmem>>)
    %dma_wait3A_1441 = arith.constant 7168 : i32
    %dma_wait3A_1442 = tpu.memref_slice %arg39[%dma_wait3A_1441] : memref<8192xf32, #tpu.memory_space<vmem>> -> memref<128xf32, #tpu.memory_space<vmem>>
    %dma_wait3A_1443 = arith.constant 0 : i32
    %dma_wait3A_1444 = tpu.memref_slice %arg37[%dma_wait3A_1443] : memref<512xi32, #tpu.memory_space<vmem>> -> memref<128xi32, #tpu.memory_space<vmem>>
    %dma_wait3A_1445 = arith.constant 0 : i32
    %dma_wait3A_1446 = tpu.memref_slice %arg18[%dma_wait3A_1445] : memref<1000000xf32, #tpu.memory_space<hbm>> -> memref<1000000xf32, #tpu.memory_space<hbm>>
    tpu.wait_indirect_dma semaphore(%arg42 : memref<!tpu.dma_semaphore, #tpu.memory_space<semaphore_mem>>) src(%dma_wait3A_1446 : memref<1000000xf32, #tpu.memory_space<hbm>>) dst(%dma_wait3A_1442 : memref<128xf32, #tpu.memory_space<vmem>>)
    %dma_wait3A_1447 = arith.constant 7168 : i32
    %dma_wait3A_1448 = tpu.memref_slice %arg40[%dma_wait3A_1447] : memref<8192xf32, #tpu.memory_space<vmem>> -> memref<128xf32, #tpu.memory_space<vmem>>
    %dma_wait3A_1449 = arith.constant 0 : i32
    %dma_wait3A_1450 = tpu.memref_slice %arg38[%dma_wait3A_1449] : memref<512xi32, #tpu.memory_space<vmem>> -> memref<128xi32, #tpu.memory_space<vmem>>
    %dma_wait3A_1451 = arith.constant 0 : i32
    %dma_wait3A_1452 = tpu.memref_slice %arg34[%dma_wait3A_1451] : memref<1000000xf32, #tpu.memory_space<hbm>> -> memref<1000000xf32, #tpu.memory_space<hbm>>
    tpu.wait_indirect_dma semaphore(%arg42 : memref<!tpu.dma_semaphore, #tpu.memory_space<semaphore_mem>>) src(%dma_wait3A_1452 : memref<1000000xf32, #tpu.memory_space<hbm>>) dst(%dma_wait3A_1448 : memref<128xf32, #tpu.memory_space<vmem>>)
    %dma_wait3A_1453 = arith.constant 7296 : i32
    %dma_wait3A_1454 = tpu.memref_slice %arg39[%dma_wait3A_1453] : memref<8192xf32, #tpu.memory_space<vmem>> -> memref<128xf32, #tpu.memory_space<vmem>>
    %dma_wait3A_1455 = arith.constant 128 : i32
    %dma_wait3A_1456 = tpu.memref_slice %arg37[%dma_wait3A_1455] : memref<512xi32, #tpu.memory_space<vmem>> -> memref<128xi32, #tpu.memory_space<vmem>>
    %dma_wait3A_1457 = arith.constant 0 : i32
    %dma_wait3A_1458 = tpu.memref_slice %arg18[%dma_wait3A_1457] : memref<1000000xf32, #tpu.memory_space<hbm>> -> memref<1000000xf32, #tpu.memory_space<hbm>>
    tpu.wait_indirect_dma semaphore(%arg42 : memref<!tpu.dma_semaphore, #tpu.memory_space<semaphore_mem>>) src(%dma_wait3A_1458 : memref<1000000xf32, #tpu.memory_space<hbm>>) dst(%dma_wait3A_1454 : memref<128xf32, #tpu.memory_space<vmem>>)
    %dma_wait3A_1459 = arith.constant 7296 : i32
    %dma_wait3A_1460 = tpu.memref_slice %arg40[%dma_wait3A_1459] : memref<8192xf32, #tpu.memory_space<vmem>> -> memref<128xf32, #tpu.memory_space<vmem>>
    %dma_wait3A_1461 = arith.constant 128 : i32
    %dma_wait3A_1462 = tpu.memref_slice %arg38[%dma_wait3A_1461] : memref<512xi32, #tpu.memory_space<vmem>> -> memref<128xi32, #tpu.memory_space<vmem>>
    %dma_wait3A_1463 = arith.constant 0 : i32
    %dma_wait3A_1464 = tpu.memref_slice %arg34[%dma_wait3A_1463] : memref<1000000xf32, #tpu.memory_space<hbm>> -> memref<1000000xf32, #tpu.memory_space<hbm>>
    tpu.wait_indirect_dma semaphore(%arg42 : memref<!tpu.dma_semaphore, #tpu.memory_space<semaphore_mem>>) src(%dma_wait3A_1464 : memref<1000000xf32, #tpu.memory_space<hbm>>) dst(%dma_wait3A_1460 : memref<128xf32, #tpu.memory_space<vmem>>)
    %dma_wait3A_1465 = arith.constant 7424 : i32
    %dma_wait3A_1466 = tpu.memref_slice %arg39[%dma_wait3A_1465] : memref<8192xf32, #tpu.memory_space<vmem>> -> memref<128xf32, #tpu.memory_space<vmem>>
    %dma_wait3A_1467 = arith.constant 256 : i32
    %dma_wait3A_1468 = tpu.memref_slice %arg37[%dma_wait3A_1467] : memref<512xi32, #tpu.memory_space<vmem>> -> memref<128xi32, #tpu.memory_space<vmem>>
    %dma_wait3A_1469 = arith.constant 0 : i32
    %dma_wait3A_1470 = tpu.memref_slice %arg18[%dma_wait3A_1469] : memref<1000000xf32, #tpu.memory_space<hbm>> -> memref<1000000xf32, #tpu.memory_space<hbm>>
    tpu.wait_indirect_dma semaphore(%arg42 : memref<!tpu.dma_semaphore, #tpu.memory_space<semaphore_mem>>) src(%dma_wait3A_1470 : memref<1000000xf32, #tpu.memory_space<hbm>>) dst(%dma_wait3A_1466 : memref<128xf32, #tpu.memory_space<vmem>>)
    %dma_wait3A_1471 = arith.constant 7424 : i32
    %dma_wait3A_1472 = tpu.memref_slice %arg40[%dma_wait3A_1471] : memref<8192xf32, #tpu.memory_space<vmem>> -> memref<128xf32, #tpu.memory_space<vmem>>
    %dma_wait3A_1473 = arith.constant 256 : i32
    %dma_wait3A_1474 = tpu.memref_slice %arg38[%dma_wait3A_1473] : memref<512xi32, #tpu.memory_space<vmem>> -> memref<128xi32, #tpu.memory_space<vmem>>
    %dma_wait3A_1475 = arith.constant 0 : i32
    %dma_wait3A_1476 = tpu.memref_slice %arg34[%dma_wait3A_1475] : memref<1000000xf32, #tpu.memory_space<hbm>> -> memref<1000000xf32, #tpu.memory_space<hbm>>
    tpu.wait_indirect_dma semaphore(%arg42 : memref<!tpu.dma_semaphore, #tpu.memory_space<semaphore_mem>>) src(%dma_wait3A_1476 : memref<1000000xf32, #tpu.memory_space<hbm>>) dst(%dma_wait3A_1472 : memref<128xf32, #tpu.memory_space<vmem>>)
    %dma_wait3A_1477 = arith.constant 7552 : i32
    %dma_wait3A_1478 = tpu.memref_slice %arg39[%dma_wait3A_1477] : memref<8192xf32, #tpu.memory_space<vmem>> -> memref<128xf32, #tpu.memory_space<vmem>>
    %dma_wait3A_1479 = arith.constant 384 : i32
    %dma_wait3A_1480 = tpu.memref_slice %arg37[%dma_wait3A_1479] : memref<512xi32, #tpu.memory_space<vmem>> -> memref<128xi32, #tpu.memory_space<vmem>>
    %dma_wait3A_1481 = arith.constant 0 : i32
    %dma_wait3A_1482 = tpu.memref_slice %arg18[%dma_wait3A_1481] : memref<1000000xf32, #tpu.memory_space<hbm>> -> memref<1000000xf32, #tpu.memory_space<hbm>>
    tpu.wait_indirect_dma semaphore(%arg42 : memref<!tpu.dma_semaphore, #tpu.memory_space<semaphore_mem>>) src(%dma_wait3A_1482 : memref<1000000xf32, #tpu.memory_space<hbm>>) dst(%dma_wait3A_1478 : memref<128xf32, #tpu.memory_space<vmem>>)
    %dma_wait3A_1483 = arith.constant 7552 : i32
    %dma_wait3A_1484 = tpu.memref_slice %arg40[%dma_wait3A_1483] : memref<8192xf32, #tpu.memory_space<vmem>> -> memref<128xf32, #tpu.memory_space<vmem>>
    %dma_wait3A_1485 = arith.constant 384 : i32
    %dma_wait3A_1486 = tpu.memref_slice %arg38[%dma_wait3A_1485] : memref<512xi32, #tpu.memory_space<vmem>> -> memref<128xi32, #tpu.memory_space<vmem>>
    %dma_wait3A_1487 = arith.constant 0 : i32
    %dma_wait3A_1488 = tpu.memref_slice %arg34[%dma_wait3A_1487] : memref<1000000xf32, #tpu.memory_space<hbm>> -> memref<1000000xf32, #tpu.memory_space<hbm>>
    tpu.wait_indirect_dma semaphore(%arg42 : memref<!tpu.dma_semaphore, #tpu.memory_space<semaphore_mem>>) src(%dma_wait3A_1488 : memref<1000000xf32, #tpu.memory_space<hbm>>) dst(%dma_wait3A_1484 : memref<128xf32, #tpu.memory_space<vmem>>)
    %dma_wait3A_1489 = arith.constant 7680 : i32
    %dma_wait3A_1490 = tpu.memref_slice %arg39[%dma_wait3A_1489] : memref<8192xf32, #tpu.memory_space<vmem>> -> memref<128xf32, #tpu.memory_space<vmem>>
    %dma_wait3A_1491 = arith.constant 0 : i32
    %dma_wait3A_1492 = tpu.memref_slice %arg37[%dma_wait3A_1491] : memref<512xi32, #tpu.memory_space<vmem>> -> memref<128xi32, #tpu.memory_space<vmem>>
    %dma_wait3A_1493 = arith.constant 0 : i32
    %dma_wait3A_1494 = tpu.memref_slice %arg19[%dma_wait3A_1493] : memref<1000000xf32, #tpu.memory_space<hbm>> -> memref<1000000xf32, #tpu.memory_space<hbm>>
    tpu.wait_indirect_dma semaphore(%arg42 : memref<!tpu.dma_semaphore, #tpu.memory_space<semaphore_mem>>) src(%dma_wait3A_1494 : memref<1000000xf32, #tpu.memory_space<hbm>>) dst(%dma_wait3A_1490 : memref<128xf32, #tpu.memory_space<vmem>>)
    %dma_wait3A_1495 = arith.constant 7680 : i32
    %dma_wait3A_1496 = tpu.memref_slice %arg40[%dma_wait3A_1495] : memref<8192xf32, #tpu.memory_space<vmem>> -> memref<128xf32, #tpu.memory_space<vmem>>
    %dma_wait3A_1497 = arith.constant 0 : i32
    %dma_wait3A_1498 = tpu.memref_slice %arg38[%dma_wait3A_1497] : memref<512xi32, #tpu.memory_space<vmem>> -> memref<128xi32, #tpu.memory_space<vmem>>
    %dma_wait3A_1499 = arith.constant 0 : i32
    %dma_wait3A_1500 = tpu.memref_slice %arg35[%dma_wait3A_1499] : memref<1000000xf32, #tpu.memory_space<hbm>> -> memref<1000000xf32, #tpu.memory_space<hbm>>
    tpu.wait_indirect_dma semaphore(%arg42 : memref<!tpu.dma_semaphore, #tpu.memory_space<semaphore_mem>>) src(%dma_wait3A_1500 : memref<1000000xf32, #tpu.memory_space<hbm>>) dst(%dma_wait3A_1496 : memref<128xf32, #tpu.memory_space<vmem>>)
    %dma_wait3A_1501 = arith.constant 7808 : i32
    %dma_wait3A_1502 = tpu.memref_slice %arg39[%dma_wait3A_1501] : memref<8192xf32, #tpu.memory_space<vmem>> -> memref<128xf32, #tpu.memory_space<vmem>>
    %dma_wait3A_1503 = arith.constant 128 : i32
    %dma_wait3A_1504 = tpu.memref_slice %arg37[%dma_wait3A_1503] : memref<512xi32, #tpu.memory_space<vmem>> -> memref<128xi32, #tpu.memory_space<vmem>>
    %dma_wait3A_1505 = arith.constant 0 : i32
    %dma_wait3A_1506 = tpu.memref_slice %arg19[%dma_wait3A_1505] : memref<1000000xf32, #tpu.memory_space<hbm>> -> memref<1000000xf32, #tpu.memory_space<hbm>>
    tpu.wait_indirect_dma semaphore(%arg42 : memref<!tpu.dma_semaphore, #tpu.memory_space<semaphore_mem>>) src(%dma_wait3A_1506 : memref<1000000xf32, #tpu.memory_space<hbm>>) dst(%dma_wait3A_1502 : memref<128xf32, #tpu.memory_space<vmem>>)
    %dma_wait3A_1507 = arith.constant 7808 : i32
    %dma_wait3A_1508 = tpu.memref_slice %arg40[%dma_wait3A_1507] : memref<8192xf32, #tpu.memory_space<vmem>> -> memref<128xf32, #tpu.memory_space<vmem>>
    %dma_wait3A_1509 = arith.constant 128 : i32
    %dma_wait3A_1510 = tpu.memref_slice %arg38[%dma_wait3A_1509] : memref<512xi32, #tpu.memory_space<vmem>> -> memref<128xi32, #tpu.memory_space<vmem>>
    %dma_wait3A_1511 = arith.constant 0 : i32
    %dma_wait3A_1512 = tpu.memref_slice %arg35[%dma_wait3A_1511] : memref<1000000xf32, #tpu.memory_space<hbm>> -> memref<1000000xf32, #tpu.memory_space<hbm>>
    tpu.wait_indirect_dma semaphore(%arg42 : memref<!tpu.dma_semaphore, #tpu.memory_space<semaphore_mem>>) src(%dma_wait3A_1512 : memref<1000000xf32, #tpu.memory_space<hbm>>) dst(%dma_wait3A_1508 : memref<128xf32, #tpu.memory_space<vmem>>)
    %dma_wait3A_1513 = arith.constant 7936 : i32
    %dma_wait3A_1514 = tpu.memref_slice %arg39[%dma_wait3A_1513] : memref<8192xf32, #tpu.memory_space<vmem>> -> memref<128xf32, #tpu.memory_space<vmem>>
    %dma_wait3A_1515 = arith.constant 256 : i32
    %dma_wait3A_1516 = tpu.memref_slice %arg37[%dma_wait3A_1515] : memref<512xi32, #tpu.memory_space<vmem>> -> memref<128xi32, #tpu.memory_space<vmem>>
    %dma_wait3A_1517 = arith.constant 0 : i32
    %dma_wait3A_1518 = tpu.memref_slice %arg19[%dma_wait3A_1517] : memref<1000000xf32, #tpu.memory_space<hbm>> -> memref<1000000xf32, #tpu.memory_space<hbm>>
    tpu.wait_indirect_dma semaphore(%arg42 : memref<!tpu.dma_semaphore, #tpu.memory_space<semaphore_mem>>) src(%dma_wait3A_1518 : memref<1000000xf32, #tpu.memory_space<hbm>>) dst(%dma_wait3A_1514 : memref<128xf32, #tpu.memory_space<vmem>>)
    %dma_wait3A_1519 = arith.constant 7936 : i32
    %dma_wait3A_1520 = tpu.memref_slice %arg40[%dma_wait3A_1519] : memref<8192xf32, #tpu.memory_space<vmem>> -> memref<128xf32, #tpu.memory_space<vmem>>
    %dma_wait3A_1521 = arith.constant 256 : i32
    %dma_wait3A_1522 = tpu.memref_slice %arg38[%dma_wait3A_1521] : memref<512xi32, #tpu.memory_space<vmem>> -> memref<128xi32, #tpu.memory_space<vmem>>
    %dma_wait3A_1523 = arith.constant 0 : i32
    %dma_wait3A_1524 = tpu.memref_slice %arg35[%dma_wait3A_1523] : memref<1000000xf32, #tpu.memory_space<hbm>> -> memref<1000000xf32, #tpu.memory_space<hbm>>
    tpu.wait_indirect_dma semaphore(%arg42 : memref<!tpu.dma_semaphore, #tpu.memory_space<semaphore_mem>>) src(%dma_wait3A_1524 : memref<1000000xf32, #tpu.memory_space<hbm>>) dst(%dma_wait3A_1520 : memref<128xf32, #tpu.memory_space<vmem>>)
    %dma_wait3A_1525 = arith.constant 8064 : i32
    %dma_wait3A_1526 = tpu.memref_slice %arg39[%dma_wait3A_1525] : memref<8192xf32, #tpu.memory_space<vmem>> -> memref<128xf32, #tpu.memory_space<vmem>>
    %dma_wait3A_1527 = arith.constant 384 : i32
    %dma_wait3A_1528 = tpu.memref_slice %arg37[%dma_wait3A_1527] : memref<512xi32, #tpu.memory_space<vmem>> -> memref<128xi32, #tpu.memory_space<vmem>>
    %dma_wait3A_1529 = arith.constant 0 : i32
    %dma_wait3A_1530 = tpu.memref_slice %arg19[%dma_wait3A_1529] : memref<1000000xf32, #tpu.memory_space<hbm>> -> memref<1000000xf32, #tpu.memory_space<hbm>>
    tpu.wait_indirect_dma semaphore(%arg42 : memref<!tpu.dma_semaphore, #tpu.memory_space<semaphore_mem>>) src(%dma_wait3A_1530 : memref<1000000xf32, #tpu.memory_space<hbm>>) dst(%dma_wait3A_1526 : memref<128xf32, #tpu.memory_space<vmem>>)
    %dma_wait3A_1531 = arith.constant 8064 : i32
    %dma_wait3A_1532 = tpu.memref_slice %arg40[%dma_wait3A_1531] : memref<8192xf32, #tpu.memory_space<vmem>> -> memref<128xf32, #tpu.memory_space<vmem>>
    %dma_wait3A_1533 = arith.constant 384 : i32
    %dma_wait3A_1534 = tpu.memref_slice %arg38[%dma_wait3A_1533] : memref<512xi32, #tpu.memory_space<vmem>> -> memref<128xi32, #tpu.memory_space<vmem>>
    %dma_wait3A_1535 = arith.constant 0 : i32
    %dma_wait3A_1536 = tpu.memref_slice %arg35[%dma_wait3A_1535] : memref<1000000xf32, #tpu.memory_space<hbm>> -> memref<1000000xf32, #tpu.memory_space<hbm>>
    tpu.wait_indirect_dma semaphore(%arg42 : memref<!tpu.dma_semaphore, #tpu.memory_space<semaphore_mem>>) src(%dma_wait3A_1536 : memref<1000000xf32, #tpu.memory_space<hbm>>) dst(%dma_wait3A_1532 : memref<128xf32, #tpu.memory_space<vmem>>)
    %scan3A = arith.constant 0 : i32
    %scan3A_1537 = arith.constant 0 : i32
    %scan3A_1538 = arith.constant 32 : i32
    %scan3A_1539 = arith.addi %scan3A_1537, %scan3A_1538 : i32
    %scan3A_1540 = arith.constant 1 : i32
    scf.for %scan3A_1542 = %scan3A_1537 to %scan3A_1539 step %scan3A_1540  : i32 {
      %mul3A_1543 = arith.constant 16 : i32
      %mul3A_1544 = arith.muli %scan3A_1542, %mul3A_1543 : i32
      %broadcast_in_dim3A = arith.constant 0.000000e+00 : f32
      %broadcast_in_dim3A_1545 = vector.broadcast %broadcast_in_dim3A : f32 to vector<16xf32>
      %add3A_1546 = arith.constant 0 : i32
      %add3A_1547 = arith.addi %add3A_1546, %mul3A_1544 : i32
      %get3A = arith.index_cast %add3A_1547 : i32 to index
      %get3A_1548 = tpu.vector_load %arg39[%get3A] {strides = array<i32>} : memref<8192xf32, #tpu.memory_space<vmem>>, vector<16xf32>,
      %add3A_1549 = arith.constant 0 : i32
      %add3A_1550 = arith.addi %add3A_1549, %mul3A_1544 : i32
      %get3A_1551 = arith.index_cast %add3A_1550 : i32 to index
      %get3A_1552 = tpu.vector_load %arg40[%get3A_1551] {strides = array<i32>} : memref<8192xf32, #tpu.memory_space<vmem>>, vector<16xf32>,
      %mul3A_1553 = arith.mulf %get3A_1548, %get3A_1552 : vector<16xf32>
      %add3A_1554 = arith.addf %broadcast_in_dim3A_1545, %mul3A_1553 : vector<16xf32>
      %add3A_1555 = arith.constant 512 : i32
      %add3A_1556 = arith.addi %add3A_1555, %mul3A_1544 : i32
      %get3A_1557 = arith.index_cast %add3A_1556 : i32 to index
      %get3A_1558 = tpu.vector_load %arg39[%get3A_1557] {strides = array<i32>} : memref<8192xf32, #tpu.memory_space<vmem>>, vector<16xf32>,
      %add3A_1559 = arith.constant 512 : i32
      %add3A_1560 = arith.addi %add3A_1559, %mul3A_1544 : i32
      %get3A_1561 = arith.index_cast %add3A_1560 : i32 to index
      %get3A_1562 = tpu.vector_load %arg40[%get3A_1561] {strides = array<i32>} : memref<8192xf32, #tpu.memory_space<vmem>>, vector<16xf32>,
      %mul3A_1563 = arith.mulf %get3A_1558, %get3A_1562 : vector<16xf32>
      %add3A_1564 = arith.addf %add3A_1554, %mul3A_1563 : vector<16xf32>
      %add3A_1565 = arith.constant 1024 : i32
      %add3A_1566 = arith.addi %add3A_1565, %mul3A_1544 : i32
      %get3A_1567 = arith.index_cast %add3A_1566 : i32 to index
      %get3A_1568 = tpu.vector_load %arg39[%get3A_1567] {strides = array<i32>} : memref<8192xf32, #tpu.memory_space<vmem>>, vector<16xf32>,
      %add3A_1569 = arith.constant 1024 : i32
      %add3A_1570 = arith.addi %add3A_1569, %mul3A_1544 : i32
      %get3A_1571 = arith.index_cast %add3A_1570 : i32 to index
      %get3A_1572 = tpu.vector_load %arg40[%get3A_1571] {strides = array<i32>} : memref<8192xf32, #tpu.memory_space<vmem>>, vector<16xf32>,
      %mul3A_1573 = arith.mulf %get3A_1568, %get3A_1572 : vector<16xf32>
      %add3A_1574 = arith.addf %add3A_1564, %mul3A_1573 : vector<16xf32>
      %add3A_1575 = arith.constant 1536 : i32
      %add3A_1576 = arith.addi %add3A_1575, %mul3A_1544 : i32
      %get3A_1577 = arith.index_cast %add3A_1576 : i32 to index
      %get3A_1578 = tpu.vector_load %arg39[%get3A_1577] {strides = array<i32>} : memref<8192xf32, #tpu.memory_space<vmem>>, vector<16xf32>,
      %add3A_1579 = arith.constant 1536 : i32
      %add3A_1580 = arith.addi %add3A_1579, %mul3A_1544 : i32
      %get3A_1581 = arith.index_cast %add3A_1580 : i32 to index
      %get3A_1582 = tpu.vector_load %arg40[%get3A_1581] {strides = array<i32>} : memref<8192xf32, #tpu.memory_space<vmem>>, vector<16xf32>,
      %mul3A_1583 = arith.mulf %get3A_1578, %get3A_1582 : vector<16xf32>
      %add3A_1584 = arith.addf %add3A_1574, %mul3A_1583 : vector<16xf32>
      %add3A_1585 = arith.constant 2048 : i32
      %add3A_1586 = arith.addi %add3A_1585, %mul3A_1544 : i32
      %get3A_1587 = arith.index_cast %add3A_1586 : i32 to index
      %get3A_1588 = tpu.vector_load %arg39[%get3A_1587] {strides = array<i32>} : memref<8192xf32, #tpu.memory_space<vmem>>, vector<16xf32>,
      %add3A_1589 = arith.constant 2048 : i32
      %add3A_1590 = arith.addi %add3A_1589, %mul3A_1544 : i32
      %get3A_1591 = arith.index_cast %add3A_1590 : i32 to index
      %get3A_1592 = tpu.vector_load %arg40[%get3A_1591] {strides = array<i32>} : memref<8192xf32, #tpu.memory_space<vmem>>, vector<16xf32>,
      %mul3A_1593 = arith.mulf %get3A_1588, %get3A_1592 : vector<16xf32>
      %add3A_1594 = arith.addf %add3A_1584, %mul3A_1593 : vector<16xf32>
      %add3A_1595 = arith.constant 2560 : i32
      %add3A_1596 = arith.addi %add3A_1595, %mul3A_1544 : i32
      %get3A_1597 = arith.index_cast %add3A_1596 : i32 to index
      %get3A_1598 = tpu.vector_load %arg39[%get3A_1597] {strides = array<i32>} : memref<8192xf32, #tpu.memory_space<vmem>>, vector<16xf32>,
      %add3A_1599 = arith.constant 2560 : i32
      %add3A_1600 = arith.addi %add3A_1599, %mul3A_1544 : i32
      %get3A_1601 = arith.index_cast %add3A_1600 : i32 to index
      %get3A_1602 = tpu.vector_load %arg40[%get3A_1601] {strides = array<i32>} : memref<8192xf32, #tpu.memory_space<vmem>>, vector<16xf32>,
      %mul3A_1603 = arith.mulf %get3A_1598, %get3A_1602 : vector<16xf32>
      %add3A_1604 = arith.addf %add3A_1594, %mul3A_1603 : vector<16xf32>
      %add3A_1605 = arith.constant 3072 : i32
      %add3A_1606 = arith.addi %add3A_1605, %mul3A_1544 : i32
      %get3A_1607 = arith.index_cast %add3A_1606 : i32 to index
      %get3A_1608 = tpu.vector_load %arg39[%get3A_1607] {strides = array<i32>} : memref<8192xf32, #tpu.memory_space<vmem>>, vector<16xf32>,
      %add3A_1609 = arith.constant 3072 : i32
      %add3A_1610 = arith.addi %add3A_1609, %mul3A_1544 : i32
      %get3A_1611 = arith.index_cast %add3A_1610 : i32 to index
      %get3A_1612 = tpu.vector_load %arg40[%get3A_1611] {strides = array<i32>} : memref<8192xf32, #tpu.memory_space<vmem>>, vector<16xf32>,
      %mul3A_1613 = arith.mulf %get3A_1608, %get3A_1612 : vector<16xf32>
      %add3A_1614 = arith.addf %add3A_1604, %mul3A_1613 : vector<16xf32>
      %add3A_1615 = arith.constant 3584 : i32
      %add3A_1616 = arith.addi %add3A_1615, %mul3A_1544 : i32
      %get3A_1617 = arith.index_cast %add3A_1616 : i32 to index
      %get3A_1618 = tpu.vector_load %arg39[%get3A_1617] {strides = array<i32>} : memref<8192xf32, #tpu.memory_space<vmem>>, vector<16xf32>,
      %add3A_1619 = arith.constant 3584 : i32
      %add3A_1620 = arith.addi %add3A_1619, %mul3A_1544 : i32
      %get3A_1621 = arith.index_cast %add3A_1620 : i32 to index
      %get3A_1622 = tpu.vector_load %arg40[%get3A_1621] {strides = array<i32>} : memref<8192xf32, #tpu.memory_space<vmem>>, vector<16xf32>,
      %mul3A_1623 = arith.mulf %get3A_1618, %get3A_1622 : vector<16xf32>
      %add3A_1624 = arith.addf %add3A_1614, %mul3A_1623 : vector<16xf32>
      %add3A_1625 = arith.constant 4096 : i32
      %add3A_1626 = arith.addi %add3A_1625, %mul3A_1544 : i32
      %get3A_1627 = arith.index_cast %add3A_1626 : i32 to index
      %get3A_1628 = tpu.vector_load %arg39[%get3A_1627] {strides = array<i32>} : memref<8192xf32, #tpu.memory_space<vmem>>, vector<16xf32>,
      %add3A_1629 = arith.constant 4096 : i32
      %add3A_1630 = arith.addi %add3A_1629, %mul3A_1544 : i32
      %get3A_1631 = arith.index_cast %add3A_1630 : i32 to index
      %get3A_1632 = tpu.vector_load %arg40[%get3A_1631] {strides = array<i32>} : memref<8192xf32, #tpu.memory_space<vmem>>, vector<16xf32>,
      %mul3A_1633 = arith.mulf %get3A_1628, %get3A_1632 : vector<16xf32>
      %add3A_1634 = arith.addf %add3A_1624, %mul3A_1633 : vector<16xf32>
      %add3A_1635 = arith.constant 4608 : i32
      %add3A_1636 = arith.addi %add3A_1635, %mul3A_1544 : i32
      %get3A_1637 = arith.index_cast %add3A_1636 : i32 to index
      %get3A_1638 = tpu.vector_load %arg39[%get3A_1637] {strides = array<i32>} : memref<8192xf32, #tpu.memory_space<vmem>>, vector<16xf32>,
      %add3A_1639 = arith.constant 4608 : i32
      %add3A_1640 = arith.addi %add3A_1639, %mul3A_1544 : i32
      %get3A_1641 = arith.index_cast %add3A_1640 : i32 to index
      %get3A_1642 = tpu.vector_load %arg40[%get3A_1641] {strides = array<i32>} : memref<8192xf32, #tpu.memory_space<vmem>>, vector<16xf32>,
      %mul3A_1643 = arith.mulf %get3A_1638, %get3A_1642 : vector<16xf32>
      %add3A_1644 = arith.addf %add3A_1634, %mul3A_1643 : vector<16xf32>
      %add3A_1645 = arith.constant 5120 : i32
      %add3A_1646 = arith.addi %add3A_1645, %mul3A_1544 : i32
      %get3A_1647 = arith.index_cast %add3A_1646 : i32 to index
      %get3A_1648 = tpu.vector_load %arg39[%get3A_1647] {strides = array<i32>} : memref<8192xf32, #tpu.memory_space<vmem>>, vector<16xf32>,
      %add3A_1649 = arith.constant 5120 : i32
      %add3A_1650 = arith.addi %add3A_1649, %mul3A_1544 : i32
      %get3A_1651 = arith.index_cast %add3A_1650 : i32 to index
      %get3A_1652 = tpu.vector_load %arg40[%get3A_1651] {strides = array<i32>} : memref<8192xf32, #tpu.memory_space<vmem>>, vector<16xf32>,
      %mul3A_1653 = arith.mulf %get3A_1648, %get3A_1652 : vector<16xf32>
      %add3A_1654 = arith.addf %add3A_1644, %mul3A_1653 : vector<16xf32>
      %add3A_1655 = arith.constant 5632 : i32
      %add3A_1656 = arith.addi %add3A_1655, %mul3A_1544 : i32
      %get3A_1657 = arith.index_cast %add3A_1656 : i32 to index
      %get3A_1658 = tpu.vector_load %arg39[%get3A_1657] {strides = array<i32>} : memref<8192xf32, #tpu.memory_space<vmem>>, vector<16xf32>,
      %add3A_1659 = arith.constant 5632 : i32
      %add3A_1660 = arith.addi %add3A_1659, %mul3A_1544 : i32
      %get3A_1661 = arith.index_cast %add3A_1660 : i32 to index
      %get3A_1662 = tpu.vector_load %arg40[%get3A_1661] {strides = array<i32>} : memref<8192xf32, #tpu.memory_space<vmem>>, vector<16xf32>,
      %mul3A_1663 = arith.mulf %get3A_1658, %get3A_1662 : vector<16xf32>
      %add3A_1664 = arith.addf %add3A_1654, %mul3A_1663 : vector<16xf32>
      %add3A_1665 = arith.constant 6144 : i32
      %add3A_1666 = arith.addi %add3A_1665, %mul3A_1544 : i32
      %get3A_1667 = arith.index_cast %add3A_1666 : i32 to index
      %get3A_1668 = tpu.vector_load %arg39[%get3A_1667] {strides = array<i32>} : memref<8192xf32, #tpu.memory_space<vmem>>, vector<16xf32>,
      %add3A_1669 = arith.constant 6144 : i32
      %add3A_1670 = arith.addi %add3A_1669, %mul3A_1544 : i32
      %get3A_1671 = arith.index_cast %add3A_1670 : i32 to index
      %get3A_1672 = tpu.vector_load %arg40[%get3A_1671] {strides = array<i32>} : memref<8192xf32, #tpu.memory_space<vmem>>, vector<16xf32>,
      %mul3A_1673 = arith.mulf %get3A_1668, %get3A_1672 : vector<16xf32>
      %add3A_1674 = arith.addf %add3A_1664, %mul3A_1673 : vector<16xf32>
      %add3A_1675 = arith.constant 6656 : i32
      %add3A_1676 = arith.addi %add3A_1675, %mul3A_1544 : i32
      %get3A_1677 = arith.index_cast %add3A_1676 : i32 to index
      %get3A_1678 = tpu.vector_load %arg39[%get3A_1677] {strides = array<i32>} : memref<8192xf32, #tpu.memory_space<vmem>>, vector<16xf32>,
      %add3A_1679 = arith.constant 6656 : i32
      %add3A_1680 = arith.addi %add3A_1679, %mul3A_1544 : i32
      %get3A_1681 = arith.index_cast %add3A_1680 : i32 to index
      %get3A_1682 = tpu.vector_load %arg40[%get3A_1681] {strides = array<i32>} : memref<8192xf32, #tpu.memory_space<vmem>>, vector<16xf32>,
      %mul3A_1683 = arith.mulf %get3A_1678, %get3A_1682 : vector<16xf32>
      %add3A_1684 = arith.addf %add3A_1674, %mul3A_1683 : vector<16xf32>
      %add3A_1685 = arith.constant 7168 : i32
      %add3A_1686 = arith.addi %add3A_1685, %mul3A_1544 : i32
      %get3A_1687 = arith.index_cast %add3A_1686 : i32 to index
      %get3A_1688 = tpu.vector_load %arg39[%get3A_1687] {strides = array<i32>} : memref<8192xf32, #tpu.memory_space<vmem>>, vector<16xf32>,
      %add3A_1689 = arith.constant 7168 : i32
      %add3A_1690 = arith.addi %add3A_1689, %mul3A_1544 : i32
      %get3A_1691 = arith.index_cast %add3A_1690 : i32 to index
      %get3A_1692 = tpu.vector_load %arg40[%get3A_1691] {strides = array<i32>} : memref<8192xf32, #tpu.memory_space<vmem>>, vector<16xf32>,
      %mul3A_1693 = arith.mulf %get3A_1688, %get3A_1692 : vector<16xf32>
      %add3A_1694 = arith.addf %add3A_1684, %mul3A_1693 : vector<16xf32>
      %add3A_1695 = arith.constant 7680 : i32
      %add3A_1696 = arith.addi %add3A_1695, %mul3A_1544 : i32
      %get3A_1697 = arith.index_cast %add3A_1696 : i32 to index
      %get3A_1698 = tpu.vector_load %arg39[%get3A_1697] {strides = array<i32>} : memref<8192xf32, #tpu.memory_space<vmem>>, vector<16xf32>,
      %add3A_1699 = arith.constant 7680 : i32
      %add3A_1700 = arith.addi %add3A_1699, %mul3A_1544 : i32
      %get3A_1701 = arith.index_cast %add3A_1700 : i32 to index
      %get3A_1702 = tpu.vector_load %arg40[%get3A_1701] {strides = array<i32>} : memref<8192xf32, #tpu.memory_space<vmem>>, vector<16xf32>,
      %mul3A_1703 = arith.mulf %get3A_1698, %get3A_1702 : vector<16xf32>
      %add3A_1704 = arith.addf %add3A_1694, %mul3A_1703 : vector<16xf32>
      %swap3A = arith.index_cast %mul3A_1544 : i32 to index
      %swap3A_1705 = tpu.vector_load %arg41[%swap3A] {strides = array<i32>} : memref<512xf32, #tpu.memory_space<vmem>>, vector<16xf32>,
      tpu.vector_store %arg41[%swap3A], %add3A_1704 {strides = array<i32>} : memref<512xf32, #tpu.memory_space<vmem>>, vector<16xf32>,
    }
    %scan3A_1541 = arith.constant 32 : i32
    "tpu.region"() ({
      %run_scoped3A = tpu.sem_alloc : memref<!tpu.dma_semaphore, #tpu.memory_space<semaphore_mem>>
      %dma_start3A_1542 = tpu.memref_slice %arg36[%mul3A_2] : memref<16384xf32, #tpu.memory_space<hbm>> -> memref<512xf32, #tpu.memory_space<hbm>>
      %dma_start3A_1543 = tpu.memref_slice %arg36[%mul3A_2] : memref<16384xf32, #tpu.memory_space<hbm>> -> memref<512xf32, #tpu.memory_space<hbm>>
      tpu.enqueue_dma source(%arg41 : memref<512xf32, #tpu.memory_space<vmem>>) target(%dma_start3A_1543 : memref<512xf32, #tpu.memory_space<hbm>>) target_semaphore(%run_scoped3A : memref<!tpu.dma_semaphore, #tpu.memory_space<semaphore_mem>>)
      %dma_wait3A_1544 = tpu.memref_slice %arg36[%mul3A_2] : memref<16384xf32, #tpu.memory_space<hbm>> -> memref<512xf32, #tpu.memory_space<hbm>>
      %dma_wait3A_1545 = tpu.memref_slice %arg36[%mul3A_2] : memref<16384xf32, #tpu.memory_space<hbm>> -> memref<512xf32, #tpu.memory_space<hbm>>
      tpu.wait_dma2 semaphore(%run_scoped3A : memref<!tpu.dma_semaphore, #tpu.memory_space<semaphore_mem>>) src(%arg41 : memref<512xf32, #tpu.memory_space<vmem>>) dst(%dma_wait3A_1545 : memref<512xf32, #tpu.memory_space<hbm>>)
      tpu.yield
    }) : () -> ()
    return
  }
}

module attributes {stable_mosaic.version = 14 : i64} {
  func.func @_detile_body(%arg0: i32, %arg1: memref<16x2048xf32, #tpu.memory_space<vmem>>, %arg2: memref<2048xf32, #tpu.memory_space<vmem>>, %arg3: memref<2048xf32, #tpu.memory_space<vmem>>, %arg4: memref<2048xf32, #tpu.memory_space<vmem>>, %arg5: memref<2048xf32, #tpu.memory_space<vmem>>, %arg6: memref<2048xf32, #tpu.memory_space<vmem>>, %arg7: memref<2048xf32, #tpu.memory_space<vmem>>, %arg8: memref<2048xf32, #tpu.memory_space<vmem>>, %arg9: memref<2048xf32, #tpu.memory_space<vmem>>, %arg10: memref<2048xf32, #tpu.memory_space<vmem>>, %arg11: memref<2048xf32, #tpu.memory_space<vmem>>, %arg12: memref<2048xf32, #tpu.memory_space<vmem>>, %arg13: memref<2048xf32, #tpu.memory_space<vmem>>, %arg14: memref<2048xf32, #tpu.memory_space<vmem>>, %arg15: memref<2048xf32, #tpu.memory_space<vmem>>, %arg16: memref<2048xf32, #tpu.memory_space<vmem>>, %arg17: memref<2048xf32, #tpu.memory_space<vmem>>) attributes {dimension_semantics = [#tpu.dimension_semantics<arbitrary>], iteration_bounds = array<i64: 489>, scalar_prefetch = 0 : i64, scratch_operands = 0 : i64, tpu.core_type = #tpu.core_type<tc>, window_params = [{transform_indices = @transform_0, window_bounds = array<i64: 16, 2048>}, {transform_indices = @transform_1, window_bounds = array<i64: 2048>}, {transform_indices = @transform_2, window_bounds = array<i64: 2048>}, {transform_indices = @transform_3, window_bounds = array<i64: 2048>}, {transform_indices = @transform_4, window_bounds = array<i64: 2048>}, {transform_indices = @transform_5, window_bounds = array<i64: 2048>}, {transform_indices = @transform_6, window_bounds = array<i64: 2048>}, {transform_indices = @transform_7, window_bounds = array<i64: 2048>}, {transform_indices = @transform_8, window_bounds = array<i64: 2048>}, {transform_indices = @transform_9, window_bounds = array<i64: 2048>}, {transform_indices = @transform_10, window_bounds = array<i64: 2048>}, {transform_indices = @transform_11, window_bounds = array<i64: 2048>}, {transform_indices = @transform_12, window_bounds = array<i64: 2048>}, {transform_indices = @transform_13, window_bounds = array<i64: 2048>}, {transform_indices = @transform_14, window_bounds = array<i64: 2048>}, {transform_indices = @transform_15, window_bounds = array<i64: 2048>}, {transform_indices = @transform_16, window_bounds = array<i64: 2048>}]} {
    %get3A = arith.constant 0 : index
    %get3A_0 = arith.constant 0 : index
    %get3A_1 = vector.load %arg1[%get3A, %get3A_0] : memref<16x2048xf32, #tpu.memory_space<vmem>>, vector<16x2048xf32>
    %slice3A = vector.extract_strided_slice %get3A_1 {offsets = [0, 0], sizes = [1, 2048], strides = [1, 1]} : vector<16x2048xf32> to vector<1x2048xf32>
    %squeeze3A = vector.shape_cast %slice3A : vector<1x2048xf32> to vector<2048xf32>
    %swap3A = arith.constant 0 : index
    %swap3A_2 = vector.load %arg2[%swap3A] : memref<2048xf32, #tpu.memory_space<vmem>>, vector<2048xf32>
    tpu.vector_store %arg2[%swap3A], %squeeze3A {strides = array<i32>} : memref<2048xf32, #tpu.memory_space<vmem>>, vector<2048xf32>,
    %slice3A_3 = vector.extract_strided_slice %get3A_1 {offsets = [1, 0], sizes = [1, 2048], strides = [1, 1]} : vector<16x2048xf32> to vector<1x2048xf32>
    %squeeze3A_4 = vector.shape_cast %slice3A_3 : vector<1x2048xf32> to vector<2048xf32>
    %swap3A_5 = arith.constant 0 : index
    %swap3A_6 = vector.load %arg3[%swap3A_5] : memref<2048xf32, #tpu.memory_space<vmem>>, vector<2048xf32>
    tpu.vector_store %arg3[%swap3A_5], %squeeze3A_4 {strides = array<i32>} : memref<2048xf32, #tpu.memory_space<vmem>>, vector<2048xf32>,
    %slice3A_7 = vector.extract_strided_slice %get3A_1 {offsets = [2, 0], sizes = [1, 2048], strides = [1, 1]} : vector<16x2048xf32> to vector<1x2048xf32>
    %squeeze3A_8 = vector.shape_cast %slice3A_7 : vector<1x2048xf32> to vector<2048xf32>
    %swap3A_9 = arith.constant 0 : index
    %swap3A_10 = vector.load %arg4[%swap3A_9] : memref<2048xf32, #tpu.memory_space<vmem>>, vector<2048xf32>
    tpu.vector_store %arg4[%swap3A_9], %squeeze3A_8 {strides = array<i32>} : memref<2048xf32, #tpu.memory_space<vmem>>, vector<2048xf32>,
    %slice3A_11 = vector.extract_strided_slice %get3A_1 {offsets = [3, 0], sizes = [1, 2048], strides = [1, 1]} : vector<16x2048xf32> to vector<1x2048xf32>
    %squeeze3A_12 = vector.shape_cast %slice3A_11 : vector<1x2048xf32> to vector<2048xf32>
    %swap3A_13 = arith.constant 0 : index
    %swap3A_14 = vector.load %arg5[%swap3A_13] : memref<2048xf32, #tpu.memory_space<vmem>>, vector<2048xf32>
    tpu.vector_store %arg5[%swap3A_13], %squeeze3A_12 {strides = array<i32>} : memref<2048xf32, #tpu.memory_space<vmem>>, vector<2048xf32>,
    %slice3A_15 = vector.extract_strided_slice %get3A_1 {offsets = [4, 0], sizes = [1, 2048], strides = [1, 1]} : vector<16x2048xf32> to vector<1x2048xf32>
    %squeeze3A_16 = vector.shape_cast %slice3A_15 : vector<1x2048xf32> to vector<2048xf32>
    %swap3A_17 = arith.constant 0 : index
    %swap3A_18 = vector.load %arg6[%swap3A_17] : memref<2048xf32, #tpu.memory_space<vmem>>, vector<2048xf32>
    tpu.vector_store %arg6[%swap3A_17], %squeeze3A_16 {strides = array<i32>} : memref<2048xf32, #tpu.memory_space<vmem>>, vector<2048xf32>,
    %slice3A_19 = vector.extract_strided_slice %get3A_1 {offsets = [5, 0], sizes = [1, 2048], strides = [1, 1]} : vector<16x2048xf32> to vector<1x2048xf32>
    %squeeze3A_20 = vector.shape_cast %slice3A_19 : vector<1x2048xf32> to vector<2048xf32>
    %swap3A_21 = arith.constant 0 : index
    %swap3A_22 = vector.load %arg7[%swap3A_21] : memref<2048xf32, #tpu.memory_space<vmem>>, vector<2048xf32>
    tpu.vector_store %arg7[%swap3A_21], %squeeze3A_20 {strides = array<i32>} : memref<2048xf32, #tpu.memory_space<vmem>>, vector<2048xf32>,
    %slice3A_23 = vector.extract_strided_slice %get3A_1 {offsets = [6, 0], sizes = [1, 2048], strides = [1, 1]} : vector<16x2048xf32> to vector<1x2048xf32>
    %squeeze3A_24 = vector.shape_cast %slice3A_23 : vector<1x2048xf32> to vector<2048xf32>
    %swap3A_25 = arith.constant 0 : index
    %swap3A_26 = vector.load %arg8[%swap3A_25] : memref<2048xf32, #tpu.memory_space<vmem>>, vector<2048xf32>
    tpu.vector_store %arg8[%swap3A_25], %squeeze3A_24 {strides = array<i32>} : memref<2048xf32, #tpu.memory_space<vmem>>, vector<2048xf32>,
    %slice3A_27 = vector.extract_strided_slice %get3A_1 {offsets = [7, 0], sizes = [1, 2048], strides = [1, 1]} : vector<16x2048xf32> to vector<1x2048xf32>
    %squeeze3A_28 = vector.shape_cast %slice3A_27 : vector<1x2048xf32> to vector<2048xf32>
    %swap3A_29 = arith.constant 0 : index
    %swap3A_30 = vector.load %arg9[%swap3A_29] : memref<2048xf32, #tpu.memory_space<vmem>>, vector<2048xf32>
    tpu.vector_store %arg9[%swap3A_29], %squeeze3A_28 {strides = array<i32>} : memref<2048xf32, #tpu.memory_space<vmem>>, vector<2048xf32>,
    %slice3A_31 = vector.extract_strided_slice %get3A_1 {offsets = [8, 0], sizes = [1, 2048], strides = [1, 1]} : vector<16x2048xf32> to vector<1x2048xf32>
    %squeeze3A_32 = vector.shape_cast %slice3A_31 : vector<1x2048xf32> to vector<2048xf32>
    %swap3A_33 = arith.constant 0 : index
    %swap3A_34 = vector.load %arg10[%swap3A_33] : memref<2048xf32, #tpu.memory_space<vmem>>, vector<2048xf32>
    tpu.vector_store %arg10[%swap3A_33], %squeeze3A_32 {strides = array<i32>} : memref<2048xf32, #tpu.memory_space<vmem>>, vector<2048xf32>,
    %slice3A_35 = vector.extract_strided_slice %get3A_1 {offsets = [9, 0], sizes = [1, 2048], strides = [1, 1]} : vector<16x2048xf32> to vector<1x2048xf32>
    %squeeze3A_36 = vector.shape_cast %slice3A_35 : vector<1x2048xf32> to vector<2048xf32>
    %swap3A_37 = arith.constant 0 : index
    %swap3A_38 = vector.load %arg11[%swap3A_37] : memref<2048xf32, #tpu.memory_space<vmem>>, vector<2048xf32>
    tpu.vector_store %arg11[%swap3A_37], %squeeze3A_36 {strides = array<i32>} : memref<2048xf32, #tpu.memory_space<vmem>>, vector<2048xf32>,
    %slice3A_39 = vector.extract_strided_slice %get3A_1 {offsets = [10, 0], sizes = [1, 2048], strides = [1, 1]} : vector<16x2048xf32> to vector<1x2048xf32>
    %squeeze3A_40 = vector.shape_cast %slice3A_39 : vector<1x2048xf32> to vector<2048xf32>
    %swap3A_41 = arith.constant 0 : index
    %swap3A_42 = vector.load %arg12[%swap3A_41] : memref<2048xf32, #tpu.memory_space<vmem>>, vector<2048xf32>
    tpu.vector_store %arg12[%swap3A_41], %squeeze3A_40 {strides = array<i32>} : memref<2048xf32, #tpu.memory_space<vmem>>, vector<2048xf32>,
    %slice3A_43 = vector.extract_strided_slice %get3A_1 {offsets = [11, 0], sizes = [1, 2048], strides = [1, 1]} : vector<16x2048xf32> to vector<1x2048xf32>
    %squeeze3A_44 = vector.shape_cast %slice3A_43 : vector<1x2048xf32> to vector<2048xf32>
    %swap3A_45 = arith.constant 0 : index
    %swap3A_46 = vector.load %arg13[%swap3A_45] : memref<2048xf32, #tpu.memory_space<vmem>>, vector<2048xf32>
    tpu.vector_store %arg13[%swap3A_45], %squeeze3A_44 {strides = array<i32>} : memref<2048xf32, #tpu.memory_space<vmem>>, vector<2048xf32>,
    %slice3A_47 = vector.extract_strided_slice %get3A_1 {offsets = [12, 0], sizes = [1, 2048], strides = [1, 1]} : vector<16x2048xf32> to vector<1x2048xf32>
    %squeeze3A_48 = vector.shape_cast %slice3A_47 : vector<1x2048xf32> to vector<2048xf32>
    %swap3A_49 = arith.constant 0 : index
    %swap3A_50 = vector.load %arg14[%swap3A_49] : memref<2048xf32, #tpu.memory_space<vmem>>, vector<2048xf32>
    tpu.vector_store %arg14[%swap3A_49], %squeeze3A_48 {strides = array<i32>} : memref<2048xf32, #tpu.memory_space<vmem>>, vector<2048xf32>,
    %slice3A_51 = vector.extract_strided_slice %get3A_1 {offsets = [13, 0], sizes = [1, 2048], strides = [1, 1]} : vector<16x2048xf32> to vector<1x2048xf32>
    %squeeze3A_52 = vector.shape_cast %slice3A_51 : vector<1x2048xf32> to vector<2048xf32>
    %swap3A_53 = arith.constant 0 : index
    %swap3A_54 = vector.load %arg15[%swap3A_53] : memref<2048xf32, #tpu.memory_space<vmem>>, vector<2048xf32>
    tpu.vector_store %arg15[%swap3A_53], %squeeze3A_52 {strides = array<i32>} : memref<2048xf32, #tpu.memory_space<vmem>>, vector<2048xf32>,
    %slice3A_55 = vector.extract_strided_slice %get3A_1 {offsets = [14, 0], sizes = [1, 2048], strides = [1, 1]} : vector<16x2048xf32> to vector<1x2048xf32>
    %squeeze3A_56 = vector.shape_cast %slice3A_55 : vector<1x2048xf32> to vector<2048xf32>
    %swap3A_57 = arith.constant 0 : index
    %swap3A_58 = vector.load %arg16[%swap3A_57] : memref<2048xf32, #tpu.memory_space<vmem>>, vector<2048xf32>
    tpu.vector_store %arg16[%swap3A_57], %squeeze3A_56 {strides = array<i32>} : memref<2048xf32, #tpu.memory_space<vmem>>, vector<2048xf32>,
    %slice3A_59 = vector.extract_strided_slice %get3A_1 {offsets = [15, 0], sizes = [1, 2048], strides = [1, 1]} : vector<16x2048xf32> to vector<1x2048xf32>
    %squeeze3A_60 = vector.shape_cast %slice3A_59 : vector<1x2048xf32> to vector<2048xf32>
    %swap3A_61 = arith.constant 0 : index
    %swap3A_62 = vector.load %arg17[%swap3A_61] : memref<2048xf32, #tpu.memory_space<vmem>>, vector<2048xf32>
    tpu.vector_store %arg17[%swap3A_61], %squeeze3A_60 {strides = array<i32>} : memref<2048xf32, #tpu.memory_space<vmem>>, vector<2048xf32>,
    return
  }
  func.func @transform_0(%arg0: i32) -> (i32, i32) {
    %c0_i32 = arith.constant 0 : i32
    %c0_i32_0 = arith.constant 0 : i32
    return %c0_i32, %arg0 : i32, i32
  }
  func.func @transform_1(%arg0: i32) -> i32 {
    %c0_i32 = arith.constant 0 : i32
    return %arg0 : i32
  }
  func.func @transform_2(%arg0: i32) -> i32 {
    %c0_i32 = arith.constant 0 : i32
    return %arg0 : i32
  }
  func.func @transform_3(%arg0: i32) -> i32 {
    %c0_i32 = arith.constant 0 : i32
    return %arg0 : i32
  }
  func.func @transform_4(%arg0: i32) -> i32 {
    %c0_i32 = arith.constant 0 : i32
    return %arg0 : i32
  }
  func.func @transform_5(%arg0: i32) -> i32 {
    %c0_i32 = arith.constant 0 : i32
    return %arg0 : i32
  }
  func.func @transform_6(%arg0: i32) -> i32 {
    %c0_i32 = arith.constant 0 : i32
    return %arg0 : i32
  }
  func.func @transform_7(%arg0: i32) -> i32 {
    %c0_i32 = arith.constant 0 : i32
    return %arg0 : i32
  }
  func.func @transform_8(%arg0: i32) -> i32 {
    %c0_i32 = arith.constant 0 : i32
    return %arg0 : i32
  }
  func.func @transform_9(%arg0: i32) -> i32 {
    %c0_i32 = arith.constant 0 : i32
    return %arg0 : i32
  }
  func.func @transform_10(%arg0: i32) -> i32 {
    %c0_i32 = arith.constant 0 : i32
    return %arg0 : i32
  }
  func.func @transform_11(%arg0: i32) -> i32 {
    %c0_i32 = arith.constant 0 : i32
    return %arg0 : i32
  }
  func.func @transform_12(%arg0: i32) -> i32 {
    %c0_i32 = arith.constant 0 : i32
    return %arg0 : i32
  }
  func.func @transform_13(%arg0: i32) -> i32 {
    %c0_i32 = arith.constant 0 : i32
    return %arg0 : i32
  }
  func.func @transform_14(%arg0: i32) -> i32 {
    %c0_i32 = arith.constant 0 : i32
    return %arg0 : i32
  }
  func.func @transform_15(%arg0: i32) -> i32 {
    %c0_i32 = arith.constant 0 : i32
    return %arg0 : i32
  }
  func.func @transform_16(%arg0: i32) -> i32 {
    %c0_i32 = arith.constant 0 : i32
    return %arg0 : i32
  }
}

</mosaic_0001>

<sc_bundles>
// kernel: kernel.5.cloned.1.call-start
scs
__scs_entry_jumppad:
0x0: {  	(pc) =	sbr.rel $0x88, $3  }
0x1: {  	(tag) =	ssettag $0x0;
	lr =	simm.s32 $0x1  }
0x2: {  	[smem:$0x3F9D] =	sst lr;
	_ =	strace $0xD0000000  }
0x3: {  	_ = 	snop  }
0x4: {  	_ = 	snop  }
0x5: {  	_ = 	snop  }
0x6: {  	_ = 	snop  }
0x7: {  	_ = 	snop  }
__scs_overlays_trampoline_lowered:
0x8: {  	[smem:$0x3FAC] =	sst s0  }
0x9: {  	[smem:$0x3FAD] =	sst s1  }
0xa: {  	[smem:$0x3FAE] =	sst s2  }
0xb: {  	[smem:$0x3FAF] =	sst s3  }
0xc: {  	[smem:$0x3FB0] =	sst s4  }
0xd: {  	[smem:$0x3FB1] =	sst s5  }
0xe: {  	[smem:$0x3FB2] =	sst s6  }
0xf: {  	[smem:$0x3FB3] =	sst s7  }
0x10: {  	[smem:$0x3FB4] =	sst s8  }
0x11: {  	[smem:$0x3FB5] =	sst s9;
	s0 =	simm.s32 @!p0 $0x0  }
0x12: {  	s1 =	sld [smem:$0x3F9B];
	s0 =	simm.s32 @p0 $0x1  }
0x13: {  	[smem:$0x3FB6] =	sst s0;
	s0 =	simm.s32 @!p1 $0x0  }
0x14: {  	s2 =	sld [smem:$0x3F9A];
	s0 =	simm.s32 @p1 $0x1  }
0x15: {  	[smem:$0x3FB7] =	sst s0;
	s0 =	simm.s32 @!p2 $0x0  }
0x16: {  	s3 =	sld [smem:$0x3FDB];
	s0 =	simm.s32 @p2 $0x1  }
0x17: {  	s4 =	simm.s32 $0x1BF5;
	[smem:$0x3FB9] =	sst s0  }
0x18: {  	s0 =	sld [smem:$0x3F9C];
	_ =	swait.ge [sflag:s4], $0x0  }
0x19: {  	s7 =	sld [smem:$0x3F9D]  }
0x1a: {  	s8 =	sadd.s32 $0xFFFFE003, lr  }
0x1b: {  	s9 =	sadd.s32 $0xFFFFFEF7, lr;
	s5 =	simm.s32 $0xFFFFFFFF;
	p2 =	slt.u32 s8, $0xFFFFF086  }
0x1c: {  	p1 =	slt.u32 s9, $0xF7A;
	s5 =	simm.s32 @!p2 $0x0  }
0x1d: {  	s5 =	simm.s32 @p1 $0x1;
	p0 =	seq.s32 s7, s2  }
0x1e: {  	s7 =	smul.u32 @!p0 $0xF7A, s2;
	p2 =	seq.s32 @!p0 s5, $0x0  }
0x1f: {  	s9 =	smul.u32 $0xF7A, s1;
	s8 =	simm.s32 @!p0 $0x1BF5;
	p2 =	por !p2, p0  }
0x20: {  	[sflag:s8] =	ssyncset.s32 @!p0 $0xFFFFF086;
	s6 =	sadd.s32 @!p0 s3, s7;
	s7 =	simm.s32 @!p0 $0x108  }
0x21: {  	s3 =	sadd.s32 s3, s9;
	s6 =	sadd.s32 @!p0 $0x88, s6;
	s7 =	simm.s32 @p2 $0x1082  }
0x22: {  	[simem:s7], [sflag:s8] =	dma.local @!p0 [hbm:s6], $0xF7A  }
0x23: {  	s9 =	sor.u32 $0xD0000000, s2;
	s6 =	simm.s32 $0x108;
	_ =	swait.ge @!p0 [sflag:s8], $0x0  }
0x24: {  	s3 =	sadd.s32 $0x88, s3;
	s6 =	simm.s32 @!p1 $0x1082;
	[sflag:s4] =	ssyncset.s32 $0xFFFFF086  }
0x25: {  	[simem:s6], [sflag:s4] =	dma.local [hbm:s3], $0xF7A  }
0x26: {  	[smem:$0x3F9D] =	sst s1;
	(tag) =	ssettag s2;
	_ =	strace s9  }
0x27: {  	s1 =	sld [smem:$0x3FAD]  }
0x28: {  	s2 =	sld [smem:$0x3FAE]  }
0x29: {  	s4 =	sld [smem:$0x3FB0]  }
0x2a: {  	p0 =	seq.s32 s5, $0x0;
	s5 =	sld [smem:$0x3FB1]  }
0x2b: {  	s6 =	sld [smem:$0x3FB2]  }
0x2c: {  	s7 =	sld [smem:$0x3FB3]  }
0x2d: {  	s3 =	simm.s32 $0x108;
	s8 =	sld [smem:$0x3FB4]  }
0x2e: {  	s3 =	simm.s32 @!p0 $0x1082;
	s9 =	sld [smem:$0x3FB5]  }
0x2f: {  	lr =	sadd.s32 s0, s3;
	s0 =	sld [smem:$0x3FAC]  }
0x30: {  	s3 =	sld [smem:$0x3FAF]  }
0x31: {  	[smem:$0x3FB8] =	sst s10  }
0x32: {  	s10 =	sld [smem:$0x3FB6];
	_ =	sdelay $0x3  }
0x33: {  	p0 =	seq.s32 s10, $0x1;
	s10 =	sld [smem:$0x3FB8];
	_ =	sdelay $0x3  }
0x34: {  	[smem:$0x3FB8] =	sst s10  }
0x35: {  	s10 =	sld [smem:$0x3FB7];
	_ =	sdelay $0x3  }
0x36: {  	p1 =	seq.s32 s10, $0x1;
	s10 =	sld [smem:$0x3FB8];
	_ =	sdelay $0x3  }
0x37: {  	[smem:$0x3FB8] =	sst s10  }
0x38: {  	s10 =	sld [smem:$0x3FB9]  }
0x39: {  	_ = 	snop;
	(pc) =	sbr.ind lr, $3  }
0x3a: {  	_ = 	snop  }
0x3b: {  	_ = 	snop  }
0x3c: {  	p2 =	seq.s32 s10, $0x1;
	s10 =	sld [smem:$0x3FB8]  }
0x3d: {  	_ =	shalt  }
0x3e: {  	_ =	shalt  }
0x3f: {  	_ =	shalt  }
0x40: {  	_ =	shalt  }
0x41: {  	_ =	shalt  }
0x42: {  	_ =	shalt  }
0x43: {  	_ =	shalt  }
0x44: {  	_ =	shalt  }
0x45: {  	_ =	shalt  }
0x46: {  	_ =	shalt  }
0x47: {  	_ =	shalt  }
0x48: {  	_ =	shalt  }
0x49: {  	_ =	shalt  }
0x4a: {  	_ =	shalt  }
0x4b: {  	_ =	shalt  }
0x4c: {  	_ =	shalt  }
0x4d: {  	_ =	shalt  }
0x4e: {  	_ =	shalt  }
0x4f: {  	_ =	shalt  }
0x50: {  	_ =	shalt  }
0x51: {  	_ =	shalt  }
0x52: {  	_ =	shalt  }
0x53: {  	_ =	shalt  }
0x54: {  	_ =	shalt  }
0x55: {  	_ =	shalt  }
0x56: {  	_ =	shalt  }
0x57: {  	_ =	shalt  }
0x58: {  	_ =	shalt  }
0x59: {  	_ =	shalt  }
0x5a: {  	_ =	shalt  }
0x5b: {  	_ =	shalt  }
0x5c: {  	_ =	shalt  }
0x5d: {  	_ =	shalt  }
0x5e: {  	_ =	shalt  }
0x5f: {  	_ =	shalt  }
0x60: {  	_ =	shalt  }
0x61: {  	_ =	shalt  }
0x62: {  	_ =	shalt  }
0x63: {  	_ =	shalt  }
0x64: {  	_ =	shalt  }
0x65: {  	_ =	shalt  }
0x66: {  	_ =	shalt  }
0x67: {  	_ =	shalt  }
0x68: {  	_ =	shalt  }
0x69: {  	_ =	shalt  }
0x6a: {  	_ =	shalt  }
0x6b: {  	_ =	shalt  }
0x6c: {  	_ =	shalt  }
0x6d: {  	_ =	shalt  }
0x6e: {  	_ =	shalt  }
0x6f: {  	_ =	shalt  }
0x70: {  	_ =	shalt  }
0x71: {  	_ =	shalt  }
0x72: {  	_ =	shalt  }
0x73: {  	_ =	shalt  }
0x74: {  	_ =	shalt  }
0x75: {  	_ =	shalt  }
0x76: {  	_ =	shalt  }
0x77: {  	_ =	shalt  }
0x78: {  	_ =	shalt  }
0x79: {  	_ =	shalt  }
0x7a: {  	_ =	shalt  }
0x7b: {  	_ =	shalt  }
0x7c: {  	_ =	shalt  }
0x7d: {  	_ =	shalt  }
0x7e: {  	_ =	shalt  }
0x7f: {  	_ =	shalt  }
0x80: {  	_ =	shalt  }
0x81: {  	_ =	shalt  }
0x82: {  	_ =	shalt  }
0x83: {  	_ =	shalt  }
0x84: {  	_ =	shalt  }
0x85: {  	_ =	shalt  }
0x86: {  	_ =	shalt  }
0x87: {  	_ =	shalt  }
.Lfunc_end0:
.L_simem_size_0:
called_computation_lowered:
.L_overlay_start_0:
0x88: {  	s2 =	sld [smem:$0x3FD9]  }
0x89: {  	s3 =	sld [smem:$0x3FFE];
	_ =	sdelay $0x1  }
0x8a: {  	s1 =	srdreg.scid  }
0x8b: {  	s0 =	sand.u32 $0x1, s1  }
0x8c: {  	s17 =	sshll.u32 s0, $0xA;
	s2 =	sadd.s32 s3, s2  }
0x8d: {  	s2 =	sadd.s32 s2, s17  }
0x8e: {  	[smem:$0x3FC4] =	sst s2  }
0x8f: {  	_ = 	snop  }
0x90: {  	s2 =	sld [smem:$0x3FC9]  }
0x91: {  	s18 =	sld [smem:$0x3FC8]  }
0x92: {  	s4 =	sld [smem:$0x3FD0];
	(tm) =	ssettm $0x1  }
0x93: {  	s5 =	sld [smem:$0x3FFB];
	_ =	sdelay $0x3  }
0x94: {  	_ =	strace s5  }
0x95: {  	s5 =	sld [smem:$0x3FFC];
	_ =	sdelay $0x3  }
0x96: {  	_ =	strace s5  }
0x97: {  	s5 =	sld [smem:$0x3FFD];
	_ =	sdelay $0x3  }
0x98: {  	_ =	strace s5  }
0x99: {  	_ =	strace $0x8FFFFFFF  }
0x9a: {  	s19 =	sld [smem:$0x3FDB];
	_ =	sdelay $0x1  }
0x9b: {  	s6 =	simm.s32 $_scs_section_size  }
0x9c: {  	s7 =	simm.s32 $_size__tile_overlayer_lowered;
	s8 =	simm.s32 $_tile_overlayer_lowered  }
0x9d: {  	s22 =	simm.s32 $0x1BFF;
	s21 =	sshll.u32 s8, $0x1;
	s5 =	sadd.s32 s6, s19  }
0x9e: {  	s9 =	simm.s32 $0x0;
	s20 =	sshll.u32 s7, $0x1;
	s7 =	sadd.s32 s21, s5  }
0x9f: {  	[timem:s9], [sflag:s22] =	dma.local [hbm:s7], s20  }
0xa0: {  	_ =	swait.ge [sflag:s22], s20  }
0xa1: {  	s6 =	ssub.s32 $0x0, s20;
	[sflag:s22] =	ssyncset.done $0x0  }
0xa2: {  	[sflag:s22] =	ssyncadd.s32 s6;
	_ =	sdelay $0x1  }
0xa3: {  	s23 =	simm.s32 $0x1B8B  }
0xa4: {  	_ =	swait.ge [sflag:s23], $0x1  }
0xa5: {  	[sflag:s23] =	ssyncset.done $0x0  }
0xa6: {  	s25 =	simm.s32 $0x1B8E;
	s24 =	sld [smem:$0x3FFE];
	[sflag:s23] =	ssyncadd.s32 $0xFFFFFFFF  }
0xa7: {  	s26 =	simm.s32 $execute0_lowered;
	[smem:$0x3FD2] =	sst s25  }
0xa8: {  	s7 =	sshll.u32 s26, $0x1;
	_ =	strace $0x80000046;
	[dreg:$0x1] =	wrdreg $0xFFFFFFFF  }
0xa9: {  	s28 =	simm.s32 $_size_execute0_lowered;
	s5 =	sadd.s32 s5, s7;
	[dreg:$0x0] =	wrdreg $0x0  }
0xaa: {  	s7 =	sshll.u32 s28, $0x1;
	[dreg:$0x2] =	wrdreg s5  }
0xab: {  	[dreg:$0x3] =	wrdreg s7  }
0xac: {  	[dreg:$0x4] =	wrdreg $0xC0  }
0xad: {  	_ =	task [dreg:s9], $0x5FFFF  }
0xae: {  	[dreg:$0x1] =	wrdreg $0xFFFFFFFF  }
0xaf: {  	[dreg:$0x0] =	wrdreg $0x60  }
0xb0: {  	[dreg:$0x2] =	wrdreg s2  }
0xb1: {  	[dreg:$0x3] =	wrdreg s18  }
0xb2: {  	[dreg:$0x4] =	wrdreg s24  }
0xb3: {  	[dreg:$0x5] =	wrdreg s4  }
0xb4: {  	[dreg:$0x6] =	wrdreg $0x9  }
0xb5: {  	_ =	task.clear_ibuf [dreg:s9], $0x7FFFF;
	_ =	strace $0x90000046  }
0xb6: {  	s29 =	simm.s32 $0x9;
	_ =	strace $0x80000048  }
0xb7: {  	_ =	swait.ge [sflag:s29], $0x1  }
0xb8: {  	[sflag:s29] =	ssyncadd.s32 $0xFFFFFFFF  }
0xb9: {  	_ =	strace $0x90000048  }
0xba: {  	_ =	sfence  }
0xbb: {  	s30 =	sld [smem:$0x0];
	_ =	sdelay $0x2  }
0xbc: {  	s31 =	sshll.u32 s1, $0xD;
	s1 =	sshrl.u32 s1, $0x2  }
0xbd: {  	s3 =	sand.u32 $0x4000, s31;
	s1 =	sadd.s32 s1, s30  }
0xbe: {  	s0 =	sor.u32 s3, s0;
	s1 =	sshll.u32 s1, $0x11  }
0xbf: {  	s0 =	sor.u32 s1, s0  }
0xc0: {  	s0 =	sadd.s32 $0x8F2B, s0  }
0xc1: {  	[sflag:s0] =	ssyncadd.remote.s32 $0x1  }
0xc2: {  	_ =	sfence.sel $0xFFFF  }
0xc3: {  	[dreg:$0x0] =	wrdreg $0xFFFFFFFF;
	(pc) =	sbr.abs _section_cstart, $3  }
0xc4: {  	[dreg:$0x1] =	wrdreg $0xFFFFFFFF  }
0xc5: {  	_ =	task.clear_ibuf [dreg:s9], $0x2FFFF;
	_ =	strace $0x9FFFFFFF  }
0xc6: {  	(tm) =	ssettm $0x7FFFFFFF  }
0xc7: {  	_ =	shalt  }
tec
execute0_lowered:
.L_overlay_start_1:
0x0: {  	(tag) =	ssettag $0x1  }
0x1: {  	s0 =	rddreg [dreg:$0x0]  }
0x2: {  	s2 =	rddreg [dreg:$0x1]  }
0x3: {  	s3 =	rddreg [dreg:$0x2]  }
0x4: {  	s4 =	rddreg [dreg:$0x3];
	s1 =	simm.s32 $0x0  }
0x5: {  	[smem:$0x7FF] =	sst s1;
	s5 =	sadd.s32 $0x152A00, s3  }
0x6: {  	s18 =	sadd.s32 $0x171400, s3;
	_ =	strace $0x80000047;
	[dreg:$0x5] =	wrdreg s5  }
0x7: {  	s19 =	sadd.s32 $0x18FE00, s3;
	[dreg:$0x6] =	wrdreg s18  }
0x8: {  	s26 =	srdreg.scid;
	s20 =	sadd.s32 $0x1AE800, s3;
	[dreg:$0x7] =	wrdreg s19  }
0x9: {  	s13 =	stileid.u32;
	s21 =	sadd.s32 $0x1CD200, s3;
	[dreg:$0x8] =	wrdreg s20  }
0xa: {  	s22 =	sadd.s32 $0x1C00, s3;
	s23 =	sadd.s32 $0x20600, s3;
	[dreg:$0x9] =	wrdreg s21  }
0xb: {  	s24 =	sadd.s32 $0x3F000, s3;
	s25 =	sadd.s32 $0x5DA00, s3;
	[dreg:$0xa] =	wrdreg s22  }
0xc: {  	s6 =	sadd.s32 $0x7C400, s3;
	s7 =	sadd.s32 $0x9AE00, s3;
	[dreg:$0xb] =	wrdreg s23  }
0xd: {  	s8 =	sadd.s32 $0xB9800, s3;
	s9 =	sadd.s32 $0xD8200, s3;
	[dreg:$0xc] =	wrdreg s24  }
0xe: {  	s11 =	sadd.s32 $0x115600, s3;
	s17 =	sadd.s32 $0x33CA00, s3;
	[dreg:$0xd] =	wrdreg s25  }
0xf: {  	s28 =	sadd.s32 $0x247A00, s3;
	s30 =	sadd.s32 $0x266400, s3;
	[dreg:$0xe] =	wrdreg s6  }
0x10: {  	s31 =	sadd.s32 $0x284E00, s3;
	s29 =	sadd.s32 $0x2C2200, s3;
	[dreg:$0xf] =	wrdreg s7  }
0x11: {  	s5 =	sand.u32 $0x1, s26;
	s7 =	sadd.s32 $0xF6C00, s3;
	s19 =	sadd.s32 $0x35B400, s3  }
0x12: {  	[dreg:$0x10] =	wrdreg s8;
	s20 =	sadd.s32 $0x379E00, s3;
	s21 =	sadd.s32 $0x398800, s3  }
0x13: {  	[dreg:$0x11] =	wrdreg s9;
	s22 =	sadd.s32 $0x3B7200, s3;
	s23 =	sadd.s32 $0x1EBC00, s3  }
0x14: {  	[dreg:$0x13] =	wrdreg s11;
	s24 =	sadd.s32 $0x20A600, s3;
	s25 =	sadd.s32 $0x134000, s3  }
0x15: {  	s26 =	sadd.s32 $0x229000, s3;
	s18 =	sadd.s32 $0x2A3800, s3;
	s8 =	simm.s32 $0x100  }
0x16: {  	s9 =	simm.s32 $0x300;
	s11 =	simm.s32 $0x380;
	s10 =	ssub.s32 $0x2, s5  }
0x17: {  	[dreg:$0x12] =	wrdreg s7;
	s5 =	sshll.u32 s5, $0x6;
	s7 =	sshll.u32 s13, $0x7  }
0x18: {  	s13 =	simm.s32 $0x0;
	s12 =	sshrl.u32 s10, $0x1;
	s5 =	sor.u32 s5, s7  }
0x19: {  	s7 =	simm.s32 $0x280;
	s6 =	ssub.s32 s10, s12;
	s0 =	sadd.s32 s0, s5  }
0x1a: {  	s14 =	sadd.s32 s2, s5;
	s15 =	sadd.s32 s4, s5;
	s2 =	sadd.s32 $0x2FF600, s3  }
0x1b: {  	s4 =	simm.s32 $0x2;
	s5 =	simm.s32 $0x200;
	[dreg:$0x14] =	wrdreg s0  }
0x1c: {  	s10 =	simm.s32 $0x180;
	s12 =	simm.s32 $0x1;
	[dreg:$0x15] =	wrdreg s14  }
0x1d: {  	[dreg:$0x16] =	wrdreg s15;
	s0 =	sadd.s32 $0x2E0C00, s3;
	s16 =	smax.u32 s6, $0x1  }
0x1e: {  	s3 =	sadd.s32 $0x31E000, s3;
	s6 =	simm.s32 $0x80;
	[dreg:$0x17] =	wrdreg s16  }
.LBB2_1:
0x1f: {  	s14 =	rddreg [dreg:$0x14]  }
0x20: {  	[tilespmem:s1], [sflag:$0x2] =	stream.linear.gather [hbm4b:s14+s1], $0x200, $0x38;
	[tilespmem:$0x4600] =	vst v63  }
0x21: {  	_ =	swait.ge [sflag:s4], $0x200  }
0x22: {  	[sflag:s4] =	ssyncset.done $0x0  }
0x23: {  	s15 =	rddreg [dreg:$0x15];
	[sflag:s4] =	ssyncadd.s32 $0xFFFFFE00  }
0x24: {  	[tilespmem:s5], [sflag:$0x2] =	stream.linear.gather [hbm4b:s15+s1], $0x200, $0x38;
	[tilespmem:$0x4600] =	vst v63  }
0x25: {  	_ =	swait.ge [sflag:s4], $0x200  }
0x26: {  	[sflag:s4] =	ssyncset.done $0x0  }
0x27: {  	s15 =	simm.s32 $0x400;
	s14 =	rddreg [dreg:$0x5];
	[sflag:s4] =	ssyncadd.s32 $0xFFFFFE00  }
0x28: {  	[tilespmem:s15], [sflag:$0x1] =	stream.indirect.gather [hbm4b:s14+s6], $0x1, s1, s6, $0xb8;
	[tilespmem:$0x4600] =	vst v63  }
0x29: {  	s16 =	simm.s32 $0x2400  }
0x2a: {  	[tilespmem:s16], [sflag:$0x1] =	stream.indirect.gather [hbm4b:s17+s6], $0x1, s5, s6, $0xb8;
	[tilespmem:$0x4600] =	vst v63  }
0x2b: {  	s16 =	simm.s32 $0x480  }
0x2c: {  	[tilespmem:s16], [sflag:$0x1] =	stream.indirect.gather [hbm4b:s14+s6], $0x1, s6, s6, $0xb8;
	[tilespmem:$0x4600] =	vst v63  }
0x2d: {  	s16 =	simm.s32 $0x2480  }
0x2e: {  	[tilespmem:s16], [sflag:$0x1] =	stream.indirect.gather [hbm4b:s17+s6], $0x1, s7, s6, $0xb8;
	[tilespmem:$0x4600] =	vst v63  }
0x2f: {  	s16 =	simm.s32 $0x500  }
0x30: {  	[tilespmem:s16], [sflag:$0x1] =	stream.indirect.gather [hbm4b:s14+s6], $0x1, s8, s6, $0xb8;
	[tilespmem:$0x4600] =	vst v63  }
0x31: {  	s16 =	simm.s32 $0x2500  }
0x32: {  	[tilespmem:s16], [sflag:$0x1] =	stream.indirect.gather [hbm4b:s17+s6], $0x1, s9, s6, $0xb8;
	[tilespmem:$0x4600] =	vst v63  }
0x33: {  	s16 =	simm.s32 $0x580  }
0x34: {  	[tilespmem:s16], [sflag:$0x1] =	stream.indirect.gather [hbm4b:s14+s6], $0x1, s10, s6, $0xb8;
	[tilespmem:$0x4600] =	vst v63  }
0x35: {  	s15 =	simm.s32 $0x2580  }
0x36: {  	[tilespmem:s15], [sflag:$0x1] =	stream.indirect.gather [hbm4b:s17+s6], $0x1, s11, s6, $0xb8;
	[tilespmem:$0x4600] =	vst v63  }
0x37: {  	s14 =	rddreg [dreg:$0x6];
	s16 =	simm.s32 $0x600  }
0x38: {  	[tilespmem:s16], [sflag:$0x1] =	stream.indirect.gather [hbm4b:s14+s6], $0x1, s1, s6, $0xb8;
	[tilespmem:$0x4600] =	vst v63  }
0x39: {  	s16 =	simm.s32 $0x2600  }
0x3a: {  	[tilespmem:s16], [sflag:$0x1] =	stream.indirect.gather [hbm4b:s19+s6], $0x1, s5, s6, $0xb8;
	[tilespmem:$0x4600] =	vst v63  }
0x3b: {  	s16 =	simm.s32 $0x680  }
0x3c: {  	[tilespmem:s16], [sflag:$0x1] =	stream.indirect.gather [hbm4b:s14+s6], $0x1, s6, s6, $0xb8;
	[tilespmem:$0x4600] =	vst v63  }
0x3d: {  	s16 =	simm.s32 $0x2680  }
0x3e: {  	[tilespmem:s16], [sflag:$0x1] =	stream.indirect.gather [hbm4b:s19+s6], $0x1, s7, s6, $0xb8;
	[tilespmem:$0x4600] =	vst v63  }
0x3f: {  	s16 =	simm.s32 $0x700  }
0x40: {  	[tilespmem:s16], [sflag:$0x1] =	stream.indirect.gather [hbm4b:s14+s6], $0x1, s8, s6, $0xb8;
	[tilespmem:$0x4600] =	vst v63  }
0x41: {  	s16 =	simm.s32 $0x2700  }
0x42: {  	[tilespmem:s16], [sflag:$0x1] =	stream.indirect.gather [hbm4b:s19+s6], $0x1, s9, s6, $0xb8;
	[tilespmem:$0x4600] =	vst v63  }
0x43: {  	s16 =	simm.s32 $0x780  }
0x44: {  	[tilespmem:s16], [sflag:$0x1] =	stream.indirect.gather [hbm4b:s14+s6], $0x1, s10, s6, $0xb8;
	[tilespmem:$0x4600] =	vst v63  }
0x45: {  	s15 =	simm.s32 $0x2780  }
0x46: {  	[tilespmem:s15], [sflag:$0x1] =	stream.indirect.gather [hbm4b:s19+s6], $0x1, s11, s6, $0xb8;
	[tilespmem:$0x4600] =	vst v63  }
0x47: {  	s14 =	rddreg [dreg:$0x7];
	s16 =	simm.s32 $0x800  }
0x48: {  	[tilespmem:s16], [sflag:$0x1] =	stream.indirect.gather [hbm4b:s14+s6], $0x1, s1, s6, $0xb8;
	[tilespmem:$0x4600] =	vst v63  }
0x49: {  	s16 =	simm.s32 $0x2800  }
0x4a: {  	[tilespmem:s16], [sflag:$0x1] =	stream.indirect.gather [hbm4b:s20+s6], $0x1, s5, s6, $0xb8;
	[tilespmem:$0x4600] =	vst v63  }
0x4b: {  	s16 =	simm.s32 $0x880  }
0x4c: {  	[tilespmem:s16], [sflag:$0x1] =	stream.indirect.gather [hbm4b:s14+s6], $0x1, s6, s6, $0xb8;
	[tilespmem:$0x4600] =	vst v63  }
0x4d: {  	s16 =	simm.s32 $0x2880  }
0x4e: {  	[tilespmem:s16], [sflag:$0x1] =	stream.indirect.gather [hbm4b:s20+s6], $0x1, s7, s6, $0xb8;
	[tilespmem:$0x4600] =	vst v63  }
0x4f: {  	s16 =	simm.s32 $0x900  }
0x50: {  	[tilespmem:s16], [sflag:$0x1] =	stream.indirect.gather [hbm4b:s14+s6], $0x1, s8, s6, $0xb8;
	[tilespmem:$0x4600] =	vst v63  }
0x51: {  	s16 =	simm.s32 $0x2900  }
0x52: {  	[tilespmem:s16], [sflag:$0x1] =	stream.indirect.gather [hbm4b:s20+s6], $0x1, s9, s6, $0xb8;
	[tilespmem:$0x4600] =	vst v63  }
0x53: {  	s16 =	simm.s32 $0x980  }
0x54: {  	[tilespmem:s16], [sflag:$0x1] =	stream.indirect.gather [hbm4b:s14+s6], $0x1, s10, s6, $0xb8;
	[tilespmem:$0x4600] =	vst v63  }
0x55: {  	s15 =	simm.s32 $0x2980  }
0x56: {  	[tilespmem:s15], [sflag:$0x1] =	stream.indirect.gather [hbm4b:s20+s6], $0x1, s11, s6, $0xb8;
	[tilespmem:$0x4600] =	vst v63  }
0x57: {  	s14 =	rddreg [dreg:$0x8];
	s16 =	simm.s32 $0xA00  }
0x58: {  	[tilespmem:s16], [sflag:$0x1] =	stream.indirect.gather [hbm4b:s14+s6], $0x1, s1, s6, $0xb8;
	[tilespmem:$0x4600] =	vst v63  }
0x59: {  	s16 =	simm.s32 $0x2A00  }
0x5a: {  	[tilespmem:s16], [sflag:$0x1] =	stream.indirect.gather [hbm4b:s21+s6], $0x1, s5, s6, $0xb8;
	[tilespmem:$0x4600] =	vst v63  }
0x5b: {  	s16 =	simm.s32 $0xA80  }
0x5c: {  	[tilespmem:s16], [sflag:$0x1] =	stream.indirect.gather [hbm4b:s14+s6], $0x1, s6, s6, $0xb8;
	[tilespmem:$0x4600] =	vst v63  }
0x5d: {  	s16 =	simm.s32 $0x2A80  }
0x5e: {  	[tilespmem:s16], [sflag:$0x1] =	stream.indirect.gather [hbm4b:s21+s6], $0x1, s7, s6, $0xb8;
	[tilespmem:$0x4600] =	vst v63  }
0x5f: {  	s16 =	simm.s32 $0xB00  }
0x60: {  	[tilespmem:s16], [sflag:$0x1] =	stream.indirect.gather [hbm4b:s14+s6], $0x1, s8, s6, $0xb8;
	[tilespmem:$0x4600] =	vst v63  }
0x61: {  	s16 =	simm.s32 $0x2B00  }
0x62: {  	[tilespmem:s16], [sflag:$0x1] =	stream.indirect.gather [hbm4b:s21+s6], $0x1, s9, s6, $0xb8;
	[tilespmem:$0x4600] =	vst v63  }
0x63: {  	s16 =	simm.s32 $0xB80  }
0x64: {  	[tilespmem:s16], [sflag:$0x1] =	stream.indirect.gather [hbm4b:s14+s6], $0x1, s10, s6, $0xb8;
	[tilespmem:$0x4600] =	vst v63  }
0x65: {  	s15 =	simm.s32 $0x2B80  }
0x66: {  	[tilespmem:s15], [sflag:$0x1] =	stream.indirect.gather [hbm4b:s21+s6], $0x1, s11, s6, $0xb8;
	[tilespmem:$0x4600] =	vst v63  }
0x67: {  	s14 =	rddreg [dreg:$0x9];
	s16 =	simm.s32 $0xC00  }
0x68: {  	[tilespmem:s16], [sflag:$0x1] =	stream.indirect.gather [hbm4b:s14+s6], $0x1, s1, s6, $0xb8;
	[tilespmem:$0x4600] =	vst v63  }
0x69: {  	s16 =	simm.s32 $0x2C00  }
0x6a: {  	[tilespmem:s16], [sflag:$0x1] =	stream.indirect.gather [hbm4b:s22+s6], $0x1, s5, s6, $0xb8;
	[tilespmem:$0x4600] =	vst v63  }
0x6b: {  	s16 =	simm.s32 $0xC80  }
0x6c: {  	[tilespmem:s16], [sflag:$0x1] =	stream.indirect.gather [hbm4b:s14+s6], $0x1, s6, s6, $0xb8;
	[tilespmem:$0x4600] =	vst v63  }
0x6d: {  	s16 =	simm.s32 $0x2C80  }
0x6e: {  	[tilespmem:s16], [sflag:$0x1] =	stream.indirect.gather [hbm4b:s22+s6], $0x1, s7, s6, $0xb8;
	[tilespmem:$0x4600] =	vst v63  }
0x6f: {  	s16 =	simm.s32 $0xD00  }
0x70: {  	[tilespmem:s16], [sflag:$0x1] =	stream.indirect.gather [hbm4b:s14+s6], $0x1, s8, s6, $0xb8;
	[tilespmem:$0x4600] =	vst v63  }
0x71: {  	s16 =	simm.s32 $0x2D00  }
0x72: {  	[tilespmem:s16], [sflag:$0x1] =	stream.indirect.gather [hbm4b:s22+s6], $0x1, s9, s6, $0xb8;
	[tilespmem:$0x4600] =	vst v63  }
0x73: {  	s16 =	simm.s32 $0xD80  }
0x74: {  	[tilespmem:s16], [sflag:$0x1] =	stream.indirect.gather [hbm4b:s14+s6], $0x1, s10, s6, $0xb8;
	[tilespmem:$0x4600] =	vst v63  }
0x75: {  	s15 =	simm.s32 $0x2D80  }
0x76: {  	[tilespmem:s15], [sflag:$0x1] =	stream.indirect.gather [hbm4b:s22+s6], $0x1, s11, s6, $0xb8;
	[tilespmem:$0x4600] =	vst v63  }
0x77: {  	s14 =	rddreg [dreg:$0xa];
	s16 =	simm.s32 $0xE00  }
0x78: {  	[tilespmem:s16], [sflag:$0x1] =	stream.indirect.gather [hbm4b:s14+s6], $0x1, s1, s6, $0xb8;
	[tilespmem:$0x4600] =	vst v63  }
0x79: {  	s16 =	simm.s32 $0x2E00  }
0x7a: {  	[tilespmem:s16], [sflag:$0x1] =	stream.indirect.gather [hbm4b:s23+s6], $0x1, s5, s6, $0xb8;
	[tilespmem:$0x4600] =	vst v63  }
0x7b: {  	s16 =	simm.s32 $0xE80  }
0x7c: {  	[tilespmem:s16], [sflag:$0x1] =	stream.indirect.gather [hbm4b:s14+s6], $0x1, s6, s6, $0xb8;
	[tilespmem:$0x4600] =	vst v63  }
0x7d: {  	s16 =	simm.s32 $0x2E80  }
0x7e: {  	[tilespmem:s16], [sflag:$0x1] =	stream.indirect.gather [hbm4b:s23+s6], $0x1, s7, s6, $0xb8;
	[tilespmem:$0x4600] =	vst v63  }
0x7f: {  	s16 =	simm.s32 $0xF00  }
0x80: {  	[tilespmem:s16], [sflag:$0x1] =	stream.indirect.gather [hbm4b:s14+s6], $0x1, s8, s6, $0xb8;
	[tilespmem:$0x4600] =	vst v63  }
0x81: {  	s16 =	simm.s32 $0x2F00  }
0x82: {  	[tilespmem:s16], [sflag:$0x1] =	stream.indirect.gather [hbm4b:s23+s6], $0x1, s9, s6, $0xb8;
	[tilespmem:$0x4600] =	vst v63  }
0x83: {  	s16 =	simm.s32 $0xF80  }
0x84: {  	[tilespmem:s16], [sflag:$0x1] =	stream.indirect.gather [hbm4b:s14+s6], $0x1, s10, s6, $0xb8;
	[tilespmem:$0x4600] =	vst v63  }
0x85: {  	s15 =	simm.s32 $0x2F80  }
0x86: {  	[tilespmem:s15], [sflag:$0x1] =	stream.indirect.gather [hbm4b:s23+s6], $0x1, s11, s6, $0xb8;
	[tilespmem:$0x4600] =	vst v63  }
0x87: {  	s14 =	rddreg [dreg:$0xb];
	s16 =	simm.s32 $0x1000  }
0x88: {  	[tilespmem:s16], [sflag:$0x1] =	stream.indirect.gather [hbm4b:s14+s6], $0x1, s1, s6, $0xb8;
	[tilespmem:$0x4600] =	vst v63  }
0x89: {  	s16 =	simm.s32 $0x3000  }
0x8a: {  	[tilespmem:s16], [sflag:$0x1] =	stream.indirect.gather [hbm4b:s24+s6], $0x1, s5, s6, $0xb8;
	[tilespmem:$0x4600] =	vst v63  }
0x8b: {  	s16 =	simm.s32 $0x1080  }
0x8c: {  	[tilespmem:s16], [sflag:$0x1] =	stream.indirect.gather [hbm4b:s14+s6], $0x1, s6, s6, $0xb8;
	[tilespmem:$0x4600] =	vst v63  }
0x8d: {  	s16 =	simm.s32 $0x3080  }
0x8e: {  	[tilespmem:s16], [sflag:$0x1] =	stream.indirect.gather [hbm4b:s24+s6], $0x1, s7, s6, $0xb8;
	[tilespmem:$0x4600] =	vst v63  }
0x8f: {  	s16 =	simm.s32 $0x1100  }
0x90: {  	[tilespmem:s16], [sflag:$0x1] =	stream.indirect.gather [hbm4b:s14+s6], $0x1, s8, s6, $0xb8;
	[tilespmem:$0x4600] =	vst v63  }
0x91: {  	s16 =	simm.s32 $0x3100  }
0x92: {  	[tilespmem:s16], [sflag:$0x1] =	stream.indirect.gather [hbm4b:s24+s6], $0x1, s9, s6, $0xb8;
	[tilespmem:$0x4600] =	vst v63  }
0x93: {  	s16 =	simm.s32 $0x1180  }
0x94: {  	[tilespmem:s16], [sflag:$0x1] =	stream.indirect.gather [hbm4b:s14+s6], $0x1, s10, s6, $0xb8;
	[tilespmem:$0x4600] =	vst v63  }
0x95: {  	s15 =	simm.s32 $0x3180  }
0x96: {  	[tilespmem:s15], [sflag:$0x1] =	stream.indirect.gather [hbm4b:s24+s6], $0x1, s11, s6, $0xb8;
	[tilespmem:$0x4600] =	vst v63  }
0x97: {  	s14 =	rddreg [dreg:$0xc];
	s16 =	simm.s32 $0x1200  }
0x98: {  	[tilespmem:s16], [sflag:$0x1] =	stream.indirect.gather [hbm4b:s14+s6], $0x1, s1, s6, $0xb8;
	[tilespmem:$0x4600] =	vst v63  }
0x99: {  	s16 =	simm.s32 $0x3200  }
0x9a: {  	[tilespmem:s16], [sflag:$0x1] =	stream.indirect.gather [hbm4b:s26+s6], $0x1, s5, s6, $0xb8;
	[tilespmem:$0x4600] =	vst v63  }
0x9b: {  	s16 =	simm.s32 $0x1280  }
0x9c: {  	[tilespmem:s16], [sflag:$0x1] =	stream.indirect.gather [hbm4b:s14+s6], $0x1, s6, s6, $0xb8;
	[tilespmem:$0x4600] =	vst v63  }
0x9d: {  	s16 =	simm.s32 $0x3280  }
0x9e: {  	[tilespmem:s16], [sflag:$0x1] =	stream.indirect.gather [hbm4b:s26+s6], $0x1, s7, s6, $0xb8;
	[tilespmem:$0x4600] =	vst v63  }
0x9f: {  	s16 =	simm.s32 $0x1300  }
0xa0: {  	[tilespmem:s16], [sflag:$0x1] =	stream.indirect.gather [hbm4b:s14+s6], $0x1, s8, s6, $0xb8;
	[tilespmem:$0x4600] =	vst v63  }
0xa1: {  	s16 =	simm.s32 $0x3300  }
0xa2: {  	[tilespmem:s16], [sflag:$0x1] =	stream.indirect.gather [hbm4b:s26+s6], $0x1, s9, s6, $0xb8;
	[tilespmem:$0x4600] =	vst v63  }
0xa3: {  	s16 =	simm.s32 $0x1380  }
0xa4: {  	[tilespmem:s16], [sflag:$0x1] =	stream.indirect.gather [hbm4b:s14+s6], $0x1, s10, s6, $0xb8;
	[tilespmem:$0x4600] =	vst v63  }
0xa5: {  	s15 =	simm.s32 $0x3380  }
0xa6: {  	[tilespmem:s15], [sflag:$0x1] =	stream.indirect.gather [hbm4b:s26+s6], $0x1, s11, s6, $0xb8;
	[tilespmem:$0x4600] =	vst v63  }
0xa7: {  	s14 =	rddreg [dreg:$0xd];
	s16 =	simm.s32 $0x1400  }
0xa8: {  	[tilespmem:s16], [sflag:$0x1] =	stream.indirect.gather [hbm4b:s14+s6], $0x1, s1, s6, $0xb8;
	[tilespmem:$0x4600] =	vst v63  }
0xa9: {  	s16 =	simm.s32 $0x3400  }
0xaa: {  	[tilespmem:s16], [sflag:$0x1] =	stream.indirect.gather [hbm4b:s28+s6], $0x1, s5, s6, $0xb8;
	[tilespmem:$0x4600] =	vst v63  }
0xab: {  	s16 =	simm.s32 $0x1480  }
0xac: {  	[tilespmem:s16], [sflag:$0x1] =	stream.indirect.gather [hbm4b:s14+s6], $0x1, s6, s6, $0xb8;
	[tilespmem:$0x4600] =	vst v63  }
0xad: {  	s16 =	simm.s32 $0x3480  }
0xae: {  	[tilespmem:s16], [sflag:$0x1] =	stream.indirect.gather [hbm4b:s28+s6], $0x1, s7, s6, $0xb8;
	[tilespmem:$0x4600] =	vst v63  }
0xaf: {  	s16 =	simm.s32 $0x1500  }
0xb0: {  	[tilespmem:s16], [sflag:$0x1] =	stream.indirect.gather [hbm4b:s14+s6], $0x1, s8, s6, $0xb8;
	[tilespmem:$0x4600] =	vst v63  }
0xb1: {  	s16 =	simm.s32 $0x3500  }
0xb2: {  	[tilespmem:s16], [sflag:$0x1] =	stream.indirect.gather [hbm4b:s28+s6], $0x1, s9, s6, $0xb8;
	[tilespmem:$0x4600] =	vst v63  }
0xb3: {  	s16 =	simm.s32 $0x1580  }
0xb4: {  	[tilespmem:s16], [sflag:$0x1] =	stream.indirect.gather [hbm4b:s14+s6], $0x1, s10, s6, $0xb8;
	[tilespmem:$0x4600] =	vst v63  }
0xb5: {  	s15 =	simm.s32 $0x3580  }
0xb6: {  	[tilespmem:s15], [sflag:$0x1] =	stream.indirect.gather [hbm4b:s28+s6], $0x1, s11, s6, $0xb8;
	[tilespmem:$0x4600] =	vst v63  }
0xb7: {  	s14 =	rddreg [dreg:$0xe];
	s16 =	simm.s32 $0x1600  }
0xb8: {  	[tilespmem:s16], [sflag:$0x1] =	stream.indirect.gather [hbm4b:s14+s6], $0x1, s1, s6, $0xb8;
	[tilespmem:$0x4600] =	vst v63  }
0xb9: {  	s16 =	simm.s32 $0x3600  }
0xba: {  	[tilespmem:s16], [sflag:$0x1] =	stream.indirect.gather [hbm4b:s30+s6], $0x1, s5, s6, $0xb8;
	[tilespmem:$0x4600] =	vst v63  }
0xbb: {  	s16 =	simm.s32 $0x1680  }
0xbc: {  	[tilespmem:s16], [sflag:$0x1] =	stream.indirect.gather [hbm4b:s14+s6], $0x1, s6, s6, $0xb8;
	[tilespmem:$0x4600] =	vst v63  }
0xbd: {  	s16 =	simm.s32 $0x3680  }
0xbe: {  	[tilespmem:s16], [sflag:$0x1] =	stream.indirect.gather [hbm4b:s30+s6], $0x1, s7, s6, $0xb8;
	[tilespmem:$0x4600] =	vst v63  }
0xbf: {  	s16 =	simm.s32 $0x1700  }
0xc0: {  	[tilespmem:s16], [sflag:$0x1] =	stream.indirect.gather [hbm4b:s14+s6], $0x1, s8, s6, $0xb8;
	[tilespmem:$0x4600] =	vst v63  }
0xc1: {  	s16 =	simm.s32 $0x3700  }
0xc2: {  	[tilespmem:s16], [sflag:$0x1] =	stream.indirect.gather [hbm4b:s30+s6], $0x1, s9, s6, $0xb8;
	[tilespmem:$0x4600] =	vst v63  }
0xc3: {  	s16 =	simm.s32 $0x1780  }
0xc4: {  	[tilespmem:s16], [sflag:$0x1] =	stream.indirect.gather [hbm4b:s14+s6], $0x1, s10, s6, $0xb8;
	[tilespmem:$0x4600] =	vst v63  }
0xc5: {  	s15 =	simm.s32 $0x3780  }
0xc6: {  	[tilespmem:s15], [sflag:$0x1] =	stream.indirect.gather [hbm4b:s30+s6], $0x1, s11, s6, $0xb8;
	[tilespmem:$0x4600] =	vst v63  }
0xc7: {  	s14 =	rddreg [dreg:$0xf];
	s16 =	simm.s32 $0x1800  }
0xc8: {  	[tilespmem:s16], [sflag:$0x1] =	stream.indirect.gather [hbm4b:s14+s6], $0x1, s1, s6, $0xb8;
	[tilespmem:$0x4600] =	vst v63  }
0xc9: {  	s16 =	simm.s32 $0x3800  }
0xca: {  	[tilespmem:s16], [sflag:$0x1] =	stream.indirect.gather [hbm4b:s31+s6], $0x1, s5, s6, $0xb8;
	[tilespmem:$0x4600] =	vst v63  }
0xcb: {  	s16 =	simm.s32 $0x1880  }
0xcc: {  	[tilespmem:s16], [sflag:$0x1] =	stream.indirect.gather [hbm4b:s14+s6], $0x1, s6, s6, $0xb8;
	[tilespmem:$0x4600] =	vst v63  }
0xcd: {  	s16 =	simm.s32 $0x3880  }
0xce: {  	[tilespmem:s16], [sflag:$0x1] =	stream.indirect.gather [hbm4b:s31+s6], $0x1, s7, s6, $0xb8;
	[tilespmem:$0x4600] =	vst v63  }
0xcf: {  	s16 =	simm.s32 $0x1900  }
0xd0: {  	[tilespmem:s16], [sflag:$0x1] =	stream.indirect.gather [hbm4b:s14+s6], $0x1, s8, s6, $0xb8;
	[tilespmem:$0x4600] =	vst v63  }
0xd1: {  	s16 =	simm.s32 $0x3900  }
0xd2: {  	[tilespmem:s16], [sflag:$0x1] =	stream.indirect.gather [hbm4b:s31+s6], $0x1, s9, s6, $0xb8;
	[tilespmem:$0x4600] =	vst v63  }
0xd3: {  	s16 =	simm.s32 $0x1980  }
0xd4: {  	[tilespmem:s16], [sflag:$0x1] =	stream.indirect.gather [hbm4b:s14+s6], $0x1, s10, s6, $0xb8;
	[tilespmem:$0x4600] =	vst v63  }
0xd5: {  	s15 =	simm.s32 $0x3980  }
0xd6: {  	[tilespmem:s15], [sflag:$0x1] =	stream.indirect.gather [hbm4b:s31+s6], $0x1, s11, s6, $0xb8;
	[tilespmem:$0x4600] =	vst v63  }
0xd7: {  	s14 =	rddreg [dreg:$0x10];
	s16 =	simm.s32 $0x1A00  }
0xd8: {  	[tilespmem:s16], [sflag:$0x1] =	stream.indirect.gather [hbm4b:s14+s6], $0x1, s1, s6, $0xb8;
	[tilespmem:$0x4600] =	vst v63  }
0xd9: {  	s16 =	simm.s32 $0x3A00  }
0xda: {  	[tilespmem:s16], [sflag:$0x1] =	stream.indirect.gather [hbm4b:s18+s6], $0x1, s5, s6, $0xb8;
	[tilespmem:$0x4600] =	vst v63  }
0xdb: {  	s16 =	simm.s32 $0x1A80  }
0xdc: {  	[tilespmem:s16], [sflag:$0x1] =	stream.indirect.gather [hbm4b:s14+s6], $0x1, s6, s6, $0xb8;
	[tilespmem:$0x4600] =	vst v63  }
0xdd: {  	s16 =	simm.s32 $0x3A80  }
0xde: {  	[tilespmem:s16], [sflag:$0x1] =	stream.indirect.gather [hbm4b:s18+s6], $0x1, s7, s6, $0xb8;
	[tilespmem:$0x4600] =	vst v63  }
0xdf: {  	s16 =	simm.s32 $0x1B00  }
0xe0: {  	[tilespmem:s16], [sflag:$0x1] =	stream.indirect.gather [hbm4b:s14+s6], $0x1, s8, s6, $0xb8;
	[tilespmem:$0x4600] =	vst v63  }
0xe1: {  	s16 =	simm.s32 $0x3B00  }
0xe2: {  	[tilespmem:s16], [sflag:$0x1] =	stream.indirect.gather [hbm4b:s18+s6], $0x1, s9, s6, $0xb8;
	[tilespmem:$0x4600] =	vst v63  }
0xe3: {  	s16 =	simm.s32 $0x1B80  }
0xe4: {  	[tilespmem:s16], [sflag:$0x1] =	stream.indirect.gather [hbm4b:s14+s6], $0x1, s10, s6, $0xb8;
	[tilespmem:$0x4600] =	vst v63  }
0xe5: {  	s15 =	simm.s32 $0x3B80  }
0xe6: {  	[tilespmem:s15], [sflag:$0x1] =	stream.indirect.gather [hbm4b:s18+s6], $0x1, s11, s6, $0xb8;
	[tilespmem:$0x4600] =	vst v63  }
0xe7: {  	s14 =	rddreg [dreg:$0x11];
	s16 =	simm.s32 $0x1C00  }
0xe8: {  	[tilespmem:s16], [sflag:$0x1] =	stream.indirect.gather [hbm4b:s14+s6], $0x1, s1, s6, $0xb8;
	[tilespmem:$0x4600] =	vst v63  }
0xe9: {  	s16 =	simm.s32 $0x3C00  }
0xea: {  	[tilespmem:s16], [sflag:$0x1] =	stream.indirect.gather [hbm4b:s29+s6], $0x1, s5, s6, $0xb8;
	[tilespmem:$0x4600] =	vst v63  }
0xeb: {  	s16 =	simm.s32 $0x1C80  }
0xec: {  	[tilespmem:s16], [sflag:$0x1] =	stream.indirect.gather [hbm4b:s14+s6], $0x1, s6, s6, $0xb8;
	[tilespmem:$0x4600] =	vst v63  }
0xed: {  	s16 =	simm.s32 $0x3C80  }
0xee: {  	[tilespmem:s16], [sflag:$0x1] =	stream.indirect.gather [hbm4b:s29+s6], $0x1, s7, s6, $0xb8;
	[tilespmem:$0x4600] =	vst v63  }
0xef: {  	s16 =	simm.s32 $0x1D00  }
0xf0: {  	[tilespmem:s16], [sflag:$0x1] =	stream.indirect.gather [hbm4b:s14+s6], $0x1, s8, s6, $0xb8;
	[tilespmem:$0x4600] =	vst v63  }
0xf1: {  	s16 =	simm.s32 $0x3D00  }
0xf2: {  	[tilespmem:s16], [sflag:$0x1] =	stream.indirect.gather [hbm4b:s29+s6], $0x1, s9, s6, $0xb8;
	[tilespmem:$0x4600] =	vst v63  }
0xf3: {  	s16 =	simm.s32 $0x1D80  }
0xf4: {  	[tilespmem:s16], [sflag:$0x1] =	stream.indirect.gather [hbm4b:s14+s6], $0x1, s10, s6, $0xb8;
	[tilespmem:$0x4600] =	vst v63  }
0xf5: {  	s15 =	simm.s32 $0x3D80  }
0xf6: {  	[tilespmem:s15], [sflag:$0x1] =	stream.indirect.gather [hbm4b:s29+s6], $0x1, s11, s6, $0xb8;
	[tilespmem:$0x4600] =	vst v63  }
0xf7: {  	s14 =	rddreg [dreg:$0x12];
	s16 =	simm.s32 $0x1E00  }
0xf8: {  	[tilespmem:s16], [sflag:$0x1] =	stream.indirect.gather [hbm4b:s14+s6], $0x1, s1, s6, $0xb8;
	[tilespmem:$0x4600] =	vst v63  }
0xf9: {  	s16 =	simm.s32 $0x3E00  }
0xfa: {  	[tilespmem:s16], [sflag:$0x1] =	stream.indirect.gather [hbm4b:s0+s6], $0x1, s5, s6, $0xb8;
	[tilespmem:$0x4600] =	vst v63  }
0xfb: {  	s16 =	simm.s32 $0x1E80  }
0xfc: {  	[tilespmem:s16], [sflag:$0x1] =	stream.indirect.gather [hbm4b:s14+s6], $0x1, s6, s6, $0xb8;
	[tilespmem:$0x4600] =	vst v63  }
0xfd: {  	s16 =	simm.s32 $0x3E80  }
0xfe: {  	[tilespmem:s16], [sflag:$0x1] =	stream.indirect.gather [hbm4b:s0+s6], $0x1, s7, s6, $0xb8;
	[tilespmem:$0x4600] =	vst v63  }
0xff: {  	s16 =	simm.s32 $0x1F00  }
0x100: {  	[tilespmem:s16], [sflag:$0x1] =	stream.indirect.gather [hbm4b:s14+s6], $0x1, s8, s6, $0xb8;
	[tilespmem:$0x4600] =	vst v63  }
0x101: {  	s16 =	simm.s32 $0x3F00  }
0x102: {  	[tilespmem:s16], [sflag:$0x1] =	stream.indirect.gather [hbm4b:s0+s6], $0x1, s9, s6, $0xb8;
	[tilespmem:$0x4600] =	vst v63  }
0x103: {  	s16 =	simm.s32 $0x1F80  }
0x104: {  	[tilespmem:s16], [sflag:$0x1] =	stream.indirect.gather [hbm4b:s14+s6], $0x1, s10, s6, $0xb8;
	[tilespmem:$0x4600] =	vst v63  }
0x105: {  	s15 =	simm.s32 $0x3F80  }
0x106: {  	[tilespmem:s15], [sflag:$0x1] =	stream.indirect.gather [hbm4b:s0+s6], $0x1, s11, s6, $0xb8;
	[tilespmem:$0x4600] =	vst v63  }
0x107: {  	s14 =	rddreg [dreg:$0x13];
	s16 =	simm.s32 $0x2000  }
0x108: {  	[tilespmem:s16], [sflag:$0x1] =	stream.indirect.gather [hbm4b:s14+s6], $0x1, s1, s6, $0xb8;
	[tilespmem:$0x4600] =	vst v63  }
0x109: {  	s16 =	simm.s32 $0x4000  }
0x10a: {  	[tilespmem:s16], [sflag:$0x1] =	stream.indirect.gather [hbm4b:s2+s6], $0x1, s5, s6, $0xb8;
	[tilespmem:$0x4600] =	vst v63  }
0x10b: {  	s16 =	simm.s32 $0x2080  }
0x10c: {  	[tilespmem:s16], [sflag:$0x1] =	stream.indirect.gather [hbm4b:s14+s6], $0x1, s6, s6, $0xb8;
	[tilespmem:$0x4600] =	vst v63  }
0x10d: {  	s16 =	simm.s32 $0x4080  }
0x10e: {  	[tilespmem:s16], [sflag:$0x1] =	stream.indirect.gather [hbm4b:s2+s6], $0x1, s7, s6, $0xb8;
	[tilespmem:$0x4600] =	vst v63  }
0x10f: {  	s16 =	simm.s32 $0x2100  }
0x110: {  	[tilespmem:s16], [sflag:$0x1] =	stream.indirect.gather [hbm4b:s14+s6], $0x1, s8, s6, $0xb8;
	[tilespmem:$0x4600] =	vst v63  }
0x111: {  	s16 =	simm.s32 $0x4100  }
0x112: {  	[tilespmem:s16], [sflag:$0x1] =	stream.indirect.gather [hbm4b:s2+s6], $0x1, s9, s6, $0xb8;
	[tilespmem:$0x4600] =	vst v63  }
0x113: {  	s16 =	simm.s32 $0x2180  }
0x114: {  	[tilespmem:s16], [sflag:$0x1] =	stream.indirect.gather [hbm4b:s14+s6], $0x1, s10, s6, $0xb8;
	[tilespmem:$0x4600] =	vst v63  }
0x115: {  	s16 =	simm.s32 $0x4180  }
0x116: {  	[tilespmem:s16], [sflag:$0x1] =	stream.indirect.gather [hbm4b:s2+s6], $0x1, s11, s6, $0xb8;
	[tilespmem:$0x4600] =	vst v63  }
0x117: {  	s15 =	simm.s32 $0x2200  }
0x118: {  	[tilespmem:s15], [sflag:$0x1] =	stream.indirect.gather [hbm4b:s25+s6], $0x1, s1, s6, $0xb8;
	[tilespmem:$0x4600] =	vst v63  }
0x119: {  	s16 =	simm.s32 $0x4200  }
0x11a: {  	[tilespmem:s16], [sflag:$0x1] =	stream.indirect.gather [hbm4b:s3+s6], $0x1, s5, s6, $0xb8;
	[tilespmem:$0x4600] =	vst v63  }
0x11b: {  	s15 =	simm.s32 $0x2280  }
0x11c: {  	[tilespmem:s15], [sflag:$0x1] =	stream.indirect.gather [hbm4b:s25+s6], $0x1, s6, s6, $0xb8;
	[tilespmem:$0x4600] =	vst v63  }
0x11d: {  	s16 =	simm.s32 $0x4280  }
0x11e: {  	[tilespmem:s16], [sflag:$0x1] =	stream.indirect.gather [hbm4b:s3+s6], $0x1, s7, s6, $0xb8;
	[tilespmem:$0x4600] =	vst v63  }
0x11f: {  	s15 =	simm.s32 $0x2300  }
0x120: {  	[tilespmem:s15], [sflag:$0x1] =	stream.indirect.gather [hbm4b:s25+s6], $0x1, s8, s6, $0xb8;
	[tilespmem:$0x4600] =	vst v63  }
0x121: {  	s16 =	simm.s32 $0x4300  }
0x122: {  	[tilespmem:s16], [sflag:$0x1] =	stream.indirect.gather [hbm4b:s3+s6], $0x1, s9, s6, $0xb8;
	[tilespmem:$0x4600] =	vst v63  }
0x123: {  	s15 =	simm.s32 $0x2380  }
0x124: {  	[tilespmem:s15], [sflag:$0x1] =	stream.indirect.gather [hbm4b:s25+s6], $0x1, s10, s6, $0xb8;
	[tilespmem:$0x4600] =	vst v63  }
0x125: {  	s16 =	simm.s32 $0x4380  }
0x126: {  	[tilespmem:s16], [sflag:$0x1] =	stream.indirect.gather [hbm4b:s3+s6], $0x1, s11, s6, $0xb8;
	[tilespmem:$0x4600] =	vst v63  }
0x127: {  	_ =	swait.ge [sflag:s12], $0x80  }
0x128: {  	[sflag:s12] =	ssyncset.done $0x0  }
0x129: {  	[sflag:s12] =	ssyncadd.s32 $0xFFFFFF80  }
0x12a: {  	_ =	swait.ge [sflag:s12], $0x80  }
0x12b: {  	[sflag:s12] =	ssyncset.done $0x0  }
0x12c: {  	[sflag:s12] =	ssyncadd.s32 $0xFFFFFF80  }
0x12d: {  	_ =	swait.ge [sflag:s12], $0x80  }
0x12e: {  	[sflag:s12] =	ssyncset.done $0x0  }
0x12f: {  	[sflag:s12] =	ssyncadd.s32 $0xFFFFFF80  }
0x130: {  	_ =	swait.ge [sflag:s12], $0x80  }
0x131: {  	[sflag:s12] =	ssyncset.done $0x0  }
0x132: {  	[sflag:s12] =	ssyncadd.s32 $0xFFFFFF80  }
0x133: {  	_ =	swait.ge [sflag:s12], $0x80  }
0x134: {  	[sflag:s12] =	ssyncset.done $0x0  }
0x135: {  	[sflag:s12] =	ssyncadd.s32 $0xFFFFFF80  }
0x136: {  	_ =	swait.ge [sflag:s12], $0x80  }
0x137: {  	[sflag:s12] =	ssyncset.done $0x0  }
0x138: {  	[sflag:s12] =	ssyncadd.s32 $0xFFFFFF80  }
0x139: {  	_ =	swait.ge [sflag:s12], $0x80  }
0x13a: {  	[sflag:s12] =	ssyncset.done $0x0  }
0x13b: {  	[sflag:s12] =	ssyncadd.s32 $0xFFFFFF80  }
0x13c: {  	_ =	swait.ge [sflag:s12], $0x80  }
0x13d: {  	[sflag:s12] =	ssyncset.done $0x0  }
0x13e: {  	[sflag:s12] =	ssyncadd.s32 $0xFFFFFF80  }
0x13f: {  	_ =	swait.ge [sflag:s12], $0x80  }
0x140: {  	[sflag:s12] =	ssyncset.done $0x0  }
0x141: {  	[sflag:s12] =	ssyncadd.s32 $0xFFFFFF80  }
0x142: {  	_ =	swait.ge [sflag:s12], $0x80  }
0x143: {  	[sflag:s12] =	ssyncset.done $0x0  }
0x144: {  	[sflag:s12] =	ssyncadd.s32 $0xFFFFFF80  }
0x145: {  	_ =	swait.ge [sflag:s12], $0x80  }
0x146: {  	[sflag:s12] =	ssyncset.done $0x0  }
0x147: {  	[sflag:s12] =	ssyncadd.s32 $0xFFFFFF80  }
0x148: {  	_ =	swait.ge [sflag:s12], $0x80  }
0x149: {  	[sflag:s12] =	ssyncset.done $0x0  }
0x14a: {  	[sflag:s12] =	ssyncadd.s32 $0xFFFFFF80  }
0x14b: {  	_ =	swait.ge [sflag:s12], $0x80  }
0x14c: {  	[sflag:s12] =	ssyncset.done $0x0  }
0x14d: {  	[sflag:s12] =	ssyncadd.s32 $0xFFFFFF80  }
0x14e: {  	_ =	swait.ge [sflag:s12], $0x80  }
0x14f: {  	[sflag:s12] =	ssyncset.done $0x0  }
0x150: {  	[sflag:s12] =	ssyncadd.s32 $0xFFFFFF80  }
0x151: {  	_ =	swait.ge [sflag:s12], $0x80  }
0x152: {  	[sflag:s12] =	ssyncset.done $0x0  }
0x153: {  	[sflag:s12] =	ssyncadd.s32 $0xFFFFFF80  }
0x154: {  	_ =	swait.ge [sflag:s12], $0x80  }
0x155: {  	[sflag:s12] =	ssyncset.done $0x0  }
0x156: {  	[sflag:s12] =	ssyncadd.s32 $0xFFFFFF80  }
0x157: {  	_ =	swait.ge [sflag:s12], $0x80  }
0x158: {  	[sflag:s12] =	ssyncset.done $0x0  }
0x159: {  	[sflag:s12] =	ssyncadd.s32 $0xFFFFFF80  }
0x15a: {  	_ =	swait.ge [sflag:s12], $0x80  }
0x15b: {  	[sflag:s12] =	ssyncset.done $0x0  }
0x15c: {  	[sflag:s12] =	ssyncadd.s32 $0xFFFFFF80  }
0x15d: {  	_ =	swait.ge [sflag:s12], $0x80  }
0x15e: {  	[sflag:s12] =	ssyncset.done $0x0  }
0x15f: {  	[sflag:s12] =	ssyncadd.s32 $0xFFFFFF80  }
0x160: {  	_ =	swait.ge [sflag:s12], $0x80  }
0x161: {  	[sflag:s12] =	ssyncset.done $0x0  }
0x162: {  	[sflag:s12] =	ssyncadd.s32 $0xFFFFFF80  }
0x163: {  	_ =	swait.ge [sflag:s12], $0x80  }
0x164: {  	[sflag:s12] =	ssyncset.done $0x0  }
0x165: {  	[sflag:s12] =	ssyncadd.s32 $0xFFFFFF80  }
0x166: {  	_ =	swait.ge [sflag:s12], $0x80  }
0x167: {  	[sflag:s12] =	ssyncset.done $0x0  }
0x168: {  	[sflag:s12] =	ssyncadd.s32 $0xFFFFFF80  }
0x169: {  	_ =	swait.ge [sflag:s12], $0x80  }
0x16a: {  	[sflag:s12] =	ssyncset.done $0x0  }
0x16b: {  	[sflag:s12] =	ssyncadd.s32 $0xFFFFFF80  }
0x16c: {  	_ =	swait.ge [sflag:s12], $0x80  }
0x16d: {  	[sflag:s12] =	ssyncset.done $0x0  }
0x16e: {  	[sflag:s12] =	ssyncadd.s32 $0xFFFFFF80  }
0x16f: {  	_ =	swait.ge [sflag:s12], $0x80  }
0x170: {  	[sflag:s12] =	ssyncset.done $0x0  }
0x171: {  	[sflag:s12] =	ssyncadd.s32 $0xFFFFFF80  }
0x172: {  	_ =	swait.ge [sflag:s12], $0x80  }
0x173: {  	[sflag:s12] =	ssyncset.done $0x0  }
0x174: {  	[sflag:s12] =	ssyncadd.s32 $0xFFFFFF80  }
0x175: {  	_ =	swait.ge [sflag:s12], $0x80  }
0x176: {  	[sflag:s12] =	ssyncset.done $0x0  }
0x177: {  	[sflag:s12] =	ssyncadd.s32 $0xFFFFFF80  }
0x178: {  	_ =	swait.ge [sflag:s12], $0x80  }
0x179: {  	[sflag:s12] =	ssyncset.done $0x0  }
0x17a: {  	[sflag:s12] =	ssyncadd.s32 $0xFFFFFF80  }
0x17b: {  	_ =	swait.ge [sflag:s12], $0x80  }
0x17c: {  	[sflag:s12] =	ssyncset.done $0x0  }
0x17d: {  	[sflag:s12] =	ssyncadd.s32 $0xFFFFFF80  }
0x17e: {  	_ =	swait.ge [sflag:s12], $0x80  }
0x17f: {  	[sflag:s12] =	ssyncset.done $0x0  }
0x180: {  	[sflag:s12] =	ssyncadd.s32 $0xFFFFFF80  }
0x181: {  	_ =	swait.ge [sflag:s12], $0x80  }
0x182: {  	[sflag:s12] =	ssyncset.done $0x0  }
0x183: {  	[sflag:s12] =	ssyncadd.s32 $0xFFFFFF80  }
0x184: {  	_ =	swait.ge [sflag:s12], $0x80  }
0x185: {  	[sflag:s12] =	ssyncset.done $0x0  }
0x186: {  	[sflag:s12] =	ssyncadd.s32 $0xFFFFFF80  }
0x187: {  	_ =	swait.ge [sflag:s12], $0x80  }
0x188: {  	[sflag:s12] =	ssyncset.done $0x0  }
0x189: {  	[sflag:s12] =	ssyncadd.s32 $0xFFFFFF80  }
0x18a: {  	_ =	swait.ge [sflag:s12], $0x80  }
0x18b: {  	[sflag:s12] =	ssyncset.done $0x0  }
0x18c: {  	[sflag:s12] =	ssyncadd.s32 $0xFFFFFF80  }
0x18d: {  	_ =	swait.ge [sflag:s12], $0x80  }
0x18e: {  	[sflag:s12] =	ssyncset.done $0x0  }
0x18f: {  	[sflag:s12] =	ssyncadd.s32 $0xFFFFFF80  }
0x190: {  	_ =	swait.ge [sflag:s12], $0x80  }
0x191: {  	[sflag:s12] =	ssyncset.done $0x0  }
0x192: {  	[sflag:s12] =	ssyncadd.s32 $0xFFFFFF80  }
0x193: {  	_ =	swait.ge [sflag:s12], $0x80  }
0x194: {  	[sflag:s12] =	ssyncset.done $0x0  }
0x195: {  	[sflag:s12] =	ssyncadd.s32 $0xFFFFFF80  }
0x196: {  	_ =	swait.ge [sflag:s12], $0x80  }
0x197: {  	[sflag:s12] =	ssyncset.done $0x0  }
0x198: {  	[sflag:s12] =	ssyncadd.s32 $0xFFFFFF80  }
0x199: {  	_ =	swait.ge [sflag:s12], $0x80  }
0x19a: {  	[sflag:s12] =	ssyncset.done $0x0  }
0x19b: {  	[sflag:s12] =	ssyncadd.s32 $0xFFFFFF80  }
0x19c: {  	_ =	swait.ge [sflag:s12], $0x80  }
0x19d: {  	[sflag:s12] =	ssyncset.done $0x0  }
0x19e: {  	[sflag:s12] =	ssyncadd.s32 $0xFFFFFF80  }
0x19f: {  	_ =	swait.ge [sflag:s12], $0x80  }
0x1a0: {  	[sflag:s12] =	ssyncset.done $0x0  }
0x1a1: {  	[sflag:s12] =	ssyncadd.s32 $0xFFFFFF80  }
0x1a2: {  	_ =	swait.ge [sflag:s12], $0x80  }
0x1a3: {  	[sflag:s12] =	ssyncset.done $0x0  }
0x1a4: {  	[sflag:s12] =	ssyncadd.s32 $0xFFFFFF80  }
0x1a5: {  	_ =	swait.ge [sflag:s12], $0x80  }
0x1a6: {  	[sflag:s12] =	ssyncset.done $0x0  }
0x1a7: {  	[sflag:s12] =	ssyncadd.s32 $0xFFFFFF80  }
0x1a8: {  	_ =	swait.ge [sflag:s12], $0x80  }
0x1a9: {  	[sflag:s12] =	ssyncset.done $0x0  }
0x1aa: {  	[sflag:s12] =	ssyncadd.s32 $0xFFFFFF80  }
0x1ab: {  	_ =	swait.ge [sflag:s12], $0x80  }
0x1ac: {  	[sflag:s12] =	ssyncset.done $0x0  }
0x1ad: {  	[sflag:s12] =	ssyncadd.s32 $0xFFFFFF80  }
0x1ae: {  	_ =	swait.ge [sflag:s12], $0x80  }
0x1af: {  	[sflag:s12] =	ssyncset.done $0x0  }
0x1b0: {  	[sflag:s12] =	ssyncadd.s32 $0xFFFFFF80  }
0x1b1: {  	_ =	swait.ge [sflag:s12], $0x80  }
0x1b2: {  	[sflag:s12] =	ssyncset.done $0x0  }
0x1b3: {  	[sflag:s12] =	ssyncadd.s32 $0xFFFFFF80  }
0x1b4: {  	_ =	swait.ge [sflag:s12], $0x80  }
0x1b5: {  	[sflag:s12] =	ssyncset.done $0x0  }
0x1b6: {  	[sflag:s12] =	ssyncadd.s32 $0xFFFFFF80  }
0x1b7: {  	_ =	swait.ge [sflag:s12], $0x80  }
0x1b8: {  	[sflag:s12] =	ssyncset.done $0x0  }
0x1b9: {  	[sflag:s12] =	ssyncadd.s32 $0xFFFFFF80  }
0x1ba: {  	_ =	swait.ge [sflag:s12], $0x80  }
0x1bb: {  	[sflag:s12] =	ssyncset.done $0x0  }
0x1bc: {  	[sflag:s12] =	ssyncadd.s32 $0xFFFFFF80  }
0x1bd: {  	_ =	swait.ge [sflag:s12], $0x80  }
0x1be: {  	[sflag:s12] =	ssyncset.done $0x0  }
0x1bf: {  	[sflag:s12] =	ssyncadd.s32 $0xFFFFFF80  }
0x1c0: {  	_ =	swait.ge [sflag:s12], $0x80  }
0x1c1: {  	[sflag:s12] =	ssyncset.done $0x0  }
0x1c2: {  	[sflag:s12] =	ssyncadd.s32 $0xFFFFFF80  }
0x1c3: {  	_ =	swait.ge [sflag:s12], $0x80  }
0x1c4: {  	[sflag:s12] =	ssyncset.done $0x0  }
0x1c5: {  	[sflag:s12] =	ssyncadd.s32 $0xFFFFFF80  }
0x1c6: {  	_ =	swait.ge [sflag:s12], $0x80  }
0x1c7: {  	[sflag:s12] =	ssyncset.done $0x0  }
0x1c8: {  	[sflag:s12] =	ssyncadd.s32 $0xFFFFFF80  }
0x1c9: {  	_ =	swait.ge [sflag:s12], $0x80  }
0x1ca: {  	[sflag:s12] =	ssyncset.done $0x0  }
0x1cb: {  	[sflag:s12] =	ssyncadd.s32 $0xFFFFFF80  }
0x1cc: {  	_ =	swait.ge [sflag:s12], $0x80  }
0x1cd: {  	[sflag:s12] =	ssyncset.done $0x0  }
0x1ce: {  	[sflag:s12] =	ssyncadd.s32 $0xFFFFFF80  }
0x1cf: {  	_ =	swait.ge [sflag:s12], $0x80  }
0x1d0: {  	[sflag:s12] =	ssyncset.done $0x0  }
0x1d1: {  	[sflag:s12] =	ssyncadd.s32 $0xFFFFFF80  }
0x1d2: {  	_ =	swait.ge [sflag:s12], $0x80  }
0x1d3: {  	[sflag:s12] =	ssyncset.done $0x0  }
0x1d4: {  	[sflag:s12] =	ssyncadd.s32 $0xFFFFFF80  }
0x1d5: {  	_ =	swait.ge [sflag:s12], $0x80  }
0x1d6: {  	[sflag:s12] =	ssyncset.done $0x0  }
0x1d7: {  	[sflag:s12] =	ssyncadd.s32 $0xFFFFFF80  }
0x1d8: {  	_ =	swait.ge [sflag:s12], $0x80  }
0x1d9: {  	[sflag:s12] =	ssyncset.done $0x0  }
0x1da: {  	[sflag:s12] =	ssyncadd.s32 $0xFFFFFF80  }
0x1db: {  	_ =	swait.ge [sflag:s12], $0x80  }
0x1dc: {  	[sflag:s12] =	ssyncset.done $0x0  }
0x1dd: {  	[sflag:s12] =	ssyncadd.s32 $0xFFFFFF80  }
0x1de: {  	_ =	swait.ge [sflag:s12], $0x80  }
0x1df: {  	[sflag:s12] =	ssyncset.done $0x0  }
0x1e0: {  	[sflag:s12] =	ssyncadd.s32 $0xFFFFFF80  }
0x1e1: {  	_ =	swait.ge [sflag:s12], $0x80  }
0x1e2: {  	[sflag:s12] =	ssyncset.done $0x0  }
0x1e3: {  	[sflag:s12] =	ssyncadd.s32 $0xFFFFFF80  }
0x1e4: {  	_ =	swait.ge [sflag:s12], $0x80  }
0x1e5: {  	[sflag:s12] =	ssyncset.done $0x0  }
0x1e6: {  	[sflag:s12] =	ssyncadd.s32 $0xFFFFFF80  }
0x1e7: {  	_ =	swait.ge [sflag:s12], $0x80  }
0x1e8: {  	[sflag:s12] =	ssyncset.done $0x0  }
0x1e9: {  	[sflag:s12] =	ssyncadd.s32 $0xFFFFFF80  }
0x1ea: {  	_ =	swait.ge [sflag:s12], $0x80  }
0x1eb: {  	[sflag:s12] =	ssyncset.done $0x0  }
0x1ec: {  	[sflag:s12] =	ssyncadd.s32 $0xFFFFFF80  }
0x1ed: {  	_ =	swait.ge [sflag:s12], $0x80  }
0x1ee: {  	[sflag:s12] =	ssyncset.done $0x0  }
0x1ef: {  	[sflag:s12] =	ssyncadd.s32 $0xFFFFFF80  }
0x1f0: {  	_ =	swait.ge [sflag:s12], $0x80  }
0x1f1: {  	[sflag:s12] =	ssyncset.done $0x0  }
0x1f2: {  	[sflag:s12] =	ssyncadd.s32 $0xFFFFFF80  }
0x1f3: {  	_ =	swait.ge [sflag:s12], $0x80  }
0x1f4: {  	[sflag:s12] =	ssyncset.done $0x0  }
0x1f5: {  	[sflag:s12] =	ssyncadd.s32 $0xFFFFFF80  }
0x1f6: {  	_ =	swait.ge [sflag:s12], $0x80  }
0x1f7: {  	[sflag:s12] =	ssyncset.done $0x0  }
0x1f8: {  	[sflag:s12] =	ssyncadd.s32 $0xFFFFFF80  }
0x1f9: {  	_ =	swait.ge [sflag:s12], $0x80  }
0x1fa: {  	[sflag:s12] =	ssyncset.done $0x0  }
0x1fb: {  	[sflag:s12] =	ssyncadd.s32 $0xFFFFFF80  }
0x1fc: {  	_ =	swait.ge [sflag:s12], $0x80  }
0x1fd: {  	[sflag:s12] =	ssyncset.done $0x0  }
0x1fe: {  	[sflag:s12] =	ssyncadd.s32 $0xFFFFFF80  }
0x1ff: {  	_ =	swait.ge [sflag:s12], $0x80  }
0x200: {  	[sflag:s12] =	ssyncset.done $0x0  }
0x201: {  	[sflag:s12] =	ssyncadd.s32 $0xFFFFFF80  }
0x202: {  	_ =	swait.ge [sflag:s12], $0x80  }
0x203: {  	[sflag:s12] =	ssyncset.done $0x0  }
0x204: {  	[sflag:s12] =	ssyncadd.s32 $0xFFFFFF80  }
0x205: {  	_ =	swait.ge [sflag:s12], $0x80  }
0x206: {  	[sflag:s12] =	ssyncset.done $0x0  }
0x207: {  	[sflag:s12] =	ssyncadd.s32 $0xFFFFFF80  }
0x208: {  	_ =	swait.ge [sflag:s12], $0x80  }
0x209: {  	[sflag:s12] =	ssyncset.done $0x0  }
0x20a: {  	[sflag:s12] =	ssyncadd.s32 $0xFFFFFF80  }
0x20b: {  	_ =	swait.ge [sflag:s12], $0x80  }
0x20c: {  	[sflag:s12] =	ssyncset.done $0x0  }
0x20d: {  	[sflag:s12] =	ssyncadd.s32 $0xFFFFFF80  }
0x20e: {  	_ =	swait.ge [sflag:s12], $0x80  }
0x20f: {  	[sflag:s12] =	ssyncset.done $0x0  }
0x210: {  	[sflag:s12] =	ssyncadd.s32 $0xFFFFFF80  }
0x211: {  	_ =	swait.ge [sflag:s12], $0x80  }
0x212: {  	[sflag:s12] =	ssyncset.done $0x0  }
0x213: {  	[sflag:s12] =	ssyncadd.s32 $0xFFFFFF80  }
0x214: {  	_ =	swait.ge [sflag:s12], $0x80  }
0x215: {  	[sflag:s12] =	ssyncset.done $0x0  }
0x216: {  	[sflag:s12] =	ssyncadd.s32 $0xFFFFFF80  }
0x217: {  	_ =	swait.ge [sflag:s12], $0x80  }
0x218: {  	[sflag:s12] =	ssyncset.done $0x0  }
0x219: {  	[sflag:s12] =	ssyncadd.s32 $0xFFFFFF80  }
0x21a: {  	_ =	swait.ge [sflag:s12], $0x80  }
0x21b: {  	[sflag:s12] =	ssyncset.done $0x0  }
0x21c: {  	[sflag:s12] =	ssyncadd.s32 $0xFFFFFF80  }
0x21d: {  	_ =	swait.ge [sflag:s12], $0x80  }
0x21e: {  	[sflag:s12] =	ssyncset.done $0x0  }
0x21f: {  	[sflag:s12] =	ssyncadd.s32 $0xFFFFFF80  }
0x220: {  	_ =	swait.ge [sflag:s12], $0x80  }
0x221: {  	[sflag:s12] =	ssyncset.done $0x0  }
0x222: {  	[sflag:s12] =	ssyncadd.s32 $0xFFFFFF80  }
0x223: {  	_ =	swait.ge [sflag:s12], $0x80  }
0x224: {  	[sflag:s12] =	ssyncset.done $0x0  }
0x225: {  	[sflag:s12] =	ssyncadd.s32 $0xFFFFFF80  }
0x226: {  	_ =	swait.ge [sflag:s12], $0x80  }
0x227: {  	[sflag:s12] =	ssyncset.done $0x0  }
0x228: {  	[sflag:s12] =	ssyncadd.s32 $0xFFFFFF80  }
0x229: {  	_ =	swait.ge [sflag:s12], $0x80  }
0x22a: {  	[sflag:s12] =	ssyncset.done $0x0  }
0x22b: {  	[sflag:s12] =	ssyncadd.s32 $0xFFFFFF80  }
0x22c: {  	_ =	swait.ge [sflag:s12], $0x80  }
0x22d: {  	[sflag:s12] =	ssyncset.done $0x0  }
0x22e: {  	[sflag:s12] =	ssyncadd.s32 $0xFFFFFF80  }
0x22f: {  	_ =	swait.ge [sflag:s12], $0x80  }
0x230: {  	[sflag:s12] =	ssyncset.done $0x0  }
0x231: {  	[sflag:s12] =	ssyncadd.s32 $0xFFFFFF80  }
0x232: {  	_ =	swait.ge [sflag:s12], $0x80  }
0x233: {  	[sflag:s12] =	ssyncset.done $0x0  }
0x234: {  	[sflag:s12] =	ssyncadd.s32 $0xFFFFFF80  }
0x235: {  	_ =	swait.ge [sflag:s12], $0x80  }
0x236: {  	[sflag:s12] =	ssyncset.done $0x0  }
0x237: {  	[sflag:s12] =	ssyncadd.s32 $0xFFFFFF80  }
0x238: {  	_ =	swait.ge [sflag:s12], $0x80  }
0x239: {  	[sflag:s12] =	ssyncset.done $0x0  }
0x23a: {  	[sflag:s12] =	ssyncadd.s32 $0xFFFFFF80  }
0x23b: {  	_ =	swait.ge [sflag:s12], $0x80  }
0x23c: {  	[sflag:s12] =	ssyncset.done $0x0  }
0x23d: {  	[sflag:s12] =	ssyncadd.s32 $0xFFFFFF80  }
0x23e: {  	_ =	swait.ge [sflag:s12], $0x80  }
0x23f: {  	[sflag:s12] =	ssyncset.done $0x0  }
0x240: {  	[sflag:s12] =	ssyncadd.s32 $0xFFFFFF80  }
0x241: {  	_ =	swait.ge [sflag:s12], $0x80  }
0x242: {  	[sflag:s12] =	ssyncset.done $0x0  }
0x243: {  	[sflag:s12] =	ssyncadd.s32 $0xFFFFFF80  }
0x244: {  	_ =	swait.ge [sflag:s12], $0x80  }
0x245: {  	[sflag:s12] =	ssyncset.done $0x0  }
0x246: {  	[sflag:s12] =	ssyncadd.s32 $0xFFFFFF80  }
0x247: {  	_ =	swait.ge [sflag:s12], $0x80  }
0x248: {  	[sflag:s12] =	ssyncset.done $0x0  }
0x249: {  	[sflag:s12] =	ssyncadd.s32 $0xFFFFFF80  }
0x24a: {  	_ =	swait.ge [sflag:s12], $0x80  }
0x24b: {  	[sflag:s12] =	ssyncset.done $0x0  }
0x24c: {  	[sflag:s12] =	ssyncadd.s32 $0xFFFFFF80  }
0x24d: {  	_ =	swait.ge [sflag:s12], $0x80  }
0x24e: {  	[sflag:s12] =	ssyncset.done $0x0  }
0x24f: {  	[sflag:s12] =	ssyncadd.s32 $0xFFFFFF80  }
0x250: {  	_ =	swait.ge [sflag:s12], $0x80  }
0x251: {  	[sflag:s12] =	ssyncset.done $0x0  }
0x252: {  	[sflag:s12] =	ssyncadd.s32 $0xFFFFFF80  }
0x253: {  	_ =	swait.ge [sflag:s12], $0x80  }
0x254: {  	[sflag:s12] =	ssyncset.done $0x0  }
0x255: {  	[sflag:s12] =	ssyncadd.s32 $0xFFFFFF80  }
0x256: {  	_ =	swait.ge [sflag:s12], $0x80  }
0x257: {  	[sflag:s12] =	ssyncset.done $0x0  }
0x258: {  	[sflag:s12] =	ssyncadd.s32 $0xFFFFFF80  }
0x259: {  	_ =	swait.ge [sflag:s12], $0x80  }
0x25a: {  	[sflag:s12] =	ssyncset.done $0x0  }
0x25b: {  	[sflag:s12] =	ssyncadd.s32 $0xFFFFFF80  }
0x25c: {  	_ =	swait.ge [sflag:s12], $0x80  }
0x25d: {  	[sflag:s12] =	ssyncset.done $0x0  }
0x25e: {  	[sflag:s12] =	ssyncadd.s32 $0xFFFFFF80  }
0x25f: {  	_ =	swait.ge [sflag:s12], $0x80  }
0x260: {  	[sflag:s12] =	ssyncset.done $0x0  }
0x261: {  	[sflag:s12] =	ssyncadd.s32 $0xFFFFFF80  }
0x262: {  	_ =	swait.ge [sflag:s12], $0x80  }
0x263: {  	[sflag:s12] =	ssyncset.done $0x0  }
0x264: {  	[sflag:s12] =	ssyncadd.s32 $0xFFFFFF80  }
0x265: {  	_ =	swait.ge [sflag:s12], $0x80  }
0x266: {  	[sflag:s12] =	ssyncset.done $0x0  }
0x267: {  	[sflag:s12] =	ssyncadd.s32 $0xFFFFFF80  }
0x268: {  	_ =	swait.ge [sflag:s12], $0x80  }
0x269: {  	[sflag:s12] =	ssyncset.done $0x0  }
0x26a: {  	[sflag:s12] =	ssyncadd.s32 $0xFFFFFF80  }
0x26b: {  	_ =	swait.ge [sflag:s12], $0x80  }
0x26c: {  	[sflag:s12] =	ssyncset.done $0x0  }
0x26d: {  	[sflag:s12] =	ssyncadd.s32 $0xFFFFFF80  }
0x26e: {  	_ =	swait.ge [sflag:s12], $0x80  }
0x26f: {  	[sflag:s12] =	ssyncset.done $0x0  }
0x270: {  	[sflag:s12] =	ssyncadd.s32 $0xFFFFFF80  }
0x271: {  	_ =	swait.ge [sflag:s12], $0x80  }
0x272: {  	[sflag:s12] =	ssyncset.done $0x0  }
0x273: {  	[sflag:s12] =	ssyncadd.s32 $0xFFFFFF80  }
0x274: {  	_ =	swait.ge [sflag:s12], $0x80  }
0x275: {  	[sflag:s12] =	ssyncset.done $0x0  }
0x276: {  	[sflag:s12] =	ssyncadd.s32 $0xFFFFFF80  }
0x277: {  	_ =	swait.ge [sflag:s12], $0x80  }
0x278: {  	[sflag:s12] =	ssyncset.done $0x0  }
0x279: {  	[sflag:s12] =	ssyncadd.s32 $0xFFFFFF80  }
0x27a: {  	_ =	swait.ge [sflag:s12], $0x80  }
0x27b: {  	[sflag:s12] =	ssyncset.done $0x0  }
0x27c: {  	[sflag:s12] =	ssyncadd.s32 $0xFFFFFF80  }
0x27d: {  	_ =	swait.ge [sflag:s12], $0x80  }
0x27e: {  	[sflag:s12] =	ssyncset.done $0x0  }
0x27f: {  	[sflag:s12] =	ssyncadd.s32 $0xFFFFFF80  }
0x280: {  	_ =	swait.ge [sflag:s12], $0x80  }
0x281: {  	[sflag:s12] =	ssyncset.done $0x0  }
0x282: {  	[sflag:s12] =	ssyncadd.s32 $0xFFFFFF80  }
0x283: {  	_ =	swait.ge [sflag:s12], $0x80  }
0x284: {  	[sflag:s12] =	ssyncset.done $0x0  }
0x285: {  	[sflag:s12] =	ssyncadd.s32 $0xFFFFFF80  }
0x286: {  	_ =	swait.ge [sflag:s12], $0x80  }
0x287: {  	[sflag:s12] =	ssyncset.done $0x0  }
0x288: {  	[sflag:s12] =	ssyncadd.s32 $0xFFFFFF80  }
0x289: {  	_ =	swait.ge [sflag:s12], $0x80  }
0x28a: {  	[sflag:s12] =	ssyncset.done $0x0  }
0x28b: {  	[sflag:s12] =	ssyncadd.s32 $0xFFFFFF80  }
0x28c: {  	_ =	swait.ge [sflag:s12], $0x80  }
0x28d: {  	[sflag:s12] =	ssyncset.done $0x0  }
0x28e: {  	[sflag:s12] =	ssyncadd.s32 $0xFFFFFF80  }
0x28f: {  	_ =	swait.ge [sflag:s12], $0x80  }
0x290: {  	[sflag:s12] =	ssyncset.done $0x0  }
0x291: {  	[sflag:s12] =	ssyncadd.s32 $0xFFFFFF80  }
0x292: {  	_ =	swait.ge [sflag:s12], $0x80  }
0x293: {  	[sflag:s12] =	ssyncset.done $0x0  }
0x294: {  	[sflag:s12] =	ssyncadd.s32 $0xFFFFFF80  }
0x295: {  	_ =	swait.ge [sflag:s12], $0x80  }
0x296: {  	[sflag:s12] =	ssyncset.done $0x0  }
0x297: {  	[sflag:s12] =	ssyncadd.s32 $0xFFFFFF80  }
0x298: {  	_ =	swait.ge [sflag:s12], $0x80  }
0x299: {  	[sflag:s12] =	ssyncset.done $0x0  }
0x29a: {  	[sflag:s12] =	ssyncadd.s32 $0xFFFFFF80  }
0x29b: {  	_ =	swait.ge [sflag:s12], $0x80  }
0x29c: {  	[sflag:s12] =	ssyncset.done $0x0  }
0x29d: {  	[sflag:s12] =	ssyncadd.s32 $0xFFFFFF80  }
0x29e: {  	_ =	swait.ge [sflag:s12], $0x80  }
0x29f: {  	[sflag:s12] =	ssyncset.done $0x0  }
0x2a0: {  	[sflag:s12] =	ssyncadd.s32 $0xFFFFFF80  }
0x2a1: {  	_ =	swait.ge [sflag:s12], $0x80  }
0x2a2: {  	[sflag:s12] =	ssyncset.done $0x0  }
0x2a3: {  	[sflag:s12] =	ssyncadd.s32 $0xFFFFFF80  }
0x2a4: {  	_ =	swait.ge [sflag:s12], $0x80  }
0x2a5: {  	[sflag:s12] =	ssyncset.done $0x0  }
0x2a6: {  	s14 =	simm.s32 $0x0;
	[sflag:s12] =	ssyncadd.s32 $0xFFFFFF80  }
0x2a7: {  	v0 =	vld [tilespmem:s14+$0x400]  }
0x2a8: {  	v1 =	vld [tilespmem:s14+$0x2400]  }
0x2a9: {  	v2 =	vld [tilespmem:s14+$0x600]  }
0x2aa: {  	v3 =	vld [tilespmem:s14+$0x2600]  }
0x2ab: {  	v4 =	vld [tilespmem:s14+$0x800]  }
0x2ac: {  	v5 =	vld [tilespmem:s14+$0x2800]  }
0x2ad: {  	v6 =	vld [tilespmem:s14+$0x2A00];
	v0 =	vmul.f32 v1, v0  }
0x2ae: {  	v1 =	vld [tilespmem:s14+$0xA00]  }
0x2af: {  	v7 =	vld [tilespmem:s14+$0x2C00];
	v2 =	vmul.f32 v3, v2;
	v0 =	vadd.f32 $0.0e+00, v0  }
0x2b0: {  	v3 =	vld [tilespmem:s14+$0xC00]  }
0x2b1: {  	v0 =	vadd.f32 v2, v0;
	v2 =	vmul.f32 v5, v4;
	v4 =	vld [tilespmem:s14+$0xE00]  }
0x2b2: {  	v5 =	vld [tilespmem:s14+$0x2E00]  }
0x2b3: {  	v1 =	vmul.f32 v6, v1;
	v6 =	vld [tilespmem:s14+$0x3000];
	v0 =	vadd.f32 v2, v0  }
0x2b4: {  	v2 =	vld [tilespmem:s14+$0x1000]  }
0x2b5: {  	v0 =	vadd.f32 v1, v0;
	v1 =	vmul.f32 v7, v3;
	v3 =	vld [tilespmem:s14+$0x1200]  }
0x2b6: {  	v7 =	vld [tilespmem:s14+$0x3200]  }
0x2b7: {  	v0 =	vadd.f32 v1, v0;
	v1 =	vmul.f32 v5, v4;
	v4 =	vld [tilespmem:s14+$0x1400]  }
0x2b8: {  	v5 =	vld [tilespmem:s14+$0x3400]  }
0x2b9: {  	v0 =	vadd.f32 v1, v0;
	v1 =	vmul.f32 v6, v2;
	v2 =	vld [tilespmem:s14+$0x1600]  }
0x2ba: {  	v6 =	vld [tilespmem:s14+$0x3600]  }
0x2bb: {  	v0 =	vadd.f32 v1, v0;
	v1 =	vmul.f32 v7, v3;
	v3 =	vld [tilespmem:s14+$0x1800]  }
0x2bc: {  	v7 =	vld [tilespmem:s14+$0x3800]  }
0x2bd: {  	v0 =	vadd.f32 v1, v0;
	v1 =	vmul.f32 v5, v4;
	v4 =	vld [tilespmem:s14+$0x1A00]  }
0x2be: {  	v5 =	vld [tilespmem:s14+$0x3A00]  }
0x2bf: {  	v0 =	vadd.f32 v1, v0;
	v1 =	vmul.f32 v6, v2;
	v2 =	vld [tilespmem:s14+$0x1C00]  }
0x2c0: {  	v6 =	vld [tilespmem:s14+$0x3C00]  }
0x2c1: {  	v8 =	vld [tilespmem:s14+$0x3E00];
	v0 =	vadd.f32 v1, v0;
	v1 =	vmul.f32 v7, v3  }
0x2c2: {  	v7 =	vld [tilespmem:s14+$0x1E00]  }
0x2c3: {  	v3 =	vld [tilespmem:s14+$0x4000];
	v4 =	vmul.f32 v5, v4;
	v1 =	vadd.f32 v1, v0  }
0x2c4: {  	v0 =	vld [tilespmem:s14+$0x2000]  }
0x2c5: {  	v6 =	vmul.f32 v6, v2;
	v5 =	vadd.f32 v4, v1;
	v1 =	vld [tilespmem:s14+$0x2200]  }
0x2c6: {  	s15 =	simm.s32 $0x10;
	v4 =	vld [tilespmem:s14+$0x4200]  }
0x2c7: {  	s16 =	simm.s32 $0x80;
	v2 =	vld [tilespmem:s15+$0x400];
	v5 =	vadd.f32 v6, v5;
	v6 =	vmul.f32 v8, v7  }
.LBB2_2:
0x2c8: {  	p0 =	sne.s32 s16, $0x7C0;
	v7 =	vld [tilespmem:s15+$0x2400]  }
0x2c9: {  	v8 =	vld [tilespmem:s15+$0x600];
	v5 =	vadd.f32 v6, v5;
	v0 =	vmul.f32 v3, v0  }
0x2ca: {  	v3 =	vld [tilespmem:s15+$0x2600]  }
0x2cb: {  	v6 =	vld [tilespmem:s15+$0x800];
	v0 =	vadd.f32 v0, v5;
	v1 =	vmul.f32 v4, v1  }
0x2cc: {  	v4 =	vld [tilespmem:s15+$0x2800]  }
0x2cd: {  	v2 =	vmul.f32 v7, v2;
	v5 =	vld [tilespmem:s15+$0xA00];
	v0 =	vadd.f32 v1, v0  }
0x2ce: {  	v1 =	vld [tilespmem:s15+$0x2A00]  }
0x2cf: {  	v2 =	vadd.f32 $0.0e+00, v2;
	v3 =	vmul.f32 v3, v8;
	v7 =	vld [tilespmem:s15+$0xC00];
	[tilespmem:s14+$0x4400] =	vst v0;
	s14 =	smov.u32 s15  }
0x2d0: {  	v0 =	vld [tilespmem:s14+$0x2C00]  }
0x2d1: {  	v2 =	vadd.f32 v3, v2;
	v3 =	vmul.f32 v4, v6;
	v4 =	vld [tilespmem:s14+$0xE00]  }
0x2d2: {  	v6 =	vld [tilespmem:s14+$0x2E00]  }
0x2d3: {  	v2 =	vadd.f32 v3, v2;
	v1 =	vmul.f32 v1, v5;
	v3 =	vld [tilespmem:s14+$0x1000]  }
0x2d4: {  	v5 =	vld [tilespmem:s14+$0x3000]  }
0x2d5: {  	v1 =	vadd.f32 v1, v2;
	v0 =	vmul.f32 v0, v7;
	v2 =	vld [tilespmem:s14+$0x1200]  }
0x2d6: {  	v7 =	vld [tilespmem:s14+$0x3200]  }
0x2d7: {  	v0 =	vadd.f32 v0, v1;
	v1 =	vmul.f32 v6, v4;
	v4 =	vld [tilespmem:s14+$0x1400]  }
0x2d8: {  	v6 =	vld [tilespmem:s14+$0x3400]  }
0x2d9: {  	v0 =	vadd.f32 v1, v0;
	v1 =	vmul.f32 v5, v3;
	v3 =	vld [tilespmem:s14+$0x1600]  }
0x2da: {  	v5 =	vld [tilespmem:s14+$0x3600]  }
0x2db: {  	v0 =	vadd.f32 v1, v0;
	v1 =	vmul.f32 v7, v2;
	v2 =	vld [tilespmem:s14+$0x1800]  }
0x2dc: {  	v7 =	vld [tilespmem:s14+$0x3800]  }
0x2dd: {  	v0 =	vadd.f32 v1, v0;
	v1 =	vmul.f32 v6, v4;
	v4 =	vld [tilespmem:s14+$0x1A00]  }
0x2de: {  	v6 =	vld [tilespmem:s14+$0x3A00]  }
0x2df: {  	v0 =	vadd.f32 v1, v0;
	v1 =	vmul.f32 v5, v3;
	v5 =	vld [tilespmem:s14+$0x1C00]  }
0x2e0: {  	v8 =	vld [tilespmem:s14+$0x3C00]  }
0x2e1: {  	v0 =	vadd.f32 v1, v0;
	v1 =	vmul.f32 v7, v2;
	v7 =	vld [tilespmem:s14+$0x1E00]  }
0x2e2: {  	v9 =	vld [tilespmem:s14+$0x3E00]  }
.Ltmp0:
0x2e3: {  	v1 =	vadd.f32 v1, v0;
	v2 =	vmul.f32 v6, v4;
	v0 =	vld [tilespmem:s14+$0x2000];
	(pc) =	sbr.rel @p0 .LBB2_2-.Ltmp0, $4  }
0x2e4: {  	v3 =	vld [tilespmem:s14+$0x4000]  }
0x2e5: {  	v6 =	vadd.f32 v2, v1;
	v5 =	vmul.f32 v8, v5;
	v1 =	vld [tilespmem:s14+$0x2200]  }
0x2e6: {  	s15 =	sshra.s32 s16, $0x2;
	v4 =	vld [tilespmem:s14+$0x4200]  }
0x2e7: {  	s16 =	sadd.s32 $0x40, s16;
	v2 =	vld [tilespmem:s15+$0x400];
	v5 =	vadd.f32 v5, v6;
	v6 =	vmul.f32 v9, v7  }
0x2e8: {  	v7 =	vld [tilespmem:s15+$0x2400]  }
0x2e9: {  	v8 =	vld [tilespmem:s15+$0x600];
	v5 =	vadd.f32 v6, v5;
	v0 =	vmul.f32 v3, v0  }
0x2ea: {  	v24 =	vld [tilespmem:s15+$0x2600]  }
0x2eb: {  	v25 =	vld [tilespmem:s15+$0x800];
	v0 =	vadd.f32 v0, v5;
	v1 =	vmul.f32 v4, v1  }
0x2ec: {  	v26 =	vld [tilespmem:s15+$0x2800]  }
0x2ed: {  	v27 =	vld [tilespmem:s15+$0xA00];
	v2 =	vmul.f32 v7, v2;
	v0 =	vadd.f32 v1, v0  }
0x2ee: {  	v28 =	vld [tilespmem:s15+$0x2A00]  }
0x2ef: {  	v29 =	vld [tilespmem:s15+$0xC00];
	v3 =	vmul.f32 v24, v8;
	v2 =	vadd.f32 $0.0e+00, v2;
	[tilespmem:s14+$0x4400] =	vst v0  }
0x2f0: {  	v0 =	vld [tilespmem:s15+$0x2C00]  }
0x2f1: {  	v30 =	vmul.f32 v26, v25;
	v31 =	vld [tilespmem:s15+$0xE00];
	v2 =	vadd.f32 v3, v2  }
0x2f2: {  	v32 =	vld [tilespmem:s15+$0x2E00]  }
0x2f3: {  	v1 =	vmul.f32 v28, v27;
	v33 =	vld [tilespmem:s15+$0x1000];
	v2 =	vadd.f32 v30, v2  }
0x2f4: {  	v34 =	vld [tilespmem:s15+$0x3000]  }
0x2f5: {  	v35 =	vld [tilespmem:s15+$0x1200];
	v1 =	vadd.f32 v1, v2;
	v0 =	vmul.f32 v0, v29  }
0x2f6: {  	v36 =	vld [tilespmem:s15+$0x3200]  }
0x2f7: {  	v38 =	vld [tilespmem:s15+$0x1400];
	v37 =	vmul.f32 v32, v31;
	v0 =	vadd.f32 v0, v1  }
0x2f8: {  	v39 =	vld [tilespmem:s15+$0x3400]  }
0x2f9: {  	v41 =	vld [tilespmem:s15+$0x1600];
	v40 =	vmul.f32 v34, v33;
	v0 =	vadd.f32 v37, v0  }
0x2fa: {  	v42 =	vld [tilespmem:s15+$0x3600]  }
0x2fb: {  	v44 =	vld [tilespmem:s15+$0x1800];
	v43 =	vmul.f32 v36, v35;
	v0 =	vadd.f32 v40, v0  }
0x2fc: {  	v45 =	vld [tilespmem:s15+$0x3800]  }
0x2fd: {  	v47 =	vld [tilespmem:s15+$0x1A00];
	v46 =	vmul.f32 v39, v38;
	v0 =	vadd.f32 v43, v0  }
0x2fe: {  	v48 =	vld [tilespmem:s15+$0x3A00]  }
0x2ff: {  	v50 =	vld [tilespmem:s15+$0x1C00];
	v49 =	vmul.f32 v42, v41;
	v0 =	vadd.f32 v46, v0  }
0x300: {  	v51 =	vld [tilespmem:s15+$0x3C00]  }
0x301: {  	v53 =	vld [tilespmem:s15+$0x1E00];
	v52 =	vmul.f32 v45, v44;
	v0 =	vadd.f32 v49, v0  }
0x302: {  	v54 =	vld [tilespmem:s15+$0x3E00]  }
0x303: {  	v56 =	vld [tilespmem:s15+$0x2000];
	v55 =	vmul.f32 v48, v47;
	v0 =	vadd.f32 v52, v0  }
0x304: {  	v57 =	vld [tilespmem:s15+$0x4000]  }
0x305: {  	v59 =	vld [tilespmem:s15+$0x2200];
	v58 =	vmul.f32 v51, v50;
	v0 =	vadd.f32 v55, v0  }
0x306: {  	v60 =	vld [tilespmem:s15+$0x4200]  }
0x307: {  	v61 =	vmul.f32 v54, v53;
	v0 =	vadd.f32 v58, v0;
	_ =	sdelay $0x1  }
0x308: {  	v62 =	vmul.f32 v57, v56;
	v0 =	vadd.f32 v61, v0;
	_ =	sdelay $0x1  }
0x309: {  	v63 =	vmul.f32 v60, v59;
	v0 =	vadd.f32 v62, v0;
	_ =	sdelay $0x1  }
0x30a: {  	v0 =	vadd.f32 v63, v0;
	_ =	sdelay $0x1  }
0x30b: {  	s16 =	simm.s32 $0x4400;
	[tilespmem:s15+$0x4400] =	vst v0;
	s15 =	rddreg [dreg:$0x16]  }
0x30c: {  	[hbm4b:s15+s1] =	stream.linear.scatter [tilespmem:s16], [sflag:$0x2], $0x200, $0x38;
	[tilespmem:$0x4600] =	vst v63  }
0x30d: {  	_ =	swait.ge [sflag:s4], $0x200  }
0x30e: {  	s13 =	sadd.s32 $0x1, s13;
	s16 =	rddreg [dreg:$0x17]  }
0x30f: {  	p0 =	sne.s32 s13, s16  }
.Ltmp1:
0x310: {  	_ = 	snop;
	(pc) =	sbr.rel @p0 .LBB2_1-.Ltmp1, $3  }
0x311: {  	_ =	sdelay $0x1  }
0x312: {  	[sflag:s4] =	ssyncset.done $0x0  }
0x313: {  	[sflag:s4] =	ssyncadd.s32 $0xFFFFFE00  }
0x314: {  	_ =	sfence.sel $0x180000  }
0x315: {  	[bflag:$0x0] =	sbarrier.arrive $0xFFFF  }
0x316: {  	_ =	strace $0x90000047  }
0x317: {  	s0 =	stileid.u32;
	[bflag:$0x2] =	sbarrier.arrive $0xFFFF  }
0x318: {  	p0 =	sne.s32 s0, $0x0;
	s0 =	rddreg [dreg:$0x4]  }
0x319: {  	s0 =	sadd.s32 @!p0 $0x100000, s0  }
0x31a: {  	[sflag:s0] =	ssyncadd.tile.s32 @!p0 $0x1;
	_ =	shalt  }
.Lfunc_end2:
_tile_overlayer_lowered:
.L_overlay_start_2:
0x31b: {  	(tag) =	ssettag $0x2  }
0x31c: {  	s0 =	rddreg [dreg:$0x0];
	s2 =	stileid.u32  }
0x31d: {  	s1 =	rddreg [dreg:$0x1];
	p0 =	sne.s32 s2, $0x0  }
0x31e: {  	s3 =	rddreg [dreg:$0x2];
	[bflag:$0x3] =	sbarrier.arrive $0xFFFF;
	s2 =	simm.s32 @!p0 $0x1C02  }
0x31f: {  	[timem:s3], [sflag:s2] =	dma.local @!p0 [hbm:s0], s1  }
0x320: {  	s0 =	simm.s32 @!p0 $0x2  }
0x321: {  	_ =	swait.ge @!p0 [sflag:s0], s1  }
0x322: {  	s1 =	ssub.s32 @!p0 $0x0, s1;
	[sflag:s0] =	ssyncset.done @!p0 $0x0  }
0x323: {  	[sflag:s0] =	ssyncadd.s32 @!p0 s1  }
0x324: {  	[bflag:$0x3] =	sbarrier.arrive $0xFFFF  }
0x325: {  	_ =	shalt  }

</sc_bundles>
